<compile_context>
chip_gen: v7x
topology: tpu7x:2x2x1
jax: 0.10.2.dev20260603
libtpu: 0.0.44.dev20260713+nightly
codegen_flags: <defaults>
</compile_context>

<pallas_src>
import jax
import jax.numpy as jnp
from jax import lax
from jax.experimental import pallas as pl
from jax.experimental.pallas import tpu as pltpu
from jax.experimental.pallas import tpu_sc as plsc

SR = 44100
N_WT = 20
WT_LEN = 512
B = 8
T = 64000

CHUNK = 16000
NCHUNKS = T // CHUNK
NRPAD = 520

NTILES = 32
PER_TILE = (B * T) // NTILES
BLK = 2000
NBLK = PER_TILE // BLK
GROUPS = BLK // 16


def _tc_index_kernel(pitch_ref, wt_ref, idx_ref, tab_ref, carry_ref):
    c = pl.program_id(0)

    @pl.when(c == 0)
    def _init():
        carry_ref[...] = jnp.zeros((8, 128), jnp.float32)
        wt = wt_ref[...]
        row = lax.broadcasted_iota(jnp.int32, (N_WT, WT_LEN), 0)
        eff = jnp.where(row < 4, wt, jnp.tanh(wt))
        tab_ref[:, :WT_LEN] = eff
        tab_ref[:, WT_LEN:WT_LEN + 1] = eff[:, :1]
        tab_ref[:, WT_LEN + 1:] = jnp.zeros((N_WT, NRPAD - WT_LEN - 1), jnp.float32)

    inc = pitch_ref[...] / jnp.float32(SR) * jnp.float32(WT_LEN)
    lane = lax.broadcasted_iota(jnp.int32, (8, CHUNK), 1)
    inc = jnp.where((c == 0) & (lane == 0), jnp.float32(0.0), inc)
    x = inc
    d = 1
    while d < CHUNK:
        shifted = jnp.concatenate(
            [jnp.zeros((8, d), jnp.float32), x[:, :CHUNK - d]], axis=1)
        x = x + shifted
        d *= 2
    carry = carry_ref[:, :1]
    y = carry + x
    idx_ref[...] = y - jnp.float32(512.0) * jnp.floor(y * jnp.float32(1.0 / 512.0))
    ynew = carry + x[:, CHUNK - 1:CHUNK]
    cnew = ynew - jnp.float32(512.0) * jnp.floor(ynew * jnp.float32(1.0 / 512.0))
    carry_ref[...] = jnp.broadcast_to(cnew, (8, 128))


def _tc_index(pitch2d, wavetables):
    return pl.pallas_call(
        _tc_index_kernel,
        grid=(NCHUNKS,),
        in_specs=[
            pl.BlockSpec((B, CHUNK), lambda c: (0, c)),
            pl.BlockSpec((N_WT, WT_LEN), lambda c: (0, 0)),
        ],
        out_specs=[
            pl.BlockSpec((B, CHUNK), lambda c: (0, c)),
            pl.BlockSpec((N_WT, NRPAD), lambda c: (0, 0)),
        ],
        out_shape=[
            jax.ShapeDtypeStruct((B, T), jnp.float32),
            jax.ShapeDtypeStruct((N_WT, NRPAD), jnp.float32),
        ],
        scratch_shapes=[pltpu.VMEM((8, 128), jnp.float32)],
    )(pitch2d, wavetables)


def _sc_body(idx_hbm, amp_hbm, att_hbm, tab_hbm, out_hbm,
             tab_v, idx_v0, idx_v1, amp_v0, amp_v1, att_v0, att_v1,
             out_v0, out_v1, isem0, isem1, osem0, osem1):
    idx_b = (idx_v0, idx_v1)
    amp_b = (amp_v0, amp_v1)
    att_b = (att_v0, att_v1)
    out_b = (out_v0, out_v1)
    isem = (isem0, isem1)
    osem = (osem0, osem1)
    cid = lax.axis_index("c")
    sid = lax.axis_index("s")
    wid = sid * 2 + cid
    pltpu.sync_copy(tab_hbm, tab_v)
    base = wid * PER_TILE
    lane20 = jnp.arange(16, dtype=jnp.int32) * 20

    def start_in(b, p):
        off = base + b * BLK
        pltpu.make_async_copy(
            idx_hbm.at[pl.ds(off, BLK)], idx_b[p], isem[p]).start()
        pltpu.make_async_copy(
            amp_hbm.at[pl.ds(off, BLK)], amp_b[p], isem[p]).start()
        pltpu.make_async_copy(
            att_hbm.at[pl.ds(off * 20, BLK * 20)], att_b[p], isem[p]).start()

    def wait_in(b, p):
        off = base + b * BLK
        pltpu.make_async_copy(
            idx_hbm.at[pl.ds(off, BLK)], idx_b[p], isem[p]).wait()
        pltpu.make_async_copy(
            amp_hbm.at[pl.ds(off, BLK)], amp_b[p], isem[p]).wait()
        pltpu.make_async_copy(
            att_hbm.at[pl.ds(off * 20, BLK * 20)], att_b[p], isem[p]).wait()

    def drain_out(b, p):
        pltpu.make_async_copy(
            out_b[p], out_hbm.at[pl.ds(base + b * BLK, BLK)], osem[p]).wait()

    def start_out(b, p):
        pltpu.make_async_copy(
            out_b[p], out_hbm.at[pl.ds(base + b * BLK, BLK)], osem[p]).start()

    def compute(b, p):
        @plsc.parallel_loop(0, GROUPS, unroll=2)
        def group(g):
            s = g * 16
            idxf = idx_b[p][pl.ds(s, 16)]
            il = idxf.astype(jnp.int32)
            alpha = idxf - il.astype(jnp.float32)
            ab = lane20 + g * 320
            accs = [jnp.zeros((16,), jnp.float32) for _ in range(4)]
            for k in range(N_WT):
                tk = il + k * NRPAD
                lo = plsc.load_gather(tab_v, [tk])
                hi = plsc.load_gather(tab_v, [tk + 1])
                a = plsc.load_gather(att_b[p], [ab + k])
                accs[k % 4] = accs[k % 4] + a * (lo + alpha * (hi - lo))
            acc = (accs[0] + accs[1]) + (accs[2] + accs[3])
            out_b[p][pl.ds(s, 16)] = acc * amp_b[p][pl.ds(s, 16)]

        start_out(b, p)

    start_in(0, 0)

    def pair(j, c0):
        b0 = j * 2
        wait_in(b0, 0)
        start_in(b0 + 1, 1)

        @pl.when(j > 0)
        def _():
            drain_out(b0 - 2, 0)
        compute(b0, 0)

        wait_in(b0 + 1, 1)

        @pl.when(j < NBLK // 2 - 1)
        def _():
            start_in(b0 + 2, 0)

        @pl.when(j > 0)
        def _():
            drain_out(b0 - 1, 1)
        compute(b0 + 1, 1)
        return c0

    lax.fori_loop(0, NBLK // 2, pair, 0)
    drain_out(NBLK - 2, 0)
    drain_out(NBLK - 1, 1)


def _sc_gather(idx_flat, amp_flat, att_flat, tab_flat):
    mesh = plsc.VectorSubcoreMesh(
        core_axis_name="c", subcore_axis_name="s", num_cores=2, num_subcores=16)
    fn = pl.kernel(
        _sc_body,
        out_type=jax.ShapeDtypeStruct((B * T,), jnp.float32),
        mesh=mesh,
        compiler_params=pltpu.CompilerParams(needs_layout_passes=False),
        scratch_types=[
            pltpu.VMEM((N_WT * NRPAD,), jnp.float32),
            pltpu.VMEM((BLK,), jnp.float32),
            pltpu.VMEM((BLK,), jnp.float32),
            pltpu.VMEM((BLK,), jnp.float32),
            pltpu.VMEM((BLK,), jnp.float32),
            pltpu.VMEM((BLK * 20,), jnp.float32),
            pltpu.VMEM((BLK * 20,), jnp.float32),
            pltpu.VMEM((BLK,), jnp.float32),
            pltpu.VMEM((BLK,), jnp.float32),
            pltpu.SemaphoreType.DMA,
            pltpu.SemaphoreType.DMA,
            pltpu.SemaphoreType.DMA,
            pltpu.SemaphoreType.DMA,
        ],
    )
    return fn(idx_flat, amp_flat, att_flat, tab_flat)


def kernel(pitch, amplitude, attention, wavetables):
    pitch2d = jnp.squeeze(pitch, -1)
    idx_arr, tab = _tc_index(pitch2d, wavetables)
    out_flat = _sc_gather(
        idx_arr.reshape(-1),
        amplitude.reshape(-1),
        attention.reshape(-1),
        tab.reshape(-1),
    )
    return out_flat.reshape(B, T, 1)

# --- scband reference (transcript-rebuilt; emitter-appended) ---
"""Pipeline reference for scband-wavetablesynth-40965398069317 (READ-ONLY COPY).

The authoritative reference and input builder live on the scoring server;
editing this copy changes nothing except your own understanding.
"""

import jax, jax.numpy as jnp
import numpy as np

SR = 44100
N_WT = 20
WT_LEN = 512
B = 8
T = 64000


def _gen_wavetable(length, cycle, phase):
    i = np.arange(length, dtype=np.float32)
    wt = np.sin(cycle * 2.0 * np.pi * i / length + 2.0 * phase * np.pi).astype(np.float32)
    wt[-1] = wt[0]
    return wt


def setup_inputs(seed: int = 0):
    key = jax.random.key(seed)
    k1, k2, k3 = jax.random.split(key, 3)
    # pitch in Hz, realistic audio frequencies
    pitch = jax.random.uniform(k1, (B, T, 1), dtype=jnp.float32) * 480.0 + 20.0
    amplitude = jax.random.uniform(k2, (B, T, 1), dtype=jnp.float32)
    attention = jax.random.uniform(k3, (B, T, N_WT), dtype=jnp.float32)
    rng = np.random.RandomState(0)
    wts = rng.normal(0.0, 0.01, (N_WT, WT_LEN)).astype(np.float32)
    for idx in range(4):
        wts[idx] = _gen_wavetable(WT_LEN, idx + 1, rng.uniform(0.0, 1.0))
    wts[:, -1] = wts[:, 0]  # wrap last sample to first, as in torch init
    wavetables = jnp.asarray(wts)
    return {"pitch": pitch, "amplitude": amplitude, "attention": attention, "wavetables": wavetables}


def reference(pitch, amplitude, attention, wavetables):
    sr = SR
    L = wavetables.shape[1]
    freq = jnp.squeeze(pitch, -1)  # (B, T)
    increment = freq / sr * L
    index = jnp.cumsum(increment, axis=-1) - increment[:, :1]
    index = index % L
    index_low_f = jnp.floor(index)
    index_high_f = jnp.ceil(index)
    alpha = index - index_low_f  # (B, T)
    il = index_low_f.astype(jnp.int32)
    ih = index_high_f.astype(jnp.int32) % L
    # first 4 wavetables are fixed sines (no tanh); the rest pass through tanh
    wt_eff = jnp.concatenate([wavetables[:4], jnp.tanh(wavetables[4:])], axis=0)  # (N_WT, L)
    low = wt_eff[:, il]   # gather -> (N_WT, B, T)
    high = wt_eff[:, ih]  # gather -> (N_WT, B, T)
    wave = low + alpha[None, :, :] * (high - low)  # (N_WT, B, T)
    wave = jnp.transpose(wave, (1, 2, 0))  # (B, T, N_WT)
    out = jnp.sum(wave * attention, axis=2)[..., None]  # (B, T, 1)
    return out * amplitude

if __name__ == "__main__":
    import jax
    _d = setup_inputs()
    print(jax.jit(kernel)(*tuple(_d.values())))

</pallas_src>

<mosaic_0001>
#map = affine_map<(d0, d1) -> (0)>
module attributes {stable_mosaic.version = 14 : i64} {
  func.func @_sc_body(%arg0: i32, %arg1: i32, %arg2: memref<512000xf32, #tpu.memory_space<hbm>>, %arg3: memref<512000xf32, #tpu.memory_space<hbm>>, %arg4: memref<10240000xf32, #tpu.memory_space<hbm>>, %arg5: memref<10400xf32, #tpu.memory_space<hbm>>, %arg6: memref<512000xf32, #tpu.memory_space<hbm>>, %arg7: memref<10400xf32, #tpu.memory_space<vmem>>, %arg8: memref<2000xf32, #tpu.memory_space<vmem>>, %arg9: memref<2000xf32, #tpu.memory_space<vmem>>, %arg10: memref<2000xf32, #tpu.memory_space<vmem>>, %arg11: memref<2000xf32, #tpu.memory_space<vmem>>, %arg12: memref<40000xf32, #tpu.memory_space<vmem>>, %arg13: memref<40000xf32, #tpu.memory_space<vmem>>, %arg14: memref<2000xf32, #tpu.memory_space<vmem>>, %arg15: memref<2000xf32, #tpu.memory_space<vmem>>, %arg16: memref<!tpu.dma_semaphore, #tpu.memory_space<semaphore_mem>>, %arg17: memref<!tpu.dma_semaphore, #tpu.memory_space<semaphore_mem>>, %arg18: memref<!tpu.dma_semaphore, #tpu.memory_space<semaphore_mem>>, %arg19: memref<!tpu.dma_semaphore, #tpu.memory_space<semaphore_mem>>) attributes {dimension_semantics = [#tpu.dimension_semantics<core_parallel>, #tpu.dimension_semantics<subcore_parallel>], iteration_bounds = array<i64: 2, 16>, scalar_prefetch = 0 : i64, scratch_operands = 13 : i64, tpu.core_type = #tpu.core_type<sc_vector_subcore>, window_params = [{transform_indices = #map}, {transform_indices = #map}, {transform_indices = #map}, {transform_indices = #map}, {transform_indices = #map}]} {
    %mul3A = arith.constant 2 : i32
    %mul3A_0 = arith.muli %arg1, %mul3A : i32
    %add3A = arith.addi %mul3A_0, %arg0 : i32
    "tpu.region"() ({
      %run_scoped3A = tpu.sem_alloc : memref<!tpu.dma_semaphore, #tpu.memory_space<semaphore_mem>>
      tpu.enqueue_dma source(%arg5 : memref<10400xf32, #tpu.memory_space<hbm>>) target(%arg7 : memref<10400xf32, #tpu.memory_space<vmem>>) target_semaphore(%run_scoped3A : memref<!tpu.dma_semaphore, #tpu.memory_space<semaphore_mem>>)
      tpu.wait_dma2 semaphore(%run_scoped3A : memref<!tpu.dma_semaphore, #tpu.memory_space<semaphore_mem>>) src(%arg5 : memref<10400xf32, #tpu.memory_space<hbm>>) dst(%arg7 : memref<10400xf32, #tpu.memory_space<vmem>>)
      tpu.yield
    }) : () -> ()
    %mul3A_1 = arith.constant 16000 : i32
    %mul3A_2 = arith.muli %add3A, %mul3A_1 : i32
    %iota3A = tpu.iota {dimensions = array<i32: 0>} : vector<16xi32>
    %mul3A_3 = arith.constant 20 : i32
    %mul3A_4 = vector.broadcast %mul3A_3 : i32 to vector<16xi32>
    %mul3A_5 = arith.muli %iota3A, %mul3A_4 : vector<16xi32>
    %add3A_6 = arith.constant 0 : i32
    %add3A_7 = arith.addi %mul3A_2, %add3A_6 : i32
    %dma_start3A = tpu.memref_slice %arg2[%add3A_7] : memref<512000xf32, #tpu.memory_space<hbm>> -> memref<2000xf32, #tpu.memory_space<hbm>>
    %dma_start3A_8 = tpu.memref_slice %arg2[%add3A_7] : memref<512000xf32, #tpu.memory_space<hbm>> -> memref<2000xf32, #tpu.memory_space<hbm>>
    tpu.enqueue_dma source(%dma_start3A_8 : memref<2000xf32, #tpu.memory_space<hbm>>) target(%arg8 : memref<2000xf32, #tpu.memory_space<vmem>>) target_semaphore(%arg16 : memref<!tpu.dma_semaphore, #tpu.memory_space<semaphore_mem>>)
    %dma_start3A_9 = tpu.memref_slice %arg3[%add3A_7] : memref<512000xf32, #tpu.memory_space<hbm>> -> memref<2000xf32, #tpu.memory_space<hbm>>
    %dma_start3A_10 = tpu.memref_slice %arg3[%add3A_7] : memref<512000xf32, #tpu.memory_space<hbm>> -> memref<2000xf32, #tpu.memory_space<hbm>>
    tpu.enqueue_dma source(%dma_start3A_10 : memref<2000xf32, #tpu.memory_space<hbm>>) target(%arg10 : memref<2000xf32, #tpu.memory_space<vmem>>) target_semaphore(%arg16 : memref<!tpu.dma_semaphore, #tpu.memory_space<semaphore_mem>>)
    %mul3A_11 = arith.constant 20 : i32
    %mul3A_12 = arith.muli %add3A_7, %mul3A_11 : i32
    %dma_start3A_13 = tpu.memref_slice %arg4[%mul3A_12] : memref<10240000xf32, #tpu.memory_space<hbm>> -> memref<40000xf32, #tpu.memory_space<hbm>>
    %dma_start3A_14 = tpu.memref_slice %arg4[%mul3A_12] : memref<10240000xf32, #tpu.memory_space<hbm>> -> memref<40000xf32, #tpu.memory_space<hbm>>
    tpu.enqueue_dma source(%dma_start3A_14 : memref<40000xf32, #tpu.memory_space<hbm>>) target(%arg12 : memref<40000xf32, #tpu.memory_space<vmem>>) target_semaphore(%arg16 : memref<!tpu.dma_semaphore, #tpu.memory_space<semaphore_mem>>)
    %scan3A = arith.constant 0 : i32
    %scan3A_15 = arith.constant 0 : i32
    %scan3A_16 = arith.constant 4 : i32
    %scan3A_17 = arith.addi %scan3A_15, %scan3A_16 : i32
    %scan3A_18 = arith.constant 1 : i32
    scf.for %scan3A_27 = %scan3A_15 to %scan3A_17 step %scan3A_18  : i32 {
      %mul3A_28 = arith.constant 2 : i32
      %mul3A_29 = arith.muli %scan3A_27, %mul3A_28 : i32
      %mul3A_30 = arith.constant 2000 : i32
      %mul3A_31 = arith.muli %mul3A_29, %mul3A_30 : i32
      %add3A_32 = arith.addi %mul3A_2, %mul3A_31 : i32
      %dma_wait3A_33 = tpu.memref_slice %arg2[%add3A_32] : memref<512000xf32, #tpu.memory_space<hbm>> -> memref<2000xf32, #tpu.memory_space<hbm>>
      %dma_wait3A_34 = tpu.memref_slice %arg2[%add3A_32] : memref<512000xf32, #tpu.memory_space<hbm>> -> memref<2000xf32, #tpu.memory_space<hbm>>
      tpu.wait_dma2 semaphore(%arg16 : memref<!tpu.dma_semaphore, #tpu.memory_space<semaphore_mem>>) src(%dma_wait3A_34 : memref<2000xf32, #tpu.memory_space<hbm>>) dst(%arg8 : memref<2000xf32, #tpu.memory_space<vmem>>)
      %dma_wait3A_35 = tpu.memref_slice %arg3[%add3A_32] : memref<512000xf32, #tpu.memory_space<hbm>> -> memref<2000xf32, #tpu.memory_space<hbm>>
      %dma_wait3A_36 = tpu.memref_slice %arg3[%add3A_32] : memref<512000xf32, #tpu.memory_space<hbm>> -> memref<2000xf32, #tpu.memory_space<hbm>>
      tpu.wait_dma2 semaphore(%arg16 : memref<!tpu.dma_semaphore, #tpu.memory_space<semaphore_mem>>) src(%dma_wait3A_36 : memref<2000xf32, #tpu.memory_space<hbm>>) dst(%arg10 : memref<2000xf32, #tpu.memory_space<vmem>>)
      %mul3A_37 = arith.constant 20 : i32
      %mul3A_38 = arith.muli %add3A_32, %mul3A_37 : i32
      %dma_wait3A_39 = tpu.memref_slice %arg4[%mul3A_38] : memref<10240000xf32, #tpu.memory_space<hbm>> -> memref<40000xf32, #tpu.memory_space<hbm>>
      %dma_wait3A_40 = tpu.memref_slice %arg4[%mul3A_38] : memref<10240000xf32, #tpu.memory_space<hbm>> -> memref<40000xf32, #tpu.memory_space<hbm>>
      tpu.wait_dma2 semaphore(%arg16 : memref<!tpu.dma_semaphore, #tpu.memory_space<semaphore_mem>>) src(%dma_wait3A_40 : memref<40000xf32, #tpu.memory_space<hbm>>) dst(%arg12 : memref<40000xf32, #tpu.memory_space<vmem>>)
      %add3A_41 = arith.constant 1 : i32
      %add3A_42 = arith.addi %mul3A_29, %add3A_41 : i32
      %mul3A_43 = arith.constant 2000 : i32
      %mul3A_44 = arith.muli %add3A_42, %mul3A_43 : i32
      %add3A_45 = arith.addi %mul3A_2, %mul3A_44 : i32
      %dma_start3A_46 = tpu.memref_slice %arg2[%add3A_45] : memref<512000xf32, #tpu.memory_space<hbm>> -> memref<2000xf32, #tpu.memory_space<hbm>>
      %dma_start3A_47 = tpu.memref_slice %arg2[%add3A_45] : memref<512000xf32, #tpu.memory_space<hbm>> -> memref<2000xf32, #tpu.memory_space<hbm>>
      tpu.enqueue_dma source(%dma_start3A_47 : memref<2000xf32, #tpu.memory_space<hbm>>) target(%arg9 : memref<2000xf32, #tpu.memory_space<vmem>>) target_semaphore(%arg17 : memref<!tpu.dma_semaphore, #tpu.memory_space<semaphore_mem>>)
      %dma_start3A_48 = tpu.memref_slice %arg3[%add3A_45] : memref<512000xf32, #tpu.memory_space<hbm>> -> memref<2000xf32, #tpu.memory_space<hbm>>
      %dma_start3A_49 = tpu.memref_slice %arg3[%add3A_45] : memref<512000xf32, #tpu.memory_space<hbm>> -> memref<2000xf32, #tpu.memory_space<hbm>>
      tpu.enqueue_dma source(%dma_start3A_49 : memref<2000xf32, #tpu.memory_space<hbm>>) target(%arg11 : memref<2000xf32, #tpu.memory_space<vmem>>) target_semaphore(%arg17 : memref<!tpu.dma_semaphore, #tpu.memory_space<semaphore_mem>>)
      %mul3A_50 = arith.constant 20 : i32
      %mul3A_51 = arith.muli %add3A_45, %mul3A_50 : i32
      %dma_start3A_52 = tpu.memref_slice %arg4[%mul3A_51] : memref<10240000xf32, #tpu.memory_space<hbm>> -> memref<40000xf32, #tpu.memory_space<hbm>>
      %dma_start3A_53 = tpu.memref_slice %arg4[%mul3A_51] : memref<10240000xf32, #tpu.memory_space<hbm>> -> memref<40000xf32, #tpu.memory_space<hbm>>
      tpu.enqueue_dma source(%dma_start3A_53 : memref<40000xf32, #tpu.memory_space<hbm>>) target(%arg13 : memref<40000xf32, #tpu.memory_space<vmem>>) target_semaphore(%arg17 : memref<!tpu.dma_semaphore, #tpu.memory_space<semaphore_mem>>)
      %gt3A = arith.constant 0 : i32
      %gt3A_54 = arith.cmpi sgt, %scan3A_27, %gt3A : i32
      %convert_element_type3A = arith.extui %gt3A_54 : i1 to i32
      %cond3A = arith.constant 0 : i32
      %cond3A_55 = arith.cmpi ne, %convert_element_type3A, %cond3A : i32
      scf.if %cond3A_55 {
        %sub3A = arith.constant 2 : i32
        %sub3A_95 = arith.subi %mul3A_29, %sub3A : i32
        %mul3A_96 = arith.constant 2000 : i32
        %mul3A_97 = arith.muli %sub3A_95, %mul3A_96 : i32
        %add3A_98 = arith.addi %mul3A_2, %mul3A_97 : i32
        %dma_wait3A_99 = tpu.memref_slice %arg6[%add3A_98] : memref<512000xf32, #tpu.memory_space<hbm>> -> memref<2000xf32, #tpu.memory_space<hbm>>
        %dma_wait3A_100 = tpu.memref_slice %arg6[%add3A_98] : memref<512000xf32, #tpu.memory_space<hbm>> -> memref<2000xf32, #tpu.memory_space<hbm>>
        tpu.wait_dma2 semaphore(%arg18 : memref<!tpu.dma_semaphore, #tpu.memory_space<semaphore_mem>>) src(%arg14 : memref<2000xf32, #tpu.memory_space<vmem>>) dst(%dma_wait3A_100 : memref<2000xf32, #tpu.memory_space<hbm>>)
      } else {
      }
      %parallel_loop3A = arith.constant 0 : i32
      %parallel_loop3A_56 = arith.constant 125 : i32
      %parallel_loop3A_57 = arith.constant 1 : i32
      scf.for %parallel_loop3A_95 = %parallel_loop3A to %parallel_loop3A_56 step %parallel_loop3A_57  : i32 {
        %parallel_loop3A_96 = arith.constant 16 : i32
        %parallel_loop3A_97 = arith.muli %parallel_loop3A_95, %parallel_loop3A_96 : i32
        %parallel_loop3A_98 = arith.index_cast %parallel_loop3A_97 : i32 to index
        %parallel_loop3A_99 = tpu.vector_load %arg8[%parallel_loop3A_98] {strides = array<i32>} : memref<2000xf32, #tpu.memory_space<vmem>>, vector<16xf32>,
        %parallel_loop3A_100 = arith.fptosi %parallel_loop3A_99 : vector<16xf32> to vector<16xi32>
        %parallel_loop3A_101 = arith.sitofp %parallel_loop3A_100 : vector<16xi32> to vector<16xf32>
        %parallel_loop3A_102 = arith.subf %parallel_loop3A_99, %parallel_loop3A_101 : vector<16xf32>
        %parallel_loop3A_103 = arith.constant 320 : i32
        %parallel_loop3A_104 = arith.muli %parallel_loop3A_95, %parallel_loop3A_103 : i32
        %parallel_loop3A_105 = vector.broadcast %parallel_loop3A_104 : i32 to vector<16xi32>
        %parallel_loop3A_106 = arith.addi %mul3A_5, %parallel_loop3A_105 : vector<16xi32>
        %parallel_loop3A_107 = arith.constant 0.000000e+00 : f32
        %parallel_loop3A_108 = vector.broadcast %parallel_loop3A_107 : f32 to vector<16xf32>
        %parallel_loop3A_109 = arith.constant 0.000000e+00 : f32
        %parallel_loop3A_110 = vector.broadcast %parallel_loop3A_109 : f32 to vector<16xf32>
        %parallel_loop3A_111 = arith.constant 0.000000e+00 : f32
        %parallel_loop3A_112 = vector.broadcast %parallel_loop3A_111 : f32 to vector<16xf32>
        %parallel_loop3A_113 = arith.constant 0.000000e+00 : f32
        %parallel_loop3A_114 = vector.broadcast %parallel_loop3A_113 : f32 to vector<16xf32>
        %parallel_loop3A_115 = arith.constant 0 : i32
        %parallel_loop3A_116 = vector.broadcast %parallel_loop3A_115 : i32 to vector<16xi32>
        %parallel_loop3A_117 = arith.addi %parallel_loop3A_100, %parallel_loop3A_116 : vector<16xi32>
        %parallel_loop3A_118 = tpu.vector_load_idx %arg7[%parallel_loop3A_117] : memref<10400xf32, #tpu.memory_space<vmem>>[vector<16xi32>], vector<16xf32>,
        %parallel_loop3A_119 = arith.constant 1 : i32
        %parallel_loop3A_120 = vector.broadcast %parallel_loop3A_119 : i32 to vector<16xi32>
        %parallel_loop3A_121 = arith.addi %parallel_loop3A_117, %parallel_loop3A_120 : vector<16xi32>
        %parallel_loop3A_122 = tpu.vector_load_idx %arg7[%parallel_loop3A_121] : memref<10400xf32, #tpu.memory_space<vmem>>[vector<16xi32>], vector<16xf32>,
        %parallel_loop3A_123 = arith.constant 0 : i32
        %parallel_loop3A_124 = vector.broadcast %parallel_loop3A_123 : i32 to vector<16xi32>
        %parallel_loop3A_125 = arith.addi %parallel_loop3A_106, %parallel_loop3A_124 : vector<16xi32>
        %parallel_loop3A_126 = tpu.vector_load_idx %arg12[%parallel_loop3A_125] : memref<40000xf32, #tpu.memory_space<vmem>>[vector<16xi32>], vector<16xf32>,
        %parallel_loop3A_127 = arith.subf %parallel_loop3A_122, %parallel_loop3A_118 : vector<16xf32>
        %parallel_loop3A_128 = arith.mulf %parallel_loop3A_102, %parallel_loop3A_127 : vector<16xf32>
        %parallel_loop3A_129 = arith.addf %parallel_loop3A_118, %parallel_loop3A_128 : vector<16xf32>
        %parallel_loop3A_130 = arith.mulf %parallel_loop3A_126, %parallel_loop3A_129 : vector<16xf32>
        %parallel_loop3A_131 = arith.addf %parallel_loop3A_108, %parallel_loop3A_130 : vector<16xf32>
        %parallel_loop3A_132 = arith.constant 520 : i32
        %parallel_loop3A_133 = vector.broadcast %parallel_loop3A_132 : i32 to vector<16xi32>
        %parallel_loop3A_134 = arith.addi %parallel_loop3A_100, %parallel_loop3A_133 : vector<16xi32>
        %parallel_loop3A_135 = tpu.vector_load_idx %arg7[%parallel_loop3A_134] : memref<10400xf32, #tpu.memory_space<vmem>>[vector<16xi32>], vector<16xf32>,
        %parallel_loop3A_136 = arith.constant 1 : i32
        %parallel_loop3A_137 = vector.broadcast %parallel_loop3A_136 : i32 to vector<16xi32>
        %parallel_loop3A_138 = arith.addi %parallel_loop3A_134, %parallel_loop3A_137 : vector<16xi32>
        %parallel_loop3A_139 = tpu.vector_load_idx %arg7[%parallel_loop3A_138] : memref<10400xf32, #tpu.memory_space<vmem>>[vector<16xi32>], vector<16xf32>,
        %parallel_loop3A_140 = arith.constant 1 : i32
        %parallel_loop3A_141 = vector.broadcast %parallel_loop3A_140 : i32 to vector<16xi32>
        %parallel_loop3A_142 = arith.addi %parallel_loop3A_106, %parallel_loop3A_141 : vector<16xi32>
        %parallel_loop3A_143 = tpu.vector_load_idx %arg12[%parallel_loop3A_142] : memref<40000xf32, #tpu.memory_space<vmem>>[vector<16xi32>], vector<16xf32>,
        %parallel_loop3A_144 = arith.subf %parallel_loop3A_139, %parallel_loop3A_135 : vector<16xf32>
        %parallel_loop3A_145 = arith.mulf %parallel_loop3A_102, %parallel_loop3A_144 : vector<16xf32>
        %parallel_loop3A_146 = arith.addf %parallel_loop3A_135, %parallel_loop3A_145 : vector<16xf32>
        %parallel_loop3A_147 = arith.mulf %parallel_loop3A_143, %parallel_loop3A_146 : vector<16xf32>
        %parallel_loop3A_148 = arith.addf %parallel_loop3A_110, %parallel_loop3A_147 : vector<16xf32>
        %parallel_loop3A_149 = arith.constant 1040 : i32
        %parallel_loop3A_150 = vector.broadcast %parallel_loop3A_149 : i32 to vector<16xi32>
        %parallel_loop3A_151 = arith.addi %parallel_loop3A_100, %parallel_loop3A_150 : vector<16xi32>
        %parallel_loop3A_152 = tpu.vector_load_idx %arg7[%parallel_loop3A_151] : memref<10400xf32, #tpu.memory_space<vmem>>[vector<16xi32>], vector<16xf32>,
        %parallel_loop3A_153 = arith.constant 1 : i32
        %parallel_loop3A_154 = vector.broadcast %parallel_loop3A_153 : i32 to vector<16xi32>
        %parallel_loop3A_155 = arith.addi %parallel_loop3A_151, %parallel_loop3A_154 : vector<16xi32>
        %parallel_loop3A_156 = tpu.vector_load_idx %arg7[%parallel_loop3A_155] : memref<10400xf32, #tpu.memory_space<vmem>>[vector<16xi32>], vector<16xf32>,
        %parallel_loop3A_157 = arith.constant 2 : i32
        %parallel_loop3A_158 = vector.broadcast %parallel_loop3A_157 : i32 to vector<16xi32>
        %parallel_loop3A_159 = arith.addi %parallel_loop3A_106, %parallel_loop3A_158 : vector<16xi32>
        %parallel_loop3A_160 = tpu.vector_load_idx %arg12[%parallel_loop3A_159] : memref<40000xf32, #tpu.memory_space<vmem>>[vector<16xi32>], vector<16xf32>,
        %parallel_loop3A_161 = arith.subf %parallel_loop3A_156, %parallel_loop3A_152 : vector<16xf32>
        %parallel_loop3A_162 = arith.mulf %parallel_loop3A_102, %parallel_loop3A_161 : vector<16xf32>
        %parallel_loop3A_163 = arith.addf %parallel_loop3A_152, %parallel_loop3A_162 : vector<16xf32>
        %parallel_loop3A_164 = arith.mulf %parallel_loop3A_160, %parallel_loop3A_163 : vector<16xf32>
        %parallel_loop3A_165 = arith.addf %parallel_loop3A_112, %parallel_loop3A_164 : vector<16xf32>
        %parallel_loop3A_166 = arith.constant 1560 : i32
        %parallel_loop3A_167 = vector.broadcast %parallel_loop3A_166 : i32 to vector<16xi32>
        %parallel_loop3A_168 = arith.addi %parallel_loop3A_100, %parallel_loop3A_167 : vector<16xi32>
        %parallel_loop3A_169 = tpu.vector_load_idx %arg7[%parallel_loop3A_168] : memref<10400xf32, #tpu.memory_space<vmem>>[vector<16xi32>], vector<16xf32>,
        %parallel_loop3A_170 = arith.constant 1 : i32
        %parallel_loop3A_171 = vector.broadcast %parallel_loop3A_170 : i32 to vector<16xi32>
        %parallel_loop3A_172 = arith.addi %parallel_loop3A_168, %parallel_loop3A_171 : vector<16xi32>
        %parallel_loop3A_173 = tpu.vector_load_idx %arg7[%parallel_loop3A_172] : memref<10400xf32, #tpu.memory_space<vmem>>[vector<16xi32>], vector<16xf32>,
        %parallel_loop3A_174 = arith.constant 3 : i32
        %parallel_loop3A_175 = vector.broadcast %parallel_loop3A_174 : i32 to vector<16xi32>
        %parallel_loop3A_176 = arith.addi %parallel_loop3A_106, %parallel_loop3A_175 : vector<16xi32>
        %parallel_loop3A_177 = tpu.vector_load_idx %arg12[%parallel_loop3A_176] : memref<40000xf32, #tpu.memory_space<vmem>>[vector<16xi32>], vector<16xf32>,
        %parallel_loop3A_178 = arith.subf %parallel_loop3A_173, %parallel_loop3A_169 : vector<16xf32>
        %parallel_loop3A_179 = arith.mulf %parallel_loop3A_102, %parallel_loop3A_178 : vector<16xf32>
        %parallel_loop3A_180 = arith.addf %parallel_loop3A_169, %parallel_loop3A_179 : vector<16xf32>
        %parallel_loop3A_181 = arith.mulf %parallel_loop3A_177, %parallel_loop3A_180 : vector<16xf32>
        %parallel_loop3A_182 = arith.addf %parallel_loop3A_114, %parallel_loop3A_181 : vector<16xf32>
        %parallel_loop3A_183 = arith.constant 2080 : i32
        %parallel_loop3A_184 = vector.broadcast %parallel_loop3A_183 : i32 to vector<16xi32>
        %parallel_loop3A_185 = arith.addi %parallel_loop3A_100, %parallel_loop3A_184 : vector<16xi32>
        %parallel_loop3A_186 = tpu.vector_load_idx %arg7[%parallel_loop3A_185] : memref<10400xf32, #tpu.memory_space<vmem>>[vector<16xi32>], vector<16xf32>,
        %parallel_loop3A_187 = arith.constant 1 : i32
        %parallel_loop3A_188 = vector.broadcast %parallel_loop3A_187 : i32 to vector<16xi32>
        %parallel_loop3A_189 = arith.addi %parallel_loop3A_185, %parallel_loop3A_188 : vector<16xi32>
        %parallel_loop3A_190 = tpu.vector_load_idx %arg7[%parallel_loop3A_189] : memref<10400xf32, #tpu.memory_space<vmem>>[vector<16xi32>], vector<16xf32>,
        %parallel_loop3A_191 = arith.constant 4 : i32
        %parallel_loop3A_192 = vector.broadcast %parallel_loop3A_191 : i32 to vector<16xi32>
        %parallel_loop3A_193 = arith.addi %parallel_loop3A_106, %parallel_loop3A_192 : vector<16xi32>
        %parallel_loop3A_194 = tpu.vector_load_idx %arg12[%parallel_loop3A_193] : memref<40000xf32, #tpu.memory_space<vmem>>[vector<16xi32>], vector<16xf32>,
        %parallel_loop3A_195 = arith.subf %parallel_loop3A_190, %parallel_loop3A_186 : vector<16xf32>
        %parallel_loop3A_196 = arith.mulf %parallel_loop3A_102, %parallel_loop3A_195 : vector<16xf32>
        %parallel_loop3A_197 = arith.addf %parallel_loop3A_186, %parallel_loop3A_196 : vector<16xf32>
        %parallel_loop3A_198 = arith.mulf %parallel_loop3A_194, %parallel_loop3A_197 : vector<16xf32>
        %parallel_loop3A_199 = arith.addf %parallel_loop3A_131, %parallel_loop3A_198 : vector<16xf32>
        %parallel_loop3A_200 = arith.constant 2600 : i32
        %parallel_loop3A_201 = vector.broadcast %parallel_loop3A_200 : i32 to vector<16xi32>
        %parallel_loop3A_202 = arith.addi %parallel_loop3A_100, %parallel_loop3A_201 : vector<16xi32>
        %parallel_loop3A_203 = tpu.vector_load_idx %arg7[%parallel_loop3A_202] : memref<10400xf32, #tpu.memory_space<vmem>>[vector<16xi32>], vector<16xf32>,
        %parallel_loop3A_204 = arith.constant 1 : i32
        %parallel_loop3A_205 = vector.broadcast %parallel_loop3A_204 : i32 to vector<16xi32>
        %parallel_loop3A_206 = arith.addi %parallel_loop3A_202, %parallel_loop3A_205 : vector<16xi32>
        %parallel_loop3A_207 = tpu.vector_load_idx %arg7[%parallel_loop3A_206] : memref<10400xf32, #tpu.memory_space<vmem>>[vector<16xi32>], vector<16xf32>,
        %parallel_loop3A_208 = arith.constant 5 : i32
        %parallel_loop3A_209 = vector.broadcast %parallel_loop3A_208 : i32 to vector<16xi32>
        %parallel_loop3A_210 = arith.addi %parallel_loop3A_106, %parallel_loop3A_209 : vector<16xi32>
        %parallel_loop3A_211 = tpu.vector_load_idx %arg12[%parallel_loop3A_210] : memref<40000xf32, #tpu.memory_space<vmem>>[vector<16xi32>], vector<16xf32>,
        %parallel_loop3A_212 = arith.subf %parallel_loop3A_207, %parallel_loop3A_203 : vector<16xf32>
        %parallel_loop3A_213 = arith.mulf %parallel_loop3A_102, %parallel_loop3A_212 : vector<16xf32>
        %parallel_loop3A_214 = arith.addf %parallel_loop3A_203, %parallel_loop3A_213 : vector<16xf32>
        %parallel_loop3A_215 = arith.mulf %parallel_loop3A_211, %parallel_loop3A_214 : vector<16xf32>
        %parallel_loop3A_216 = arith.addf %parallel_loop3A_148, %parallel_loop3A_215 : vector<16xf32>
        %parallel_loop3A_217 = arith.constant 3120 : i32
        %parallel_loop3A_218 = vector.broadcast %parallel_loop3A_217 : i32 to vector<16xi32>
        %parallel_loop3A_219 = arith.addi %parallel_loop3A_100, %parallel_loop3A_218 : vector<16xi32>
        %parallel_loop3A_220 = tpu.vector_load_idx %arg7[%parallel_loop3A_219] : memref<10400xf32, #tpu.memory_space<vmem>>[vector<16xi32>], vector<16xf32>,
        %parallel_loop3A_221 = arith.constant 1 : i32
        %parallel_loop3A_222 = vector.broadcast %parallel_loop3A_221 : i32 to vector<16xi32>
        %parallel_loop3A_223 = arith.addi %parallel_loop3A_219, %parallel_loop3A_222 : vector<16xi32>
        %parallel_loop3A_224 = tpu.vector_load_idx %arg7[%parallel_loop3A_223] : memref<10400xf32, #tpu.memory_space<vmem>>[vector<16xi32>], vector<16xf32>,
        %parallel_loop3A_225 = arith.constant 6 : i32
        %parallel_loop3A_226 = vector.broadcast %parallel_loop3A_225 : i32 to vector<16xi32>
        %parallel_loop3A_227 = arith.addi %parallel_loop3A_106, %parallel_loop3A_226 : vector<16xi32>
        %parallel_loop3A_228 = tpu.vector_load_idx %arg12[%parallel_loop3A_227] : memref<40000xf32, #tpu.memory_space<vmem>>[vector<16xi32>], vector<16xf32>,
        %parallel_loop3A_229 = arith.subf %parallel_loop3A_224, %parallel_loop3A_220 : vector<16xf32>
        %parallel_loop3A_230 = arith.mulf %parallel_loop3A_102, %parallel_loop3A_229 : vector<16xf32>
        %parallel_loop3A_231 = arith.addf %parallel_loop3A_220, %parallel_loop3A_230 : vector<16xf32>
        %parallel_loop3A_232 = arith.mulf %parallel_loop3A_228, %parallel_loop3A_231 : vector<16xf32>
        %parallel_loop3A_233 = arith.addf %parallel_loop3A_165, %parallel_loop3A_232 : vector<16xf32>
        %parallel_loop3A_234 = arith.constant 3640 : i32
        %parallel_loop3A_235 = vector.broadcast %parallel_loop3A_234 : i32 to vector<16xi32>
        %parallel_loop3A_236 = arith.addi %parallel_loop3A_100, %parallel_loop3A_235 : vector<16xi32>
        %parallel_loop3A_237 = tpu.vector_load_idx %arg7[%parallel_loop3A_236] : memref<10400xf32, #tpu.memory_space<vmem>>[vector<16xi32>], vector<16xf32>,
        %parallel_loop3A_238 = arith.constant 1 : i32
        %parallel_loop3A_239 = vector.broadcast %parallel_loop3A_238 : i32 to vector<16xi32>
        %parallel_loop3A_240 = arith.addi %parallel_loop3A_236, %parallel_loop3A_239 : vector<16xi32>
        %parallel_loop3A_241 = tpu.vector_load_idx %arg7[%parallel_loop3A_240] : memref<10400xf32, #tpu.memory_space<vmem>>[vector<16xi32>], vector<16xf32>,
        %parallel_loop3A_242 = arith.constant 7 : i32
        %parallel_loop3A_243 = vector.broadcast %parallel_loop3A_242 : i32 to vector<16xi32>
        %parallel_loop3A_244 = arith.addi %parallel_loop3A_106, %parallel_loop3A_243 : vector<16xi32>
        %parallel_loop3A_245 = tpu.vector_load_idx %arg12[%parallel_loop3A_244] : memref<40000xf32, #tpu.memory_space<vmem>>[vector<16xi32>], vector<16xf32>,
        %parallel_loop3A_246 = arith.subf %parallel_loop3A_241, %parallel_loop3A_237 : vector<16xf32>
        %parallel_loop3A_247 = arith.mulf %parallel_loop3A_102, %parallel_loop3A_246 : vector<16xf32>
        %parallel_loop3A_248 = arith.addf %parallel_loop3A_237, %parallel_loop3A_247 : vector<16xf32>
        %parallel_loop3A_249 = arith.mulf %parallel_loop3A_245, %parallel_loop3A_248 : vector<16xf32>
        %parallel_loop3A_250 = arith.addf %parallel_loop3A_182, %parallel_loop3A_249 : vector<16xf32>
        %parallel_loop3A_251 = arith.constant 4160 : i32
        %parallel_loop3A_252 = vector.broadcast %parallel_loop3A_251 : i32 to vector<16xi32>
        %parallel_loop3A_253 = arith.addi %parallel_loop3A_100, %parallel_loop3A_252 : vector<16xi32>
        %parallel_loop3A_254 = tpu.vector_load_idx %arg7[%parallel_loop3A_253] : memref<10400xf32, #tpu.memory_space<vmem>>[vector<16xi32>], vector<16xf32>,
        %parallel_loop3A_255 = arith.constant 1 : i32
        %parallel_loop3A_256 = vector.broadcast %parallel_loop3A_255 : i32 to vector<16xi32>
        %parallel_loop3A_257 = arith.addi %parallel_loop3A_253, %parallel_loop3A_256 : vector<16xi32>
        %parallel_loop3A_258 = tpu.vector_load_idx %arg7[%parallel_loop3A_257] : memref<10400xf32, #tpu.memory_space<vmem>>[vector<16xi32>], vector<16xf32>,
        %parallel_loop3A_259 = arith.constant 8 : i32
        %parallel_loop3A_260 = vector.broadcast %parallel_loop3A_259 : i32 to vector<16xi32>
        %parallel_loop3A_261 = arith.addi %parallel_loop3A_106, %parallel_loop3A_260 : vector<16xi32>
        %parallel_loop3A_262 = tpu.vector_load_idx %arg12[%parallel_loop3A_261] : memref<40000xf32, #tpu.memory_space<vmem>>[vector<16xi32>], vector<16xf32>,
        %parallel_loop3A_263 = arith.subf %parallel_loop3A_258, %parallel_loop3A_254 : vector<16xf32>
        %parallel_loop3A_264 = arith.mulf %parallel_loop3A_102, %parallel_loop3A_263 : vector<16xf32>
        %parallel_loop3A_265 = arith.addf %parallel_loop3A_254, %parallel_loop3A_264 : vector<16xf32>
        %parallel_loop3A_266 = arith.mulf %parallel_loop3A_262, %parallel_loop3A_265 : vector<16xf32>
        %parallel_loop3A_267 = arith.addf %parallel_loop3A_199, %parallel_loop3A_266 : vector<16xf32>
        %parallel_loop3A_268 = arith.constant 4680 : i32
        %parallel_loop3A_269 = vector.broadcast %parallel_loop3A_268 : i32 to vector<16xi32>
        %parallel_loop3A_270 = arith.addi %parallel_loop3A_100, %parallel_loop3A_269 : vector<16xi32>
        %parallel_loop3A_271 = tpu.vector_load_idx %arg7[%parallel_loop3A_270] : memref<10400xf32, #tpu.memory_space<vmem>>[vector<16xi32>], vector<16xf32>,
        %parallel_loop3A_272 = arith.constant 1 : i32
        %parallel_loop3A_273 = vector.broadcast %parallel_loop3A_272 : i32 to vector<16xi32>
        %parallel_loop3A_274 = arith.addi %parallel_loop3A_270, %parallel_loop3A_273 : vector<16xi32>
        %parallel_loop3A_275 = tpu.vector_load_idx %arg7[%parallel_loop3A_274] : memref<10400xf32, #tpu.memory_space<vmem>>[vector<16xi32>], vector<16xf32>,
        %parallel_loop3A_276 = arith.constant 9 : i32
        %parallel_loop3A_277 = vector.broadcast %parallel_loop3A_276 : i32 to vector<16xi32>
        %parallel_loop3A_278 = arith.addi %parallel_loop3A_106, %parallel_loop3A_277 : vector<16xi32>
        %parallel_loop3A_279 = tpu.vector_load_idx %arg12[%parallel_loop3A_278] : memref<40000xf32, #tpu.memory_space<vmem>>[vector<16xi32>], vector<16xf32>,
        %parallel_loop3A_280 = arith.subf %parallel_loop3A_275, %parallel_loop3A_271 : vector<16xf32>
        %parallel_loop3A_281 = arith.mulf %parallel_loop3A_102, %parallel_loop3A_280 : vector<16xf32>
        %parallel_loop3A_282 = arith.addf %parallel_loop3A_271, %parallel_loop3A_281 : vector<16xf32>
        %parallel_loop3A_283 = arith.mulf %parallel_loop3A_279, %parallel_loop3A_282 : vector<16xf32>
        %parallel_loop3A_284 = arith.addf %parallel_loop3A_216, %parallel_loop3A_283 : vector<16xf32>
        %parallel_loop3A_285 = arith.constant 5200 : i32
        %parallel_loop3A_286 = vector.broadcast %parallel_loop3A_285 : i32 to vector<16xi32>
        %parallel_loop3A_287 = arith.addi %parallel_loop3A_100, %parallel_loop3A_286 : vector<16xi32>
        %parallel_loop3A_288 = tpu.vector_load_idx %arg7[%parallel_loop3A_287] : memref<10400xf32, #tpu.memory_space<vmem>>[vector<16xi32>], vector<16xf32>,
        %parallel_loop3A_289 = arith.constant 1 : i32
        %parallel_loop3A_290 = vector.broadcast %parallel_loop3A_289 : i32 to vector<16xi32>
        %parallel_loop3A_291 = arith.addi %parallel_loop3A_287, %parallel_loop3A_290 : vector<16xi32>
        %parallel_loop3A_292 = tpu.vector_load_idx %arg7[%parallel_loop3A_291] : memref<10400xf32, #tpu.memory_space<vmem>>[vector<16xi32>], vector<16xf32>,
        %parallel_loop3A_293 = arith.constant 10 : i32
        %parallel_loop3A_294 = vector.broadcast %parallel_loop3A_293 : i32 to vector<16xi32>
        %parallel_loop3A_295 = arith.addi %parallel_loop3A_106, %parallel_loop3A_294 : vector<16xi32>
        %parallel_loop3A_296 = tpu.vector_load_idx %arg12[%parallel_loop3A_295] : memref<40000xf32, #tpu.memory_space<vmem>>[vector<16xi32>], vector<16xf32>,
        %parallel_loop3A_297 = arith.subf %parallel_loop3A_292, %parallel_loop3A_288 : vector<16xf32>
        %parallel_loop3A_298 = arith.mulf %parallel_loop3A_102, %parallel_loop3A_297 : vector<16xf32>
        %parallel_loop3A_299 = arith.addf %parallel_loop3A_288, %parallel_loop3A_298 : vector<16xf32>
        %parallel_loop3A_300 = arith.mulf %parallel_loop3A_296, %parallel_loop3A_299 : vector<16xf32>
        %parallel_loop3A_301 = arith.addf %parallel_loop3A_233, %parallel_loop3A_300 : vector<16xf32>
        %parallel_loop3A_302 = arith.constant 5720 : i32
        %parallel_loop3A_303 = vector.broadcast %parallel_loop3A_302 : i32 to vector<16xi32>
        %parallel_loop3A_304 = arith.addi %parallel_loop3A_100, %parallel_loop3A_303 : vector<16xi32>
        %parallel_loop3A_305 = tpu.vector_load_idx %arg7[%parallel_loop3A_304] : memref<10400xf32, #tpu.memory_space<vmem>>[vector<16xi32>], vector<16xf32>,
        %parallel_loop3A_306 = arith.constant 1 : i32
        %parallel_loop3A_307 = vector.broadcast %parallel_loop3A_306 : i32 to vector<16xi32>
        %parallel_loop3A_308 = arith.addi %parallel_loop3A_304, %parallel_loop3A_307 : vector<16xi32>
        %parallel_loop3A_309 = tpu.vector_load_idx %arg7[%parallel_loop3A_308] : memref<10400xf32, #tpu.memory_space<vmem>>[vector<16xi32>], vector<16xf32>,
        %parallel_loop3A_310 = arith.constant 11 : i32
        %parallel_loop3A_311 = vector.broadcast %parallel_loop3A_310 : i32 to vector<16xi32>
        %parallel_loop3A_312 = arith.addi %parallel_loop3A_106, %parallel_loop3A_311 : vector<16xi32>
        %parallel_loop3A_313 = tpu.vector_load_idx %arg12[%parallel_loop3A_312] : memref<40000xf32, #tpu.memory_space<vmem>>[vector<16xi32>], vector<16xf32>,
        %parallel_loop3A_314 = arith.subf %parallel_loop3A_309, %parallel_loop3A_305 : vector<16xf32>
        %parallel_loop3A_315 = arith.mulf %parallel_loop3A_102, %parallel_loop3A_314 : vector<16xf32>
        %parallel_loop3A_316 = arith.addf %parallel_loop3A_305, %parallel_loop3A_315 : vector<16xf32>
        %parallel_loop3A_317 = arith.mulf %parallel_loop3A_313, %parallel_loop3A_316 : vector<16xf32>
        %parallel_loop3A_318 = arith.addf %parallel_loop3A_250, %parallel_loop3A_317 : vector<16xf32>
        %parallel_loop3A_319 = arith.constant 6240 : i32
        %parallel_loop3A_320 = vector.broadcast %parallel_loop3A_319 : i32 to vector<16xi32>
        %parallel_loop3A_321 = arith.addi %parallel_loop3A_100, %parallel_loop3A_320 : vector<16xi32>
        %parallel_loop3A_322 = tpu.vector_load_idx %arg7[%parallel_loop3A_321] : memref<10400xf32, #tpu.memory_space<vmem>>[vector<16xi32>], vector<16xf32>,
        %parallel_loop3A_323 = arith.constant 1 : i32
        %parallel_loop3A_324 = vector.broadcast %parallel_loop3A_323 : i32 to vector<16xi32>
        %parallel_loop3A_325 = arith.addi %parallel_loop3A_321, %parallel_loop3A_324 : vector<16xi32>
        %parallel_loop3A_326 = tpu.vector_load_idx %arg7[%parallel_loop3A_325] : memref<10400xf32, #tpu.memory_space<vmem>>[vector<16xi32>], vector<16xf32>,
        %parallel_loop3A_327 = arith.constant 12 : i32
        %parallel_loop3A_328 = vector.broadcast %parallel_loop3A_327 : i32 to vector<16xi32>
        %parallel_loop3A_329 = arith.addi %parallel_loop3A_106, %parallel_loop3A_328 : vector<16xi32>
        %parallel_loop3A_330 = tpu.vector_load_idx %arg12[%parallel_loop3A_329] : memref<40000xf32, #tpu.memory_space<vmem>>[vector<16xi32>], vector<16xf32>,
        %parallel_loop3A_331 = arith.subf %parallel_loop3A_326, %parallel_loop3A_322 : vector<16xf32>
        %parallel_loop3A_332 = arith.mulf %parallel_loop3A_102, %parallel_loop3A_331 : vector<16xf32>
        %parallel_loop3A_333 = arith.addf %parallel_loop3A_322, %parallel_loop3A_332 : vector<16xf32>
        %parallel_loop3A_334 = arith.mulf %parallel_loop3A_330, %parallel_loop3A_333 : vector<16xf32>
        %parallel_loop3A_335 = arith.addf %parallel_loop3A_267, %parallel_loop3A_334 : vector<16xf32>
        %parallel_loop3A_336 = arith.constant 6760 : i32
        %parallel_loop3A_337 = vector.broadcast %parallel_loop3A_336 : i32 to vector<16xi32>
        %parallel_loop3A_338 = arith.addi %parallel_loop3A_100, %parallel_loop3A_337 : vector<16xi32>
        %parallel_loop3A_339 = tpu.vector_load_idx %arg7[%parallel_loop3A_338] : memref<10400xf32, #tpu.memory_space<vmem>>[vector<16xi32>], vector<16xf32>,
        %parallel_loop3A_340 = arith.constant 1 : i32
        %parallel_loop3A_341 = vector.broadcast %parallel_loop3A_340 : i32 to vector<16xi32>
        %parallel_loop3A_342 = arith.addi %parallel_loop3A_338, %parallel_loop3A_341 : vector<16xi32>
        %parallel_loop3A_343 = tpu.vector_load_idx %arg7[%parallel_loop3A_342] : memref<10400xf32, #tpu.memory_space<vmem>>[vector<16xi32>], vector<16xf32>,
        %parallel_loop3A_344 = arith.constant 13 : i32
        %parallel_loop3A_345 = vector.broadcast %parallel_loop3A_344 : i32 to vector<16xi32>
        %parallel_loop3A_346 = arith.addi %parallel_loop3A_106, %parallel_loop3A_345 : vector<16xi32>
        %parallel_loop3A_347 = tpu.vector_load_idx %arg12[%parallel_loop3A_346] : memref<40000xf32, #tpu.memory_space<vmem>>[vector<16xi32>], vector<16xf32>,
        %parallel_loop3A_348 = arith.subf %parallel_loop3A_343, %parallel_loop3A_339 : vector<16xf32>
        %parallel_loop3A_349 = arith.mulf %parallel_loop3A_102, %parallel_loop3A_348 : vector<16xf32>
        %parallel_loop3A_350 = arith.addf %parallel_loop3A_339, %parallel_loop3A_349 : vector<16xf32>
        %parallel_loop3A_351 = arith.mulf %parallel_loop3A_347, %parallel_loop3A_350 : vector<16xf32>
        %parallel_loop3A_352 = arith.addf %parallel_loop3A_284, %parallel_loop3A_351 : vector<16xf32>
        %parallel_loop3A_353 = arith.constant 7280 : i32
        %parallel_loop3A_354 = vector.broadcast %parallel_loop3A_353 : i32 to vector<16xi32>
        %parallel_loop3A_355 = arith.addi %parallel_loop3A_100, %parallel_loop3A_354 : vector<16xi32>
        %parallel_loop3A_356 = tpu.vector_load_idx %arg7[%parallel_loop3A_355] : memref<10400xf32, #tpu.memory_space<vmem>>[vector<16xi32>], vector<16xf32>,
        %parallel_loop3A_357 = arith.constant 1 : i32
        %parallel_loop3A_358 = vector.broadcast %parallel_loop3A_357 : i32 to vector<16xi32>
        %parallel_loop3A_359 = arith.addi %parallel_loop3A_355, %parallel_loop3A_358 : vector<16xi32>
        %parallel_loop3A_360 = tpu.vector_load_idx %arg7[%parallel_loop3A_359] : memref<10400xf32, #tpu.memory_space<vmem>>[vector<16xi32>], vector<16xf32>,
        %parallel_loop3A_361 = arith.constant 14 : i32
        %parallel_loop3A_362 = vector.broadcast %parallel_loop3A_361 : i32 to vector<16xi32>
        %parallel_loop3A_363 = arith.addi %parallel_loop3A_106, %parallel_loop3A_362 : vector<16xi32>
        %parallel_loop3A_364 = tpu.vector_load_idx %arg12[%parallel_loop3A_363] : memref<40000xf32, #tpu.memory_space<vmem>>[vector<16xi32>], vector<16xf32>,
        %parallel_loop3A_365 = arith.subf %parallel_loop3A_360, %parallel_loop3A_356 : vector<16xf32>
        %parallel_loop3A_366 = arith.mulf %parallel_loop3A_102, %parallel_loop3A_365 : vector<16xf32>
        %parallel_loop3A_367 = arith.addf %parallel_loop3A_356, %parallel_loop3A_366 : vector<16xf32>
        %parallel_loop3A_368 = arith.mulf %parallel_loop3A_364, %parallel_loop3A_367 : vector<16xf32>
        %parallel_loop3A_369 = arith.addf %parallel_loop3A_301, %parallel_loop3A_368 : vector<16xf32>
        %parallel_loop3A_370 = arith.constant 7800 : i32
        %parallel_loop3A_371 = vector.broadcast %parallel_loop3A_370 : i32 to vector<16xi32>
        %parallel_loop3A_372 = arith.addi %parallel_loop3A_100, %parallel_loop3A_371 : vector<16xi32>
        %parallel_loop3A_373 = tpu.vector_load_idx %arg7[%parallel_loop3A_372] : memref<10400xf32, #tpu.memory_space<vmem>>[vector<16xi32>], vector<16xf32>,
        %parallel_loop3A_374 = arith.constant 1 : i32
        %parallel_loop3A_375 = vector.broadcast %parallel_loop3A_374 : i32 to vector<16xi32>
        %parallel_loop3A_376 = arith.addi %parallel_loop3A_372, %parallel_loop3A_375 : vector<16xi32>
        %parallel_loop3A_377 = tpu.vector_load_idx %arg7[%parallel_loop3A_376] : memref<10400xf32, #tpu.memory_space<vmem>>[vector<16xi32>], vector<16xf32>,
        %parallel_loop3A_378 = arith.constant 15 : i32
        %parallel_loop3A_379 = vector.broadcast %parallel_loop3A_378 : i32 to vector<16xi32>
        %parallel_loop3A_380 = arith.addi %parallel_loop3A_106, %parallel_loop3A_379 : vector<16xi32>
        %parallel_loop3A_381 = tpu.vector_load_idx %arg12[%parallel_loop3A_380] : memref<40000xf32, #tpu.memory_space<vmem>>[vector<16xi32>], vector<16xf32>,
        %parallel_loop3A_382 = arith.subf %parallel_loop3A_377, %parallel_loop3A_373 : vector<16xf32>
        %parallel_loop3A_383 = arith.mulf %parallel_loop3A_102, %parallel_loop3A_382 : vector<16xf32>
        %parallel_loop3A_384 = arith.addf %parallel_loop3A_373, %parallel_loop3A_383 : vector<16xf32>
        %parallel_loop3A_385 = arith.mulf %parallel_loop3A_381, %parallel_loop3A_384 : vector<16xf32>
        %parallel_loop3A_386 = arith.addf %parallel_loop3A_318, %parallel_loop3A_385 : vector<16xf32>
        %parallel_loop3A_387 = arith.constant 8320 : i32
        %parallel_loop3A_388 = vector.broadcast %parallel_loop3A_387 : i32 to vector<16xi32>
        %parallel_loop3A_389 = arith.addi %parallel_loop3A_100, %parallel_loop3A_388 : vector<16xi32>
        %parallel_loop3A_390 = tpu.vector_load_idx %arg7[%parallel_loop3A_389] : memref<10400xf32, #tpu.memory_space<vmem>>[vector<16xi32>], vector<16xf32>,
        %parallel_loop3A_391 = arith.constant 1 : i32
        %parallel_loop3A_392 = vector.broadcast %parallel_loop3A_391 : i32 to vector<16xi32>
        %parallel_loop3A_393 = arith.addi %parallel_loop3A_389, %parallel_loop3A_392 : vector<16xi32>
        %parallel_loop3A_394 = tpu.vector_load_idx %arg7[%parallel_loop3A_393] : memref<10400xf32, #tpu.memory_space<vmem>>[vector<16xi32>], vector<16xf32>,
        %parallel_loop3A_395 = arith.constant 16 : i32
        %parallel_loop3A_396 = vector.broadcast %parallel_loop3A_395 : i32 to vector<16xi32>
        %parallel_loop3A_397 = arith.addi %parallel_loop3A_106, %parallel_loop3A_396 : vector<16xi32>
        %parallel_loop3A_398 = tpu.vector_load_idx %arg12[%parallel_loop3A_397] : memref<40000xf32, #tpu.memory_space<vmem>>[vector<16xi32>], vector<16xf32>,
        %parallel_loop3A_399 = arith.subf %parallel_loop3A_394, %parallel_loop3A_390 : vector<16xf32>
        %parallel_loop3A_400 = arith.mulf %parallel_loop3A_102, %parallel_loop3A_399 : vector<16xf32>
        %parallel_loop3A_401 = arith.addf %parallel_loop3A_390, %parallel_loop3A_400 : vector<16xf32>
        %parallel_loop3A_402 = arith.mulf %parallel_loop3A_398, %parallel_loop3A_401 : vector<16xf32>
        %parallel_loop3A_403 = arith.addf %parallel_loop3A_335, %parallel_loop3A_402 : vector<16xf32>
        %parallel_loop3A_404 = arith.constant 8840 : i32
        %parallel_loop3A_405 = vector.broadcast %parallel_loop3A_404 : i32 to vector<16xi32>
        %parallel_loop3A_406 = arith.addi %parallel_loop3A_100, %parallel_loop3A_405 : vector<16xi32>
        %parallel_loop3A_407 = tpu.vector_load_idx %arg7[%parallel_loop3A_406] : memref<10400xf32, #tpu.memory_space<vmem>>[vector<16xi32>], vector<16xf32>,
        %parallel_loop3A_408 = arith.constant 1 : i32
        %parallel_loop3A_409 = vector.broadcast %parallel_loop3A_408 : i32 to vector<16xi32>
        %parallel_loop3A_410 = arith.addi %parallel_loop3A_406, %parallel_loop3A_409 : vector<16xi32>
        %parallel_loop3A_411 = tpu.vector_load_idx %arg7[%parallel_loop3A_410] : memref<10400xf32, #tpu.memory_space<vmem>>[vector<16xi32>], vector<16xf32>,
        %parallel_loop3A_412 = arith.constant 17 : i32
        %parallel_loop3A_413 = vector.broadcast %parallel_loop3A_412 : i32 to vector<16xi32>
        %parallel_loop3A_414 = arith.addi %parallel_loop3A_106, %parallel_loop3A_413 : vector<16xi32>
        %parallel_loop3A_415 = tpu.vector_load_idx %arg12[%parallel_loop3A_414] : memref<40000xf32, #tpu.memory_space<vmem>>[vector<16xi32>], vector<16xf32>,
        %parallel_loop3A_416 = arith.subf %parallel_loop3A_411, %parallel_loop3A_407 : vector<16xf32>
        %parallel_loop3A_417 = arith.mulf %parallel_loop3A_102, %parallel_loop3A_416 : vector<16xf32>
        %parallel_loop3A_418 = arith.addf %parallel_loop3A_407, %parallel_loop3A_417 : vector<16xf32>
        %parallel_loop3A_419 = arith.mulf %parallel_loop3A_415, %parallel_loop3A_418 : vector<16xf32>
        %parallel_loop3A_420 = arith.addf %parallel_loop3A_352, %parallel_loop3A_419 : vector<16xf32>
        %parallel_loop3A_421 = arith.constant 9360 : i32
        %parallel_loop3A_422 = vector.broadcast %parallel_loop3A_421 : i32 to vector<16xi32>
        %parallel_loop3A_423 = arith.addi %parallel_loop3A_100, %parallel_loop3A_422 : vector<16xi32>
        %parallel_loop3A_424 = tpu.vector_load_idx %arg7[%parallel_loop3A_423] : memref<10400xf32, #tpu.memory_space<vmem>>[vector<16xi32>], vector<16xf32>,
        %parallel_loop3A_425 = arith.constant 1 : i32
        %parallel_loop3A_426 = vector.broadcast %parallel_loop3A_425 : i32 to vector<16xi32>
        %parallel_loop3A_427 = arith.addi %parallel_loop3A_423, %parallel_loop3A_426 : vector<16xi32>
        %parallel_loop3A_428 = tpu.vector_load_idx %arg7[%parallel_loop3A_427] : memref<10400xf32, #tpu.memory_space<vmem>>[vector<16xi32>], vector<16xf32>,
        %parallel_loop3A_429 = arith.constant 18 : i32
        %parallel_loop3A_430 = vector.broadcast %parallel_loop3A_429 : i32 to vector<16xi32>
        %parallel_loop3A_431 = arith.addi %parallel_loop3A_106, %parallel_loop3A_430 : vector<16xi32>
        %parallel_loop3A_432 = tpu.vector_load_idx %arg12[%parallel_loop3A_431] : memref<40000xf32, #tpu.memory_space<vmem>>[vector<16xi32>], vector<16xf32>,
        %parallel_loop3A_433 = arith.subf %parallel_loop3A_428, %parallel_loop3A_424 : vector<16xf32>
        %parallel_loop3A_434 = arith.mulf %parallel_loop3A_102, %parallel_loop3A_433 : vector<16xf32>
        %parallel_loop3A_435 = arith.addf %parallel_loop3A_424, %parallel_loop3A_434 : vector<16xf32>
        %parallel_loop3A_436 = arith.mulf %parallel_loop3A_432, %parallel_loop3A_435 : vector<16xf32>
        %parallel_loop3A_437 = arith.addf %parallel_loop3A_369, %parallel_loop3A_436 : vector<16xf32>
        %parallel_loop3A_438 = arith.constant 9880 : i32
        %parallel_loop3A_439 = vector.broadcast %parallel_loop3A_438 : i32 to vector<16xi32>
        %parallel_loop3A_440 = arith.addi %parallel_loop3A_100, %parallel_loop3A_439 : vector<16xi32>
        %parallel_loop3A_441 = tpu.vector_load_idx %arg7[%parallel_loop3A_440] : memref<10400xf32, #tpu.memory_space<vmem>>[vector<16xi32>], vector<16xf32>,
        %parallel_loop3A_442 = arith.constant 1 : i32
        %parallel_loop3A_443 = vector.broadcast %parallel_loop3A_442 : i32 to vector<16xi32>
        %parallel_loop3A_444 = arith.addi %parallel_loop3A_440, %parallel_loop3A_443 : vector<16xi32>
        %parallel_loop3A_445 = tpu.vector_load_idx %arg7[%parallel_loop3A_444] : memref<10400xf32, #tpu.memory_space<vmem>>[vector<16xi32>], vector<16xf32>,
        %parallel_loop3A_446 = arith.constant 19 : i32
        %parallel_loop3A_447 = vector.broadcast %parallel_loop3A_446 : i32 to vector<16xi32>
        %parallel_loop3A_448 = arith.addi %parallel_loop3A_106, %parallel_loop3A_447 : vector<16xi32>
        %parallel_loop3A_449 = tpu.vector_load_idx %arg12[%parallel_loop3A_448] : memref<40000xf32, #tpu.memory_space<vmem>>[vector<16xi32>], vector<16xf32>,
        %parallel_loop3A_450 = arith.subf %parallel_loop3A_445, %parallel_loop3A_441 : vector<16xf32>
        %parallel_loop3A_451 = arith.mulf %parallel_loop3A_102, %parallel_loop3A_450 : vector<16xf32>
        %parallel_loop3A_452 = arith.addf %parallel_loop3A_441, %parallel_loop3A_451 : vector<16xf32>
        %parallel_loop3A_453 = arith.mulf %parallel_loop3A_449, %parallel_loop3A_452 : vector<16xf32>
        %parallel_loop3A_454 = arith.addf %parallel_loop3A_386, %parallel_loop3A_453 : vector<16xf32>
        %parallel_loop3A_455 = arith.addf %parallel_loop3A_403, %parallel_loop3A_420 : vector<16xf32>
        %parallel_loop3A_456 = arith.addf %parallel_loop3A_437, %parallel_loop3A_454 : vector<16xf32>
        %parallel_loop3A_457 = arith.addf %parallel_loop3A_455, %parallel_loop3A_456 : vector<16xf32>
        %parallel_loop3A_458 = arith.index_cast %parallel_loop3A_97 : i32 to index
        %parallel_loop3A_459 = tpu.vector_load %arg10[%parallel_loop3A_458] {strides = array<i32>} : memref<2000xf32, #tpu.memory_space<vmem>>, vector<16xf32>,
        %parallel_loop3A_460 = arith.mulf %parallel_loop3A_457, %parallel_loop3A_459 : vector<16xf32>
        %parallel_loop3A_461 = arith.index_cast %parallel_loop3A_97 : i32 to index
        %parallel_loop3A_462 = tpu.vector_load %arg14[%parallel_loop3A_461] {strides = array<i32>} : memref<2000xf32, #tpu.memory_space<vmem>>, vector<16xf32>,
        tpu.vector_store %arg14[%parallel_loop3A_461], %parallel_loop3A_460 {strides = array<i32>} : memref<2000xf32, #tpu.memory_space<vmem>>, vector<16xf32>,
      } {sc.loop_unroll_factor = 2 : i64, sc.parallel_access}
      %mul3A_58 = arith.constant 2000 : i32
      %mul3A_59 = arith.muli %mul3A_29, %mul3A_58 : i32
      %add3A_60 = arith.addi %mul3A_2, %mul3A_59 : i32
      %dma_start3A_61 = tpu.memref_slice %arg6[%add3A_60] : memref<512000xf32, #tpu.memory_space<hbm>> -> memref<2000xf32, #tpu.memory_space<hbm>>
      %dma_start3A_62 = tpu.memref_slice %arg6[%add3A_60] : memref<512000xf32, #tpu.memory_space<hbm>> -> memref<2000xf32, #tpu.memory_space<hbm>>
      tpu.enqueue_dma source(%arg14 : memref<2000xf32, #tpu.memory_space<vmem>>) target(%dma_start3A_62 : memref<2000xf32, #tpu.memory_space<hbm>>) target_semaphore(%arg18 : memref<!tpu.dma_semaphore, #tpu.memory_space<semaphore_mem>>)
      %add3A_63 = arith.constant 1 : i32
      %add3A_64 = arith.addi %mul3A_29, %add3A_63 : i32
      %mul3A_65 = arith.constant 2000 : i32
      %mul3A_66 = arith.muli %add3A_64, %mul3A_65 : i32
      %add3A_67 = arith.addi %mul3A_2, %mul3A_66 : i32
      %dma_wait3A_68 = tpu.memref_slice %arg2[%add3A_67] : memref<512000xf32, #tpu.memory_space<hbm>> -> memref<2000xf32, #tpu.memory_space<hbm>>
      %dma_wait3A_69 = tpu.memref_slice %arg2[%add3A_67] : memref<512000xf32, #tpu.memory_space<hbm>> -> memref<2000xf32, #tpu.memory_space<hbm>>
      tpu.wait_dma2 semaphore(%arg17 : memref<!tpu.dma_semaphore, #tpu.memory_space<semaphore_mem>>) src(%dma_wait3A_69 : memref<2000xf32, #tpu.memory_space<hbm>>) dst(%arg9 : memref<2000xf32, #tpu.memory_space<vmem>>)
      %dma_wait3A_70 = tpu.memref_slice %arg3[%add3A_67] : memref<512000xf32, #tpu.memory_space<hbm>> -> memref<2000xf32, #tpu.memory_space<hbm>>
      %dma_wait3A_71 = tpu.memref_slice %arg3[%add3A_67] : memref<512000xf32, #tpu.memory_space<hbm>> -> memref<2000xf32, #tpu.memory_space<hbm>>
      tpu.wait_dma2 semaphore(%arg17 : memref<!tpu.dma_semaphore, #tpu.memory_space<semaphore_mem>>) src(%dma_wait3A_71 : memref<2000xf32, #tpu.memory_space<hbm>>) dst(%arg11 : memref<2000xf32, #tpu.memory_space<vmem>>)
      %mul3A_72 = arith.constant 20 : i32
      %mul3A_73 = arith.muli %add3A_67, %mul3A_72 : i32
      %dma_wait3A_74 = tpu.memref_slice %arg4[%mul3A_73] : memref<10240000xf32, #tpu.memory_space<hbm>> -> memref<40000xf32, #tpu.memory_space<hbm>>
      %dma_wait3A_75 = tpu.memref_slice %arg4[%mul3A_73] : memref<10240000xf32, #tpu.memory_space<hbm>> -> memref<40000xf32, #tpu.memory_space<hbm>>
      tpu.wait_dma2 semaphore(%arg17 : memref<!tpu.dma_semaphore, #tpu.memory_space<semaphore_mem>>) src(%dma_wait3A_75 : memref<40000xf32, #tpu.memory_space<hbm>>) dst(%arg13 : memref<40000xf32, #tpu.memory_space<vmem>>)
      %lt3A = arith.constant 3 : i32
      %lt3A_76 = arith.cmpi slt, %scan3A_27, %lt3A : i32
      %convert_element_type3A_77 = arith.extui %lt3A_76 : i1 to i32
      %cond3A_78 = arith.constant 0 : i32
      %cond3A_79 = arith.cmpi ne, %convert_element_type3A_77, %cond3A_78 : i32
      scf.if %cond3A_79 {
        %add3A_95 = arith.constant 2 : i32
        %add3A_96 = arith.addi %mul3A_29, %add3A_95 : i32
        %mul3A_97 = arith.constant 2000 : i32
        %mul3A_98 = arith.muli %add3A_96, %mul3A_97 : i32
        %add3A_99 = arith.addi %mul3A_2, %mul3A_98 : i32
        %dma_start3A_100 = tpu.memref_slice %arg2[%add3A_99] : memref<512000xf32, #tpu.memory_space<hbm>> -> memref<2000xf32, #tpu.memory_space<hbm>>
        %dma_start3A_101 = tpu.memref_slice %arg2[%add3A_99] : memref<512000xf32, #tpu.memory_space<hbm>> -> memref<2000xf32, #tpu.memory_space<hbm>>
        tpu.enqueue_dma source(%dma_start3A_101 : memref<2000xf32, #tpu.memory_space<hbm>>) target(%arg8 : memref<2000xf32, #tpu.memory_space<vmem>>) target_semaphore(%arg16 : memref<!tpu.dma_semaphore, #tpu.memory_space<semaphore_mem>>)
        %dma_start3A_102 = tpu.memref_slice %arg3[%add3A_99] : memref<512000xf32, #tpu.memory_space<hbm>> -> memref<2000xf32, #tpu.memory_space<hbm>>
        %dma_start3A_103 = tpu.memref_slice %arg3[%add3A_99] : memref<512000xf32, #tpu.memory_space<hbm>> -> memref<2000xf32, #tpu.memory_space<hbm>>
        tpu.enqueue_dma source(%dma_start3A_103 : memref<2000xf32, #tpu.memory_space<hbm>>) target(%arg10 : memref<2000xf32, #tpu.memory_space<vmem>>) target_semaphore(%arg16 : memref<!tpu.dma_semaphore, #tpu.memory_space<semaphore_mem>>)
        %mul3A_104 = arith.constant 20 : i32
        %mul3A_105 = arith.muli %add3A_99, %mul3A_104 : i32
        %dma_start3A_106 = tpu.memref_slice %arg4[%mul3A_105] : memref<10240000xf32, #tpu.memory_space<hbm>> -> memref<40000xf32, #tpu.memory_space<hbm>>
        %dma_start3A_107 = tpu.memref_slice %arg4[%mul3A_105] : memref<10240000xf32, #tpu.memory_space<hbm>> -> memref<40000xf32, #tpu.memory_space<hbm>>
        tpu.enqueue_dma source(%dma_start3A_107 : memref<40000xf32, #tpu.memory_space<hbm>>) target(%arg12 : memref<40000xf32, #tpu.memory_space<vmem>>) target_semaphore(%arg16 : memref<!tpu.dma_semaphore, #tpu.memory_space<semaphore_mem>>)
      } else {
      }
      %gt3A_80 = arith.constant 0 : i32
      %gt3A_81 = arith.cmpi sgt, %scan3A_27, %gt3A_80 : i32
      %convert_element_type3A_82 = arith.extui %gt3A_81 : i1 to i32
      %cond3A_83 = arith.constant 0 : i32
      %cond3A_84 = arith.cmpi ne, %convert_element_type3A_82, %cond3A_83 : i32
      scf.if %cond3A_84 {
        %sub3A = arith.constant 1 : i32
        %sub3A_95 = arith.subi %mul3A_29, %sub3A : i32
        %mul3A_96 = arith.constant 2000 : i32
        %mul3A_97 = arith.muli %sub3A_95, %mul3A_96 : i32
        %add3A_98 = arith.addi %mul3A_2, %mul3A_97 : i32
        %dma_wait3A_99 = tpu.memref_slice %arg6[%add3A_98] : memref<512000xf32, #tpu.memory_space<hbm>> -> memref<2000xf32, #tpu.memory_space<hbm>>
        %dma_wait3A_100 = tpu.memref_slice %arg6[%add3A_98] : memref<512000xf32, #tpu.memory_space<hbm>> -> memref<2000xf32, #tpu.memory_space<hbm>>
        tpu.wait_dma2 semaphore(%arg19 : memref<!tpu.dma_semaphore, #tpu.memory_space<semaphore_mem>>) src(%arg15 : memref<2000xf32, #tpu.memory_space<vmem>>) dst(%dma_wait3A_100 : memref<2000xf32, #tpu.memory_space<hbm>>)
      } else {
      }
      %add3A_85 = arith.constant 1 : i32
      %add3A_86 = arith.addi %mul3A_29, %add3A_85 : i32
      %parallel_loop3A_87 = arith.constant 0 : i32
      %parallel_loop3A_88 = arith.constant 125 : i32
      %parallel_loop3A_89 = arith.constant 1 : i32
      scf.for %parallel_loop3A_95 = %parallel_loop3A_87 to %parallel_loop3A_88 step %parallel_loop3A_89  : i32 {
        %parallel_loop3A_96 = arith.constant 16 : i32
        %parallel_loop3A_97 = arith.muli %parallel_loop3A_95, %parallel_loop3A_96 : i32
        %parallel_loop3A_98 = arith.index_cast %parallel_loop3A_97 : i32 to index
        %parallel_loop3A_99 = tpu.vector_load %arg9[%parallel_loop3A_98] {strides = array<i32>} : memref<2000xf32, #tpu.memory_space<vmem>>, vector<16xf32>,
        %parallel_loop3A_100 = arith.fptosi %parallel_loop3A_99 : vector<16xf32> to vector<16xi32>
        %parallel_loop3A_101 = arith.sitofp %parallel_loop3A_100 : vector<16xi32> to vector<16xf32>
        %parallel_loop3A_102 = arith.subf %parallel_loop3A_99, %parallel_loop3A_101 : vector<16xf32>
        %parallel_loop3A_103 = arith.constant 320 : i32
        %parallel_loop3A_104 = arith.muli %parallel_loop3A_95, %parallel_loop3A_103 : i32
        %parallel_loop3A_105 = vector.broadcast %parallel_loop3A_104 : i32 to vector<16xi32>
        %parallel_loop3A_106 = arith.addi %mul3A_5, %parallel_loop3A_105 : vector<16xi32>
        %parallel_loop3A_107 = arith.constant 0.000000e+00 : f32
        %parallel_loop3A_108 = vector.broadcast %parallel_loop3A_107 : f32 to vector<16xf32>
        %parallel_loop3A_109 = arith.constant 0.000000e+00 : f32
        %parallel_loop3A_110 = vector.broadcast %parallel_loop3A_109 : f32 to vector<16xf32>
        %parallel_loop3A_111 = arith.constant 0.000000e+00 : f32
        %parallel_loop3A_112 = vector.broadcast %parallel_loop3A_111 : f32 to vector<16xf32>
        %parallel_loop3A_113 = arith.constant 0.000000e+00 : f32
        %parallel_loop3A_114 = vector.broadcast %parallel_loop3A_113 : f32 to vector<16xf32>
        %parallel_loop3A_115 = arith.constant 0 : i32
        %parallel_loop3A_116 = vector.broadcast %parallel_loop3A_115 : i32 to vector<16xi32>
        %parallel_loop3A_117 = arith.addi %parallel_loop3A_100, %parallel_loop3A_116 : vector<16xi32>
        %parallel_loop3A_118 = tpu.vector_load_idx %arg7[%parallel_loop3A_117] : memref<10400xf32, #tpu.memory_space<vmem>>[vector<16xi32>], vector<16xf32>,
        %parallel_loop3A_119 = arith.constant 1 : i32
        %parallel_loop3A_120 = vector.broadcast %parallel_loop3A_119 : i32 to vector<16xi32>
        %parallel_loop3A_121 = arith.addi %parallel_loop3A_117, %parallel_loop3A_120 : vector<16xi32>
        %parallel_loop3A_122 = tpu.vector_load_idx %arg7[%parallel_loop3A_121] : memref<10400xf32, #tpu.memory_space<vmem>>[vector<16xi32>], vector<16xf32>,
        %parallel_loop3A_123 = arith.constant 0 : i32
        %parallel_loop3A_124 = vector.broadcast %parallel_loop3A_123 : i32 to vector<16xi32>
        %parallel_loop3A_125 = arith.addi %parallel_loop3A_106, %parallel_loop3A_124 : vector<16xi32>
        %parallel_loop3A_126 = tpu.vector_load_idx %arg13[%parallel_loop3A_125] : memref<40000xf32, #tpu.memory_space<vmem>>[vector<16xi32>], vector<16xf32>,
        %parallel_loop3A_127 = arith.subf %parallel_loop3A_122, %parallel_loop3A_118 : vector<16xf32>
        %parallel_loop3A_128 = arith.mulf %parallel_loop3A_102, %parallel_loop3A_127 : vector<16xf32>
        %parallel_loop3A_129 = arith.addf %parallel_loop3A_118, %parallel_loop3A_128 : vector<16xf32>
        %parallel_loop3A_130 = arith.mulf %parallel_loop3A_126, %parallel_loop3A_129 : vector<16xf32>
        %parallel_loop3A_131 = arith.addf %parallel_loop3A_108, %parallel_loop3A_130 : vector<16xf32>
        %parallel_loop3A_132 = arith.constant 520 : i32
        %parallel_loop3A_133 = vector.broadcast %parallel_loop3A_132 : i32 to vector<16xi32>
        %parallel_loop3A_134 = arith.addi %parallel_loop3A_100, %parallel_loop3A_133 : vector<16xi32>
        %parallel_loop3A_135 = tpu.vector_load_idx %arg7[%parallel_loop3A_134] : memref<10400xf32, #tpu.memory_space<vmem>>[vector<16xi32>], vector<16xf32>,
        %parallel_loop3A_136 = arith.constant 1 : i32
        %parallel_loop3A_137 = vector.broadcast %parallel_loop3A_136 : i32 to vector<16xi32>
        %parallel_loop3A_138 = arith.addi %parallel_loop3A_134, %parallel_loop3A_137 : vector<16xi32>
        %parallel_loop3A_139 = tpu.vector_load_idx %arg7[%parallel_loop3A_138] : memref<10400xf32, #tpu.memory_space<vmem>>[vector<16xi32>], vector<16xf32>,
        %parallel_loop3A_140 = arith.constant 1 : i32
        %parallel_loop3A_141 = vector.broadcast %parallel_loop3A_140 : i32 to vector<16xi32>
        %parallel_loop3A_142 = arith.addi %parallel_loop3A_106, %parallel_loop3A_141 : vector<16xi32>
        %parallel_loop3A_143 = tpu.vector_load_idx %arg13[%parallel_loop3A_142] : memref<40000xf32, #tpu.memory_space<vmem>>[vector<16xi32>], vector<16xf32>,
        %parallel_loop3A_144 = arith.subf %parallel_loop3A_139, %parallel_loop3A_135 : vector<16xf32>
        %parallel_loop3A_145 = arith.mulf %parallel_loop3A_102, %parallel_loop3A_144 : vector<16xf32>
        %parallel_loop3A_146 = arith.addf %parallel_loop3A_135, %parallel_loop3A_145 : vector<16xf32>
        %parallel_loop3A_147 = arith.mulf %parallel_loop3A_143, %parallel_loop3A_146 : vector<16xf32>
        %parallel_loop3A_148 = arith.addf %parallel_loop3A_110, %parallel_loop3A_147 : vector<16xf32>
        %parallel_loop3A_149 = arith.constant 1040 : i32
        %parallel_loop3A_150 = vector.broadcast %parallel_loop3A_149 : i32 to vector<16xi32>
        %parallel_loop3A_151 = arith.addi %parallel_loop3A_100, %parallel_loop3A_150 : vector<16xi32>
        %parallel_loop3A_152 = tpu.vector_load_idx %arg7[%parallel_loop3A_151] : memref<10400xf32, #tpu.memory_space<vmem>>[vector<16xi32>], vector<16xf32>,
        %parallel_loop3A_153 = arith.constant 1 : i32
        %parallel_loop3A_154 = vector.broadcast %parallel_loop3A_153 : i32 to vector<16xi32>
        %parallel_loop3A_155 = arith.addi %parallel_loop3A_151, %parallel_loop3A_154 : vector<16xi32>
        %parallel_loop3A_156 = tpu.vector_load_idx %arg7[%parallel_loop3A_155] : memref<10400xf32, #tpu.memory_space<vmem>>[vector<16xi32>], vector<16xf32>,
        %parallel_loop3A_157 = arith.constant 2 : i32
        %parallel_loop3A_158 = vector.broadcast %parallel_loop3A_157 : i32 to vector<16xi32>
        %parallel_loop3A_159 = arith.addi %parallel_loop3A_106, %parallel_loop3A_158 : vector<16xi32>
        %parallel_loop3A_160 = tpu.vector_load_idx %arg13[%parallel_loop3A_159] : memref<40000xf32, #tpu.memory_space<vmem>>[vector<16xi32>], vector<16xf32>,
        %parallel_loop3A_161 = arith.subf %parallel_loop3A_156, %parallel_loop3A_152 : vector<16xf32>
        %parallel_loop3A_162 = arith.mulf %parallel_loop3A_102, %parallel_loop3A_161 : vector<16xf32>
        %parallel_loop3A_163 = arith.addf %parallel_loop3A_152, %parallel_loop3A_162 : vector<16xf32>
        %parallel_loop3A_164 = arith.mulf %parallel_loop3A_160, %parallel_loop3A_163 : vector<16xf32>
        %parallel_loop3A_165 = arith.addf %parallel_loop3A_112, %parallel_loop3A_164 : vector<16xf32>
        %parallel_loop3A_166 = arith.constant 1560 : i32
        %parallel_loop3A_167 = vector.broadcast %parallel_loop3A_166 : i32 to vector<16xi32>
        %parallel_loop3A_168 = arith.addi %parallel_loop3A_100, %parallel_loop3A_167 : vector<16xi32>
        %parallel_loop3A_169 = tpu.vector_load_idx %arg7[%parallel_loop3A_168] : memref<10400xf32, #tpu.memory_space<vmem>>[vector<16xi32>], vector<16xf32>,
        %parallel_loop3A_170 = arith.constant 1 : i32
        %parallel_loop3A_171 = vector.broadcast %parallel_loop3A_170 : i32 to vector<16xi32>
        %parallel_loop3A_172 = arith.addi %parallel_loop3A_168, %parallel_loop3A_171 : vector<16xi32>
        %parallel_loop3A_173 = tpu.vector_load_idx %arg7[%parallel_loop3A_172] : memref<10400xf32, #tpu.memory_space<vmem>>[vector<16xi32>], vector<16xf32>,
        %parallel_loop3A_174 = arith.constant 3 : i32
        %parallel_loop3A_175 = vector.broadcast %parallel_loop3A_174 : i32 to vector<16xi32>
        %parallel_loop3A_176 = arith.addi %parallel_loop3A_106, %parallel_loop3A_175 : vector<16xi32>
        %parallel_loop3A_177 = tpu.vector_load_idx %arg13[%parallel_loop3A_176] : memref<40000xf32, #tpu.memory_space<vmem>>[vector<16xi32>], vector<16xf32>,
        %parallel_loop3A_178 = arith.subf %parallel_loop3A_173, %parallel_loop3A_169 : vector<16xf32>
        %parallel_loop3A_179 = arith.mulf %parallel_loop3A_102, %parallel_loop3A_178 : vector<16xf32>
        %parallel_loop3A_180 = arith.addf %parallel_loop3A_169, %parallel_loop3A_179 : vector<16xf32>
        %parallel_loop3A_181 = arith.mulf %parallel_loop3A_177, %parallel_loop3A_180 : vector<16xf32>
        %parallel_loop3A_182 = arith.addf %parallel_loop3A_114, %parallel_loop3A_181 : vector<16xf32>
        %parallel_loop3A_183 = arith.constant 2080 : i32
        %parallel_loop3A_184 = vector.broadcast %parallel_loop3A_183 : i32 to vector<16xi32>
        %parallel_loop3A_185 = arith.addi %parallel_loop3A_100, %parallel_loop3A_184 : vector<16xi32>
        %parallel_loop3A_186 = tpu.vector_load_idx %arg7[%parallel_loop3A_185] : memref<10400xf32, #tpu.memory_space<vmem>>[vector<16xi32>], vector<16xf32>,
        %parallel_loop3A_187 = arith.constant 1 : i32
        %parallel_loop3A_188 = vector.broadcast %parallel_loop3A_187 : i32 to vector<16xi32>
        %parallel_loop3A_189 = arith.addi %parallel_loop3A_185, %parallel_loop3A_188 : vector<16xi32>
        %parallel_loop3A_190 = tpu.vector_load_idx %arg7[%parallel_loop3A_189] : memref<10400xf32, #tpu.memory_space<vmem>>[vector<16xi32>], vector<16xf32>,
        %parallel_loop3A_191 = arith.constant 4 : i32
        %parallel_loop3A_192 = vector.broadcast %parallel_loop3A_191 : i32 to vector<16xi32>
        %parallel_loop3A_193 = arith.addi %parallel_loop3A_106, %parallel_loop3A_192 : vector<16xi32>
        %parallel_loop3A_194 = tpu.vector_load_idx %arg13[%parallel_loop3A_193] : memref<40000xf32, #tpu.memory_space<vmem>>[vector<16xi32>], vector<16xf32>,
        %parallel_loop3A_195 = arith.subf %parallel_loop3A_190, %parallel_loop3A_186 : vector<16xf32>
        %parallel_loop3A_196 = arith.mulf %parallel_loop3A_102, %parallel_loop3A_195 : vector<16xf32>
        %parallel_loop3A_197 = arith.addf %parallel_loop3A_186, %parallel_loop3A_196 : vector<16xf32>
        %parallel_loop3A_198 = arith.mulf %parallel_loop3A_194, %parallel_loop3A_197 : vector<16xf32>
        %parallel_loop3A_199 = arith.addf %parallel_loop3A_131, %parallel_loop3A_198 : vector<16xf32>
        %parallel_loop3A_200 = arith.constant 2600 : i32
        %parallel_loop3A_201 = vector.broadcast %parallel_loop3A_200 : i32 to vector<16xi32>
        %parallel_loop3A_202 = arith.addi %parallel_loop3A_100, %parallel_loop3A_201 : vector<16xi32>
        %parallel_loop3A_203 = tpu.vector_load_idx %arg7[%parallel_loop3A_202] : memref<10400xf32, #tpu.memory_space<vmem>>[vector<16xi32>], vector<16xf32>,
        %parallel_loop3A_204 = arith.constant 1 : i32
        %parallel_loop3A_205 = vector.broadcast %parallel_loop3A_204 : i32 to vector<16xi32>
        %parallel_loop3A_206 = arith.addi %parallel_loop3A_202, %parallel_loop3A_205 : vector<16xi32>
        %parallel_loop3A_207 = tpu.vector_load_idx %arg7[%parallel_loop3A_206] : memref<10400xf32, #tpu.memory_space<vmem>>[vector<16xi32>], vector<16xf32>,
        %parallel_loop3A_208 = arith.constant 5 : i32
        %parallel_loop3A_209 = vector.broadcast %parallel_loop3A_208 : i32 to vector<16xi32>
        %parallel_loop3A_210 = arith.addi %parallel_loop3A_106, %parallel_loop3A_209 : vector<16xi32>
        %parallel_loop3A_211 = tpu.vector_load_idx %arg13[%parallel_loop3A_210] : memref<40000xf32, #tpu.memory_space<vmem>>[vector<16xi32>], vector<16xf32>,
        %parallel_loop3A_212 = arith.subf %parallel_loop3A_207, %parallel_loop3A_203 : vector<16xf32>
        %parallel_loop3A_213 = arith.mulf %parallel_loop3A_102, %parallel_loop3A_212 : vector<16xf32>
        %parallel_loop3A_214 = arith.addf %parallel_loop3A_203, %parallel_loop3A_213 : vector<16xf32>
        %parallel_loop3A_215 = arith.mulf %parallel_loop3A_211, %parallel_loop3A_214 : vector<16xf32>
        %parallel_loop3A_216 = arith.addf %parallel_loop3A_148, %parallel_loop3A_215 : vector<16xf32>
        %parallel_loop3A_217 = arith.constant 3120 : i32
        %parallel_loop3A_218 = vector.broadcast %parallel_loop3A_217 : i32 to vector<16xi32>
        %parallel_loop3A_219 = arith.addi %parallel_loop3A_100, %parallel_loop3A_218 : vector<16xi32>
        %parallel_loop3A_220 = tpu.vector_load_idx %arg7[%parallel_loop3A_219] : memref<10400xf32, #tpu.memory_space<vmem>>[vector<16xi32>], vector<16xf32>,
        %parallel_loop3A_221 = arith.constant 1 : i32
        %parallel_loop3A_222 = vector.broadcast %parallel_loop3A_221 : i32 to vector<16xi32>
        %parallel_loop3A_223 = arith.addi %parallel_loop3A_219, %parallel_loop3A_222 : vector<16xi32>
        %parallel_loop3A_224 = tpu.vector_load_idx %arg7[%parallel_loop3A_223] : memref<10400xf32, #tpu.memory_space<vmem>>[vector<16xi32>], vector<16xf32>,
        %parallel_loop3A_225 = arith.constant 6 : i32
        %parallel_loop3A_226 = vector.broadcast %parallel_loop3A_225 : i32 to vector<16xi32>
        %parallel_loop3A_227 = arith.addi %parallel_loop3A_106, %parallel_loop3A_226 : vector<16xi32>
        %parallel_loop3A_228 = tpu.vector_load_idx %arg13[%parallel_loop3A_227] : memref<40000xf32, #tpu.memory_space<vmem>>[vector<16xi32>], vector<16xf32>,
        %parallel_loop3A_229 = arith.subf %parallel_loop3A_224, %parallel_loop3A_220 : vector<16xf32>
        %parallel_loop3A_230 = arith.mulf %parallel_loop3A_102, %parallel_loop3A_229 : vector<16xf32>
        %parallel_loop3A_231 = arith.addf %parallel_loop3A_220, %parallel_loop3A_230 : vector<16xf32>
        %parallel_loop3A_232 = arith.mulf %parallel_loop3A_228, %parallel_loop3A_231 : vector<16xf32>
        %parallel_loop3A_233 = arith.addf %parallel_loop3A_165, %parallel_loop3A_232 : vector<16xf32>
        %parallel_loop3A_234 = arith.constant 3640 : i32
        %parallel_loop3A_235 = vector.broadcast %parallel_loop3A_234 : i32 to vector<16xi32>
        %parallel_loop3A_236 = arith.addi %parallel_loop3A_100, %parallel_loop3A_235 : vector<16xi32>
        %parallel_loop3A_237 = tpu.vector_load_idx %arg7[%parallel_loop3A_236] : memref<10400xf32, #tpu.memory_space<vmem>>[vector<16xi32>], vector<16xf32>,
        %parallel_loop3A_238 = arith.constant 1 : i32
        %parallel_loop3A_239 = vector.broadcast %parallel_loop3A_238 : i32 to vector<16xi32>
        %parallel_loop3A_240 = arith.addi %parallel_loop3A_236, %parallel_loop3A_239 : vector<16xi32>
        %parallel_loop3A_241 = tpu.vector_load_idx %arg7[%parallel_loop3A_240] : memref<10400xf32, #tpu.memory_space<vmem>>[vector<16xi32>], vector<16xf32>,
        %parallel_loop3A_242 = arith.constant 7 : i32
        %parallel_loop3A_243 = vector.broadcast %parallel_loop3A_242 : i32 to vector<16xi32>
        %parallel_loop3A_244 = arith.addi %parallel_loop3A_106, %parallel_loop3A_243 : vector<16xi32>
        %parallel_loop3A_245 = tpu.vector_load_idx %arg13[%parallel_loop3A_244] : memref<40000xf32, #tpu.memory_space<vmem>>[vector<16xi32>], vector<16xf32>,
        %parallel_loop3A_246 = arith.subf %parallel_loop3A_241, %parallel_loop3A_237 : vector<16xf32>
        %parallel_loop3A_247 = arith.mulf %parallel_loop3A_102, %parallel_loop3A_246 : vector<16xf32>
        %parallel_loop3A_248 = arith.addf %parallel_loop3A_237, %parallel_loop3A_247 : vector<16xf32>
        %parallel_loop3A_249 = arith.mulf %parallel_loop3A_245, %parallel_loop3A_248 : vector<16xf32>
        %parallel_loop3A_250 = arith.addf %parallel_loop3A_182, %parallel_loop3A_249 : vector<16xf32>
        %parallel_loop3A_251 = arith.constant 4160 : i32
        %parallel_loop3A_252 = vector.broadcast %parallel_loop3A_251 : i32 to vector<16xi32>
        %parallel_loop3A_253 = arith.addi %parallel_loop3A_100, %parallel_loop3A_252 : vector<16xi32>
        %parallel_loop3A_254 = tpu.vector_load_idx %arg7[%parallel_loop3A_253] : memref<10400xf32, #tpu.memory_space<vmem>>[vector<16xi32>], vector<16xf32>,
        %parallel_loop3A_255 = arith.constant 1 : i32
        %parallel_loop3A_256 = vector.broadcast %parallel_loop3A_255 : i32 to vector<16xi32>
        %parallel_loop3A_257 = arith.addi %parallel_loop3A_253, %parallel_loop3A_256 : vector<16xi32>
        %parallel_loop3A_258 = tpu.vector_load_idx %arg7[%parallel_loop3A_257] : memref<10400xf32, #tpu.memory_space<vmem>>[vector<16xi32>], vector<16xf32>,
        %parallel_loop3A_259 = arith.constant 8 : i32
        %parallel_loop3A_260 = vector.broadcast %parallel_loop3A_259 : i32 to vector<16xi32>
        %parallel_loop3A_261 = arith.addi %parallel_loop3A_106, %parallel_loop3A_260 : vector<16xi32>
        %parallel_loop3A_262 = tpu.vector_load_idx %arg13[%parallel_loop3A_261] : memref<40000xf32, #tpu.memory_space<vmem>>[vector<16xi32>], vector<16xf32>,
        %parallel_loop3A_263 = arith.subf %parallel_loop3A_258, %parallel_loop3A_254 : vector<16xf32>
        %parallel_loop3A_264 = arith.mulf %parallel_loop3A_102, %parallel_loop3A_263 : vector<16xf32>
        %parallel_loop3A_265 = arith.addf %parallel_loop3A_254, %parallel_loop3A_264 : vector<16xf32>
        %parallel_loop3A_266 = arith.mulf %parallel_loop3A_262, %parallel_loop3A_265 : vector<16xf32>
        %parallel_loop3A_267 = arith.addf %parallel_loop3A_199, %parallel_loop3A_266 : vector<16xf32>
        %parallel_loop3A_268 = arith.constant 4680 : i32
        %parallel_loop3A_269 = vector.broadcast %parallel_loop3A_268 : i32 to vector<16xi32>
        %parallel_loop3A_270 = arith.addi %parallel_loop3A_100, %parallel_loop3A_269 : vector<16xi32>
        %parallel_loop3A_271 = tpu.vector_load_idx %arg7[%parallel_loop3A_270] : memref<10400xf32, #tpu.memory_space<vmem>>[vector<16xi32>], vector<16xf32>,
        %parallel_loop3A_272 = arith.constant 1 : i32
        %parallel_loop3A_273 = vector.broadcast %parallel_loop3A_272 : i32 to vector<16xi32>
        %parallel_loop3A_274 = arith.addi %parallel_loop3A_270, %parallel_loop3A_273 : vector<16xi32>
        %parallel_loop3A_275 = tpu.vector_load_idx %arg7[%parallel_loop3A_274] : memref<10400xf32, #tpu.memory_space<vmem>>[vector<16xi32>], vector<16xf32>,
        %parallel_loop3A_276 = arith.constant 9 : i32
        %parallel_loop3A_277 = vector.broadcast %parallel_loop3A_276 : i32 to vector<16xi32>
        %parallel_loop3A_278 = arith.addi %parallel_loop3A_106, %parallel_loop3A_277 : vector<16xi32>
        %parallel_loop3A_279 = tpu.vector_load_idx %arg13[%parallel_loop3A_278] : memref<40000xf32, #tpu.memory_space<vmem>>[vector<16xi32>], vector<16xf32>,
        %parallel_loop3A_280 = arith.subf %parallel_loop3A_275, %parallel_loop3A_271 : vector<16xf32>
        %parallel_loop3A_281 = arith.mulf %parallel_loop3A_102, %parallel_loop3A_280 : vector<16xf32>
        %parallel_loop3A_282 = arith.addf %parallel_loop3A_271, %parallel_loop3A_281 : vector<16xf32>
        %parallel_loop3A_283 = arith.mulf %parallel_loop3A_279, %parallel_loop3A_282 : vector<16xf32>
        %parallel_loop3A_284 = arith.addf %parallel_loop3A_216, %parallel_loop3A_283 : vector<16xf32>
        %parallel_loop3A_285 = arith.constant 5200 : i32
        %parallel_loop3A_286 = vector.broadcast %parallel_loop3A_285 : i32 to vector<16xi32>
        %parallel_loop3A_287 = arith.addi %parallel_loop3A_100, %parallel_loop3A_286 : vector<16xi32>
        %parallel_loop3A_288 = tpu.vector_load_idx %arg7[%parallel_loop3A_287] : memref<10400xf32, #tpu.memory_space<vmem>>[vector<16xi32>], vector<16xf32>,
        %parallel_loop3A_289 = arith.constant 1 : i32
        %parallel_loop3A_290 = vector.broadcast %parallel_loop3A_289 : i32 to vector<16xi32>
        %parallel_loop3A_291 = arith.addi %parallel_loop3A_287, %parallel_loop3A_290 : vector<16xi32>
        %parallel_loop3A_292 = tpu.vector_load_idx %arg7[%parallel_loop3A_291] : memref<10400xf32, #tpu.memory_space<vmem>>[vector<16xi32>], vector<16xf32>,
        %parallel_loop3A_293 = arith.constant 10 : i32
        %parallel_loop3A_294 = vector.broadcast %parallel_loop3A_293 : i32 to vector<16xi32>
        %parallel_loop3A_295 = arith.addi %parallel_loop3A_106, %parallel_loop3A_294 : vector<16xi32>
        %parallel_loop3A_296 = tpu.vector_load_idx %arg13[%parallel_loop3A_295] : memref<40000xf32, #tpu.memory_space<vmem>>[vector<16xi32>], vector<16xf32>,
        %parallel_loop3A_297 = arith.subf %parallel_loop3A_292, %parallel_loop3A_288 : vector<16xf32>
        %parallel_loop3A_298 = arith.mulf %parallel_loop3A_102, %parallel_loop3A_297 : vector<16xf32>
        %parallel_loop3A_299 = arith.addf %parallel_loop3A_288, %parallel_loop3A_298 : vector<16xf32>
        %parallel_loop3A_300 = arith.mulf %parallel_loop3A_296, %parallel_loop3A_299 : vector<16xf32>
        %parallel_loop3A_301 = arith.addf %parallel_loop3A_233, %parallel_loop3A_300 : vector<16xf32>
        %parallel_loop3A_302 = arith.constant 5720 : i32
        %parallel_loop3A_303 = vector.broadcast %parallel_loop3A_302 : i32 to vector<16xi32>
        %parallel_loop3A_304 = arith.addi %parallel_loop3A_100, %parallel_loop3A_303 : vector<16xi32>
        %parallel_loop3A_305 = tpu.vector_load_idx %arg7[%parallel_loop3A_304] : memref<10400xf32, #tpu.memory_space<vmem>>[vector<16xi32>], vector<16xf32>,
        %parallel_loop3A_306 = arith.constant 1 : i32
        %parallel_loop3A_307 = vector.broadcast %parallel_loop3A_306 : i32 to vector<16xi32>
        %parallel_loop3A_308 = arith.addi %parallel_loop3A_304, %parallel_loop3A_307 : vector<16xi32>
        %parallel_loop3A_309 = tpu.vector_load_idx %arg7[%parallel_loop3A_308] : memref<10400xf32, #tpu.memory_space<vmem>>[vector<16xi32>], vector<16xf32>,
        %parallel_loop3A_310 = arith.constant 11 : i32
        %parallel_loop3A_311 = vector.broadcast %parallel_loop3A_310 : i32 to vector<16xi32>
        %parallel_loop3A_312 = arith.addi %parallel_loop3A_106, %parallel_loop3A_311 : vector<16xi32>
        %parallel_loop3A_313 = tpu.vector_load_idx %arg13[%parallel_loop3A_312] : memref<40000xf32, #tpu.memory_space<vmem>>[vector<16xi32>], vector<16xf32>,
        %parallel_loop3A_314 = arith.subf %parallel_loop3A_309, %parallel_loop3A_305 : vector<16xf32>
        %parallel_loop3A_315 = arith.mulf %parallel_loop3A_102, %parallel_loop3A_314 : vector<16xf32>
        %parallel_loop3A_316 = arith.addf %parallel_loop3A_305, %parallel_loop3A_315 : vector<16xf32>
        %parallel_loop3A_317 = arith.mulf %parallel_loop3A_313, %parallel_loop3A_316 : vector<16xf32>
        %parallel_loop3A_318 = arith.addf %parallel_loop3A_250, %parallel_loop3A_317 : vector<16xf32>
        %parallel_loop3A_319 = arith.constant 6240 : i32
        %parallel_loop3A_320 = vector.broadcast %parallel_loop3A_319 : i32 to vector<16xi32>
        %parallel_loop3A_321 = arith.addi %parallel_loop3A_100, %parallel_loop3A_320 : vector<16xi32>
        %parallel_loop3A_322 = tpu.vector_load_idx %arg7[%parallel_loop3A_321] : memref<10400xf32, #tpu.memory_space<vmem>>[vector<16xi32>], vector<16xf32>,
        %parallel_loop3A_323 = arith.constant 1 : i32
        %parallel_loop3A_324 = vector.broadcast %parallel_loop3A_323 : i32 to vector<16xi32>
        %parallel_loop3A_325 = arith.addi %parallel_loop3A_321, %parallel_loop3A_324 : vector<16xi32>
        %parallel_loop3A_326 = tpu.vector_load_idx %arg7[%parallel_loop3A_325] : memref<10400xf32, #tpu.memory_space<vmem>>[vector<16xi32>], vector<16xf32>,
        %parallel_loop3A_327 = arith.constant 12 : i32
        %parallel_loop3A_328 = vector.broadcast %parallel_loop3A_327 : i32 to vector<16xi32>
        %parallel_loop3A_329 = arith.addi %parallel_loop3A_106, %parallel_loop3A_328 : vector<16xi32>
        %parallel_loop3A_330 = tpu.vector_load_idx %arg13[%parallel_loop3A_329] : memref<40000xf32, #tpu.memory_space<vmem>>[vector<16xi32>], vector<16xf32>,
        %parallel_loop3A_331 = arith.subf %parallel_loop3A_326, %parallel_loop3A_322 : vector<16xf32>
        %parallel_loop3A_332 = arith.mulf %parallel_loop3A_102, %parallel_loop3A_331 : vector<16xf32>
        %parallel_loop3A_333 = arith.addf %parallel_loop3A_322, %parallel_loop3A_332 : vector<16xf32>
        %parallel_loop3A_334 = arith.mulf %parallel_loop3A_330, %parallel_loop3A_333 : vector<16xf32>
        %parallel_loop3A_335 = arith.addf %parallel_loop3A_267, %parallel_loop3A_334 : vector<16xf32>
        %parallel_loop3A_336 = arith.constant 6760 : i32
        %parallel_loop3A_337 = vector.broadcast %parallel_loop3A_336 : i32 to vector<16xi32>
        %parallel_loop3A_338 = arith.addi %parallel_loop3A_100, %parallel_loop3A_337 : vector<16xi32>
        %parallel_loop3A_339 = tpu.vector_load_idx %arg7[%parallel_loop3A_338] : memref<10400xf32, #tpu.memory_space<vmem>>[vector<16xi32>], vector<16xf32>,
        %parallel_loop3A_340 = arith.constant 1 : i32
        %parallel_loop3A_341 = vector.broadcast %parallel_loop3A_340 : i32 to vector<16xi32>
        %parallel_loop3A_342 = arith.addi %parallel_loop3A_338, %parallel_loop3A_341 : vector<16xi32>
        %parallel_loop3A_343 = tpu.vector_load_idx %arg7[%parallel_loop3A_342] : memref<10400xf32, #tpu.memory_space<vmem>>[vector<16xi32>], vector<16xf32>,
        %parallel_loop3A_344 = arith.constant 13 : i32
        %parallel_loop3A_345 = vector.broadcast %parallel_loop3A_344 : i32 to vector<16xi32>
        %parallel_loop3A_346 = arith.addi %parallel_loop3A_106, %parallel_loop3A_345 : vector<16xi32>
        %parallel_loop3A_347 = tpu.vector_load_idx %arg13[%parallel_loop3A_346] : memref<40000xf32, #tpu.memory_space<vmem>>[vector<16xi32>], vector<16xf32>,
        %parallel_loop3A_348 = arith.subf %parallel_loop3A_343, %parallel_loop3A_339 : vector<16xf32>
        %parallel_loop3A_349 = arith.mulf %parallel_loop3A_102, %parallel_loop3A_348 : vector<16xf32>
        %parallel_loop3A_350 = arith.addf %parallel_loop3A_339, %parallel_loop3A_349 : vector<16xf32>
        %parallel_loop3A_351 = arith.mulf %parallel_loop3A_347, %parallel_loop3A_350 : vector<16xf32>
        %parallel_loop3A_352 = arith.addf %parallel_loop3A_284, %parallel_loop3A_351 : vector<16xf32>
        %parallel_loop3A_353 = arith.constant 7280 : i32
        %parallel_loop3A_354 = vector.broadcast %parallel_loop3A_353 : i32 to vector<16xi32>
        %parallel_loop3A_355 = arith.addi %parallel_loop3A_100, %parallel_loop3A_354 : vector<16xi32>
        %parallel_loop3A_356 = tpu.vector_load_idx %arg7[%parallel_loop3A_355] : memref<10400xf32, #tpu.memory_space<vmem>>[vector<16xi32>], vector<16xf32>,
        %parallel_loop3A_357 = arith.constant 1 : i32
        %parallel_loop3A_358 = vector.broadcast %parallel_loop3A_357 : i32 to vector<16xi32>
        %parallel_loop3A_359 = arith.addi %parallel_loop3A_355, %parallel_loop3A_358 : vector<16xi32>
        %parallel_loop3A_360 = tpu.vector_load_idx %arg7[%parallel_loop3A_359] : memref<10400xf32, #tpu.memory_space<vmem>>[vector<16xi32>], vector<16xf32>,
        %parallel_loop3A_361 = arith.constant 14 : i32
        %parallel_loop3A_362 = vector.broadcast %parallel_loop3A_361 : i32 to vector<16xi32>
        %parallel_loop3A_363 = arith.addi %parallel_loop3A_106, %parallel_loop3A_362 : vector<16xi32>
        %parallel_loop3A_364 = tpu.vector_load_idx %arg13[%parallel_loop3A_363] : memref<40000xf32, #tpu.memory_space<vmem>>[vector<16xi32>], vector<16xf32>,
        %parallel_loop3A_365 = arith.subf %parallel_loop3A_360, %parallel_loop3A_356 : vector<16xf32>
        %parallel_loop3A_366 = arith.mulf %parallel_loop3A_102, %parallel_loop3A_365 : vector<16xf32>
        %parallel_loop3A_367 = arith.addf %parallel_loop3A_356, %parallel_loop3A_366 : vector<16xf32>
        %parallel_loop3A_368 = arith.mulf %parallel_loop3A_364, %parallel_loop3A_367 : vector<16xf32>
        %parallel_loop3A_369 = arith.addf %parallel_loop3A_301, %parallel_loop3A_368 : vector<16xf32>
        %parallel_loop3A_370 = arith.constant 7800 : i32
        %parallel_loop3A_371 = vector.broadcast %parallel_loop3A_370 : i32 to vector<16xi32>
        %parallel_loop3A_372 = arith.addi %parallel_loop3A_100, %parallel_loop3A_371 : vector<16xi32>
        %parallel_loop3A_373 = tpu.vector_load_idx %arg7[%parallel_loop3A_372] : memref<10400xf32, #tpu.memory_space<vmem>>[vector<16xi32>], vector<16xf32>,
        %parallel_loop3A_374 = arith.constant 1 : i32
        %parallel_loop3A_375 = vector.broadcast %parallel_loop3A_374 : i32 to vector<16xi32>
        %parallel_loop3A_376 = arith.addi %parallel_loop3A_372, %parallel_loop3A_375 : vector<16xi32>
        %parallel_loop3A_377 = tpu.vector_load_idx %arg7[%parallel_loop3A_376] : memref<10400xf32, #tpu.memory_space<vmem>>[vector<16xi32>], vector<16xf32>,
        %parallel_loop3A_378 = arith.constant 15 : i32
        %parallel_loop3A_379 = vector.broadcast %parallel_loop3A_378 : i32 to vector<16xi32>
        %parallel_loop3A_380 = arith.addi %parallel_loop3A_106, %parallel_loop3A_379 : vector<16xi32>
        %parallel_loop3A_381 = tpu.vector_load_idx %arg13[%parallel_loop3A_380] : memref<40000xf32, #tpu.memory_space<vmem>>[vector<16xi32>], vector<16xf32>,
        %parallel_loop3A_382 = arith.subf %parallel_loop3A_377, %parallel_loop3A_373 : vector<16xf32>
        %parallel_loop3A_383 = arith.mulf %parallel_loop3A_102, %parallel_loop3A_382 : vector<16xf32>
        %parallel_loop3A_384 = arith.addf %parallel_loop3A_373, %parallel_loop3A_383 : vector<16xf32>
        %parallel_loop3A_385 = arith.mulf %parallel_loop3A_381, %parallel_loop3A_384 : vector<16xf32>
        %parallel_loop3A_386 = arith.addf %parallel_loop3A_318, %parallel_loop3A_385 : vector<16xf32>
        %parallel_loop3A_387 = arith.constant 8320 : i32
        %parallel_loop3A_388 = vector.broadcast %parallel_loop3A_387 : i32 to vector<16xi32>
        %parallel_loop3A_389 = arith.addi %parallel_loop3A_100, %parallel_loop3A_388 : vector<16xi32>
        %parallel_loop3A_390 = tpu.vector_load_idx %arg7[%parallel_loop3A_389] : memref<10400xf32, #tpu.memory_space<vmem>>[vector<16xi32>], vector<16xf32>,
        %parallel_loop3A_391 = arith.constant 1 : i32
        %parallel_loop3A_392 = vector.broadcast %parallel_loop3A_391 : i32 to vector<16xi32>
        %parallel_loop3A_393 = arith.addi %parallel_loop3A_389, %parallel_loop3A_392 : vector<16xi32>
        %parallel_loop3A_394 = tpu.vector_load_idx %arg7[%parallel_loop3A_393] : memref<10400xf32, #tpu.memory_space<vmem>>[vector<16xi32>], vector<16xf32>,
        %parallel_loop3A_395 = arith.constant 16 : i32
        %parallel_loop3A_396 = vector.broadcast %parallel_loop3A_395 : i32 to vector<16xi32>
        %parallel_loop3A_397 = arith.addi %parallel_loop3A_106, %parallel_loop3A_396 : vector<16xi32>
        %parallel_loop3A_398 = tpu.vector_load_idx %arg13[%parallel_loop3A_397] : memref<40000xf32, #tpu.memory_space<vmem>>[vector<16xi32>], vector<16xf32>,
        %parallel_loop3A_399 = arith.subf %parallel_loop3A_394, %parallel_loop3A_390 : vector<16xf32>
        %parallel_loop3A_400 = arith.mulf %parallel_loop3A_102, %parallel_loop3A_399 : vector<16xf32>
        %parallel_loop3A_401 = arith.addf %parallel_loop3A_390, %parallel_loop3A_400 : vector<16xf32>
        %parallel_loop3A_402 = arith.mulf %parallel_loop3A_398, %parallel_loop3A_401 : vector<16xf32>
        %parallel_loop3A_403 = arith.addf %parallel_loop3A_335, %parallel_loop3A_402 : vector<16xf32>
        %parallel_loop3A_404 = arith.constant 8840 : i32
        %parallel_loop3A_405 = vector.broadcast %parallel_loop3A_404 : i32 to vector<16xi32>
        %parallel_loop3A_406 = arith.addi %parallel_loop3A_100, %parallel_loop3A_405 : vector<16xi32>
        %parallel_loop3A_407 = tpu.vector_load_idx %arg7[%parallel_loop3A_406] : memref<10400xf32, #tpu.memory_space<vmem>>[vector<16xi32>], vector<16xf32>,
        %parallel_loop3A_408 = arith.constant 1 : i32
        %parallel_loop3A_409 = vector.broadcast %parallel_loop3A_408 : i32 to vector<16xi32>
        %parallel_loop3A_410 = arith.addi %parallel_loop3A_406, %parallel_loop3A_409 : vector<16xi32>
        %parallel_loop3A_411 = tpu.vector_load_idx %arg7[%parallel_loop3A_410] : memref<10400xf32, #tpu.memory_space<vmem>>[vector<16xi32>], vector<16xf32>,
        %parallel_loop3A_412 = arith.constant 17 : i32
        %parallel_loop3A_413 = vector.broadcast %parallel_loop3A_412 : i32 to vector<16xi32>
        %parallel_loop3A_414 = arith.addi %parallel_loop3A_106, %parallel_loop3A_413 : vector<16xi32>
        %parallel_loop3A_415 = tpu.vector_load_idx %arg13[%parallel_loop3A_414] : memref<40000xf32, #tpu.memory_space<vmem>>[vector<16xi32>], vector<16xf32>,
        %parallel_loop3A_416 = arith.subf %parallel_loop3A_411, %parallel_loop3A_407 : vector<16xf32>
        %parallel_loop3A_417 = arith.mulf %parallel_loop3A_102, %parallel_loop3A_416 : vector<16xf32>
        %parallel_loop3A_418 = arith.addf %parallel_loop3A_407, %parallel_loop3A_417 : vector<16xf32>
        %parallel_loop3A_419 = arith.mulf %parallel_loop3A_415, %parallel_loop3A_418 : vector<16xf32>
        %parallel_loop3A_420 = arith.addf %parallel_loop3A_352, %parallel_loop3A_419 : vector<16xf32>
        %parallel_loop3A_421 = arith.constant 9360 : i32
        %parallel_loop3A_422 = vector.broadcast %parallel_loop3A_421 : i32 to vector<16xi32>
        %parallel_loop3A_423 = arith.addi %parallel_loop3A_100, %parallel_loop3A_422 : vector<16xi32>
        %parallel_loop3A_424 = tpu.vector_load_idx %arg7[%parallel_loop3A_423] : memref<10400xf32, #tpu.memory_space<vmem>>[vector<16xi32>], vector<16xf32>,
        %parallel_loop3A_425 = arith.constant 1 : i32
        %parallel_loop3A_426 = vector.broadcast %parallel_loop3A_425 : i32 to vector<16xi32>
        %parallel_loop3A_427 = arith.addi %parallel_loop3A_423, %parallel_loop3A_426 : vector<16xi32>
        %parallel_loop3A_428 = tpu.vector_load_idx %arg7[%parallel_loop3A_427] : memref<10400xf32, #tpu.memory_space<vmem>>[vector<16xi32>], vector<16xf32>,
        %parallel_loop3A_429 = arith.constant 18 : i32
        %parallel_loop3A_430 = vector.broadcast %parallel_loop3A_429 : i32 to vector<16xi32>
        %parallel_loop3A_431 = arith.addi %parallel_loop3A_106, %parallel_loop3A_430 : vector<16xi32>
        %parallel_loop3A_432 = tpu.vector_load_idx %arg13[%parallel_loop3A_431] : memref<40000xf32, #tpu.memory_space<vmem>>[vector<16xi32>], vector<16xf32>,
        %parallel_loop3A_433 = arith.subf %parallel_loop3A_428, %parallel_loop3A_424 : vector<16xf32>
        %parallel_loop3A_434 = arith.mulf %parallel_loop3A_102, %parallel_loop3A_433 : vector<16xf32>
        %parallel_loop3A_435 = arith.addf %parallel_loop3A_424, %parallel_loop3A_434 : vector<16xf32>
        %parallel_loop3A_436 = arith.mulf %parallel_loop3A_432, %parallel_loop3A_435 : vector<16xf32>
        %parallel_loop3A_437 = arith.addf %parallel_loop3A_369, %parallel_loop3A_436 : vector<16xf32>
        %parallel_loop3A_438 = arith.constant 9880 : i32
        %parallel_loop3A_439 = vector.broadcast %parallel_loop3A_438 : i32 to vector<16xi32>
        %parallel_loop3A_440 = arith.addi %parallel_loop3A_100, %parallel_loop3A_439 : vector<16xi32>
        %parallel_loop3A_441 = tpu.vector_load_idx %arg7[%parallel_loop3A_440] : memref<10400xf32, #tpu.memory_space<vmem>>[vector<16xi32>], vector<16xf32>,
        %parallel_loop3A_442 = arith.constant 1 : i32
        %parallel_loop3A_443 = vector.broadcast %parallel_loop3A_442 : i32 to vector<16xi32>
        %parallel_loop3A_444 = arith.addi %parallel_loop3A_440, %parallel_loop3A_443 : vector<16xi32>
        %parallel_loop3A_445 = tpu.vector_load_idx %arg7[%parallel_loop3A_444] : memref<10400xf32, #tpu.memory_space<vmem>>[vector<16xi32>], vector<16xf32>,
        %parallel_loop3A_446 = arith.constant 19 : i32
        %parallel_loop3A_447 = vector.broadcast %parallel_loop3A_446 : i32 to vector<16xi32>
        %parallel_loop3A_448 = arith.addi %parallel_loop3A_106, %parallel_loop3A_447 : vector<16xi32>
        %parallel_loop3A_449 = tpu.vector_load_idx %arg13[%parallel_loop3A_448] : memref<40000xf32, #tpu.memory_space<vmem>>[vector<16xi32>], vector<16xf32>,
        %parallel_loop3A_450 = arith.subf %parallel_loop3A_445, %parallel_loop3A_441 : vector<16xf32>
        %parallel_loop3A_451 = arith.mulf %parallel_loop3A_102, %parallel_loop3A_450 : vector<16xf32>
        %parallel_loop3A_452 = arith.addf %parallel_loop3A_441, %parallel_loop3A_451 : vector<16xf32>
        %parallel_loop3A_453 = arith.mulf %parallel_loop3A_449, %parallel_loop3A_452 : vector<16xf32>
        %parallel_loop3A_454 = arith.addf %parallel_loop3A_386, %parallel_loop3A_453 : vector<16xf32>
        %parallel_loop3A_455 = arith.addf %parallel_loop3A_403, %parallel_loop3A_420 : vector<16xf32>
        %parallel_loop3A_456 = arith.addf %parallel_loop3A_437, %parallel_loop3A_454 : vector<16xf32>
        %parallel_loop3A_457 = arith.addf %parallel_loop3A_455, %parallel_loop3A_456 : vector<16xf32>
        %parallel_loop3A_458 = arith.index_cast %parallel_loop3A_97 : i32 to index
        %parallel_loop3A_459 = tpu.vector_load %arg11[%parallel_loop3A_458] {strides = array<i32>} : memref<2000xf32, #tpu.memory_space<vmem>>, vector<16xf32>,
        %parallel_loop3A_460 = arith.mulf %parallel_loop3A_457, %parallel_loop3A_459 : vector<16xf32>
        %parallel_loop3A_461 = arith.index_cast %parallel_loop3A_97 : i32 to index
        %parallel_loop3A_462 = tpu.vector_load %arg15[%parallel_loop3A_461] {strides = array<i32>} : memref<2000xf32, #tpu.memory_space<vmem>>, vector<16xf32>,
        tpu.vector_store %arg15[%parallel_loop3A_461], %parallel_loop3A_460 {strides = array<i32>} : memref<2000xf32, #tpu.memory_space<vmem>>, vector<16xf32>,
      } {sc.loop_unroll_factor = 2 : i64, sc.parallel_access}
      %mul3A_90 = arith.constant 2000 : i32
      %mul3A_91 = arith.muli %add3A_86, %mul3A_90 : i32
      %add3A_92 = arith.addi %mul3A_2, %mul3A_91 : i32
      %dma_start3A_93 = tpu.memref_slice %arg6[%add3A_92] : memref<512000xf32, #tpu.memory_space<hbm>> -> memref<2000xf32, #tpu.memory_space<hbm>>
      %dma_start3A_94 = tpu.memref_slice %arg6[%add3A_92] : memref<512000xf32, #tpu.memory_space<hbm>> -> memref<2000xf32, #tpu.memory_space<hbm>>
      tpu.enqueue_dma source(%arg15 : memref<2000xf32, #tpu.memory_space<vmem>>) target(%dma_start3A_94 : memref<2000xf32, #tpu.memory_space<hbm>>) target_semaphore(%arg19 : memref<!tpu.dma_semaphore, #tpu.memory_space<semaphore_mem>>)
    }
    %scan3A_19 = arith.constant 4 : i32
    %add3A_20 = arith.constant 12000 : i32
    %add3A_21 = arith.addi %mul3A_2, %add3A_20 : i32
    %dma_wait3A = tpu.memref_slice %arg6[%add3A_21] : memref<512000xf32, #tpu.memory_space<hbm>> -> memref<2000xf32, #tpu.memory_space<hbm>>
    %dma_wait3A_22 = tpu.memref_slice %arg6[%add3A_21] : memref<512000xf32, #tpu.memory_space<hbm>> -> memref<2000xf32, #tpu.memory_space<hbm>>
    tpu.wait_dma2 semaphore(%arg18 : memref<!tpu.dma_semaphore, #tpu.memory_space<semaphore_mem>>) src(%arg14 : memref<2000xf32, #tpu.memory_space<vmem>>) dst(%dma_wait3A_22 : memref<2000xf32, #tpu.memory_space<hbm>>)
    %add3A_23 = arith.constant 14000 : i32
    %add3A_24 = arith.addi %mul3A_2, %add3A_23 : i32
    %dma_wait3A_25 = tpu.memref_slice %arg6[%add3A_24] : memref<512000xf32, #tpu.memory_space<hbm>> -> memref<2000xf32, #tpu.memory_space<hbm>>
    %dma_wait3A_26 = tpu.memref_slice %arg6[%add3A_24] : memref<512000xf32, #tpu.memory_space<hbm>> -> memref<2000xf32, #tpu.memory_space<hbm>>
    tpu.wait_dma2 semaphore(%arg19 : memref<!tpu.dma_semaphore, #tpu.memory_space<semaphore_mem>>) src(%arg15 : memref<2000xf32, #tpu.memory_space<vmem>>) dst(%dma_wait3A_26 : memref<2000xf32, #tpu.memory_space<hbm>>)
    return
  }
}

module attributes {stable_mosaic.version = 14 : i64} {
  func.func @_tc_index_kernel(%arg0: i32, %arg1: memref<8x16000xf32, #tpu.memory_space<vmem>>, %arg2: memref<20x512xf32, #tpu.memory_space<vmem>>, %arg3: memref<8x16000xf32, #tpu.memory_space<vmem>>, %arg4: memref<20x520xf32, #tpu.memory_space<vmem>>, %arg5: memref<8x128xf32, #tpu.memory_space<vmem>>) attributes {dimension_semantics = [#tpu.dimension_semantics<arbitrary>], iteration_bounds = array<i64: 4>, scalar_prefetch = 0 : i64, scratch_operands = 1 : i64, tpu.core_type = #tpu.core_type<tc>, window_params = [{transform_indices = @transform_0, window_bounds = array<i64: 8, 16000>}, {pipeline_mode = #tpu.pipeline_mode<synchronous>, transform_indices = @transform_1, window_bounds = array<i64: 20, 512>}, {transform_indices = @transform_2, window_bounds = array<i64: 8, 16000>}, {pipeline_mode = #tpu.pipeline_mode<synchronous>, transform_indices = @transform_3, window_bounds = array<i64: 20, 520>}]} {
    %eq3A = arith.constant 0 : i32
    %eq3A_0 = arith.cmpi eq, %arg0, %eq3A : i32
    %convert_element_type3A = arith.extui %eq3A_0 : i1 to i32
    %cond3A = arith.constant 0 : i32
    %cond3A_1 = arith.cmpi ne, %convert_element_type3A, %cond3A : i32
    scf.if %cond3A_1 {
      %broadcast_in_dim3A_109 = arith.constant 0.000000e+00 : f32
      %broadcast_in_dim3A_110 = vector.broadcast %broadcast_in_dim3A_109 : f32 to vector<8x128xf32>
      %swap3A_111 = arith.constant 0 : index
      %swap3A_112 = arith.constant 0 : index
      %swap3A_113 = vector.load %arg5[%swap3A_111, %swap3A_112] : memref<8x128xf32, #tpu.memory_space<vmem>>, vector<8x128xf32>
      tpu.vector_store %arg5[%swap3A_111, %swap3A_112], %broadcast_in_dim3A_110 {strides = array<i32>} : memref<8x128xf32, #tpu.memory_space<vmem>>, vector<8x128xf32>,
      %get3A_114 = arith.constant 0 : index
      %get3A_115 = arith.constant 0 : index
      %get3A_116 = vector.load %arg2[%get3A_114, %get3A_115] : memref<20x512xf32, #tpu.memory_space<vmem>>, vector<20x512xf32>
      %iota3A_117 = tpu.iota {dimensions = array<i32: 0>} : vector<20x512xi32>
      %lt3A = arith.constant 4 : i32
      %lt3A_118 = vector.broadcast %lt3A : i32 to vector<20x512xi32>
      %lt3A_119 = arith.cmpi slt, %iota3A_117, %lt3A_118 : vector<20x512xi32>
      %tanh3A = math.tanh %get3A_116 : vector<20x512xf32>
      %select_n3A_120 = arith.select %lt3A_119, %get3A_116, %tanh3A : vector<20x512xi1>, vector<20x512xf32>
      %swap3A_121 = arith.constant 0 : index
      %swap3A_122 = arith.constant 0 : index
      %swap3A_123 = vector.load %arg4[%swap3A_121, %swap3A_122] : memref<20x520xf32, #tpu.memory_space<vmem>>, vector<20x512xf32>
      tpu.vector_store %arg4[%swap3A_121, %swap3A_122], %select_n3A_120 {strides = array<i32>} : memref<20x520xf32, #tpu.memory_space<vmem>>, vector<20x512xf32>,
      %slice3A_124 = vector.extract_strided_slice %select_n3A_120 {offsets = [0, 0], sizes = [20, 1], strides = [1, 1]} : vector<20x512xf32> to vector<20x1xf32>
      %swap3A_125 = arith.constant 0 : index
      %swap3A_126 = arith.constant 512 : index
      %swap3A_127 = vector.load %arg4[%swap3A_125, %swap3A_126] : memref<20x520xf32, #tpu.memory_space<vmem>>, vector<20x1xf32>
      tpu.vector_store %arg4[%swap3A_125, %swap3A_126], %slice3A_124 {strides = array<i32>} : memref<20x520xf32, #tpu.memory_space<vmem>>, vector<20x1xf32>,
      %broadcast_in_dim3A_128 = arith.constant 0.000000e+00 : f32
      %broadcast_in_dim3A_129 = vector.broadcast %broadcast_in_dim3A_128 : f32 to vector<20x7xf32>
      %swap3A_130 = arith.constant 0 : index
      %swap3A_131 = arith.constant 513 : index
      %swap3A_132 = vector.load %arg4[%swap3A_130, %swap3A_131] : memref<20x520xf32, #tpu.memory_space<vmem>>, vector<20x7xf32>
      tpu.vector_store %arg4[%swap3A_130, %swap3A_131], %broadcast_in_dim3A_129 {strides = array<i32>} : memref<20x520xf32, #tpu.memory_space<vmem>>, vector<20x7xf32>,
    } else {
    }
    %get3A = arith.constant 0 : index
    %get3A_2 = arith.constant 0 : index
    %get3A_3 = vector.load %arg1[%get3A, %get3A_2] : memref<8x16000xf32, #tpu.memory_space<vmem>>, vector<8x16000xf32>
    %div3A = arith.constant 4.410000e+04 : f32
    %div3A_4 = vector.broadcast %div3A : f32 to vector<8x16000xf32>
    %div3A_5 = arith.divf %get3A_3, %div3A_4 : vector<8x16000xf32>
    %mul3A = arith.constant 5.120000e+02 : f32
    %mul3A_6 = vector.broadcast %mul3A : f32 to vector<8x16000xf32>
    %mul3A_7 = arith.mulf %div3A_5, %mul3A_6 : vector<8x16000xf32>
    %iota3A = tpu.iota {dimensions = array<i32: 1>} : vector<8x16000xi32>
    %eq3A_8 = arith.constant 0 : i32
    %eq3A_9 = arith.cmpi eq, %arg0, %eq3A_8 : i32
    %eq3A_10 = arith.constant 0 : i32
    %eq3A_11 = vector.broadcast %eq3A_10 : i32 to vector<8x16000xi32>
    %eq3A_12 = arith.cmpi eq, %iota3A, %eq3A_11 : vector<8x16000xi32>
    %and3A = vector.broadcast %eq3A_9 : i1 to vector<8x16000xi1>
    %and3A_13 = arith.andi %and3A, %eq3A_12 : vector<8x16000xi1>
    %jit3A = arith.constant 0.000000e+00 : f32
    %broadcast_in_dim3A = vector.broadcast %jit3A : f32 to vector<8x16000xf32>
    %select_n3A = arith.select %and3A_13, %broadcast_in_dim3A, %mul3A_7 : vector<8x16000xi1>, vector<8x16000xf32>
    %broadcast_in_dim3A_14 = arith.constant 0.000000e+00 : f32
    %broadcast_in_dim3A_15 = vector.broadcast %broadcast_in_dim3A_14 : f32 to vector<8x1xf32>
    %slice3A = vector.extract_strided_slice %select_n3A {offsets = [0, 0], sizes = [8, 15999], strides = [1, 1]} : vector<8x16000xf32> to vector<8x15999xf32>
    %concatenate3A = tpu.concatenate %broadcast_in_dim3A_15, %slice3A in 1 : vector<8x1xf32>, vector<8x15999xf32> -> vector<8x16000xf32>
    %add3A = arith.addf %select_n3A, %concatenate3A : vector<8x16000xf32>
    %broadcast_in_dim3A_16 = arith.constant 0.000000e+00 : f32
    %broadcast_in_dim3A_17 = vector.broadcast %broadcast_in_dim3A_16 : f32 to vector<8x2xf32>
    %slice3A_18 = vector.extract_strided_slice %add3A {offsets = [0, 0], sizes = [8, 15998], strides = [1, 1]} : vector<8x16000xf32> to vector<8x15998xf32>
    %concatenate3A_19 = tpu.concatenate %broadcast_in_dim3A_17, %slice3A_18 in 1 : vector<8x2xf32>, vector<8x15998xf32> -> vector<8x16000xf32>
    %add3A_20 = arith.addf %add3A, %concatenate3A_19 : vector<8x16000xf32>
    %broadcast_in_dim3A_21 = arith.constant 0.000000e+00 : f32
    %broadcast_in_dim3A_22 = vector.broadcast %broadcast_in_dim3A_21 : f32 to vector<8x4xf32>
    %slice3A_23 = vector.extract_strided_slice %add3A_20 {offsets = [0, 0], sizes = [8, 15996], strides = [1, 1]} : vector<8x16000xf32> to vector<8x15996xf32>
    %concatenate3A_24 = tpu.concatenate %broadcast_in_dim3A_22, %slice3A_23 in 1 : vector<8x4xf32>, vector<8x15996xf32> -> vector<8x16000xf32>
    %add3A_25 = arith.addf %add3A_20, %concatenate3A_24 : vector<8x16000xf32>
    %broadcast_in_dim3A_26 = arith.constant 0.000000e+00 : f32
    %broadcast_in_dim3A_27 = vector.broadcast %broadcast_in_dim3A_26 : f32 to vector<8x8xf32>
    %slice3A_28 = vector.extract_strided_slice %add3A_25 {offsets = [0, 0], sizes = [8, 15992], strides = [1, 1]} : vector<8x16000xf32> to vector<8x15992xf32>
    %concatenate3A_29 = tpu.concatenate %broadcast_in_dim3A_27, %slice3A_28 in 1 : vector<8x8xf32>, vector<8x15992xf32> -> vector<8x16000xf32>
    %add3A_30 = arith.addf %add3A_25, %concatenate3A_29 : vector<8x16000xf32>
    %broadcast_in_dim3A_31 = arith.constant 0.000000e+00 : f32
    %broadcast_in_dim3A_32 = vector.broadcast %broadcast_in_dim3A_31 : f32 to vector<8x16xf32>
    %slice3A_33 = vector.extract_strided_slice %add3A_30 {offsets = [0, 0], sizes = [8, 15984], strides = [1, 1]} : vector<8x16000xf32> to vector<8x15984xf32>
    %concatenate3A_34 = tpu.concatenate %broadcast_in_dim3A_32, %slice3A_33 in 1 : vector<8x16xf32>, vector<8x15984xf32> -> vector<8x16000xf32>
    %add3A_35 = arith.addf %add3A_30, %concatenate3A_34 : vector<8x16000xf32>
    %broadcast_in_dim3A_36 = arith.constant 0.000000e+00 : f32
    %broadcast_in_dim3A_37 = vector.broadcast %broadcast_in_dim3A_36 : f32 to vector<8x32xf32>
    %slice3A_38 = vector.extract_strided_slice %add3A_35 {offsets = [0, 0], sizes = [8, 15968], strides = [1, 1]} : vector<8x16000xf32> to vector<8x15968xf32>
    %concatenate3A_39 = tpu.concatenate %broadcast_in_dim3A_37, %slice3A_38 in 1 : vector<8x32xf32>, vector<8x15968xf32> -> vector<8x16000xf32>
    %add3A_40 = arith.addf %add3A_35, %concatenate3A_39 : vector<8x16000xf32>
    %broadcast_in_dim3A_41 = arith.constant 0.000000e+00 : f32
    %broadcast_in_dim3A_42 = vector.broadcast %broadcast_in_dim3A_41 : f32 to vector<8x64xf32>
    %slice3A_43 = vector.extract_strided_slice %add3A_40 {offsets = [0, 0], sizes = [8, 15936], strides = [1, 1]} : vector<8x16000xf32> to vector<8x15936xf32>
    %concatenate3A_44 = tpu.concatenate %broadcast_in_dim3A_42, %slice3A_43 in 1 : vector<8x64xf32>, vector<8x15936xf32> -> vector<8x16000xf32>
    %add3A_45 = arith.addf %add3A_40, %concatenate3A_44 : vector<8x16000xf32>
    %broadcast_in_dim3A_46 = arith.constant 0.000000e+00 : f32
    %broadcast_in_dim3A_47 = vector.broadcast %broadcast_in_dim3A_46 : f32 to vector<8x128xf32>
    %slice3A_48 = vector.extract_strided_slice %add3A_45 {offsets = [0, 0], sizes = [8, 15872], strides = [1, 1]} : vector<8x16000xf32> to vector<8x15872xf32>
    %concatenate3A_49 = tpu.concatenate %broadcast_in_dim3A_47, %slice3A_48 in 1 : vector<8x128xf32>, vector<8x15872xf32> -> vector<8x16000xf32>
    %add3A_50 = arith.addf %add3A_45, %concatenate3A_49 : vector<8x16000xf32>
    %broadcast_in_dim3A_51 = arith.constant 0.000000e+00 : f32
    %broadcast_in_dim3A_52 = vector.broadcast %broadcast_in_dim3A_51 : f32 to vector<8x256xf32>
    %slice3A_53 = vector.extract_strided_slice %add3A_50 {offsets = [0, 0], sizes = [8, 15744], strides = [1, 1]} : vector<8x16000xf32> to vector<8x15744xf32>
    %concatenate3A_54 = tpu.concatenate %broadcast_in_dim3A_52, %slice3A_53 in 1 : vector<8x256xf32>, vector<8x15744xf32> -> vector<8x16000xf32>
    %add3A_55 = arith.addf %add3A_50, %concatenate3A_54 : vector<8x16000xf32>
    %broadcast_in_dim3A_56 = arith.constant 0.000000e+00 : f32
    %broadcast_in_dim3A_57 = vector.broadcast %broadcast_in_dim3A_56 : f32 to vector<8x512xf32>
    %slice3A_58 = vector.extract_strided_slice %add3A_55 {offsets = [0, 0], sizes = [8, 15488], strides = [1, 1]} : vector<8x16000xf32> to vector<8x15488xf32>
    %concatenate3A_59 = tpu.concatenate %broadcast_in_dim3A_57, %slice3A_58 in 1 : vector<8x512xf32>, vector<8x15488xf32> -> vector<8x16000xf32>
    %add3A_60 = arith.addf %add3A_55, %concatenate3A_59 : vector<8x16000xf32>
    %broadcast_in_dim3A_61 = arith.constant 0.000000e+00 : f32
    %broadcast_in_dim3A_62 = vector.broadcast %broadcast_in_dim3A_61 : f32 to vector<8x1024xf32>
    %slice3A_63 = vector.extract_strided_slice %add3A_60 {offsets = [0, 0], sizes = [8, 14976], strides = [1, 1]} : vector<8x16000xf32> to vector<8x14976xf32>
    %concatenate3A_64 = tpu.concatenate %broadcast_in_dim3A_62, %slice3A_63 in 1 : vector<8x1024xf32>, vector<8x14976xf32> -> vector<8x16000xf32>
    %add3A_65 = arith.addf %add3A_60, %concatenate3A_64 : vector<8x16000xf32>
    %broadcast_in_dim3A_66 = arith.constant 0.000000e+00 : f32
    %broadcast_in_dim3A_67 = vector.broadcast %broadcast_in_dim3A_66 : f32 to vector<8x2048xf32>
    %slice3A_68 = vector.extract_strided_slice %add3A_65 {offsets = [0, 0], sizes = [8, 13952], strides = [1, 1]} : vector<8x16000xf32> to vector<8x13952xf32>
    %concatenate3A_69 = tpu.concatenate %broadcast_in_dim3A_67, %slice3A_68 in 1 : vector<8x2048xf32>, vector<8x13952xf32> -> vector<8x16000xf32>
    %add3A_70 = arith.addf %add3A_65, %concatenate3A_69 : vector<8x16000xf32>
    %broadcast_in_dim3A_71 = arith.constant 0.000000e+00 : f32
    %broadcast_in_dim3A_72 = vector.broadcast %broadcast_in_dim3A_71 : f32 to vector<8x4096xf32>
    %slice3A_73 = vector.extract_strided_slice %add3A_70 {offsets = [0, 0], sizes = [8, 11904], strides = [1, 1]} : vector<8x16000xf32> to vector<8x11904xf32>
    %concatenate3A_74 = tpu.concatenate %broadcast_in_dim3A_72, %slice3A_73 in 1 : vector<8x4096xf32>, vector<8x11904xf32> -> vector<8x16000xf32>
    %add3A_75 = arith.addf %add3A_70, %concatenate3A_74 : vector<8x16000xf32>
    %broadcast_in_dim3A_76 = arith.constant 0.000000e+00 : f32
    %broadcast_in_dim3A_77 = vector.broadcast %broadcast_in_dim3A_76 : f32 to vector<8x8192xf32>
    %slice3A_78 = vector.extract_strided_slice %add3A_75 {offsets = [0, 0], sizes = [8, 7808], strides = [1, 1]} : vector<8x16000xf32> to vector<8x7808xf32>
    %concatenate3A_79 = tpu.concatenate %broadcast_in_dim3A_77, %slice3A_78 in 1 : vector<8x8192xf32>, vector<8x7808xf32> -> vector<8x16000xf32>
    %add3A_80 = arith.addf %add3A_75, %concatenate3A_79 : vector<8x16000xf32>
    %get3A_81 = arith.constant 0 : index
    %get3A_82 = arith.constant 0 : index
    %get3A_83 = vector.load %arg5[%get3A_81, %get3A_82] : memref<8x128xf32, #tpu.memory_space<vmem>>, vector<8x1xf32>
    %add3A_84 = vector.broadcast %get3A_83 : vector<8x1xf32> to vector<8x16000xf32>
    %add3A_85 = arith.addf %add3A_84, %add3A_80 : vector<8x16000xf32>
    %mul3A_86 = arith.constant 0.001953125 : f32
    %mul3A_87 = vector.broadcast %mul3A_86 : f32 to vector<8x16000xf32>
    %mul3A_88 = arith.mulf %add3A_85, %mul3A_87 : vector<8x16000xf32>
    %floor3A = math.floor %mul3A_88 : vector<8x16000xf32>
    %mul3A_89 = arith.constant 5.120000e+02 : f32
    %mul3A_90 = vector.broadcast %mul3A_89 : f32 to vector<8x16000xf32>
    %mul3A_91 = arith.mulf %mul3A_90, %floor3A : vector<8x16000xf32>
    %sub3A = arith.subf %add3A_85, %mul3A_91 : vector<8x16000xf32>
    %swap3A = arith.constant 0 : index
    %swap3A_92 = arith.constant 0 : index
    %swap3A_93 = vector.load %arg3[%swap3A, %swap3A_92] : memref<8x16000xf32, #tpu.memory_space<vmem>>, vector<8x16000xf32>
    tpu.vector_store %arg3[%swap3A, %swap3A_92], %sub3A {strides = array<i32>} : memref<8x16000xf32, #tpu.memory_space<vmem>>, vector<8x16000xf32>,
    %slice3A_94 = vector.extract_strided_slice %add3A_80 {offsets = [0, 15999], sizes = [8, 1], strides = [1, 1]} : vector<8x16000xf32> to vector<8x1xf32>
    %add3A_95 = arith.addf %get3A_83, %slice3A_94 : vector<8x1xf32>
    %mul3A_96 = arith.constant 0.001953125 : f32
    %mul3A_97 = vector.broadcast %mul3A_96 : f32 to vector<8x1xf32>
    %mul3A_98 = arith.mulf %add3A_95, %mul3A_97 : vector<8x1xf32>
    %floor3A_99 = math.floor %mul3A_98 : vector<8x1xf32>
    %mul3A_100 = arith.constant 5.120000e+02 : f32
    %mul3A_101 = vector.broadcast %mul3A_100 : f32 to vector<8x1xf32>
    %mul3A_102 = arith.mulf %mul3A_101, %floor3A_99 : vector<8x1xf32>
    %sub3A_103 = arith.subf %add3A_95, %mul3A_102 : vector<8x1xf32>
    %broadcast_in_dim3A_104 = vector.shape_cast %sub3A_103 : vector<8x1xf32> to vector<8x1xf32>
    %broadcast_in_dim3A_105 = vector.broadcast %broadcast_in_dim3A_104 : vector<8x1xf32> to vector<8x128xf32>
    %swap3A_106 = arith.constant 0 : index
    %swap3A_107 = arith.constant 0 : index
    %swap3A_108 = vector.load %arg5[%swap3A_106, %swap3A_107] : memref<8x128xf32, #tpu.memory_space<vmem>>, vector<8x128xf32>
    tpu.vector_store %arg5[%swap3A_106, %swap3A_107], %broadcast_in_dim3A_105 {strides = array<i32>} : memref<8x128xf32, #tpu.memory_space<vmem>>, vector<8x128xf32>,
    return
  }
  func.func @transform_0(%arg0: i32) -> (i32, i32) {
    %c0_i32 = arith.constant 0 : i32
    %c0_i32_0 = arith.constant 0 : i32
    return %c0_i32, %arg0 : i32, i32
  }
  func.func @transform_1(%arg0: i32) -> (i32, i32) {
    %c0_i32 = arith.constant 0 : i32
    %c0_i32_0 = arith.constant 0 : i32
    %c0_i32_1 = arith.constant 0 : i32
    return %c0_i32, %c0_i32_0 : i32, i32
  }
  func.func @transform_2(%arg0: i32) -> (i32, i32) {
    %c0_i32 = arith.constant 0 : i32
    %c0_i32_0 = arith.constant 0 : i32
    return %c0_i32, %arg0 : i32, i32
  }
  func.func @transform_3(%arg0: i32) -> (i32, i32) {
    %c0_i32 = arith.constant 0 : i32
    %c0_i32_0 = arith.constant 0 : i32
    %c0_i32_1 = arith.constant 0 : i32
    return %c0_i32, %c0_i32_0 : i32, i32
  }
}

</mosaic_0001>

<sc_bundles>
// kernel: kernel.4.cloned.1.call-start
scs
__scs_entry_jumppad:
0x0: {  	(pc) =	sbr.rel $0x88, $3  }
0x1: {  	(tag) =	ssettag $0x0;
	lr =	simm.s32 $0x1  }
0x2: {  	[smem:$0x3F9D] =	sst lr;
	_ =	strace $0xD0000000  }
0x3: {  	_ = 	snop  }
0x4: {  	_ = 	snop  }
0x5: {  	_ = 	snop  }
0x6: {  	_ = 	snop  }
0x7: {  	_ = 	snop  }
__scs_overlays_trampoline_lowered:
0x8: {  	[smem:$0x3FAC] =	sst s0  }
0x9: {  	[smem:$0x3FAD] =	sst s1  }
0xa: {  	[smem:$0x3FAE] =	sst s2  }
0xb: {  	[smem:$0x3FAF] =	sst s3  }
0xc: {  	[smem:$0x3FB0] =	sst s4  }
0xd: {  	[smem:$0x3FB1] =	sst s5  }
0xe: {  	[smem:$0x3FB2] =	sst s6  }
0xf: {  	[smem:$0x3FB3] =	sst s7  }
0x10: {  	[smem:$0x3FB4] =	sst s8  }
0x11: {  	[smem:$0x3FB5] =	sst s9;
	s0 =	simm.s32 @!p0 $0x0  }
0x12: {  	s1 =	sld [smem:$0x3F9B];
	s0 =	simm.s32 @p0 $0x1  }
0x13: {  	[smem:$0x3FB6] =	sst s0;
	s0 =	simm.s32 @!p1 $0x0  }
0x14: {  	s2 =	sld [smem:$0x3F9A];
	s0 =	simm.s32 @p1 $0x1  }
0x15: {  	[smem:$0x3FB7] =	sst s0;
	s0 =	simm.s32 @!p2 $0x0  }
0x16: {  	s3 =	sld [smem:$0x3FDB];
	s0 =	simm.s32 @p2 $0x1  }
0x17: {  	s4 =	simm.s32 $0x1BF5;
	[smem:$0x3FB9] =	sst s0  }
0x18: {  	s0 =	sld [smem:$0x3F9C];
	_ =	swait.ge [sflag:s4], $0x0  }
0x19: {  	s7 =	sld [smem:$0x3F9D]  }
0x1a: {  	s8 =	sadd.s32 $0xFFFFE003, lr  }
0x1b: {  	s9 =	sadd.s32 $0xFFFFFEF7, lr;
	s5 =	simm.s32 $0xFFFFFFFF;
	p2 =	slt.u32 s8, $0xFFFFF086  }
0x1c: {  	p1 =	slt.u32 s9, $0xF7A;
	s5 =	simm.s32 @!p2 $0x0  }
0x1d: {  	s5 =	simm.s32 @p1 $0x1;
	p0 =	seq.s32 s7, s2  }
0x1e: {  	s7 =	smul.u32 @!p0 $0xF7A, s2;
	p2 =	seq.s32 @!p0 s5, $0x0  }
0x1f: {  	s9 =	smul.u32 $0xF7A, s1;
	s8 =	simm.s32 @!p0 $0x1BF5;
	p2 =	por !p2, p0  }
0x20: {  	[sflag:s8] =	ssyncset.s32 @!p0 $0xFFFFF086;
	s6 =	sadd.s32 @!p0 s3, s7;
	s7 =	simm.s32 @!p0 $0x108  }
0x21: {  	s3 =	sadd.s32 s3, s9;
	s6 =	sadd.s32 @!p0 $0x88, s6;
	s7 =	simm.s32 @p2 $0x1082  }
0x22: {  	[simem:s7], [sflag:s8] =	dma.local @!p0 [hbm:s6], $0xF7A  }
0x23: {  	s9 =	sor.u32 $0xD0000000, s2;
	s6 =	simm.s32 $0x108;
	_ =	swait.ge @!p0 [sflag:s8], $0x0  }
0x24: {  	s3 =	sadd.s32 $0x88, s3;
	s6 =	simm.s32 @!p1 $0x1082;
	[sflag:s4] =	ssyncset.s32 $0xFFFFF086  }
0x25: {  	[simem:s6], [sflag:s4] =	dma.local [hbm:s3], $0xF7A  }
0x26: {  	[smem:$0x3F9D] =	sst s1;
	(tag) =	ssettag s2;
	_ =	strace s9  }
0x27: {  	s1 =	sld [smem:$0x3FAD]  }
0x28: {  	s2 =	sld [smem:$0x3FAE]  }
0x29: {  	s4 =	sld [smem:$0x3FB0]  }
0x2a: {  	p0 =	seq.s32 s5, $0x0;
	s5 =	sld [smem:$0x3FB1]  }
0x2b: {  	s6 =	sld [smem:$0x3FB2]  }
0x2c: {  	s7 =	sld [smem:$0x3FB3]  }
0x2d: {  	s3 =	simm.s32 $0x108;
	s8 =	sld [smem:$0x3FB4]  }
0x2e: {  	s3 =	simm.s32 @!p0 $0x1082;
	s9 =	sld [smem:$0x3FB5]  }
0x2f: {  	lr =	sadd.s32 s0, s3;
	s0 =	sld [smem:$0x3FAC]  }
0x30: {  	s3 =	sld [smem:$0x3FAF]  }
0x31: {  	[smem:$0x3FB8] =	sst s10  }
0x32: {  	s10 =	sld [smem:$0x3FB6];
	_ =	sdelay $0x3  }
0x33: {  	p0 =	seq.s32 s10, $0x1;
	s10 =	sld [smem:$0x3FB8];
	_ =	sdelay $0x3  }
0x34: {  	[smem:$0x3FB8] =	sst s10  }
0x35: {  	s10 =	sld [smem:$0x3FB7];
	_ =	sdelay $0x3  }
0x36: {  	p1 =	seq.s32 s10, $0x1;
	s10 =	sld [smem:$0x3FB8];
	_ =	sdelay $0x3  }
0x37: {  	[smem:$0x3FB8] =	sst s10  }
0x38: {  	s10 =	sld [smem:$0x3FB9]  }
0x39: {  	_ = 	snop;
	(pc) =	sbr.ind lr, $3  }
0x3a: {  	_ = 	snop  }
0x3b: {  	_ = 	snop  }
0x3c: {  	p2 =	seq.s32 s10, $0x1;
	s10 =	sld [smem:$0x3FB8]  }
0x3d: {  	_ =	shalt  }
0x3e: {  	_ =	shalt  }
0x3f: {  	_ =	shalt  }
0x40: {  	_ =	shalt  }
0x41: {  	_ =	shalt  }
0x42: {  	_ =	shalt  }
0x43: {  	_ =	shalt  }
0x44: {  	_ =	shalt  }
0x45: {  	_ =	shalt  }
0x46: {  	_ =	shalt  }
0x47: {  	_ =	shalt  }
0x48: {  	_ =	shalt  }
0x49: {  	_ =	shalt  }
0x4a: {  	_ =	shalt  }
0x4b: {  	_ =	shalt  }
0x4c: {  	_ =	shalt  }
0x4d: {  	_ =	shalt  }
0x4e: {  	_ =	shalt  }
0x4f: {  	_ =	shalt  }
0x50: {  	_ =	shalt  }
0x51: {  	_ =	shalt  }
0x52: {  	_ =	shalt  }
0x53: {  	_ =	shalt  }
0x54: {  	_ =	shalt  }
0x55: {  	_ =	shalt  }
0x56: {  	_ =	shalt  }
0x57: {  	_ =	shalt  }
0x58: {  	_ =	shalt  }
0x59: {  	_ =	shalt  }
0x5a: {  	_ =	shalt  }
0x5b: {  	_ =	shalt  }
0x5c: {  	_ =	shalt  }
0x5d: {  	_ =	shalt  }
0x5e: {  	_ =	shalt  }
0x5f: {  	_ =	shalt  }
0x60: {  	_ =	shalt  }
0x61: {  	_ =	shalt  }
0x62: {  	_ =	shalt  }
0x63: {  	_ =	shalt  }
0x64: {  	_ =	shalt  }
0x65: {  	_ =	shalt  }
0x66: {  	_ =	shalt  }
0x67: {  	_ =	shalt  }
0x68: {  	_ =	shalt  }
0x69: {  	_ =	shalt  }
0x6a: {  	_ =	shalt  }
0x6b: {  	_ =	shalt  }
0x6c: {  	_ =	shalt  }
0x6d: {  	_ =	shalt  }
0x6e: {  	_ =	shalt  }
0x6f: {  	_ =	shalt  }
0x70: {  	_ =	shalt  }
0x71: {  	_ =	shalt  }
0x72: {  	_ =	shalt  }
0x73: {  	_ =	shalt  }
0x74: {  	_ =	shalt  }
0x75: {  	_ =	shalt  }
0x76: {  	_ =	shalt  }
0x77: {  	_ =	shalt  }
0x78: {  	_ =	shalt  }
0x79: {  	_ =	shalt  }
0x7a: {  	_ =	shalt  }
0x7b: {  	_ =	shalt  }
0x7c: {  	_ =	shalt  }
0x7d: {  	_ =	shalt  }
0x7e: {  	_ =	shalt  }
0x7f: {  	_ =	shalt  }
0x80: {  	_ =	shalt  }
0x81: {  	_ =	shalt  }
0x82: {  	_ =	shalt  }
0x83: {  	_ =	shalt  }
0x84: {  	_ =	shalt  }
0x85: {  	_ =	shalt  }
0x86: {  	_ =	shalt  }
0x87: {  	_ =	shalt  }
.Lfunc_end0:
.L_simem_size_0:
called_computation_lowered:
.L_overlay_start_0:
0x88: {  	s2 =	sld [smem:$0x3FD9]  }
0x89: {  	s3 =	sld [smem:$0x3FFE];
	_ =	sdelay $0x1  }
0x8a: {  	s1 =	srdreg.scid  }
0x8b: {  	s0 =	sand.u32 $0x1, s1  }
0x8c: {  	s17 =	sshll.u32 s0, $0xA;
	s2 =	sadd.s32 s3, s2  }
0x8d: {  	s2 =	sadd.s32 s2, s17  }
0x8e: {  	[smem:$0x3FC4] =	sst s2  }
0x8f: {  	_ = 	snop  }
0x90: {  	s2 =	sld [smem:$0x3FC8]  }
0x91: {  	s18 =	sld [smem:$0x3FD0];
	(tm) =	ssettm $0x1  }
0x92: {  	s4 =	sld [smem:$0x3FFB];
	_ =	sdelay $0x3  }
0x93: {  	_ =	strace s4  }
0x94: {  	s4 =	sld [smem:$0x3FFC];
	_ =	sdelay $0x3  }
0x95: {  	_ =	strace s4  }
0x96: {  	s4 =	sld [smem:$0x3FFD];
	_ =	sdelay $0x3  }
0x97: {  	_ =	strace s4  }
0x98: {  	_ =	strace $0x8FFFFFFF  }
0x99: {  	s19 =	sld [smem:$0x3FDB];
	_ =	sdelay $0x1  }
0x9a: {  	s5 =	simm.s32 $_scs_section_size  }
0x9b: {  	s6 =	simm.s32 $_size__tile_overlayer_lowered;
	s7 =	simm.s32 $_tile_overlayer_lowered  }
0x9c: {  	s22 =	simm.s32 $0x1BFF;
	s21 =	sshll.u32 s7, $0x1;
	s4 =	sadd.s32 s5, s19  }
0x9d: {  	s8 =	simm.s32 $0x0;
	s20 =	sshll.u32 s6, $0x1;
	s6 =	sadd.s32 s21, s4  }
0x9e: {  	[timem:s8], [sflag:s22] =	dma.local [hbm:s6], s20  }
0x9f: {  	_ =	swait.ge [sflag:s22], s20  }
0xa0: {  	s5 =	ssub.s32 $0x0, s20;
	[sflag:s22] =	ssyncset.done $0x0  }
0xa1: {  	[sflag:s22] =	ssyncadd.s32 s5;
	_ =	sdelay $0x1  }
0xa2: {  	s23 =	simm.s32 $0x1B8B  }
0xa3: {  	_ =	swait.ge [sflag:s23], $0x1  }
0xa4: {  	[sflag:s23] =	ssyncset.done $0x0  }
0xa5: {  	s25 =	simm.s32 $0x1B8E;
	s24 =	sld [smem:$0x3FFE];
	[sflag:s23] =	ssyncadd.s32 $0xFFFFFFFF  }
0xa6: {  	s26 =	simm.s32 $execute0_lowered;
	[smem:$0x3FD2] =	sst s25  }
0xa7: {  	s6 =	sshll.u32 s26, $0x1;
	_ =	strace $0x80000046;
	[dreg:$0x1] =	wrdreg $0xFFFFFFFF  }
0xa8: {  	s28 =	simm.s32 $_size_execute0_lowered;
	s4 =	sadd.s32 s4, s6;
	[dreg:$0x0] =	wrdreg $0x0  }
0xa9: {  	s6 =	sshll.u32 s28, $0x1;
	[dreg:$0x2] =	wrdreg s4  }
0xaa: {  	[dreg:$0x3] =	wrdreg s6  }
0xab: {  	[dreg:$0x4] =	wrdreg $0xC0  }
0xac: {  	_ =	task [dreg:s8], $0x5FFFF  }
0xad: {  	[dreg:$0x1] =	wrdreg $0xFFFFFFFF  }
0xae: {  	[dreg:$0x0] =	wrdreg $0x60  }
0xaf: {  	[dreg:$0x2] =	wrdreg s24  }
0xb0: {  	[dreg:$0x3] =	wrdreg s2  }
0xb1: {  	[dreg:$0x4] =	wrdreg s18  }
0xb2: {  	[dreg:$0x5] =	wrdreg $0x9  }
0xb3: {  	_ =	task.clear_ibuf [dreg:s8], $0x6FFFF;
	_ =	strace $0x90000046  }
0xb4: {  	s29 =	simm.s32 $0x9;
	_ =	strace $0x80000048  }
0xb5: {  	_ =	swait.ge [sflag:s29], $0x1  }
0xb6: {  	[sflag:s29] =	ssyncadd.s32 $0xFFFFFFFF  }
0xb7: {  	_ =	strace $0x90000048  }
0xb8: {  	_ =	sfence  }
0xb9: {  	s30 =	sld [smem:$0x0];
	_ =	sdelay $0x2  }
0xba: {  	s31 =	sshll.u32 s1, $0xD;
	s1 =	sshrl.u32 s1, $0x2  }
0xbb: {  	s3 =	sand.u32 $0x4000, s31;
	s1 =	sadd.s32 s1, s30  }
0xbc: {  	s0 =	sor.u32 s3, s0;
	s1 =	sshll.u32 s1, $0x11  }
0xbd: {  	s0 =	sor.u32 s1, s0  }
0xbe: {  	s0 =	sadd.s32 $0x8F2B, s0  }
0xbf: {  	[sflag:s0] =	ssyncadd.remote.s32 $0x1  }
0xc0: {  	_ =	sfence.sel $0xFFFF  }
0xc1: {  	[dreg:$0x0] =	wrdreg $0xFFFFFFFF;
	(pc) =	sbr.abs _section_cstart, $3  }
0xc2: {  	[dreg:$0x1] =	wrdreg $0xFFFFFFFF  }
0xc3: {  	_ =	task.clear_ibuf [dreg:s8], $0x2FFFF;
	_ =	strace $0x9FFFFFFF  }
0xc4: {  	(tm) =	ssettm $0x7FFFFFFF  }
0xc5: {  	_ =	shalt  }
tec
execute0_lowered:
.L_overlay_start_1:
0x0: {  	(tag) =	ssettag $0x1  }
0x1: {  	v0 =	vimm.s32 $0x5C483420;
	v1 =	vlaneseq.u32  }
0x2: {  	v2 =	vimm.s32 $0x2C180470;
	v3 =	vimm.s32 $0xC786450;
	v4 =	vimm.s32 $0x3C281400  }
0x3: {  	vm0 =	vcmask $0x1F10;
	v41 =	vimm.s32 $0x5D493521;
	v44 =	vimm.s32 $0x2D190571  }
0x4: {  	v45 =	vimm.s32 $0xD796551;
	v6 =	vimm.s32 $0x3D291501;
	v46 =	vimm.s32 $0x5E4A3622  }
0x5: {  	v47 =	vimm.s32 $0x2E1A0672;
	v48 =	vimm.s32 $0xE7A6652;
	v49 =	vimm.s32 $0x3E2A1602  }
0x6: {  	v50 =	vimm.s32 $0x5F4B3723;
	v52 =	vimm.s32 $0x2F1B0773;
	v53 =	vimm.s32 $0xF7B6753  }
0x7: {  	v54 =	vimm.s32 $0x3F2B1703;
	v55 =	vimm.s32 $0x604C3824;
	v12 =	vimm.s32 $0x301C0874  }
0x8: {  	v13 =	vimm.s32 $0x402C1804;
	v14 =	vimm.s32 $0x107C6854;
	v15 =	vimm.s32 $0x614D3925  }
0x9: {  	v17 =	vimm.s32 $0x311D0975;
	v18 =	vimm.s32 $0x412D1905;
	v19 =	vimm.s32 $0x117D6955  }
0xa: {  	v21 =	vimm.s32 $0x624E3A26;
	v23 =	vimm.s32 $0x321E0A76;
	v24 =	vimm.s32 $0x422E1A06  }
0xb: {  	v25 =	vimm.s32 $0x127E6A56;
	v27 =	vimm.s32 $0x634F3B27;
	v29 =	vimm.s32 $0x331F0B77  }
0xc: {  	v30 =	vimm.s32 $0x432F1B07;
	v31 =	vimm.s32 $0x137F6B57;
	v33 =	vimm.s32 $0x64503C28  }
0xd: {  	v35 =	vimm.s32 $0x34200C78;
	v36 =	vimm.s32 $0x44301C08;
	v37 =	vimm.s32 $0x14006C58  }
0xe: {  	v38 =	vimm.s32 $0x65513D29;
	v40 =	vimm.s32 $0x35210D79;
	v10 =	vimm.s32 $0x6C584430  }
0xf: {  	v11 =	vimm.s32 $0x4C382410;
	v0 =	vunpack.c.0.s8.s32 v0;
	v2 =	vunpack.c.0.s8.s32 v2  }
0x10: {  	v5 =	vunpack.c.0.s8.s32 v3;
	v3 =	vunpack.c.0.s8.s32 v4;
	v56 =	vmul.u32 $0x14, v1  }
0x11: {  	v43 =	vunpack.c.0.s8.s32 v41;
	v7 =	vunpack.c.0.s8.s32 v44;
	v1 =	vunpack.c.0.s8.s32 v6  }
0x12: {  	v8 =	vunpack.c.0.s8.s32 v47;
	v6 =	vunpack.c.0.s8.s32 v48;
	v9 =	vunpack.c.0.s8.s32 v52  }
0x13: {  	v41 =	vimm.s32 $0x45311D09;
	v44 =	vimm.s32 $0x66523E2A;
	v47 =	vimm.s32 $0x46321E0A  }
0x14: {  	v48 =	vimm.s32 $0x16026E5A;
	v10 =	vunpack.c.0.s8.s32 v10;
	v11 =	vunpack.c.0.s8.s32 v11  }
0x15: {  	v0 =	vsel vm0, v2, v0;
	v42 =	vsel vm0, v5, v3;
	v5 =	vunpack.c.0.s8.s32 v45  }
0x16: {  	v4 =	vsel vm0, v7, v43;
	v2 =	vunpack.c.0.s8.s32 v49;
	v7 =	vunpack.c.0.s8.s32 v53  }
0x17: {  	v20 =	vadd.s32 $0x5, v56;
	v26 =	vadd.s32 $0x6, v56;
	v32 =	vadd.s32 $0x7, v56  }
0x18: {  	v43 =	vadd.s32 $0x9, v56;
	v49 =	vadd.s32 $0xA, v56;
	v53 =	vimm.s32 $0x37230F7B  }
0x19: {  	v57 =	vcombine.low v42, v0;
	v0 =	vunpack.c.0.s8.s32 v46;
	v42 =	vimm.s32 $0x15016D59  }
0x1a: {  	[tilespmem:$0x1FDB0] =	vst v26;
	v46 =	vimm.s32 $0x36220E7A;
	v26 =	vimm.s32 $0x3A26127E;
	v5 =	vsel vm0, v5, v1  }
0x1b: {  	v59 =	vcombine.low v5, v4;
	v51 =	vsel vm0, v8, v0;
	v4 =	vunpack.c.0.s8.s32 v50  }
0x1c: {  	v0 =	vunpack.c.0.s8.s32 v54;
	v5 =	vunpack.c.0.s8.s32 v55;
	v8 =	vunpack.c.0.s8.s32 v13  }
0x1d: {  	v50 =	vimm.s32 $0x67533F2B;
	v54 =	vimm.s32 $0x47331F0B;
	v13 =	vadd.s32 $0xB, v56  }
0x1e: {  	v4 =	vsel vm0, v9, v4;
	v63 =	vsel vm0, v7, v0;
	v7 =	vunpack.c.0.s8.s32 v12  }
0x1f: {  	v9 =	vunpack.c.0.s8.s32 v14;
	v12 =	vimm.s32 $0x17036F5B;
	v14 =	vimm.s32 $0x6854402C  }
0x20: {  	v63 =	vcombine.low v63, v4;
	v4 =	vunpack.c.0.s8.s32 v15;
	v5 =	vsel vm0, v7, v5  }
0x21: {  	v16 =	vsel vm0, v9, v8;
	v7 =	vunpack.c.0.s8.s32 v17;
	v8 =	vunpack.c.0.s8.s32 v18  }
0x22: {  	v9 =	vunpack.c.0.s8.s32 v19;
	v17 =	vimm.s32 $0x4834200C;
	v18 =	vimm.s32 $0x1804705C  }
0x23: {  	v19 =	vimm.s32 $0x6955412D;
	v5 =	vcombine.low v16, v5;
	v16 =	vimm.s32 $0x3824107C  }
0x24: {  	v4 =	vsel vm0, v7, v4;
	v22 =	vsel vm0, v9, v8;
	v7 =	vunpack.c.0.s8.s32 v23  }
0x25: {  	v8 =	vunpack.c.0.s8.s32 v24;
	v9 =	vunpack.c.0.s8.s32 v25;
	v23 =	vimm.s32 $0x1905715D  }
0x26: {  	v24 =	vimm.s32 $0x6A56422E;
	[tilespmem:$0x1FD80] =	vst v5;
	v5 =	vunpack.c.0.s8.s32 v21;
	v4 =	vcombine.low v22, v4  }
0x27: {  	v21 =	vimm.s32 $0x3925117D;
	v22 =	vimm.s32 $0x4935210D;
	v28 =	vsel vm0, v9, v8  }
0x28: {  	v8 =	vunpack.c.0.s8.s32 v30;
	v9 =	vunpack.c.0.s8.s32 v31;
	v5 =	vsel vm0, v7, v5  }
0x29: {  	[tilespmem:$0x1FDA0] =	vst v4;
	v4 =	vunpack.c.0.s8.s32 v27;
	v7 =	vunpack.c.0.s8.s32 v29;
	v5 =	vcombine.low v28, v5  }
0x2a: {  	v34 =	vsel vm0, v9, v8;
	v8 =	vunpack.c.0.s8.s32 v36;
	v9 =	vunpack.c.0.s8.s32 v37  }
0x2b: {  	v4 =	vsel vm0, v7, v4;
	v7 =	vunpack.c.0.s8.s32 v35;
	[tilespmem:$0x1FDC0] =	vst v5;
	v5 =	vunpack.c.0.s8.s32 v33  }
0x2c: {  	v27 =	vimm.s32 $0x4A36220E;
	v4 =	vcombine.low v34, v4;
	v39 =	vsel vm0, v9, v8  }
0x2d: {  	v8 =	vunpack.c.0.s8.s32 v41;
	v9 =	vunpack.c.0.s8.s32 v42;
	v5 =	vsel vm0, v7, v5  }
0x2e: {  	[tilespmem:$0x1FDE0] =	vst v4;
	v4 =	vunpack.c.0.s8.s32 v38;
	v7 =	vunpack.c.0.s8.s32 v40;
	v5 =	vcombine.low v39, v5  }
0x2f: {  	v45 =	vsel vm0, v9, v8;
	v8 =	vunpack.c.0.s8.s32 v47;
	v9 =	vunpack.c.0.s8.s32 v48  }
0x30: {  	v4 =	vsel vm0, v7, v4;
	v7 =	vunpack.c.0.s8.s32 v46;
	[tilespmem:$0x1FDF0] =	vst v5;
	v5 =	vunpack.c.0.s8.s32 v44  }
0x31: {  	v28 =	vimm.s32 $0x1A06725E;
	v52 =	vsel vm0, v9, v8;
	v4 =	vcombine.low v45, v4  }
0x32: {  	v8 =	vunpack.c.0.s8.s32 v54;
	v9 =	vunpack.c.0.s8.s32 v12;
	v5 =	vsel vm0, v7, v5  }
0x33: {  	[tilespmem:$0x1FE10] =	vst v4;
	v4 =	vunpack.c.0.s8.s32 v50;
	v7 =	vunpack.c.0.s8.s32 v53;
	v5 =	vcombine.low v52, v5  }
0x34: {  	[tilespmem:$0x1FD90] =	vst v20;
	v15 =	vsel vm0, v9, v8;
	v8 =	vunpack.c.0.s8.s32 v17;
	v9 =	vunpack.c.0.s8.s32 v18  }
0x35: {  	v4 =	vsel vm0, v7, v4;
	v7 =	vunpack.c.0.s8.s32 v16;
	[tilespmem:$0x1FE30] =	vst v5;
	v5 =	vunpack.c.0.s8.s32 v14  }
0x36: {  	[tilespmem:$0x1FDD0] =	vst v32;
	v12 =	vimm.s32 $0x1C087460;
	v20 =	vsel vm0, v9, v8;
	v4 =	vcombine.low v15, v4  }
0x37: {  	[tilespmem:$0x1FE00] =	vst v43;
	v8 =	vunpack.c.0.s8.s32 v22;
	v9 =	vunpack.c.0.s8.s32 v23;
	v5 =	vsel vm0, v7, v5  }
0x38: {  	[tilespmem:$0x1FE50] =	vst v4;
	v4 =	vunpack.c.0.s8.s32 v19;
	v7 =	vunpack.c.0.s8.s32 v21;
	v5 =	vcombine.low v20, v5  }
0x39: {  	[tilespmem:$0x1FE20] =	vst v49;
	v25 =	vsel vm0, v9, v8;
	v8 =	vunpack.c.0.s8.s32 v27;
	v9 =	vunpack.c.0.s8.s32 v28  }
0x3a: {  	v4 =	vsel vm0, v7, v4;
	v7 =	vunpack.c.0.s8.s32 v26;
	[tilespmem:$0x1FE60] =	vst v5;
	v5 =	vunpack.c.0.s8.s32 v24  }
0x3b: {  	[tilespmem:$0x1FE40] =	vst v13;
	v29 =	vadd.s32 $0xE, v56;
	v35 =	vadd.s32 $0xF, v56;
	v12 =	vunpack.c.0.s8.s32 v12  }
0x3c: {  	[tilespmem:$0x1FE80] =	vst v29;
	v31 =	vsel vm0, v9, v8;
	v4 =	vcombine.low v25, v4;
	v5 =	vsel vm0, v7, v5  }
0x3d: {  	s2 =	rddreg [dreg:$0x0];
	v3 =	vsel vm0, v3, v10;
	[tilespmem:$0x1FEA0] =	vst v35;
	v37 =	vsel vm0, v12, v11;
	v5 =	vcombine.low v31, v5  }
0x3e: {  	s0 =	rddreg [dreg:$0x1];
	s3 =	simm.s32 $0x0;
	v3 =	vcombine.low v37, v3;
	[tilespmem:$0x1FE70] =	vst v4  }
0x3f: {  	[smem:$0x7FF] =	sst s3;
	[tilespmem:$0x1FE90] =	vst v5  }
0x40: {  	s1 =	rddreg [dreg:$0x2];
	v52 =	vadd.s32 $0x12, v56;
	_ =	strace $0x80000047;
	[tilespmem:$0x1FEC0] =	vst v3  }
0x41: {  	v58 =	vor.u32 $0x1, v56;
	v54 =	vadd.s32 $0x13, v56;
	[tilespmem:$0x1FEE0] =	vst v52  }
0x42: {  	v60 =	vor.u32 $0x2, v56;
	v62 =	vor.u32 $0x3, v56;
	v49 =	vadd.s32 $0xD, v56;
	[tilespmem:$0x1FF00] =	vst v54  }
0x43: {  	v32 =	vimm.s32 $0x3B27137F;
	v6 =	vsel vm0, v6, v2;
	v30 =	vimm.s32 $0x6B57432F;
	[tilespmem:$0x1FF20] =	vst v56  }
0x44: {  	v55 =	vadd.s32 $0x4, v56;
	v33 =	vimm.s32 $0x4B37230F;
	v34 =	vimm.s32 $0x1B07735F;
	[tilespmem:$0x1FF30] =	vst v57  }
0x45: {  	v61 =	vcombine.low v6, v51;
	v41 =	vimm.s32 $0x6E5A4632;
	v38 =	vimm.s32 $0x6D594531;
	[tilespmem:$0x1FF40] =	vst v58  }
0x46: {  	v51 =	vadd.s32 $0x8, v56;
	v40 =	vimm.s32 $0x1D097561;
	v47 =	vimm.s32 $0x6F5B4733;
	[tilespmem:$0x1FF50] =	vst v59  }
0x47: {  	v48 =	vimm.s32 $0x4F3B2713;
	v8 =	vunpack.c.0.s8.s32 v33;
	v9 =	vunpack.c.0.s8.s32 v34;
	[tilespmem:$0x1FF60] =	vst v60  }
0x48: {  	v39 =	vimm.s32 $0x4D392511;
	v4 =	vunpack.c.0.s8.s32 v30;
	v7 =	vunpack.c.0.s8.s32 v32;
	[tilespmem:$0x1FF70] =	vst v61  }
0x49: {  	s4 =	srdreg.scid;
	s5 =	stileid.u32;
	s18 =	simm.s32 $0x4900;
	v46 =	vadd.s32 $0xC, v56;
	v36 =	vsel vm0, v9, v8;
	v8 =	vunpack.c.0.s8.s32 v39;
	[tilespmem:$0x1FF80] =	vst v62  }
0x4a: {  	s20 =	simm.s32 $0x3100;
	s21 =	simm.s32 $0x4100;
	s22 =	simm.s32 $0xE580;
	v9 =	vunpack.c.0.s8.s32 v40;
	v4 =	vsel vm0, v7, v4;
	v7 =	vunpack.c.0.s8.s32 v38;
	[tilespmem:$0x1FF90] =	vst v63  }
0x4b: {  	s19 =	simm.s32 $0x1;
	s4 =	sand.u32 $0x1, s4;
	s5 =	sshll.u32 s5, $0x1;
	v44 =	vimm.s32 $0x1E0A7662;
	v50 =	vimm.s32 $0x1F0B7763;
	v4 =	vcombine.low v36, v4;
	[tilespmem:$0x1FFA0] =	vst v55  }
0x4c: {  	s23 =	simm.s32 $0x18200;
	s24 =	simm.s32 $0x2;
	s8 =	sor.u32 s4, s5;
	v6 =	vunpack.c.0.s8.s32 v50;
	v42 =	vsel vm0, v9, v8;
	v1 =	vsel vm0, v1, v7;
	[tilespmem:$0x1FFB0] =	vst v51  }
0x4d: {  	s28 =	simm.s32 $0x4;
	s29 =	simm.s32 $0x0;
	s5 =	smul.u32 $0x3E80, s8;
	v5 =	vunpack.c.0.s8.s32 v48;
	[tilespmem:$0x1FEB0] =	vst v4;
	v1 =	vcombine.low v42, v1;
	v4 =	vunpack.c.0.s8.s32 v47  }
0x4e: {  	s6 =	sadd.s32 $0x800, s2;
	s7 =	sadd.s32 $0x7E0800, s2;
	s4 =	ssub.s32 $0x2, s4;
	v43 =	vimm.s32 $0x4E3A2612;
	v45 =	vunpack.c.0.s8.s32 v44;
	v3 =	vunpack.c.0.s8.s32 v41;
	[tilespmem:$0x1FFE0] =	vst v46  }
0x4f: {  	s2 =	sadd.s32 $0x10200, s2;
	s9 =	sshrl.u32 s4, $0x1;
	s26 =	sshrl.u32 s5, $0x3;
	v53 =	vsel vm0, v6, v5;
	[tilespmem:$0x1FED0] =	vst v1;
	v1 =	vunpack.c.0.s8.s32 v43;
	v0 =	vsel vm0, v0, v4  }
0x50: {  	s31 =	smul.u32 $0x9C40, s8;
	s30 =	sadd.s32 s6, s26;
	[dreg:$0x4] =	wrdreg s2;
	[tilespmem:$0x1FFF0] =	vst v49;
	v43 =	vadd.s32 $0x10, v56;
	v0 =	vcombine.low v53, v0  }
0x51: {  	s25 =	ssub.s32 s4, s9;
	s4 =	sadd.s32 s0, s26;
	[dreg:$0x5] =	wrdreg s30;
	v2 =	vsel vm0, v2, v3;
	[tilespmem:$0x1FFC0] =	vst v43;
	v1 =	vsel vm0, v45, v1  }
0x52: {  	s11 =	sadd.s32 $0x7D0, s5;
	[dreg:$0x6] =	wrdreg s4;
	s4 =	sadd.s32 s7, s31;
	v45 =	vadd.s32 $0x11, v56;
	v1 =	vcombine.low v1, v2;
	[tilespmem:$0x1FF10] =	vst v0  }
0x53: {  	s12 =	sadd.s32 $0xFA0, s5;
	s2 =	smax.u32 s25, $0x1;
	[dreg:$0x7] =	wrdreg s4;
	[tilespmem:$0x1FFD0] =	vst v45  }
0x54: {  	s26 =	simm.s32 $0x3;
	s25 =	simm.s32 $0x18A00;
	[dreg:$0x8] =	wrdreg s2;
	[tilespmem:$0x1FEF0] =	vst v1  }
.LBB2_1:
0x55: {  	s2 =	rddreg [dreg:$0x4];
	s14 =	simm.s32 $0x5  }
0x56: {  	[tilespmem:s3], [sflag:$0x5] =	stream.linear.gather [hbm4b:s2+s3], $0x2900, $0x38;
	[tilespmem:$0x19200] =	vst v63  }
0x57: {  	_ =	swait.ge [sflag:s14], $0x2900  }
0x58: {  	[sflag:s14] =	ssyncset.done $0x0  }
0x59: {  	s4 =	simm.s32 $0x2900;
	s15 =	rddreg [dreg:$0x5];
	[sflag:s14] =	ssyncadd.s32 $0xFFFFD700  }
0x5a: {  	[tilespmem:s4], [sflag:$0x1] =	stream.linear.gather [hbm4b:s15+s3], $0x7D0, $0x38;
	[tilespmem:$0x19200] =	vst v63  }
0x5b: {  	s17 =	simm.s32 $0x3900;
	s16 =	rddreg [dreg:$0x6]  }
0x5c: {  	[tilespmem:s17], [sflag:$0x1] =	stream.linear.gather [hbm4b:s16+s3], $0x7D0, $0x38;
	[tilespmem:$0x19200] =	vst v63  }
0x5d: {  	s30 =	simm.s32 $0x0;
	s31 =	rddreg [dreg:$0x7]  }
0x5e: {  	[tilespmem:s18], [sflag:$0x1] =	stream.linear.gather [hbm4b:s31+s3], $0x9C40, $0x38;
	[tilespmem:$0x19200] =	vst v63  }
.LBB2_2:
0x5f: {  	_ =	swait.ge [sflag:s19], $0x7D0  }
0x60: {  	[sflag:s19] =	ssyncset.done $0x0  }
0x61: {  	[sflag:s19] =	ssyncadd.s32 $0xFFFFF830  }
0x62: {  	_ =	swait.ge [sflag:s19], $0x7D0  }
0x63: {  	s4 =	smul.u32 $0xFA0, s30;
	[sflag:s19] =	ssyncset.done $0x0  }
0x64: {  	[sflag:s19] =	ssyncadd.s32 $0xFFFFF830  }
0x65: {  	s2 =	sadd.s32 s4, s11;
	_ =	swait.ge [sflag:s19], $0x9C40  }
0x66: {  	s31 =	sshrl.u32 s2, $0x3;
	[sflag:s19] =	ssyncset.done $0x0  }
0x67: {  	s2 =	smul.u32 $0x14, s2;
	s8 =	sadd.s32 s6, s31;
	[sflag:s19] =	ssyncadd.s32 $0xFFFF63C0  }
0x68: {  	[tilespmem:s20], [sflag:$0x2] =	stream.linear.gather [hbm4b:s8+s3], $0x7D0, $0x38;
	[tilespmem:$0x19200] =	vst v63  }
0x69: {  	s17 =	sadd.s32 s0, s31;
	s2 =	sshrl.u32 s2, $0x3  }
0x6a: {  	[tilespmem:s21], [sflag:$0x2] =	stream.linear.gather [hbm4b:s17+s3], $0x7D0, $0x38;
	[tilespmem:$0x19200] =	vst v63  }
0x6b: {  	p0 =	seq.s32 s30, $0x0;
	s2 =	sadd.s32 s7, s2  }
0x6c: {  	[tilespmem:s22], [sflag:$0x2] =	stream.linear.gather [hbm4b:s2+s3], $0x9C40, $0x38;
	[tilespmem:$0x19200] =	vst v63  }
0x6d: {  	s2 =	simm.s32 @!p0 $0x3  }
0x6e: {  	_ =	swait.ge @!p0 [sflag:s2], $0x7D0  }
0x6f: {  	[sflag:s2] =	ssyncset.done @!p0 $0x0  }
0x70: {  	s8 =	simm.s32 $0x2910;
	[sflag:s2] =	ssyncadd.s32 @!p0 $0xFFFFF830  }
0x71: {  	v1 =	vld [tilespmem:s8+$0x0];
	_ =	sdelay $0x4  }
0x72: {  	v0 =	vtrunc.f32 v1  }
0x73: {  	v3 =	vcvt.f32.s32 v0;
	_ =	sdelay $0x1  }
0x74: {  	v0 =	vadd.s32 $0x2080, v3  }
0x75: {  	v4 =	vadd.s32 $0x2081, v3  }
0x76: {  	v5 =	vadd.s32 $0x2288, v3  }
0x77: {  	v6 =	vld [tilespmem:s8+$0xFFFFFFF0];
	v7 =	vadd.s32 $0x2289, v3  }
0x78: {  	v8 =	vadd.s32 $0x2490, v3;
	v2 =	vld.idx.msk [tilespmem:v3+s3+$0x0], $0xffff  }
0x79: {  	v9 =	vadd.s32 $0x1860, v3;
	v13 =	vld.idx.msk [tilespmem:v0+s3+$0x0], $0xffff  }
0x7a: {  	v12 =	vadd.s32 $0x1658, v3;
	v11 =	vld.idx.msk [tilespmem:v4+s3+$0x0], $0xffff  }
0x7b: {  	v31 =	vadd.s32 $0x1659, v3;
	v14 =	vld.idx.msk [tilespmem:v5+s3+$0x0], $0xffff  }
0x7c: {  	v32 =	vadd.s32 $0x820, v3;
	v15 =	vld.idx.msk [tilespmem:v7+s3+$0x0], $0xffff  }
0x7d: {  	v35 =	vadd.s32 $0x821, v3;
	v16 =	vld.idx.msk [tilespmem:v8+s3+$0x0], $0xffff  }
0x7e: {  	v37 =	vadd.s32 $0xA28, v3;
	v20 =	vld.idx.msk [tilespmem:v9+s3+$0x0], $0xffff  }
0x7f: {  	v40 =	vadd.s32 $0xA29, v3;
	v42 =	vld.idx.msk [tilespmem:v12+s3+$0x0], $0xffff  }
0x80: {  	v47 =	vadd.s32 $0xE39, v3;
	v31 =	vld.idx.msk [tilespmem:v31+s3+$0x0], $0xffff  }
0x81: {  	v48 =	vadd.s32 $0x1, v3;
	v32 =	vld.idx.msk [tilespmem:v32+s3+$0x0], $0xffff  }
0x82: {  	v50 =	vadd.s32 $0x208, v3;
	v35 =	vld.idx.msk [tilespmem:v35+s3+$0x0], $0xffff  }
0x83: {  	v52 =	vadd.s32 $0x209, v3;
	v37 =	vld.idx.msk [tilespmem:v37+s3+$0x0], $0xffff  }
0x84: {  	v0 =	vadd.s32 $0x2491, v3;
	v40 =	vld.idx.msk [tilespmem:v40+s3+$0x0], $0xffff  }
0x85: {  	v4 =	vadd.s32 $0x2698, v3;
	v47 =	vld.idx.msk [tilespmem:v47+s3+$0x0], $0xffff  }
0x86: {  	v5 =	vadd.s32 $0x2699, v3;
	v48 =	vld.idx.msk [tilespmem:v48+s3+$0x0], $0xffff  }
0x87: {  	v7 =	vadd.s32 $0x1861, v3;
	v50 =	vld.idx.msk [tilespmem:v50+s3+$0x0], $0xffff  }
0x88: {  	v8 =	vadd.s32 $0x1A68, v3;
	v52 =	vld.idx.msk [tilespmem:v52+s3+$0x0], $0xffff  }
0x89: {  	v44 =	vcvt.s32.f32 v3;
	v9 =	vadd.s32 $0x1040, v3;
	v17 =	vld.idx.msk [tilespmem:v0+s3+$0x0], $0xffff  }
0x8a: {  	v18 =	vld.idx.msk [tilespmem:v4+s3+$0x0], $0xffff  }
0x8b: {  	v44 =	vsub.f32 v1, v44;
	v0 =	vadd.s32 $0x1A69, v3;
	v19 =	vld.idx.msk [tilespmem:v5+s3+$0x0], $0xffff;
	v15 =	vsub.f32 v15, v14  }
0x8c: {  	v4 =	vadd.s32 $0x1C70, v3;
	v21 =	vld.idx.msk [tilespmem:v7+s3+$0x0], $0xffff  }
0x8d: {  	v5 =	vadd.s32 $0x1C71, v3;
	v22 =	vld.idx.msk [tilespmem:v8+s3+$0x0], $0xffff;
	v15 =	vmul.f32 v15, v44  }
0x8e: {  	v7 =	vadd.s32 $0x1E78, v3;
	v28 =	vld.idx.msk [tilespmem:v9+s3+$0x0], $0xffff  }
0x8f: {  	v8 =	vadd.s32 $0x1E79, v3;
	v15 =	vadd.f32 v15, v14;
	v14 =	vld [tilespmem:$0x1FE00]  }
0x90: {  	v23 =	vld.idx.msk [tilespmem:v0+s3+$0x0], $0xffff;
	v0 =	vadd.s32 $0x1041, v3  }
0x91: {  	v12 =	vadd.s32 $0xC30, v3;
	v24 =	vld.idx.msk [tilespmem:v4+s3+$0x0], $0xffff  }
0x92: {  	v1 =	vsub.f32 v11, v13;
	v4 =	vadd.s32 $0x1248, v3;
	v25 =	vld.idx.msk [tilespmem:v5+s3+$0x0], $0xffff  }
0x93: {  	v5 =	vadd.s32 $0x1249, v3;
	v26 =	vld.idx.msk [tilespmem:v7+s3+$0x0], $0xffff  }
0x94: {  	v9 =	vtrunc.f32 v6;
	v1 =	vmul.f32 v1, v44;
	v7 =	vadd.s32 $0x1450, v3;
	v27 =	vld.idx.msk [tilespmem:v8+s3+$0x0], $0xffff  }
0x95: {  	s9 =	simm.s32 $0x140;
	v8 =	vadd.s32 $0x1451, v3;
	v29 =	vld.idx.msk [tilespmem:v0+s3+$0x0], $0xffff;
	v0 =	vcvt.f32.s32 v9  }
0x96: {  	v12 =	vld.idx.msk [tilespmem:v12+s3+$0x0], $0xffff;
	v54 =	vadd.f32 v1, v13;
	v13 =	vsub.f32 v19, v18;
	v19 =	vadd.s32 s9, v14  }
0x97: {  	v30 =	vld.idx.msk [tilespmem:v4+s3+$0x0], $0xffff;
	v10 =	vadd.s32 $0x208, v0;
	v39 =	vcvt.s32.f32 v0  }
0x98: {  	v33 =	vld.idx.msk [tilespmem:v5+s3+$0x0], $0xffff;
	v9 =	vadd.s32 $0x209, v0  }
0x99: {  	v36 =	vld.idx.msk [tilespmem:v7+s3+$0x0], $0xffff;
	v41 =	vsub.f32 v6, v39;
	v6 =	vadd.s32 $0xC31, v3  }
0x9a: {  	v38 =	vld.idx.msk [tilespmem:v8+s3+$0x0], $0xffff;
	v39 =	vadd.s32 s9, v43;
	v43 =	vadd.s32 $0xE38, v3  }
0x9b: {  	v7 =	vadd.s32 $0x410, v0;
	v19 =	vld.idx.msk [tilespmem:v19+s18+$0x0], $0xffff  }
0x9c: {  	v8 =	vadd.s32 $0x411, v0;
	v10 =	vld.idx.msk [tilespmem:v10+s3+$0x0], $0xffff  }
0x9d: {  	v9 =	vld.idx.msk [tilespmem:v9+s3+$0x0], $0xffff  }
0x9e: {  	v17 =	vsub.f32 v17, v16;
	v53 =	vld.idx.msk [tilespmem:v6+s3+$0x0], $0xffff;
	v6 =	vadd.s32 $0x410, v3  }
0x9f: {  	v29 =	vsub.f32 v29, v28;
	v11 =	vld.idx.msk [tilespmem:v43+s3+$0x0], $0xffff;
	v43 =	vadd.s32 $0x411, v3  }
0xa0: {  	v1 =	vadd.s32 $0x618, v3;
	v17 =	vmul.f32 v17, v44;
	v33 =	vsub.f32 v33, v30;
	v7 =	vld.idx.msk [tilespmem:v7+s3+$0x0], $0xffff  }
0xa1: {  	v29 =	vmul.f32 v29, v44;
	v8 =	vld.idx.msk [tilespmem:v8+s3+$0x0], $0xffff  }
0xa2: {  	v14 =	vadd.s32 $0x619, v3;
	v33 =	vmul.f32 v33, v44;
	v3 =	vadd.f32 v17, v16;
	v16 =	vld [tilespmem:$0x1FE20]  }
0xa3: {  	v13 =	vmul.f32 v13, v44;
	v28 =	vadd.f32 v29, v28;
	v29 =	vadd.s32 s9, v58;
	v17 =	vld.idx.msk [tilespmem:v6+s3+$0x0], $0xffff  }
0xa4: {  	v30 =	vadd.f32 v33, v30;
	v33 =	vadd.s32 s9, v60;
	v43 =	vld.idx.msk [tilespmem:v43+s3+$0x0], $0xffff  }
0xa5: {  	v25 =	vsub.f32 v25, v24;
	v6 =	vadd.f32 v13, v18;
	v18 =	vadd.s32 s9, v55;
	v55 =	vld.idx.msk [tilespmem:v1+s3+$0x0], $0xffff  }
0xa6: {  	v45 =	vadd.s32 s9, v45;
	v4 =	vadd.s32 $0x618, v0;
	v1 =	vld [tilespmem:$0x1FD90]  }
0xa7: {  	v49 =	vadd.s32 s9, v49;
	v13 =	vmul.f32 v25, v44;
	v25 =	vld.idx.msk [tilespmem:v14+s3+$0x0], $0xffff;
	v47 =	vsub.f32 v47, v11  }
0xa8: {  	v51 =	vadd.s32 s9, v51;
	v31 =	vsub.f32 v31, v42;
	v21 =	vsub.f32 v21, v20;
	v29 =	vld.idx.msk [tilespmem:v29+s18+$0x0], $0xffff  }
0xa9: {  	v35 =	vsub.f32 v35, v32;
	v16 =	vadd.s32 s9, v16;
	v33 =	vld.idx.msk [tilespmem:v33+s18+$0x0], $0xffff;
	v47 =	vmul.f32 v47, v44  }
0xaa: {  	v40 =	vsub.f32 v40, v37;
	v21 =	vmul.f32 v21, v44;
	v14 =	vadd.f32 v13, v24;
	v13 =	vld [tilespmem:$0x1FDD0]  }
0xab: {  	v35 =	vmul.f32 v35, v44;
	v27 =	vsub.f32 v27, v26;
	v11 =	vadd.f32 v47, v11;
	v47 =	vld.idx.msk [tilespmem:v4+s3+$0x0], $0xffff  }
0xac: {  	v20 =	vadd.f32 v21, v20;
	v23 =	vsub.f32 v23, v22;
	v21 =	vadd.s32 s9, v1;
	v1 =	vld [tilespmem:$0x1FDB0]  }
0xad: {  	v48 =	vsub.f32 v48, v2;
	v31 =	vmul.f32 v31, v44;
	v27 =	vmul.f32 v27, v44;
	v18 =	vld.idx.msk [tilespmem:v18+s18+$0x0], $0xffff  }
0xae: {  	v40 =	vmul.f32 v40, v44;
	v34 =	vadd.s32 $0x1, v0;
	v23 =	vmul.f32 v23, v44;
	v16 =	vld.idx.msk [tilespmem:v16+s18+$0x0], $0xffff  }
0xaf: {  	v24 =	vadd.s32 s9, v13;
	v13 =	vadd.f32 v27, v26;
	v27 =	vsub.f32 v38, v36;
	v38 =	vld.idx.msk [tilespmem:v45+s18+$0x0], $0xffff  }
0xb0: {  	v46 =	vadd.s32 s9, v46;
	v31 =	vadd.f32 v31, v42;
	v32 =	vadd.f32 v35, v32;
	v45 =	vld.idx.msk [tilespmem:v49+s18+$0x0], $0xffff  }
0xb1: {  	v37 =	vadd.f32 v40, v37;
	v22 =	vadd.f32 v23, v22;
	v49 =	vld.idx.msk [tilespmem:v51+s18+$0x0], $0xffff  }
0xb2: {  	v48 =	vmul.f32 v48, v44;
	v43 =	vsub.f32 v43, v17;
	v51 =	vsub.f32 v52, v50;
	v52 =	vld [tilespmem:$0x1FE40]  }
0xb3: {  	v25 =	vsub.f32 v25, v55;
	v26 =	vadd.s32 s9, v56;
	v23 =	vadd.s32 s9, v1;
	v1 =	vld.idx.msk [tilespmem:v34+s3+$0x0], $0xffff  }
0xb4: {  	v2 =	vadd.f32 v48, v2;
	v5 =	vadd.s32 $0x619, v0;
	v19 =	vmul.f32 v30, v19;
	v34 =	vld.idx.msk [tilespmem:v39+s18+$0x0], $0xffff  }
0xb5: {  	v35 =	vadd.s32 $0x820, v0;
	v43 =	vmul.f32 v43, v44;
	v25 =	vmul.f32 v25, v44;
	v39 =	vld.idx.msk [tilespmem:v46+s18+$0x0], $0xffff  }
0xb6: {  	v30 =	vadd.s32 $0xE39, v0;
	v27 =	vmul.f32 v27, v44;
	v51 =	vmul.f32 v51, v44;
	v21 =	vld.idx.msk [tilespmem:v21+s18+$0x0], $0xffff  }
0xb7: {  	v17 =	vadd.f32 v43, v17;
	v43 =	vadd.s32 $0xC31, v0;
	v46 =	vsub.f32 v53, v12;
	v53 =	vld [tilespmem:$0x1FE80]  }
0xb8: {  	v25 =	vadd.f32 v25, v55;
	v55 =	vadd.s32 $0x2699, v0;
	v18 =	vmul.f32 v32, v18;
	v26 =	vld.idx.msk [tilespmem:v26+s18+$0x0], $0xffff  }
0xb9: {  	v27 =	vadd.f32 v27, v36;
	v36 =	vadd.s32 s9, v62;
	v42 =	vadd.s32 s9, v52;
	v52 =	vld [tilespmem:$0x1FEA0]  }
0xba: {  	s2 =	simm.s32 $0x3910;
	v50 =	vadd.f32 v51, v50;
	v51 =	vadd.s32 $0xA28, v0;
	v17 =	vmul.f32 v17, v33;
	v24 =	vld.idx.msk [tilespmem:v24+s18+$0x0], $0xffff  }
0xbb: {  	v33 =	vadd.s32 $0x1658, v0;
	v46 =	vmul.f32 v46, v44;
	v16 =	vmul.f32 v27, v16;
	v27 =	vld [tilespmem:s2+$0x0]  }
0xbc: {  	v15 =	vmul.f32 v15, v38;
	v22 =	vmul.f32 v22, v45;
	v45 =	vadd.s32 $0xC30, v0;
	v23 =	vld.idx.msk [tilespmem:v23+s18+$0x0], $0xffff  }
0xbd: {  	v28 =	vmul.f32 v28, v49;
	v49 =	vadd.s32 $0xE38, v0;
	v44 =	vadd.s32 s9, v53;
	v53 =	vld [tilespmem:$0x1FEE0]  }
0xbe: {  	v29 =	vmul.f32 v50, v29;
	v50 =	vadd.s32 $0x1450, v0;
	v34 =	vmul.f32 v54, v34;
	v54 =	vld [tilespmem:$0x1FF00]  }
0xbf: {  	v17 =	vadd.f32 $0.0e+00, v17;
	v12 =	vadd.f32 v46, v12;
	v46 =	vadd.s32 $0x1451, v0;
	v36 =	vld.idx.msk [tilespmem:v36+s18+$0x0], $0xffff  }
0xc0: {  	v20 =	vmul.f32 v20, v39;
	v21 =	vmul.f32 v37, v21;
	v37 =	vadd.s32 $0x1248, v0;
	v39 =	vld.idx.msk [tilespmem:v42+s18+$0x0], $0xffff  }
0xc1: {  	v40 =	vadd.s32 s9, v52;
	v2 =	vmul.f32 v2, v26;
	v11 =	vmul.f32 v11, v24;
	v24 =	vld.idx.msk [tilespmem:v0+s3+$0x0], $0xffff  }
0xc2: {  	v52 =	vadd.s32 $0x821, v0;
	v42 =	vadd.s32 $0xA29, v0;
	v26 =	vadd.s32 $0x1249, v0;
	v45 =	vld.idx.msk [tilespmem:v45+s3+$0x0], $0xffff  }
0xc3: {  	v49 =	vld.idx.msk [tilespmem:v49+s3+$0x0], $0xffff;
	v2 =	vadd.f32 $0.0e+00, v2;
	v48 =	vadd.s32 s9, v53;
	v38 =	vadd.s32 s9, v54  }
0xc4: {  	v44 =	vld.idx.msk [tilespmem:v44+s18+$0x0], $0xffff;
	v53 =	vadd.s32 $0x1040, v0;
	v54 =	vadd.s32 $0x1860, v0;
	v4 =	vmul.f32 v12, v23  }
0xc5: {  	v12 =	vadd.s32 $0x1861, v0;
	v23 =	vld.idx.msk [tilespmem:v5+s3+$0x0], $0xffff;
	v5 =	vadd.f32 $0.0e+00, v29;
	v29 =	vadd.s32 $0x1A68, v0  }
0xc6: {  	v25 =	vmul.f32 v25, v36;
	v36 =	vadd.s32 $0x1659, v0;
	v18 =	vadd.f32 v18, v2;
	v2 =	vld.idx.msk [tilespmem:v35+s3+$0x0], $0xffff  }
0xc7: {  	v40 =	vld.idx.msk [tilespmem:v40+s18+$0x0], $0xffff;
	v5 =	vadd.f32 v21, v5;
	v21 =	vadd.s32 $0x1A69, v0;
	v4 =	vadd.f32 v4, v17  }
0xc8: {  	v17 =	vadd.s32 $0x1C70, v0;
	v35 =	vld.idx.msk [tilespmem:v52+s3+$0x0], $0xffff;
	v52 =	vadd.s32 $0x1C71, v0;
	v31 =	vmul.f32 v31, v39  }
0xc9: {  	v39 =	vadd.s32 $0x1E78, v0;
	v25 =	vadd.f32 $0.0e+00, v25;
	v5 =	vadd.f32 v19, v5;
	v19 =	vld.idx.msk [tilespmem:v42+s3+$0x0], $0xffff  }
0xca: {  	v18 =	vadd.f32 v28, v18;
	v28 =	vadd.s32 $0x1E79, v0;
	v42 =	vadd.s32 $0x2080, v0;
	v48 =	vld.idx.msk [tilespmem:v48+s18+$0x0], $0xffff  }
0xcb: {  	v4 =	vadd.f32 v16, v4;
	v16 =	vadd.s32 $0x2288, v0;
	v32 =	vld.idx.msk [tilespmem:v38+s18+$0x0], $0xffff;
	v38 =	vadd.s32 $0x1041, v0  }
0xcc: {  	v25 =	vadd.f32 v11, v25;
	v11 =	vld.idx.msk [tilespmem:v51+s3+$0x0], $0xffff;
	v14 =	vmul.f32 v14, v44;
	v44 =	vadd.s32 $0x2081, v0  }
0xcd: {  	v51 =	vadd.s32 $0x2490, v0;
	v23 =	vsub.f32 v23, v47;
	v5 =	vadd.f32 v22, v5;
	v22 =	vld.idx.msk [tilespmem:v30+s3+$0x0], $0xffff  }
0xce: {  	v18 =	vadd.f32 v20, v18;
	v20 =	vadd.s32 $0x2491, v0;
	v25 =	vadd.f32 v31, v25;
	v31 =	vld.idx.msk [tilespmem:v43+s3+$0x0], $0xffff  }
0xcf: {  	v30 =	vadd.s32 $0x2698, v0;
	v43 =	vadd.s32 $0x2289, v0;
	v0 =	vld.idx.msk [tilespmem:v53+s3+$0x0], $0xffff;
	v23 =	vmul.f32 v23, v41  }
0xd0: {  	v15 =	vadd.f32 v15, v5;
	v5 =	vld.idx.msk [tilespmem:v50+s3+$0x0], $0xffff  }
0xd1: {  	v23 =	vadd.f32 v23, v47;
	v47 =	vld [tilespmem:$0x1FE10]  }
0xd2: {  	v13 =	vmul.f32 v13, v40;
	v4 =	vadd.f32 v14, v4;
	v18 =	vadd.f32 v34, v18;
	v14 =	vld.idx.msk [tilespmem:v38+s3+$0x0], $0xffff  }
0xd3: {  	v40 =	vmul.f32 v3, v48;
	v3 =	vld.idx.msk [tilespmem:v37+s3+$0x0], $0xffff  }
0xd4: {  	s10 =	simm.s32 $0x0;
	v13 =	vadd.f32 v13, v25;
	v15 =	vadd.f32 v15, v18;
	v18 =	vld.idx.msk [tilespmem:v46+s3+$0x0], $0xffff  }
0xd5: {  	v6 =	vmul.f32 v6, v32;
	v48 =	vadd.s32 s10, v58;
	v46 =	vsub.f32 v8, v7;
	v8 =	vld [tilespmem:$0x1FFA0]  }
0xd6: {  	v32 =	vand.u32 $0x1FF80, v48;
	v48 =	vsub.f32 v1, v24;
	v1 =	vld.idx.msk [tilespmem:v54+s3+$0x0], $0xffff  }
0xd7: {  	v54 =	vld [tilespmem:$0x1FDA0];
	v4 =	vadd.f32 v40, v4;
	v6 =	vadd.f32 v6, v13  }
0xd8: {  	v53 =	vadd.s32 s10, v62;
	v13 =	vld.idx.msk [tilespmem:v26+s3+$0x0], $0xffff;
	v26 =	vadd.s32 s10, v60;
	v40 =	vsub.f32 v9, v10  }
0xd9: {  	v9 =	vand.u32 $0x1FF80, v26;
	v26 =	vand.u32 $0x1FF80, v53;
	v53 =	vld [tilespmem:$0x1FD80];
	v6 =	vadd.f32 v6, v4  }
0xda: {  	v34 =	vmul.f32 v48, v41;
	v48 =	vld [tilespmem:$0x1FDE0]  }
0xdb: {  	v18 =	vsub.f32 v18, v5;
	v6 =	vadd.f32 v6, v15;
	v15 =	vld.idx.msk [tilespmem:v36+s3+$0x0], $0xffff  }
0xdc: {  	v36 =	vor.u32 v61, v9;
	v9 =	vadd.s32 s10, v8;
	v8 =	vld [tilespmem:$0x1FD90]  }
0xdd: {  	v4 =	vld.idx.msk [tilespmem:v33+s3+$0x0], $0xffff;
	v18 =	vmul.f32 v18, v41;
	v6 =	vmul.f32 v6, v27  }
0xde: {  	v33 =	vmul.f32 v46, v41;
	v46 =	vld [tilespmem:$0x1FDC0]  }
0xdf: {  	v18 =	vadd.f32 v18, v5;
	v5 =	vld [tilespmem:$0x1FEF0];
	[tilespmem:$0x1FD60] =	vst v6  }
0xe0: {  	v25 =	vadd.s32 s10, v56;
	v6 =	vld.idx.msk [tilespmem:v12+s3+$0x0], $0xffff  }
0xe1: {  	v25 =	vand.u32 $0x1FF80, v25;
	v12 =	vadd.s32 s10, v8;
	v8 =	vld [tilespmem:$0x1FDB0]  }
0xe2: {  	v25 =	vor.u32 v57, v25;
	v21 =	vld.idx.msk [tilespmem:v21+s3+$0x0], $0xffff  }
0xe3: {  	v32 =	vor.u32 v59, v32;
	v37 =	vld.idx.msk [tilespmem:v52+s3+$0x0], $0xffff  }
0xe4: {  	v39 =	vld.idx.msk [tilespmem:v39+s3+$0x0], $0xffff  }
0xe5: {  	v26 =	vor.u32 v63, v26;
	v28 =	vld.idx.msk [tilespmem:v28+s3+$0x0], $0xffff  }
0xe6: {  	v52 =	vld [tilespmem:$0x1FE00]  }
0xe7: {  	v25 =	vld.idx.msk [tilespmem:v25+s18+$0x0], $0xffff  }
0xe8: {  	v32 =	vld.idx.msk [tilespmem:v32+s18+$0x0], $0xffff  }
0xe9: {  	v36 =	vld.idx.msk [tilespmem:v36+s18+$0x0], $0xffff  }
0xea: {  	v35 =	vsub.f32 v35, v2;
	v26 =	vld.idx.msk [tilespmem:v26+s18+$0x0], $0xffff  }
0xeb: {  	v24 =	vadd.f32 v34, v24;
	v34 =	vld.idx.msk [tilespmem:v42+s3+$0x0], $0xffff  }
0xec: {  	v7 =	vadd.f32 v33, v7;
	v33 =	vmul.f32 v35, v41;
	v35 =	vld.idx.msk [tilespmem:v44+s3+$0x0], $0xffff  }
0xed: {  	v44 =	vld [tilespmem:$0x1FDF0]  }
0xee: {  	v16 =	vld.idx.msk [tilespmem:v16+s3+$0x0], $0xffff  }
0xef: {  	v43 =	vld.idx.msk [tilespmem:v43+s3+$0x0], $0xffff  }
0xf0: {  	v27 =	vadd.s32 s10, v8;
	v8 =	vld.idx.msk [tilespmem:v29+s3+$0x0], $0xffff  }
0xf1: {  	v29 =	vand.u32 $0x1FF80, v9;
	v9 =	vld [tilespmem:$0x1FDD0]  }
0xf2: {  	v20 =	vld.idx.msk [tilespmem:v20+s3+$0x0], $0xffff  }
0xf3: {  	v30 =	vld.idx.msk [tilespmem:v30+s3+$0x0], $0xffff;
	v12 =	vand.u32 $0x1FF80, v12  }
0xf4: {  	v12 =	vor.u32 v54, v12;
	v54 =	vld [tilespmem:$0x1FE40]  }
0xf5: {  	v2 =	vadd.f32 v33, v2;
	v33 =	vld.idx.msk [tilespmem:v55+s3+$0x0], $0xffff  }
0xf6: {  	v55 =	vld [tilespmem:$0x1FFD0];
	v9 =	vadd.s32 s10, v9  }
0xf7: {  	v13 =	vsub.f32 v13, v3;
	v50 =	vand.u32 $0x1FF80, v9;
	v9 =	vld.idx.msk [tilespmem:v17+s3+$0x0], $0xffff  }
0xf8: {  	v31 =	vsub.f32 v31, v45;
	v17 =	vmul.f32 v40, v41;
	v38 =	vor.u32 v48, v50;
	v50 =	vld [tilespmem:$0x1FFB0]  }
0xf9: {  	v13 =	vmul.f32 v13, v41;
	v29 =	vor.u32 v53, v29;
	v53 =	vld [tilespmem:$0x1FE20];
	v40 =	vadd.s32 s10, v54  }
0xfa: {  	v31 =	vmul.f32 v31, v41;
	v10 =	vadd.f32 v17, v10;
	v17 =	vand.u32 $0x1FF80, v40;
	v40 =	vld [tilespmem:$0x1FFE0]  }
0xfb: {  	v13 =	vadd.f32 v13, v3;
	v3 =	vld [tilespmem:$0x1FED0]  }
0xfc: {  	v31 =	vadd.f32 v31, v45;
	v45 =	vsub.f32 v6, v1;
	v6 =	vld [tilespmem:$0x1FE60];
	v27 =	vand.u32 $0x1FF80, v27  }
0xfd: {  	v27 =	vor.u32 v46, v27;
	v48 =	vadd.s32 s10, v52;
	v52 =	vld [tilespmem:$0x1FE50];
	v46 =	vadd.s32 s10, v50  }
0xfe: {  	v48 =	vand.u32 $0x1FF80, v48;
	v50 =	vadd.s32 s10, v53;
	v53 =	vld [tilespmem:$0x1FFF0];
	v46 =	vand.u32 $0x1FF80, v46  }
0xff: {  	v42 =	vor.u32 v44, v46;
	v44 =	vor.u32 v47, v48;
	v48 =	vld [tilespmem:$0x1FE30];
	v47 =	vadd.s32 s10, v40  }
0x100: {  	v12 =	vld.idx.msk [tilespmem:v12+s18+$0x0], $0xffff;
	v47 =	vand.u32 $0x1FF80, v47  }
0x101: {  	v47 =	vor.u32 v6, v47;
	v6 =	vld [tilespmem:$0x1FE70]  }
0x102: {  	v17 =	vor.u32 v52, v17;
	v52 =	vld [tilespmem:$0x1FEA0]  }
0x103: {  	v54 =	vld [tilespmem:$0x1FE80];
	v50 =	vand.u32 $0x1FF80, v50  }
0x104: {  	v19 =	vsub.f32 v19, v11;
	v29 =	vld.idx.msk [tilespmem:v29+s18+$0x0], $0xffff;
	v46 =	vor.u32 v48, v50;
	v48 =	vadd.s32 s10, v53  }
0x105: {  	v27 =	vld.idx.msk [tilespmem:v27+s18+$0x0], $0xffff;
	v48 =	vand.u32 $0x1FF80, v48  }
0x106: {  	v19 =	vmul.f32 v19, v41;
	v48 =	vor.u32 v6, v48;
	v6 =	vld [tilespmem:$0x1FE90]  }
0x107: {  	v22 =	vsub.f32 v22, v49;
	v38 =	vld.idx.msk [tilespmem:v38+s18+$0x0], $0xffff;
	v52 =	vadd.s32 s10, v52  }
0x108: {  	v11 =	vadd.f32 v19, v11;
	v14 =	vsub.f32 v14, v0;
	v19 =	vand.u32 $0x1FF80, v52;
	v52 =	vld [tilespmem:$0x1FEE0]  }
0x109: {  	v22 =	vmul.f32 v22, v41;
	v50 =	vld.idx.msk [tilespmem:v51+s3+$0x0], $0xffff;
	v51 =	vadd.s32 s10, v54  }
0x10a: {  	v14 =	vmul.f32 v14, v41;
	v54 =	vld [tilespmem:$0x1FFC0];
	v51 =	vand.u32 $0x1FF80, v51  }
0x10b: {  	v22 =	vadd.f32 v22, v49;
	v49 =	vor.u32 v6, v51;
	v6 =	vld [tilespmem:$0x1FEB0]  }
0x10c: {  	v0 =	vadd.f32 v14, v0;
	v15 =	vsub.f32 v15, v4;
	v14 =	vld.idx.msk [tilespmem:v17+s18+$0x0], $0xffff  }
0x10d: {  	v17 =	vmul.f32 v23, v26;
	v23 =	vld [tilespmem:$0x1FEC0]  }
0x10e: {  	v15 =	vmul.f32 v15, v41;
	v24 =	vmul.f32 v24, v25;
	v42 =	vld.idx.msk [tilespmem:v42+s18+$0x0], $0xffff;
	v52 =	vadd.s32 s10, v52  }
0x10f: {  	v21 =	vsub.f32 v21, v8;
	v10 =	vmul.f32 v10, v32;
	v53 =	vld [tilespmem:$0x1FF00];
	v32 =	vand.u32 $0x1FF80, v52  }
0x110: {  	s13 =	simm.s32 $0x2930;
	v44 =	vld.idx.msk [tilespmem:v44+s18+$0x0], $0xffff;
	v51 =	vadd.s32 s10, v55;
	v19 =	vor.u32 v6, v19;
	v6 =	vadd.s32 s10, v54  }
0x111: {  	v32 =	vor.u32 v5, v32;
	v51 =	vand.u32 $0x1FF80, v51;
	v25 =	vand.u32 $0x1FF80, v6;
	v6 =	vld [tilespmem:s13+$0x0]  }
0x112: {  	v3 =	vor.u32 v3, v51;
	v51 =	vld [tilespmem:$0x1FF10]  }
0x113: {  	v4 =	vadd.f32 v15, v4;
	v28 =	vsub.f32 v28, v39;
	v15 =	vmul.f32 v21, v41;
	v26 =	vld.idx.msk [tilespmem:v47+s18+$0x0], $0xffff  }
0x114: {  	v7 =	vmul.f32 v7, v36;
	v35 =	vsub.f32 v35, v34;
	v43 =	vsub.f32 v43, v16;
	v46 =	vld.idx.msk [tilespmem:v46+s18+$0x0], $0xffff  }
0x115: {  	v33 =	vsub.f32 v33, v30;
	v8 =	vadd.f32 v15, v8;
	v53 =	vadd.s32 s10, v53;
	v36 =	vld.idx.msk [tilespmem:v48+s18+$0x0], $0xffff  }
0x116: {  	v52 =	vand.u32 $0x1FF80, v53;
	v15 =	vld.idx.msk [tilespmem:v32+s18+$0x0], $0xffff;
	v23 =	vor.u32 v23, v25;
	v5 =	vtrunc.f32 v6  }
0x117: {  	v37 =	vsub.f32 v37, v9;
	v48 =	vld.idx.msk [tilespmem:v49+s18+$0x0], $0xffff;
	v47 =	vor.u32 v51, v52;
	v5 =	vcvt.f32.s32 v5  }
0x118: {  	v24 =	vadd.f32 $0.0e+00, v24;
	v7 =	vadd.f32 $0.0e+00, v7;
	v45 =	vmul.f32 v45, v41;
	v25 =	vld [tilespmem:s13+$0xFFFFFFF0]  }
0x119: {  	v35 =	vmul.f32 v35, v41;
	v21 =	vmul.f32 v37, v41;
	v49 =	vld.idx.msk [tilespmem:v3+s18+$0x0], $0xffff;
	v37 =	vadd.s32 $0x2080, v5  }
0x11a: {  	v28 =	vmul.f32 v28, v41;
	v1 =	vadd.f32 v45, v1;
	v19 =	vld.idx.msk [tilespmem:v19+s18+$0x0], $0xffff;
	v51 =	vadd.s32 $0x2081, v5  }
0x11b: {  	v34 =	vadd.f32 v35, v34;
	v20 =	vsub.f32 v20, v50;
	v23 =	vld.idx.msk [tilespmem:v23+s18+$0x0], $0xffff;
	v32 =	vadd.s32 $0x2288, v5  }
0x11c: {  	v11 =	vmul.f32 v11, v12;
	v9 =	vadd.f32 v21, v9;
	v47 =	vld.idx.msk [tilespmem:v47+s18+$0x0], $0xffff;
	v45 =	vadd.s32 $0x2289, v5  }
0x11d: {  	v21 =	vadd.f32 v28, v39;
	v20 =	vmul.f32 v20, v41;
	v28 =	vadd.s32 $0x2490, v5;
	v3 =	vld.idx.msk [tilespmem:v5+s3+$0x0], $0xffff  }
0x11e: {  	v2 =	vmul.f32 v2, v29;
	v10 =	vadd.f32 $0.0e+00, v10;
	v53 =	vadd.s32 $0x2699, v5;
	v35 =	vld.idx.msk [tilespmem:v37+s3+$0x0], $0xffff  }
0x11f: {  	v39 =	vmul.f32 v43, v41;
	v12 =	vadd.f32 v20, v50;
	v20 =	vadd.s32 $0x1860, v5;
	v51 =	vld.idx.msk [tilespmem:v51+s3+$0x0], $0xffff  }
0x120: {  	v27 =	vmul.f32 v31, v27;
	v2 =	vadd.f32 v2, v24;
	v24 =	vadd.s32 $0x1861, v5;
	v29 =	vld.idx.msk [tilespmem:v32+s3+$0x0], $0xffff  }
0x121: {  	v10 =	vadd.f32 v11, v10;
	v16 =	vadd.f32 v39, v16;
	v11 =	vadd.s32 $0x1A68, v5;
	v39 =	vld.idx.msk [tilespmem:v45+s3+$0x0], $0xffff  }
0x122: {  	v22 =	vmul.f32 v22, v38;
	v17 =	vadd.f32 $0.0e+00, v17;
	v52 =	vadd.s32 $0x1A69, v5;
	v28 =	vld.idx.msk [tilespmem:v28+s3+$0x0], $0xffff  }
0x123: {  	v33 =	vmul.f32 v33, v41;
	v7 =	vadd.f32 v27, v7;
	v27 =	vadd.s32 $0x1C70, v5;
	v32 =	vld.idx.msk [tilespmem:v53+s3+$0x0], $0xffff  }
0x124: {  	v17 =	vadd.f32 v22, v17;
	v13 =	vmul.f32 v13, v44;
	v22 =	vadd.s32 $0x1C71, v5;
	v20 =	vld.idx.msk [tilespmem:v20+s3+$0x0], $0xffff  }
0x125: {  	v4 =	vmul.f32 v4, v14;
	v18 =	vmul.f32 v18, v46;
	v14 =	vadd.s32 $0x1E79, v5;
	v24 =	vld.idx.msk [tilespmem:v24+s3+$0x0], $0xffff  }
0x126: {  	v10 =	vadd.f32 v13, v10;
	v13 =	vadd.s32 $0x1040, v5;
	v11 =	vld.idx.msk [tilespmem:v11+s3+$0x0], $0xffff  }
0x127: {  	v30 =	vadd.f32 v33, v30;
	v7 =	vadd.f32 v18, v7;
	v18 =	vadd.s32 $0x1041, v5;
	v33 =	vld.idx.msk [tilespmem:v52+s3+$0x0], $0xffff  }
0x128: {  	v37 =	vadd.s32 $0x2491, v5;
	v27 =	vld.idx.msk [tilespmem:v27+s3+$0x0], $0xffff  }
0x129: {  	v43 =	vadd.s32 $0x2698, v5;
	v22 =	vld.idx.msk [tilespmem:v22+s3+$0x0], $0xffff  }
0x12a: {  	v0 =	vmul.f32 v0, v42;
	v53 =	vadd.s32 $0x1E78, v5;
	v14 =	vld.idx.msk [tilespmem:v14+s3+$0x0], $0xffff  }
0x12b: {  	v1 =	vmul.f32 v1, v26;
	v45 =	vadd.s32 $0x1248, v5;
	v13 =	vld.idx.msk [tilespmem:v13+s3+$0x0], $0xffff  }
0x12c: {  	v2 =	vadd.f32 v0, v2;
	v8 =	vmul.f32 v8, v36;
	v0 =	vtrunc.f32 v25;
	v18 =	vld.idx.msk [tilespmem:v18+s3+$0x0], $0xffff  }
0x12d: {  	v0 =	vcvt.f32.s32 v0;
	v31 =	vld.idx.msk [tilespmem:v37+s3+$0x0], $0xffff  }
0x12e: {  	v9 =	vmul.f32 v9, v48;
	v48 =	vadd.f32 v1, v2;
	v1 =	vadd.f32 v8, v10;
	v37 =	vld.idx.msk [tilespmem:v43+s3+$0x0], $0xffff  }
0x12f: {  	v17 =	vadd.f32 v4, v17;
	v46 =	vadd.s32 $0x1249, v5;
	v26 =	vcvt.s32.f32 v0;
	v38 =	vld.idx.msk [tilespmem:v53+s3+$0x0], $0xffff  }
0x130: {  	v19 =	vmul.f32 v21, v19;
	v52 =	vld.idx.msk [tilespmem:v45+s3+$0x0], $0xffff;
	[tilespmem:$0x1FC80] =	vst v1;
	v1 =	vadd.f32 v9, v7  }
0x131: {  	v41 =	vsub.f32 v25, v26;
	v25 =	vadd.s32 $0x1450, v5  }
0x132: {  	[tilespmem:$0x1FCA0] =	vst v1;
	v1 =	vadd.f32 v19, v17  }
0x133: {  	v26 =	vadd.s32 $0x1451, v5  }
0x134: {  	v9 =	vld.idx.msk [tilespmem:v46+s3+$0x0], $0xffff;
	[tilespmem:$0x1FCC0] =	vst v1;
	v1 =	vmul.f32 v12, v15;
	_ =	sdelay $0x1  }
0x135: {  	v36 =	vadd.s32 $0x1658, v5;
	v10 =	vmul.f32 v34, v23;
	v17 =	vld.idx.msk [tilespmem:v25+s3+$0x0], $0xffff;
	[tilespmem:$0x1FCB0] =	vst v1;
	v1 =	vmul.f32 v30, v47  }
0x136: {  	v21 =	vadd.s32 $0x1659, v5  }
0x137: {  	v8 =	vadd.s32 $0x820, v5;
	v12 =	vld.idx.msk [tilespmem:v26+s3+$0x0], $0xffff;
	[tilespmem:$0x1FCD0] =	vst v1;
	v1 =	vadd.f32 v10, v48  }
0x138: {  	v2 =	vld [tilespmem:$0x1FDB0];
	v7 =	vadd.s32 $0x821, v5  }
0x139: {  	v44 =	vmul.f32 v16, v49;
	v16 =	vadd.s32 $0xA28, v5;
	[tilespmem:$0x1FCE0] =	vst v1;
	v1 =	vld [tilespmem:$0x1FFF0]  }
0x13a: {  	v15 =	vadd.s32 $0xA29, v5;
	v10 =	vld.idx.msk [tilespmem:v36+s3+$0x0], $0xffff  }
0x13b: {  	v21 =	vld.idx.msk [tilespmem:v21+s3+$0x0], $0xffff  }
0x13c: {  	v19 =	vadd.s32 $0xC30, v5;
	v36 =	vld.idx.msk [tilespmem:v8+s3+$0x0], $0xffff  }
0x13d: {  	v30 =	vadd.s32 $0xC31, v5;
	v48 =	vld.idx.msk [tilespmem:v7+s3+$0x0], $0xffff  }
0x13e: {  	v34 =	vadd.s32 $0xE38, v5;
	v16 =	vld.idx.msk [tilespmem:v16+s3+$0x0], $0xffff  }
0x13f: {  	s14 =	simm.s32 $0x3C0;
	v46 =	vadd.s32 $0x209, v5;
	v15 =	vld.idx.msk [tilespmem:v15+s3+$0x0], $0xffff  }
0x140: {  	v25 =	vcvt.s32.f32 v5;
	v49 =	vadd.s32 s14, v1;
	v1 =	vld [tilespmem:$0x1FFB0]  }
0x141: {  	v45 =	vadd.s32 $0x208, v5;
	v22 =	vsub.f32 v22, v27;
	v19 =	vld.idx.msk [tilespmem:v19+s3+$0x0], $0xffff  }
0x142: {  	v43 =	vadd.s32 $0x618, v5;
	v25 =	vsub.f32 v6, v25;
	v6 =	vsub.f32 v51, v35;
	v30 =	vld.idx.msk [tilespmem:v30+s3+$0x0], $0xffff  }
0x143: {  	v31 =	vsub.f32 v31, v28;
	v8 =	vadd.s32 $0xE39, v5;
	v7 =	vsub.f32 v39, v29;
	v34 =	vld.idx.msk [tilespmem:v34+s3+$0x0], $0xffff  }
0x144: {  	v32 =	vsub.f32 v32, v37;
	v26 =	vadd.s32 s14, v55;
	v6 =	vmul.f32 v6, v25;
	v53 =	vld.idx.msk [tilespmem:v46+s3+$0x0], $0xffff  }
0x145: {  	v31 =	vmul.f32 v31, v25;
	v7 =	vmul.f32 v7, v25;
	v51 =	vadd.s32 s14, v1;
	v1 =	vld [tilespmem:$0x1FE00]  }
0x146: {  	v32 =	vmul.f32 v32, v25;
	v35 =	vadd.f32 v6, v35;
	v6 =	vsub.f32 v24, v20;
	v46 =	vld [tilespmem:$0x1FFA0]  }
0x147: {  	v24 =	vld [tilespmem:$0x1FE40];
	v42 =	vadd.f32 v7, v29;
	v7 =	vadd.f32 v31, v28;
	v28 =	vadd.s32 $0x411, v5  }
0x148: {  	v39 =	vadd.s32 $0x1, v5;
	v55 =	vmul.f32 v6, v25;
	v31 =	vld.idx.msk [tilespmem:v8+s3+$0x0], $0xffff;
	v8 =	vsub.f32 v33, v11  }
0x149: {  	v6 =	vadd.f32 v32, v37;
	v37 =	vld.idx.msk [tilespmem:v45+s3+$0x0], $0xffff;
	v29 =	vadd.s32 $0x410, v5;
	v5 =	vadd.s32 $0x619, v5  }
0x14a: {  	v50 =	vadd.s32 $0x1, v0;
	v8 =	vmul.f32 v8, v25;
	v33 =	vadd.s32 s14, v1;
	v1 =	vld [tilespmem:$0x1FD90]  }
0x14b: {  	v22 =	vmul.f32 v22, v25;
	v20 =	vadd.f32 v55, v20;
	v55 =	vld [tilespmem:$0x1FE80]  }
0x14c: {  	v11 =	vadd.f32 v8, v11;
	v8 =	vsub.f32 v18, v13;
	v18 =	vld.idx.msk [tilespmem:v28+s3+$0x0], $0xffff  }
0x14d: {  	v28 =	vsub.f32 v9, v52;
	v9 =	vadd.f32 v22, v27;
	v27 =	vld.idx.msk [tilespmem:v43+s3+$0x0], $0xffff  }
0x14e: {  	v43 =	vld.idx.msk [tilespmem:v5+s3+$0x0], $0xffff  }
0x14f: {  	v14 =	vsub.f32 v14, v38;
	v22 =	vadd.s32 s14, v1;
	v1 =	vld.idx.msk [tilespmem:v50+s3+$0x0], $0xffff  }
0x150: {  	v23 =	vadd.s32 s14, v54;
	v47 =	vadd.s32 s14, v40;
	v39 =	vld.idx.msk [tilespmem:v39+s3+$0x0], $0xffff;
	v40 =	vmul.f32 v8, v25  }
0x151: {  	v14 =	vmul.f32 v14, v25;
	v29 =	vld.idx.msk [tilespmem:v29+s3+$0x0], $0xffff  }
0x152: {  	v13 =	vadd.f32 v40, v13;
	v40 =	vld [tilespmem:$0x1FE20]  }
0x153: {  	v8 =	vadd.f32 v14, v38;
	v38 =	vsub.f32 v43, v27;
	v43 =	vld [tilespmem:$0x1FEA0]  }
0x154: {  	[tilespmem:$0x1FC90] =	vst v1;
	v1 =	vld [tilespmem:$0x1FDD0]  }
0x155: {  	v12 =	vsub.f32 v12, v17;
	v23 =	vld.idx.msk [tilespmem:v23+s18+$0x0], $0xffff  }
0x156: {  	v4 =	vadd.s32 $0x208, v0;
	v54 =	vadd.s32 s14, v46;
	v26 =	vld.idx.msk [tilespmem:v26+s18+$0x0], $0xffff  }
0x157: {  	v32 =	vadd.s32 s14, v58;
	v12 =	vmul.f32 v12, v25;
	v21 =	vsub.f32 v21, v10;
	v47 =	vld.idx.msk [tilespmem:v47+s18+$0x0], $0xffff  }
0x158: {  	v48 =	vsub.f32 v48, v36;
	v15 =	vsub.f32 v15, v16;
	v14 =	vadd.s32 s14, v56;
	v49 =	vld.idx.msk [tilespmem:v49+s18+$0x0], $0xffff  }
0x159: {  	v12 =	vadd.f32 v12, v17;
	v17 =	vadd.s32 s14, v62;
	v30 =	vsub.f32 v30, v19;
	v51 =	vld.idx.msk [tilespmem:v51+s18+$0x0], $0xffff  }
0x15a: {  	v48 =	vmul.f32 v48, v25;
	v21 =	vmul.f32 v21, v25;
	v50 =	vadd.s32 s14, v60;
	v33 =	vld.idx.msk [tilespmem:v33+s18+$0x0], $0xffff  }
0x15b: {  	v45 =	vsub.f32 v53, v37;
	v15 =	vmul.f32 v15, v25;
	v30 =	vmul.f32 v30, v25;
	v53 =	vld.idx.msk [tilespmem:v54+s18+$0x0], $0xffff  }
0x15c: {  	v10 =	vadd.f32 v21, v10;
	v21 =	vadd.s32 s14, v2;
	v31 =	vsub.f32 v31, v34;
	v22 =	vld.idx.msk [tilespmem:v22+s18+$0x0], $0xffff  }
0x15d: {  	v15 =	vadd.f32 v15, v16;
	v39 =	vsub.f32 v39, v3;
	v28 =	vmul.f32 v28, v25;
	v14 =	vld.idx.msk [tilespmem:v14+s18+$0x0], $0xffff  }
0x15e: {  	v31 =	vmul.f32 v31, v25;
	v18 =	vsub.f32 v18, v29;
	v16 =	vadd.s32 s14, v40;
	v32 =	vld.idx.msk [tilespmem:v32+s18+$0x0], $0xffff  }
0x15f: {  	v39 =	vmul.f32 v39, v25;
	v28 =	vadd.f32 v28, v52;
	v52 =	vmul.f32 v45, v25;
	v50 =	vld.idx.msk [tilespmem:v50+s18+$0x0], $0xffff  }
0x160: {  	v18 =	vmul.f32 v18, v25;
	v25 =	vmul.f32 v38, v25;
	v38 =	vadd.s32 $0x209, v0;
	v17 =	vld.idx.msk [tilespmem:v17+s18+$0x0], $0xffff  }
0x161: {  	v3 =	vadd.f32 v39, v3;
	v39 =	vadd.s32 $0x410, v0;
	v21 =	vld.idx.msk [tilespmem:v21+s18+$0x0], $0xffff  }
0x162: {  	v18 =	vadd.f32 v18, v29;
	v29 =	vadd.s32 $0x618, v0;
	v54 =	vld [tilespmem:$0x1FF00]  }
0x163: {  	v31 =	vadd.f32 v31, v34;
	v34 =	vadd.s32 $0xE39, v0;
	v16 =	vld.idx.msk [tilespmem:v16+s18+$0x0], $0xffff  }
0x164: {  	v4 =	vld.idx.msk [tilespmem:v4+s3+$0x0], $0xffff  }
0x165: {  	v36 =	vadd.f32 v48, v36;
	v19 =	vadd.f32 v30, v19;
	v38 =	vld.idx.msk [tilespmem:v38+s3+$0x0], $0xffff;
	v48 =	vadd.s32 s14, v1  }
0x166: {  	v37 =	vadd.f32 v52, v37;
	v52 =	vadd.s32 $0x411, v0;
	v39 =	vld.idx.msk [tilespmem:v39+s3+$0x0], $0xffff;
	v23 =	vmul.f32 v35, v23  }
0x167: {  	v29 =	vld.idx.msk [tilespmem:v29+s3+$0x0], $0xffff;
	v35 =	vadd.s32 s14, v24;
	v5 =	vmul.f32 v42, v26;
	v3 =	vmul.f32 v3, v14  }
0x168: {  	v34 =	vld.idx.msk [tilespmem:v34+s3+$0x0], $0xffff;
	v26 =	vadd.s32 s14, v55;
	v20 =	vmul.f32 v20, v47;
	v18 =	vmul.f32 v18, v50  }
0x169: {  	v11 =	vmul.f32 v11, v49;
	v49 =	vld [tilespmem:$0x1FEE0];
	v36 =	vmul.f32 v36, v53;
	v3 =	vadd.f32 $0.0e+00, v3  }
0x16a: {  	v47 =	vadd.s32 s14, v43;
	v19 =	vmul.f32 v19, v21;
	v18 =	vadd.f32 $0.0e+00, v18;
	v48 =	vld.idx.msk [tilespmem:v48+s18+$0x0], $0xffff  }
0x16b: {  	v25 =	vadd.f32 v25, v27;
	v42 =	vadd.s32 s14, v54;
	v3 =	vadd.f32 v36, v3;
	v36 =	vld.idx.msk [tilespmem:v52+s3+$0x0], $0xffff  }
0x16c: {  	v28 =	vmul.f32 v28, v33;
	v33 =	vadd.s32 $0x619, v0;
	v18 =	vadd.f32 v19, v18;
	v19 =	vld.idx.msk [tilespmem:v0+s3+$0x0], $0xffff  }
0x16d: {  	v15 =	vmul.f32 v15, v22;
	v22 =	vadd.s32 $0xA28, v0;
	v32 =	vmul.f32 v37, v32;
	v27 =	vld.idx.msk [tilespmem:v35+s18+$0x0], $0xffff  }
0x16e: {  	v37 =	vadd.s32 $0xC30, v0;
	v26 =	vld.idx.msk [tilespmem:v26+s18+$0x0], $0xffff  }
0x16f: {  	v13 =	vmul.f32 v13, v51;
	v51 =	vadd.s32 $0xE38, v0;
	v32 =	vadd.f32 $0.0e+00, v32;
	v14 =	vld.idx.msk [tilespmem:v47+s18+$0x0], $0xffff  }
0x170: {  	v50 =	vld.idx.msk [tilespmem:v42+s18+$0x0], $0xffff  }
0x171: {  	v12 =	vmul.f32 v12, v16;
	v15 =	vadd.f32 v15, v32;
	v49 =	vadd.s32 s14, v49;
	v16 =	vld.idx.msk [tilespmem:v33+s3+$0x0], $0xffff  }
0x172: {  	v17 =	vmul.f32 v25, v17;
	v22 =	vld.idx.msk [tilespmem:v22+s3+$0x0], $0xffff  }
0x173: {  	v53 =	vadd.s32 $0x821, v0;
	v37 =	vld.idx.msk [tilespmem:v37+s3+$0x0], $0xffff;
	v15 =	vadd.f32 v28, v15  }
0x174: {  	s15 =	simm.s32 $0x3930;
	v17 =	vadd.f32 $0.0e+00, v17;
	v35 =	vadd.s32 $0x820, v0;
	v51 =	vld.idx.msk [tilespmem:v51+s3+$0x0], $0xffff  }
0x175: {  	v47 =	vadd.s32 $0xA29, v0;
	v28 =	vld [tilespmem:s15+$0x0];
	v11 =	vadd.f32 v11, v15;
	v31 =	vmul.f32 v31, v48  }
0x176: {  	v30 =	vadd.s32 $0xC31, v0;
	v25 =	vadd.s32 $0x1040, v0;
	v3 =	vadd.f32 v13, v3;
	v49 =	vld.idx.msk [tilespmem:v49+s18+$0x0], $0xffff  }
0x177: {  	v10 =	vmul.f32 v10, v27;
	v11 =	vadd.f32 v5, v11;
	v5 =	vld [tilespmem:$0x1FC80];
	v17 =	vadd.f32 v31, v17  }
0x178: {  	v21 =	vadd.s32 $0x1041, v0;
	v32 =	vadd.s32 $0x1450, v0;
	v12 =	vadd.f32 v12, v18;
	v18 =	vld.idx.msk [tilespmem:v53+s3+$0x0], $0xffff  }
0x179: {  	v3 =	vadd.f32 v20, v3;
	v35 =	vld.idx.msk [tilespmem:v35+s3+$0x0], $0xffff;
	v8 =	vmul.f32 v8, v14;
	v10 =	vadd.f32 v10, v17  }
0x17a: {  	v42 =	vadd.s32 $0x1248, v0;
	v33 =	vadd.s32 $0x1451, v0;
	v9 =	vmul.f32 v9, v26;
	v20 =	vld.idx.msk [tilespmem:v47+s3+$0x0], $0xffff  }
0x17b: {  	v6 =	vmul.f32 v6, v50;
	v23 =	vadd.f32 v23, v3;
	v3 =	vld.idx.msk [tilespmem:v25+s3+$0x0], $0xffff;
	v8 =	vadd.f32 v8, v10  }
0x17c: {  	v9 =	vadd.f32 v9, v12;
	v12 =	vld.idx.msk [tilespmem:v30+s3+$0x0], $0xffff;
	v7 =	vmul.f32 v7, v49;
	v5 =	vadd.f32 v44, v5  }
0x17d: {  	v31 =	vadd.s32 $0x1658, v0;
	v6 =	vadd.f32 v6, v8;
	v8 =	vld.idx.msk [tilespmem:v21+s3+$0x0], $0xffff  }
0x17e: {  	v27 =	vadd.s32 $0x1659, v0;
	v7 =	vadd.f32 v7, v9;
	[tilespmem:$0x1FCF0] =	vst v5;
	v5 =	vld [tilespmem:$0x1FC90]  }
0x17f: {  	v13 =	vadd.s32 $0x1860, v0;
	v44 =	vld.idx.msk [tilespmem:v42+s3+$0x0], $0xffff  }
0x180: {  	v26 =	vadd.s32 $0x1861, v0;
	v11 =	vadd.f32 v11, v23;
	v32 =	vld.idx.msk [tilespmem:v32+s3+$0x0], $0xffff;
	v6 =	vadd.f32 v6, v7  }
0x181: {  	v52 =	vadd.s32 $0x1249, v0;
	v33 =	vld.idx.msk [tilespmem:v33+s3+$0x0], $0xffff  }
0x182: {  	v53 =	vadd.s32 $0x1A68, v0;
	v31 =	vld.idx.msk [tilespmem:v31+s3+$0x0], $0xffff;
	v6 =	vadd.f32 v6, v11  }
0x183: {  	v27 =	vld.idx.msk [tilespmem:v27+s3+$0x0], $0xffff;
	v5 =	vsub.f32 v5, v19  }
0x184: {  	v13 =	vld.idx.msk [tilespmem:v13+s3+$0x0], $0xffff;
	v6 =	vmul.f32 v6, v28  }
0x185: {  	v26 =	vld.idx.msk [tilespmem:v26+s3+$0x0], $0xffff;
	v5 =	vmul.f32 v5, v41  }
0x186: {  	v7 =	vld.idx.msk [tilespmem:v52+s3+$0x0], $0xffff;
	[tilespmem:$0x1FD70] =	vst v6  }
0x187: {  	s9 =	simm.s32 $0x280;
	v5 =	vadd.f32 v5, v19;
	v19 =	vld.idx.msk [tilespmem:v53+s3+$0x0], $0xffff  }
0x188: {  	v53 =	vadd.s32 s9, v1;
	v1 =	vld [tilespmem:$0x1FD80];
	_ =	sdelay $0x1  }
0x189: {  	v42 =	vadd.s32 s9, v60  }
0x18a: {  	v48 =	vand.u32 $0x1FF80, v42;
	v42 =	vld [tilespmem:$0x1FD90];
	v6 =	vadd.s32 s9, v46  }
0x18b: {  	v6 =	vand.u32 $0x1FF80, v6  }
0x18c: {  	v6 =	vor.u32 v1, v6;
	v1 =	vld [tilespmem:$0x1FDA0];
	_ =	sdelay $0x2  }
0x18d: {  	v28 =	vadd.s32 s9, v42  }
0x18e: {  	v28 =	vand.u32 $0x1FF80, v28  }
0x18f: {  	v38 =	vsub.f32 v38, v4;
	v28 =	vor.u32 v1, v28;
	v1 =	vld [tilespmem:$0x1FDC0];
	_ =	sdelay $0x1  }
0x190: {  	v38 =	vmul.f32 v38, v41  }
0x191: {  	v46 =	vadd.s32 s9, v2  }
0x192: {  	v4 =	vadd.f32 v38, v4;
	v38 =	vand.u32 $0x1FF80, v46  }
0x193: {  	v36 =	vsub.f32 v36, v39;
	v38 =	vor.u32 v1, v38;
	v1 =	vld [tilespmem:$0x1FDE0];
	_ =	sdelay $0x1  }
0x194: {  	v36 =	vmul.f32 v36, v41;
	_ =	sdelay $0x1  }
0x195: {  	v36 =	vadd.f32 v36, v39;
	v39 =	vand.u32 $0x1FF80, v53  }
0x196: {  	v39 =	vor.u32 v1, v39;
	v1 =	vld [tilespmem:$0x1FFB0]  }
0x197: {  	v16 =	vsub.f32 v16, v29;
	_ =	sdelay $0x1  }
0x198: {  	v16 =	vmul.f32 v16, v41  }
0x199: {  	v48 =	vor.u32 v61, v48  }
0x19a: {  	v16 =	vadd.f32 v16, v29;
	v18 =	vsub.f32 v18, v35;
	v29 =	vadd.s32 s9, v1;
	v1 =	vld [tilespmem:$0x1FE00];
	_ =	sdelay $0x1  }
0x19b: {  	v18 =	vmul.f32 v18, v41;
	_ =	sdelay $0x1  }
0x19c: {  	v18 =	vadd.f32 v18, v35;
	v35 =	vld.idx.msk [tilespmem:v48+s18+$0x0], $0xffff  }
0x19d: {  	v48 =	vadd.s32 s9, v1;
	v1 =	vld [tilespmem:$0x1FDF0];
	_ =	sdelay $0x3  }
0x19e: {  	v29 =	vand.u32 $0x1FF80, v29  }
0x19f: {  	v29 =	vor.u32 v1, v29;
	v1 =	vld [tilespmem:$0x1FE10];
	_ =	sdelay $0x1  }
0x1a0: {  	v11 =	vadd.s32 s9, v62  }
0x1a1: {  	v11 =	vand.u32 $0x1FF80, v11  }
0x1a2: {  	v52 =	vor.u32 v63, v11;
	v48 =	vand.u32 $0x1FF80, v48  }
0x1a3: {  	v20 =	vsub.f32 v20, v22;
	v48 =	vor.u32 v1, v48;
	v1 =	vld [tilespmem:$0x1FE30];
	_ =	sdelay $0x1  }
0x1a4: {  	v50 =	vadd.s32 $0x2288, v0;
	v20 =	vmul.f32 v20, v41  }
0x1a5: {  	v40 =	vadd.s32 s9, v40;
	v54 =	vadd.s32 $0x2289, v0;
	v12 =	vsub.f32 v12, v37  }
0x1a6: {  	v10 =	vadd.s32 $0x2081, v0;
	v20 =	vadd.f32 v20, v22;
	v22 =	vld.idx.msk [tilespmem:v52+s18+$0x0], $0xffff;
	v52 =	vand.u32 $0x1FF80, v40  }
0x1a7: {  	v12 =	vmul.f32 v12, v41;
	v52 =	vor.u32 v1, v52;
	v1 =	vld [tilespmem:$0x1FE50];
	_ =	sdelay $0x1  }
0x1a8: {  	v25 =	vadd.s32 s9, v56;
	v12 =	vadd.f32 v12, v37;
	v37 =	vld.idx.msk [tilespmem:v50+s3+$0x0], $0xffff  }
0x1a9: {  	v25 =	vand.u32 $0x1FF80, v25;
	v46 =	vadd.s32 s9, v24;
	v50 =	vld.idx.msk [tilespmem:v54+s3+$0x0], $0xffff  }
0x1aa: {  	v25 =	vor.u32 v57, v25;
	v53 =	vld.idx.msk [tilespmem:v10+s3+$0x0], $0xffff;
	v10 =	vand.u32 $0x1FF80, v46  }
0x1ab: {  	v54 =	vor.u32 v1, v10;
	v1 =	vld [tilespmem:$0x1FFE0];
	_ =	sdelay $0x3  }
0x1ac: {  	v25 =	vld.idx.msk [tilespmem:v25+s18+$0x0], $0xffff  }
0x1ad: {  	v10 =	vadd.s32 s9, v1;
	v1 =	vld [tilespmem:$0x1FFF0]  }
0x1ae: {  	v17 =	vadd.s32 $0x1A69, v0  }
0x1af: {  	v14 =	vadd.s32 $0x1C70, v0;
	v23 =	vadd.s32 s9, v58  }
0x1b0: {  	v47 =	vadd.s32 $0x1C71, v0;
	v23 =	vand.u32 $0x1FF80, v23  }
0x1b1: {  	v23 =	vor.u32 v59, v23;
	v11 =	vld [tilespmem:$0x1FFC0]  }
0x1b2: {  	v34 =	vsub.f32 v34, v51;
	v5 =	vmul.f32 v5, v25;
	v25 =	vadd.s32 s9, v1;
	v1 =	vld [tilespmem:$0x1FE60]  }
0x1b3: {  	v45 =	vadd.s32 $0x2490, v0;
	v30 =	vadd.s32 $0x2080, v0;
	v17 =	vld.idx.msk [tilespmem:v17+s3+$0x0], $0xffff  }
0x1b4: {  	v15 =	vadd.s32 $0x1E78, v0;
	v34 =	vmul.f32 v34, v41;
	v21 =	vadd.s32 $0x2698, v0;
	v14 =	vld.idx.msk [tilespmem:v14+s3+$0x0], $0xffff  }
0x1b5: {  	v49 =	vadd.s32 $0x1E79, v0;
	v9 =	vadd.s32 $0x2491, v0;
	v0 =	vadd.s32 $0x2699, v0;
	v47 =	vld.idx.msk [tilespmem:v47+s3+$0x0], $0xffff  }
0x1b6: {  	v34 =	vadd.f32 v34, v51;
	v51 =	vadd.s32 s9, v43;
	v23 =	vld.idx.msk [tilespmem:v23+s18+$0x0], $0xffff;
	v10 =	vand.u32 $0x1FF80, v10  }
0x1b7: {  	v35 =	vmul.f32 v36, v35;
	v36 =	vand.u32 $0x1FF80, v51;
	v51 =	vor.u32 v1, v10;
	v1 =	vld [tilespmem:$0x1FE70]  }
0x1b8: {  	v30 =	vld.idx.msk [tilespmem:v30+s3+$0x0], $0xffff  }
0x1b9: {  	v21 =	vld.idx.msk [tilespmem:v21+s3+$0x0], $0xffff  }
0x1ba: {  	s10 =	simm.s32 $0x2950;
	v27 =	vsub.f32 v27, v31;
	v0 =	vld.idx.msk [tilespmem:v0+s3+$0x0], $0xffff  }
0x1bb: {  	v26 =	vsub.f32 v26, v13;
	v40 =	vld [tilespmem:s10+$0x0];
	v25 =	vand.u32 $0x1FF80, v25  }
0x1bc: {  	v7 =	vsub.f32 v7, v44;
	v27 =	vmul.f32 v27, v41;
	v25 =	vor.u32 v1, v25;
	v1 =	vld [tilespmem:$0x1FE90]  }
0x1bd: {  	v26 =	vmul.f32 v26, v41;
	v24 =	vld.idx.msk [tilespmem:v45+s3+$0x0], $0xffff  }
0x1be: {  	v9 =	vld.idx.msk [tilespmem:v9+s3+$0x0], $0xffff;
	v7 =	vmul.f32 v7, v41;
	v27 =	vadd.f32 v27, v31  }
0x1bf: {  	v15 =	vld.idx.msk [tilespmem:v15+s3+$0x0], $0xffff;
	v26 =	vadd.f32 v26, v13;
	v4 =	vmul.f32 v4, v23;
	v23 =	vadd.s32 s9, v55  }
0x1c0: {  	v49 =	vld.idx.msk [tilespmem:v49+s3+$0x0], $0xffff;
	v17 =	vsub.f32 v17, v19;
	v23 =	vand.u32 $0x1FF80, v23;
	v13 =	vtrunc.f32 v40  }
0x1c1: {  	v0 =	vsub.f32 v0, v21;
	v13 =	vcvt.f32.s32 v13;
	v23 =	vor.u32 v1, v23;
	v1 =	vld [tilespmem:$0x1FEB0]  }
0x1c2: {  	v31 =	vld [tilespmem:s10+$0xFFFFFFF0];
	v2 =	vadd.f32 v7, v44;
	v53 =	vsub.f32 v53, v30;
	v17 =	vmul.f32 v17, v41  }
0x1c3: {  	v46 =	vld [tilespmem:$0x1FCB0];
	v47 =	vsub.f32 v47, v14;
	v9 =	vsub.f32 v9, v24;
	v0 =	vmul.f32 v0, v41  }
0x1c4: {  	v44 =	vld [tilespmem:$0x1FCD0];
	v17 =	vadd.f32 v17, v19;
	v19 =	vmul.f32 v53, v41;
	v53 =	vadd.s32 $0x2080, v13  }
0x1c5: {  	v16 =	vmul.f32 v16, v22;
	v22 =	vsub.f32 v49, v15;
	v6 =	vld.idx.msk [tilespmem:v6+s18+$0x0], $0xffff;
	v43 =	vadd.s32 $0x2288, v13  }
0x1c6: {  	v47 =	vmul.f32 v47, v41;
	v0 =	vadd.f32 v0, v21;
	v36 =	vor.u32 v1, v36;
	v1 =	vld [tilespmem:$0x1FEE0]  }
0x1c7: {  	v21 =	vadd.s32 $0x1A69, v13;
	v19 =	vadd.f32 v19, v30;
	v30 =	vmul.f32 v9, v41;
	v9 =	vld.idx.msk [tilespmem:v13+s3+$0x0], $0xffff  }
0x1c8: {  	v50 =	vsub.f32 v50, v37;
	v22 =	vmul.f32 v22, v41;
	v28 =	vld.idx.msk [tilespmem:v28+s18+$0x0], $0xffff  }
0x1c9: {  	v8 =	vsub.f32 v8, v3;
	v14 =	vadd.f32 v47, v14;
	v47 =	vadd.s32 $0x2081, v13;
	v45 =	vld.idx.msk [tilespmem:v53+s3+$0x0], $0xffff  }
0x1ca: {  	v15 =	vadd.f32 v22, v15;
	v22 =	vmul.f32 v50, v41;
	v24 =	vadd.f32 v30, v24;
	v30 =	vld.idx.msk [tilespmem:v43+s3+$0x0], $0xffff  }
0x1cb: {  	v8 =	vmul.f32 v8, v41;
	v55 =	vadd.s32 s9, v1;
	v1 =	vld [tilespmem:$0x1FEC0]  }
0x1cc: {  	v6 =	vmul.f32 v18, v6;
	v18 =	vadd.f32 v22, v37;
	v22 =	vadd.s32 $0x2490, v13;
	v21 =	vld.idx.msk [tilespmem:v21+s3+$0x0], $0xffff  }
0x1cd: {  	v38 =	vld.idx.msk [tilespmem:v38+s18+$0x0], $0xffff  }
0x1ce: {  	v3 =	vadd.f32 v8, v3;
	v8 =	vadd.s32 s9, v11;
	v10 =	vld [tilespmem:$0x1FFD0]  }
0x1cf: {  	v8 =	vand.u32 $0x1FF80, v8;
	v4 =	vadd.f32 $0.0e+00, v4;
	v20 =	vmul.f32 v20, v28;
	v28 =	vld.idx.msk [tilespmem:v47+s3+$0x0], $0xffff  }
0x1d0: {  	v8 =	vor.u32 v1, v8;
	v1 =	vld [tilespmem:$0x1FED0]  }
0x1d1: {  	v22 =	vld.idx.msk [tilespmem:v22+s3+$0x0], $0xffff;
	v4 =	vadd.f32 v20, v4;
	v20 =	vadd.s32 $0x1A68, v13  }
0x1d2: {  	v47 =	vadd.s32 $0x2698, v13;
	v39 =	vld.idx.msk [tilespmem:v39+s18+$0x0], $0xffff  }
0x1d3: {  	v35 =	vadd.f32 $0.0e+00, v35;
	v49 =	vld.idx.msk [tilespmem:v52+s18+$0x0], $0xffff;
	v7 =	vadd.s32 s9, v10  }
0x1d4: {  	v12 =	vmul.f32 v12, v38;
	v52 =	vld.idx.msk [tilespmem:v54+s18+$0x0], $0xffff;
	v54 =	vadd.s32 $0x2289, v13;
	v7 =	vand.u32 $0x1FF80, v7  }
0x1d5: {  	v33 =	vsub.f32 v33, v32;
	v7 =	vor.u32 v1, v7;
	v1 =	vld [tilespmem:$0x1FEF0]  }
0x1d6: {  	v12 =	vadd.f32 v12, v35;
	v35 =	vadd.s32 $0x1C70, v13;
	v20 =	vld.idx.msk [tilespmem:v20+s3+$0x0], $0xffff  }
0x1d7: {  	v33 =	vmul.f32 v33, v41;
	v34 =	vmul.f32 v34, v39;
	v39 =	vld.idx.msk [tilespmem:v47+s3+$0x0], $0xffff  }
0x1d8: {  	v29 =	vld.idx.msk [tilespmem:v29+s18+$0x0], $0xffff  }
0x1d9: {  	v32 =	vadd.f32 v33, v32;
	v50 =	vld.idx.msk [tilespmem:v54+s3+$0x0], $0xffff;
	v54 =	vadd.s32 $0x1861, v13;
	v33 =	vand.u32 $0x1FF80, v55  }
0x1da: {  	v33 =	vor.u32 v1, v33;
	v1 =	vld [tilespmem:$0x1FCA0]  }
0x1db: {  	v35 =	vld.idx.msk [tilespmem:v35+s3+$0x0], $0xffff  }
0x1dc: {  	v48 =	vld.idx.msk [tilespmem:v48+s18+$0x0], $0xffff  }
0x1dd: {  	v3 =	vmul.f32 v3, v29;
	v29 =	vld [tilespmem:$0x1FCF0]  }
0x1de: {  	v53 =	vmov v42;
	v42 =	vld.idx.msk [tilespmem:v54+s3+$0x0], $0xffff;
	v55 =	vadd.s32 $0x2699, v13  }
0x1df: {  	v37 =	vadd.f32 v46, v1;
	v1 =	vld [tilespmem:$0x1FCC0]  }
0x1e0: {  	v27 =	vmul.f32 v27, v52;
	v52 =	vsub.f32 v50, v30;
	v50 =	vld [tilespmem:$0x1FFA0]  }
0x1e1: {  	v51 =	vld.idx.msk [tilespmem:v51+s18+$0x0], $0xffff  }
0x1e2: {  	v5 =	vadd.f32 $0.0e+00, v5;
	v25 =	vld.idx.msk [tilespmem:v25+s18+$0x0], $0xffff  }
0x1e3: {  	v41 =	vld.idx.msk [tilespmem:v55+s3+$0x0], $0xffff  }
0x1e4: {  	v5 =	vadd.f32 v6, v5;
	v6 =	vadd.s32 $0x1860, v13;
	v38 =	vadd.f32 v44, v1;
	v1 =	vld [tilespmem:$0x1FCE0]  }
0x1e5: {  	v55 =	vmul.f32 v2, v48;
	v48 =	vadd.s32 $0x1E78, v13;
	v7 =	vld.idx.msk [tilespmem:v7+s18+$0x0], $0xffff  }
0x1e6: {  	v16 =	vadd.f32 $0.0e+00, v16;
	v23 =	vld.idx.msk [tilespmem:v23+s18+$0x0], $0xffff  }
0x1e7: {  	v36 =	vld.idx.msk [tilespmem:v36+s18+$0x0], $0xffff  }
0x1e8: {  	v16 =	vadd.f32 v34, v16;
	v3 =	vadd.f32 v3, v5;
	v8 =	vld.idx.msk [tilespmem:v8+s18+$0x0], $0xffff;
	v46 =	vadd.s32 $0x2491, v13  }
0x1e9: {  	v5 =	vadd.s32 $0x1E79, v13;
	v1 =	vadd.f32 v29, v1;
	v29 =	vld.idx.msk [tilespmem:v6+s3+$0x0], $0xffff;
	v6 =	vadd.s32 $0x1C71, v13  }
0x1ea: {  	v43 =	vld.idx.msk [tilespmem:v48+s3+$0x0], $0xffff;
	v7 =	vmul.f32 v18, v7;
	v18 =	vcvt.s32.f32 v13;
	v37 =	vadd.f32 v38, v37  }
0x1eb: {  	v54 =	vadd.s32 $0x1041, v13;
	v2 =	vtrunc.f32 v31;
	v4 =	vadd.f32 v55, v4;
	v33 =	vld.idx.msk [tilespmem:v33+s18+$0x0], $0xffff  }
0x1ec: {  	v55 =	vadd.s32 $0x1248, v13;
	v18 =	vsub.f32 v40, v18;
	v40 =	vld [tilespmem:$0x1FFF0];
	v1 =	vadd.f32 v37, v1  }
0x1ed: {  	v16 =	vadd.f32 v27, v16;
	v27 =	vadd.s32 $0x1249, v13;
	v2 =	vcvt.f32.s32 v2;
	v44 =	vld.idx.msk [tilespmem:v46+s3+$0x0], $0xffff  }
0x1ee: {  	v32 =	vmul.f32 v32, v49;
	v49 =	vadd.s32 $0x1040, v13;
	v34 =	vld.idx.msk [tilespmem:v6+s3+$0x0], $0xffff;
	[tilespmem:$0x1FD00] =	vst v1  }
0x1ef: {  	v17 =	vmul.f32 v17, v25;
	v6 =	vcvt.s32.f32 v2;
	v37 =	vld.idx.msk [tilespmem:v5+s3+$0x0], $0xffff  }
0x1f0: {  	v12 =	vadd.f32 v32, v12;
	v15 =	vmul.f32 v15, v36;
	v1 =	vmul.f32 v26, v51;
	v25 =	vld.idx.msk [tilespmem:v54+s3+$0x0], $0xffff  }
0x1f1: {  	v14 =	vmul.f32 v14, v23;
	v26 =	vadd.s32 $0x1450, v13;
	v23 =	vld.idx.msk [tilespmem:v55+s3+$0x0], $0xffff;
	v5 =	vsub.f32 v31, v6  }
0x1f2: {  	v48 =	vadd.s32 $0x1451, v13;
	v27 =	vld.idx.msk [tilespmem:v27+s3+$0x0], $0xffff;
	v6 =	vadd.f32 v1, v3;
	v3 =	vadd.f32 v15, v16  }
0x1f3: {  	v31 =	vld.idx.msk [tilespmem:v49+s3+$0x0], $0xffff;
	v1 =	vadd.f32 v14, v12  }
0x1f4: {  	s13 =	simm.s32 $0x640;
	v49 =	vadd.s32 $0x1658, v13;
	[tilespmem:$0x1FD10] =	vst v3;
	v3 =	vld [tilespmem:$0x1FDB0]  }
0x1f5: {  	v51 =	vadd.s32 $0x1659, v13;
	[tilespmem:$0x1FD40] =	vst v1;
	v1 =	vmul.f32 v24, v33;
	v33 =	vadd.s32 s13, v11;
	v11 =	vld [tilespmem:$0x1FE80]  }
0x1f6: {  	v4 =	vadd.f32 v17, v4;
	v17 =	vadd.s32 $0x820, v13;
	v14 =	vld.idx.msk [tilespmem:v26+s3+$0x0], $0xffff  }
0x1f7: {  	v12 =	vadd.s32 $0x821, v13;
	v16 =	vld.idx.msk [tilespmem:v48+s3+$0x0], $0xffff  }
0x1f8: {  	v15 =	vadd.s32 $0xA28, v13;
	[tilespmem:$0x1FD50] =	vst v1;
	v1 =	vld [tilespmem:$0x1FFE0]  }
0x1f9: {  	v8 =	vmul.f32 v19, v8;
	v19 =	vadd.s32 $0xA29, v13;
	v24 =	vld.idx.msk [tilespmem:v49+s3+$0x0], $0xffff  }
0x1fa: {  	v36 =	vadd.s32 s13, v10;
	v10 =	vsub.f32 v28, v45;
	v28 =	vadd.s32 $0xC31, v13;
	v32 =	vld.idx.msk [tilespmem:v51+s3+$0x0], $0xffff  }
0x1fb: {  	v38 =	vadd.s32 $0xE38, v13;
	v17 =	vld.idx.msk [tilespmem:v17+s3+$0x0], $0xffff  }
0x1fc: {  	v42 =	vsub.f32 v42, v29;
	v55 =	vadd.s32 $0x209, v13;
	v47 =	vld.idx.msk [tilespmem:v12+s3+$0x0], $0xffff  }
0x1fd: {  	v15 =	vld.idx.msk [tilespmem:v15+s3+$0x0], $0xffff  }
0x1fe: {  	v42 =	vmul.f32 v42, v18;
	v19 =	vld.idx.msk [tilespmem:v19+s3+$0x0], $0xffff  }
0x1ff: {  	v46 =	vmul.f32 v52, v18;
	v28 =	vld.idx.msk [tilespmem:v28+s3+$0x0], $0xffff  }
0x200: {  	v21 =	vsub.f32 v21, v20;
	v29 =	vadd.f32 v42, v29;
	v42 =	vadd.s32 $0x618, v13;
	v38 =	vld.idx.msk [tilespmem:v38+s3+$0x0], $0xffff  }
0x201: {  	v41 =	vsub.f32 v41, v39;
	v10 =	vmul.f32 v10, v18;
	v30 =	vadd.f32 v46, v30;
	v46 =	vld.idx.msk [tilespmem:v55+s3+$0x0], $0xffff  }
0x202: {  	v21 =	vmul.f32 v21, v18;
	v26 =	vadd.s32 $0xC30, v13;
	v49 =	vld [tilespmem:$0x1FE00]  }
0x203: {  	v41 =	vmul.f32 v41, v18;
	v45 =	vadd.f32 v10, v45;
	v48 =	vadd.s32 $0xE39, v13;
	v36 =	vld.idx.msk [tilespmem:v36+s18+$0x0], $0xffff  }
0x204: {  	v20 =	vadd.f32 v21, v20;
	v54 =	vadd.s32 $0x208, v13;
	v12 =	vsub.f32 v44, v22;
	v51 =	vld [tilespmem:$0x1FE20]  }
0x205: {  	v52 =	vadd.s32 $0x411, v13;
	v34 =	vsub.f32 v34, v35;
	v37 =	vsub.f32 v37, v43;
	v42 =	vld.idx.msk [tilespmem:v42+s3+$0x0], $0xffff  }
0x206: {  	v27 =	vsub.f32 v27, v23;
	v44 =	vadd.s32 $0x1, v13;
	v10 =	vmul.f32 v12, v18;
	v33 =	vld.idx.msk [tilespmem:v33+s18+$0x0], $0xffff  }
0x207: {  	v34 =	vmul.f32 v34, v18;
	v25 =	vsub.f32 v25, v31;
	v37 =	vmul.f32 v37, v18;
	v26 =	vld.idx.msk [tilespmem:v26+s3+$0x0], $0xffff  }
0x208: {  	v12 =	vadd.f32 v10, v22;
	v22 =	vadd.s32 $0x410, v13;
	v10 =	vadd.f32 v41, v39;
	v41 =	vld.idx.msk [tilespmem:v48+s3+$0x0], $0xffff  }
0x209: {  	v27 =	vmul.f32 v27, v18;
	v34 =	vadd.f32 v34, v35;
	v48 =	vld.idx.msk [tilespmem:v54+s3+$0x0], $0xffff;
	v13 =	vadd.s32 $0x619, v13  }
0x20a: {  	v35 =	vadd.s32 s13, v40;
	v25 =	vmul.f32 v25, v18;
	v16 =	vsub.f32 v16, v14;
	v39 =	vld.idx.msk [tilespmem:v52+s3+$0x0], $0xffff  }
0x20b: {  	v23 =	vadd.f32 v27, v23;
	v27 =	vadd.s32 s13, v50;
	v21 =	vadd.s32 s13, v1;
	v52 =	vld [tilespmem:$0x1FFB0]  }
0x20c: {  	v25 =	vadd.f32 v25, v31;
	v44 =	vld.idx.msk [tilespmem:v44+s3+$0x0], $0xffff;
	v32 =	vsub.f32 v32, v24;
	v16 =	vmul.f32 v16, v18  }
0x20d: {  	v47 =	vsub.f32 v47, v17;
	v31 =	vadd.s32 s13, v49;
	v19 =	vsub.f32 v19, v15;
	v22 =	vld.idx.msk [tilespmem:v22+s3+$0x0], $0xffff  }
0x20e: {  	v30 =	vmul.f32 v30, v36;
	v36 =	vadd.s32 s13, v3;
	v14 =	vadd.f32 v16, v14;
	v13 =	vld.idx.msk [tilespmem:v13+s3+$0x0], $0xffff  }
0x20f: {  	v1 =	vld [tilespmem:$0x1FEE0];
	v16 =	vadd.s32 s13, v53;
	v32 =	vmul.f32 v32, v18;
	v47 =	vmul.f32 v47, v18  }
0x210: {  	v19 =	vmul.f32 v19, v18;
	v35 =	vld.idx.msk [tilespmem:v35+s18+$0x0], $0xffff;
	v33 =	vmul.f32 v45, v33;
	v28 =	vsub.f32 v28, v26  }
0x211: {  	v27 =	vld.idx.msk [tilespmem:v27+s18+$0x0], $0xffff;
	v54 =	vadd.s32 s13, v52;
	v41 =	vsub.f32 v41, v38;
	v46 =	vsub.f32 v46, v48  }
0x212: {  	v21 =	vld.idx.msk [tilespmem:v21+s18+$0x0], $0xffff;
	v24 =	vadd.f32 v32, v24;
	v44 =	vsub.f32 v44, v9;
	v28 =	vmul.f32 v28, v18  }
0x213: {  	v31 =	vld.idx.msk [tilespmem:v31+s18+$0x0], $0xffff;
	v41 =	vmul.f32 v41, v18;
	v39 =	vsub.f32 v39, v22;
	v13 =	vsub.f32 v13, v42  }
0x214: {  	v32 =	vadd.s32 s13, v56;
	v36 =	vld.idx.msk [tilespmem:v36+s18+$0x0], $0xffff;
	v46 =	vmul.f32 v46, v18;
	v44 =	vmul.f32 v44, v18  }
0x215: {  	v16 =	vld.idx.msk [tilespmem:v16+s18+$0x0], $0xffff;
	v39 =	vmul.f32 v39, v18;
	v13 =	vmul.f32 v13, v18;
	v18 =	vadd.s32 s13, v58  }
0x216: {  	v15 =	vadd.f32 v19, v15;
	v19 =	vadd.s32 s13, v60;
	v45 =	vadd.f32 v46, v48;
	v48 =	vld [tilespmem:$0x1FDD0]  }
0x217: {  	v37 =	vadd.f32 v37, v43;
	v43 =	vld.idx.msk [tilespmem:v54+s18+$0x0], $0xffff;
	v9 =	vadd.f32 v44, v9;
	v44 =	vadd.s32 s13, v62  }
0x218: {  	v4 =	vadd.f32 v7, v4;
	v54 =	vld [tilespmem:$0x1FF00]  }
0x219: {  	v7 =	vadd.s32 $0x2080, v2;
	v17 =	vadd.f32 v47, v17;
	v47 =	vadd.s32 $0x821, v2;
	v32 =	vld.idx.msk [tilespmem:v32+s18+$0x0], $0xffff  }
0x21a: {  	v20 =	vmul.f32 v20, v35;
	v26 =	vadd.f32 v28, v26;
	v28 =	vadd.s32 $0x411, v2;
	v18 =	vld.idx.msk [tilespmem:v18+s18+$0x0], $0xffff  }
0x21b: {  	v17 =	vmul.f32 v17, v27;
	v27 =	vadd.s32 $0x208, v2;
	v38 =	vadd.f32 v41, v38;
	v19 =	vld.idx.msk [tilespmem:v19+s18+$0x0], $0xffff  }
0x21c: {  	v21 =	vmul.f32 v29, v21;
	v26 =	vmul.f32 v26, v36;
	v13 =	vadd.f32 v13, v42;
	v42 =	vld.idx.msk [tilespmem:v44+s18+$0x0], $0xffff  }
0x21d: {  	v36 =	vadd.s32 s13, v1;
	v15 =	vmul.f32 v15, v16;
	v55 =	vadd.s32 s9, v54;
	v44 =	vld [tilespmem:$0x1FE40]  }
0x21e: {  	v16 =	vadd.s32 $0x209, v2;
	v22 =	vadd.f32 v39, v22;
	v39 =	vand.u32 $0x1FF80, v55;
	v55 =	vld [tilespmem:$0x1FF10]  }
0x21f: {  	v29 =	vadd.s32 s13, v48;
	v9 =	vmul.f32 v9, v32;
	v18 =	vmul.f32 v45, v18;
	v45 =	vld [tilespmem:$0x1FEA0]  }
0x220: {  	v23 =	vmul.f32 v23, v31;
	v28 =	vld.idx.msk [tilespmem:v28+s3+$0x0], $0xffff;
	v25 =	vmul.f32 v25, v43;
	v43 =	vadd.s32 $0x410, v2  }
0x221: {  	v27 =	vld.idx.msk [tilespmem:v27+s3+$0x0], $0xffff;
	v19 =	vmul.f32 v22, v19;
	v22 =	vadd.s32 s13, v11;
	v9 =	vadd.f32 $0.0e+00, v9  }
0x222: {  	v31 =	vadd.s32 $0x1, v2;
	v46 =	vadd.s32 s13, v54;
	v36 =	vld.idx.msk [tilespmem:v36+s18+$0x0], $0xffff;
	v32 =	vadd.s32 s13, v44  }
0x223: {  	v16 =	vld.idx.msk [tilespmem:v16+s3+$0x0], $0xffff;
	v9 =	vadd.f32 v17, v9;
	v35 =	vor.u32 v55, v39;
	v39 =	vadd.s32 s13, v51  }
0x224: {  	v19 =	vadd.f32 $0.0e+00, v19;
	v29 =	vld.idx.msk [tilespmem:v29+s18+$0x0], $0xffff;
	v17 =	vadd.s32 $0x619, v2;
	v41 =	vadd.s32 s13, v45  }
0x225: {  	v13 =	vmul.f32 v13, v42;
	v42 =	vadd.s32 $0x618, v2;
	v43 =	vld.idx.msk [tilespmem:v43+s3+$0x0], $0xffff;
	v9 =	vadd.f32 v25, v9  }
0x226: {  	v19 =	vadd.f32 v26, v19;
	v26 =	vadd.s32 $0xA28, v2;
	v22 =	vld.idx.msk [tilespmem:v22+s18+$0x0], $0xffff;
	v25 =	vadd.s32 $0xC31, v2  }
0x227: {  	v12 =	vmul.f32 v12, v36;
	v36 =	vadd.s32 $0x1451, v2;
	v9 =	vadd.f32 v21, v9;
	v32 =	vld.idx.msk [tilespmem:v32+s18+$0x0], $0xffff  }
0x228: {  	v13 =	vadd.f32 $0.0e+00, v13;
	v21 =	vadd.s32 $0x1249, v2;
	v16 =	vsub.f32 v16, v27;
	v39 =	vld.idx.msk [tilespmem:v39+s18+$0x0], $0xffff  }
0x229: {  	v18 =	vadd.f32 $0.0e+00, v18;
	v29 =	vmul.f32 v38, v29;
	v9 =	vadd.f32 v33, v9;
	v41 =	vld.idx.msk [tilespmem:v41+s18+$0x0], $0xffff  }
0x22a: {  	v38 =	vld.idx.msk [tilespmem:v46+s18+$0x0], $0xffff;
	v33 =	vadd.s32 $0x1860, v2;
	v16 =	vmul.f32 v16, v5;
	v28 =	vsub.f32 v28, v43  }
0x22b: {  	v35 =	vld.idx.msk [tilespmem:v35+s18+$0x0], $0xffff;
	v15 =	vadd.f32 v15, v18;
	v18 =	vadd.s32 $0x820, v2;
	v13 =	vadd.f32 v29, v13  }
0x22c: {  	v29 =	vadd.s32 $0xA29, v2;
	v22 =	vmul.f32 v34, v22;
	v24 =	vmul.f32 v24, v32  }
0x22d: {  	v31 =	vld.idx.msk [tilespmem:v31+s3+$0x0], $0xffff;
	v34 =	vadd.s32 $0xE39, v2;
	v16 =	vadd.f32 v16, v27;
	v14 =	vmul.f32 v14, v39  }
0x22e: {  	s16 =	simm.s32 $0x500;
	v17 =	vld.idx.msk [tilespmem:v17+s3+$0x0], $0xffff;
	v15 =	vadd.f32 v23, v15;
	v13 =	vadd.f32 v24, v13;
	v37 =	vmul.f32 v37, v41  }
0x22f: {  	v42 =	vld.idx.msk [tilespmem:v42+s3+$0x0], $0xffff;
	v27 =	vadd.s32 s16, v60;
	v10 =	vmul.f32 v10, v38;
	v14 =	vadd.f32 v14, v19  }
0x230: {  	v38 =	vld.idx.msk [tilespmem:v2+s3+$0x0], $0xffff;
	v15 =	vadd.f32 v20, v15;
	v0 =	vmul.f32 v0, v35;
	v13 =	vadd.f32 v37, v13  }
0x231: {  	s17 =	simm.s32 $0x3950;
	v28 =	vmul.f32 v28, v5;
	v32 =	vadd.s32 $0xC30, v2;
	v18 =	vld.idx.msk [tilespmem:v18+s3+$0x0], $0xffff;
	v14 =	vadd.f32 v22, v14  }
0x232: {  	v60 =	vadd.s32 $0x2081, v2;
	v15 =	vadd.f32 v30, v15;
	v10 =	vadd.f32 v10, v13;
	v13 =	vld [tilespmem:s17+$0x0];
	[tilespmem:$0x1FD20] =	vst v0  }
0x233: {  	v23 =	vadd.s32 $0xE38, v2;
	v28 =	vadd.f32 v28, v43;
	v12 =	vadd.f32 v12, v14;
	v0 =	vld.idx.msk [tilespmem:v47+s3+$0x0], $0xffff  }
0x234: {  	v27 =	vand.u32 $0x1FF80, v27;
	v9 =	vadd.f32 v15, v9;
	v26 =	vld.idx.msk [tilespmem:v26+s3+$0x0], $0xffff;
	v47 =	vadd.f32 v8, v6  }
0x235: {  	v27 =	vor.u32 v61, v27;
	v8 =	vld.idx.msk [tilespmem:v29+s3+$0x0], $0xffff;
	v10 =	vadd.f32 v10, v12;
	v12 =	vsub.f32 v31, v38  }
0x236: {  	v20 =	vadd.s32 $0x1450, v2;
	v17 =	vsub.f32 v17, v42;
	v35 =	vadd.s32 $0x1A69, v2;
	v29 =	vld.idx.msk [tilespmem:v32+s3+$0x0], $0xffff;
	[tilespmem:$0x1FD30] =	vst v4  }
0x237: {  	v19 =	vadd.s32 $0x1040, v2;
	v4 =	vld.idx.msk [tilespmem:v25+s3+$0x0], $0xffff;
	v9 =	vadd.f32 v10, v9;
	v25 =	vmul.f32 v12, v5  }
0x238: {  	v39 =	vadd.s32 $0x1C71, v2;
	v24 =	vadd.s32 $0x1041, v2;
	v17 =	vmul.f32 v17, v5;
	v31 =	vld.idx.msk [tilespmem:v34+s3+$0x0], $0xffff  }
0x239: {  	v12 =	vmul.f32 v9, v13;
	v13 =	vld.idx.msk [tilespmem:v23+s3+$0x0], $0xffff;
	v23 =	vadd.f32 v25, v38;
	v25 =	vadd.s32 s16, v58  }
0x23a: {  	v41 =	vadd.s32 $0x1248, v2;
	v9 =	vadd.s32 s16, v56;
	v25 =	vand.u32 $0x1FF80, v25  }
0x23b: {  	v9 =	vand.u32 $0x1FF80, v9;
	v25 =	vor.u32 v59, v25;
	v59 =	vadd.s32 s16, v62  }
0x23c: {  	v19 =	vld.idx.msk [tilespmem:v19+s3+$0x0], $0xffff;
	v0 =	vsub.f32 v0, v18;
	v9 =	vor.u32 v57, v9;
	v34 =	vand.u32 $0x1FF80, v59  }
0x23d: {  	v30 =	vadd.s32 $0x1861, v2;
	v15 =	vadd.s32 $0x1C70, v2;
	v24 =	vld.idx.msk [tilespmem:v24+s3+$0x0], $0xffff;
	v34 =	vor.u32 v63, v34  }
0x23e: {  	v17 =	vadd.f32 v17, v42;
	v27 =	vld.idx.msk [tilespmem:v27+s18+$0x0], $0xffff;
	v0 =	vmul.f32 v0, v5;
	v31 =	vsub.f32 v31, v13  }
0x23f: {  	v22 =	vadd.s32 $0x1658, v2;
	v14 =	vadd.s32 $0x1A68, v2;
	v21 =	vld.idx.msk [tilespmem:v21+s3+$0x0], $0xffff;
	v8 =	vsub.f32 v8, v26  }
0x240: {  	v58 =	vld.idx.msk [tilespmem:v41+s3+$0x0], $0xffff;
	v4 =	vsub.f32 v4, v29;
	v41 =	vadd.f32 v0, v18;
	v0 =	vmul.f32 v31, v5  }
0x241: {  	v37 =	vadd.s32 $0x1659, v2;
	v6 =	vadd.s32 $0x1E78, v2;
	v8 =	vmul.f32 v8, v5;
	v9 =	vld.idx.msk [tilespmem:v9+s18+$0x0], $0xffff  }
0x242: {  	v10 =	vadd.s32 $0x1E79, v2;
	v4 =	vmul.f32 v4, v5;
	v0 =	vadd.f32 v0, v13;
	v13 =	vld.idx.msk [tilespmem:v34+s18+$0x0], $0xffff  }
0x243: {  	v20 =	vld.idx.msk [tilespmem:v20+s3+$0x0], $0xffff;
	v42 =	vmul.f32 v28, v27;
	v18 =	vadd.s32 $0x2288, v2;
	v26 =	vadd.f32 v8, v26  }
0x244: {  	v33 =	vld.idx.msk [tilespmem:v33+s3+$0x0], $0xffff;
	v8 =	vsub.f32 v24, v19;
	v24 =	vadd.s32 $0x2491, v2;
	v4 =	vadd.f32 v4, v29  }
0x245: {  	v27 =	vld.idx.msk [tilespmem:v30+s3+$0x0], $0xffff;
	v29 =	vadd.s32 $0x2490, v2;
	v31 =	vadd.s32 $0x2289, v2;
	v34 =	vadd.s32 $0x2698, v2  }
0x246: {  	v23 =	vmul.f32 v23, v9;
	v9 =	vld.idx.msk [tilespmem:v37+s3+$0x0], $0xffff;
	v37 =	vadd.s32 $0x2699, v2;
	v2 =	vmul.f32 v8, v5  }
0x247: {  	v43 =	vmul.f32 v17, v13;
	v17 =	vld.idx.msk [tilespmem:v35+s3+$0x0], $0xffff  }
0x248: {  	v21 =	vsub.f32 v21, v58;
	v2 =	vadd.f32 v2, v19;
	v19 =	vadd.s32 s16, v3;
	v3 =	vld [tilespmem:$0x1FD80]  }
0x249: {  	v35 =	vld.idx.msk [tilespmem:v6+s3+$0x0], $0xffff  }
0x24a: {  	v6 =	vmul.f32 v21, v5;
	v21 =	vsub.f32 v27, v33;
	v27 =	vld [tilespmem:$0x1FDC0]  }
0x24b: {  	v25 =	vld.idx.msk [tilespmem:v25+s18+$0x0], $0xffff;
	v8 =	vadd.s32 s16, v50  }
0x24c: {  	v36 =	vld.idx.msk [tilespmem:v36+s3+$0x0], $0xffff;
	v8 =	vand.u32 $0x1FF80, v8  }
0x24d: {  	v28 =	vor.u32 v3, v8;
	v8 =	vld [tilespmem:$0x1FDA0]  }
0x24e: {  	v19 =	vand.u32 $0x1FF80, v19  }
0x24f: {  	v27 =	vor.u32 v27, v19;
	v19 =	vld [tilespmem:$0x1FDE0]  }
0x250: {  	v25 =	vmul.f32 v16, v25;
	v16 =	vadd.s32 s16, v53  }
0x251: {  	v16 =	vand.u32 $0x1FF80, v16  }
0x252: {  	v13 =	vadd.s32 s16, v48;
	v30 =	vor.u32 v8, v16;
	v8 =	vsub.f32 v36, v20  }
0x253: {  	v13 =	vand.u32 $0x1FF80, v13  }
0x254: {  	v36 =	vor.u32 v19, v13;
	v13 =	vmul.f32 v8, v5  }
0x255: {  	v8 =	vadd.f32 v6, v58;
	v6 =	vmul.f32 v21, v5;
	v21 =	vadd.s32 s16, v52;
	v52 =	vmovc v11;
	v11 =	vld [tilespmem:$0x1FDF0];
	_ =	sdelay $0x3  }
0x256: {  	v22 =	vld.idx.msk [tilespmem:v22+s3+$0x0], $0xffff;
	v21 =	vand.u32 $0x1FF80, v21  }
0x257: {  	v56 =	vor.u32 v11, v21;
	v11 =	vld [tilespmem:$0x1FE10];
	_ =	sdelay $0x2  }
0x258: {  	v19 =	vld.idx.msk [tilespmem:v7+s3+$0x0], $0xffff;
	v7 =	vadd.f32 v13, v20;
	v13 =	vadd.s32 s16, v49  }
0x259: {  	v9 =	vsub.f32 v9, v22;
	v13 =	vand.u32 $0x1FF80, v13  }
0x25a: {  	v57 =	vor.u32 v11, v13;
	v11 =	vld [tilespmem:$0x1FE30]  }
0x25b: {  	v9 =	vmul.f32 v9, v5  }
0x25c: {  	v14 =	vld.idx.msk [tilespmem:v14+s3+$0x0], $0xffff  }
0x25d: {  	v10 =	vld.idx.msk [tilespmem:v10+s3+$0x0], $0xffff;
	v9 =	vadd.f32 v9, v22;
	v22 =	vadd.s32 s16, v51  }
0x25e: {  	v15 =	vld.idx.msk [tilespmem:v15+s3+$0x0], $0xffff;
	v22 =	vand.u32 $0x1FF80, v22  }
0x25f: {  	v59 =	vor.u32 v11, v22;
	v11 =	vld [tilespmem:$0x1FE50]  }
0x260: {  	v16 =	vld.idx.msk [tilespmem:v39+s3+$0x0], $0xffff  }
0x261: {  	v20 =	vld.idx.msk [tilespmem:v60+s3+$0x0], $0xffff  }
0x262: {  	v61 =	vadd.s32 s16, v44;
	v10 =	vsub.f32 v10, v35  }
0x263: {  	v32 =	vand.u32 $0x1FF80, v61  }
0x264: {  	v17 =	vsub.f32 v17, v14;
	v10 =	vmul.f32 v10, v5;
	v60 =	vor.u32 v11, v32;
	v11 =	vld [tilespmem:$0x1FFE0]  }
0x265: {  	v58 =	vld.idx.msk [tilespmem:v18+s3+$0x0], $0xffff;
	v13 =	vsub.f32 v16, v15  }
0x266: {  	v18 =	vadd.f32 v10, v35;
	v10 =	vld [tilespmem:$0x1FE60];
	v16 =	vmul.f32 v17, v5;
	v17 =	vsub.f32 v20, v19  }
0x267: {  	v13 =	vmul.f32 v13, v5  }
0x268: {  	v14 =	vadd.f32 v16, v14;
	v17 =	vmul.f32 v17, v5  }
0x269: {  	v63 =	vmovc v45;
	v20 =	vld.idx.msk [tilespmem:v24+s3+$0x0], $0xffff;
	v16 =	vadd.f32 v13, v15;
	v15 =	vadd.s32 s16, v52;
	v24 =	vadd.s32 s16, v11  }
0x26a: {  	v52 =	vadd.f32 v17, v19;
	v17 =	vadd.s32 s16, v63;
	v19 =	vand.u32 $0x1FF80, v24  }
0x26b: {  	v61 =	vand.u32 $0x1FF80, v17;
	v17 =	vor.u32 v10, v19;
	v10 =	vld [tilespmem:$0x1FE70];
	_ =	sdelay $0x2  }
0x26c: {  	v13 =	vadd.s32 s16, v40  }
0x26d: {  	v13 =	vand.u32 $0x1FF80, v13  }
0x26e: {  	v19 =	vor.u32 v10, v13;
	v10 =	vld [tilespmem:$0x1FE90];
	_ =	sdelay $0x3  }
0x26f: {  	v15 =	vand.u32 $0x1FF80, v15  }
0x270: {  	v15 =	vor.u32 v10, v15;
	v10 =	vld [tilespmem:$0x1FEB0];
	_ =	sdelay $0x3  }
0x271: {  	v30 =	vld.idx.msk [tilespmem:v30+s18+$0x0], $0xffff  }
0x272: {  	v13 =	vor.u32 v10, v61;
	v10 =	vld [tilespmem:$0x1FFD0];
	_ =	sdelay $0x1  }
0x273: {  	v62 =	vmov v1;
	v1 =	vld [tilespmem:$0x1FD40]  }
0x274: {  	v31 =	vld.idx.msk [tilespmem:v31+s3+$0x0], $0xffff  }
0x275: {  	v3 =	vld [tilespmem:$0x1FD50]  }
0x276: {  	v6 =	vadd.f32 v6, v33;
	v33 =	vmul.f32 v26, v30;
	v26 =	vadd.s32 s16, v10;
	v10 =	vld [tilespmem:$0x1FD60]  }
0x277: {  	v28 =	vld.idx.msk [tilespmem:v28+s18+$0x0], $0xffff  }
0x278: {  	v21 =	vld.idx.msk [tilespmem:v34+s3+$0x0], $0xffff  }
0x279: {  	v22 =	vld.idx.msk [tilespmem:v29+s3+$0x0], $0xffff  }
0x27a: {  	s8 =	simm.s32 $0x18210;
	v24 =	vld.idx.msk [tilespmem:v37+s3+$0x0], $0xffff  }
0x27b: {  	v1 =	vadd.f32 v3, v1;
	v3 =	vld [tilespmem:$0x1FFC0];
	[tilespmem:s8+$0x0] =	vst v10  }
0x27c: {  	v10 =	vld [tilespmem:$0x1FD70];
	_ =	sdelay $0x1  }
0x27d: {  	v29 =	vsub.f32 v31, v58  }
0x27e: {  	s10 =	simm.s32 $0x18250;
	v20 =	vsub.f32 v20, v22;
	v24 =	vsub.f32 v24, v21  }
0x27f: {  	s9 =	simm.s32 $0x18230;
	v31 =	vmul.f32 v41, v28;
	v29 =	vmul.f32 v29, v5;
	[tilespmem:s10+$0x0] =	vst v12  }
0x280: {  	v28 =	vmul.f32 v20, v5;
	v35 =	vmul.f32 v24, v5;
	v5 =	vadd.s32 s16, v54;
	[tilespmem:s9+$0x0] =	vst v10  }
0x281: {  	v63 =	vand.u32 $0x1FF80, v5;
	v5 =	vld [tilespmem:$0x1FEC0];
	_ =	sdelay $0x1  }
0x282: {  	v44 =	vld [tilespmem:s15+$0xFFFFFFF0]  }
0x283: {  	v27 =	vld.idx.msk [tilespmem:v27+s18+$0x0], $0xffff;
	v3 =	vadd.s32 s16, v3  }
0x284: {  	v3 =	vand.u32 $0x1FF80, v3;
	v41 =	vld [tilespmem:s2+$0xFFFFFFF0]  }
0x285: {  	v12 =	vor.u32 v5, v3;
	v5 =	vld [tilespmem:$0x1FED0]  }
0x286: {  	v3 =	vld [tilespmem:$0x1FEF0]  }
0x287: {  	v30 =	vld.idx.msk [tilespmem:v57+s18+$0x0], $0xffff  }
0x288: {  	v32 =	vld.idx.msk [tilespmem:v59+s18+$0x0], $0xffff;
	v20 =	vadd.f32 v29, v58;
	v49 =	vadd.f32 v28, v22;
	v22 =	vadd.s32 s16, v62  }
0x289: {  	v29 =	vld.idx.msk [tilespmem:v56+s18+$0x0], $0xffff;
	v62 =	vand.u32 $0x1FF80, v22;
	v22 =	vadd.f32 $0.0e+00, v25;
	v25 =	vadd.f32 $0.0e+00, v43  }
0x28a: {  	v28 =	vld.idx.msk [tilespmem:v36+s18+$0x0], $0xffff;
	v24 =	vand.u32 $0x1FF80, v26;
	v26 =	vadd.f32 $0.0e+00, v23;
	v23 =	vadd.f32 $0.0e+00, v42  }
0x28b: {  	s14 =	simm.s32 $0x4;
	s15 =	simm.s32 $0x2970;
	s2 =	sadd.s32 s5, s4;
	v34 =	vld.idx.msk [tilespmem:v60+s18+$0x0], $0xffff;
	v11 =	vor.u32 v5, v24;
	v5 =	vor.u32 v3, v62;
	v3 =	vor.u32 v55, v63  }
.LBB2_3:
0x28c: {  	v10 =	vld [tilespmem:$0x1FD10]  }
0x28d: {  	v4 =	vmul.f32 v4, v27;
	v27 =	vld [tilespmem:$0x1FD20];
	_ =	sdelay $0x3  }
0x28e: {  	v40 =	vld [tilespmem:s15+$0xFFFFFFF0];
	v2 =	vmul.f32 v2, v29;
	v26 =	vadd.f32 v31, v26  }
0x28f: {  	v27 =	vadd.f32 v27, v10;
	v10 =	vld [tilespmem:$0x1FD30]  }
0x290: {  	v43 =	vadd.f32 v2, v26;
	v2 =	vmul.f32 v7, v32;
	v7 =	vld [tilespmem:$0x1FD00]  }
0x291: {  	v0 =	vmul.f32 v0, v28;
	v22 =	vadd.f32 v33, v22;
	v8 =	vmul.f32 v8, v30  }
0x292: {  	v17 =	vld.idx.msk [tilespmem:v17+s18+$0x0], $0xffff;
	v28 =	vadd.f32 v35, v21  }
0x293: {  	v51 =	vld.idx.msk [tilespmem:v19+s18+$0x0], $0xffff;
	v0 =	vadd.f32 v0, v25;
	v45 =	vadd.f32 v8, v22  }
0x294: {  	v8 =	vmul.f32 v9, v34;
	v9 =	vmovc v44;
	v1 =	vadd.f32 v27, v1;
	v21 =	vadd.f32 v10, v47  }
0x295: {  	v53 =	vld.idx.msk [tilespmem:v15+s18+$0x0], $0xffff;
	[tilespmem:$0x1FC40] =	vst v9;
	v9 =	vtrunc.f32 v40;
	v7 =	vmul.f32 v7, v41  }
0x296: {  	v57 =	vld.idx.msk [tilespmem:v13+s18+$0x0], $0xffff;
	v25 =	vcvt.f32.s32 v9;
	v58 =	vadd.f32 v8, v0;
	v0 =	vadd.f32 v1, v21  }
0x297: {  	v44 =	vld.idx.msk [tilespmem:v12+s18+$0x0], $0xffff;
	[tilespmem:s8+$0xFFFFFFF0] =	vst v7  }
0x298: {  	[tilespmem:$0x1FD00] =	vst v0;
	v0 =	vadd.s32 $0x1, v25  }
0x299: {  	[tilespmem:$0x1F9B0] =	vst v0;
	v0 =	vadd.s32 $0x208, v25  }
0x29a: {  	[tilespmem:$0x1F9D0] =	vst v0;
	v0 =	vadd.s32 $0x209, v25  }
0x29b: {  	[tilespmem:$0x1F9E0] =	vst v0;
	v0 =	vadd.s32 $0x410, v25  }
0x29c: {  	[tilespmem:$0x1F9F0] =	vst v0;
	v0 =	vld [tilespmem:s17+$0xFFFFFFF0];
	_ =	sdelay $0x4  }
0x29d: {  	[tilespmem:$0x1FC30] =	vst v0;
	v0 =	vadd.s32 $0x411, v25  }
0x29e: {  	[tilespmem:$0x1FA00] =	vst v0;
	v0 =	vadd.s32 $0x618, v25  }
0x29f: {  	[tilespmem:$0x1FA10] =	vst v0;
	v0 =	vadd.s32 $0x619, v25  }
0x2a0: {  	[tilespmem:$0x1FA20] =	vst v0;
	v0 =	vadd.s32 $0x820, v25  }
0x2a1: {  	[tilespmem:$0x1FA30] =	vst v0;
	v0 =	vadd.s32 $0x821, v25  }
0x2a2: {  	[tilespmem:$0x1FA40] =	vst v0;
	v0 =	vadd.s32 $0xA28, v25  }
0x2a3: {  	[tilespmem:$0x1FA50] =	vst v0;
	v0 =	vadd.s32 $0xA29, v25  }
0x2a4: {  	[tilespmem:$0x1FA60] =	vst v0;
	v0 =	vadd.s32 $0xC30, v25  }
0x2a5: {  	[tilespmem:$0x1FA70] =	vst v0;
	v0 =	vadd.s32 $0xC31, v25  }
0x2a6: {  	[tilespmem:$0x1FA80] =	vst v0;
	v0 =	vadd.s32 $0xE38, v25  }
0x2a7: {  	[tilespmem:$0x1FA90] =	vst v0;
	v0 =	vadd.s32 $0xE39, v25  }
0x2a8: {  	[tilespmem:$0x1FAA0] =	vst v0;
	v0 =	vadd.s32 $0x1040, v25  }
0x2a9: {  	[tilespmem:$0x1FAB0] =	vst v0;
	v0 =	vadd.s32 $0x1041, v25  }
0x2aa: {  	[tilespmem:$0x1FAC0] =	vst v0;
	v0 =	vadd.s32 $0x1248, v25  }
0x2ab: {  	v24 =	vld [tilespmem:s15+$0x0];
	[tilespmem:$0x1FAD0] =	vst v0;
	v0 =	vadd.s32 $0x1249, v25  }
0x2ac: {  	[tilespmem:$0x1FAE0] =	vst v0;
	v0 =	vadd.s32 $0x1450, v25  }
0x2ad: {  	[tilespmem:$0x1FAF0] =	vst v0;
	v0 =	vadd.s32 $0x1451, v25  }
0x2ae: {  	[tilespmem:$0x1FB00] =	vst v0;
	v0 =	vadd.s32 $0x1658, v25  }
0x2af: {  	[tilespmem:$0x1FB10] =	vst v0;
	v0 =	vadd.s32 $0x1659, v25  }
0x2b0: {  	v15 =	vtrunc.f32 v24;
	[tilespmem:$0x1FB20] =	vst v0;
	v0 =	vadd.s32 $0x1860, v25  }
0x2b1: {  	v34 =	vcvt.f32.s32 v15;
	[tilespmem:$0x1FB30] =	vst v0;
	v0 =	vadd.s32 $0x1861, v25  }
0x2b2: {  	[tilespmem:$0x1FB40] =	vst v0;
	v0 =	vadd.s32 $0x1A68, v25  }
0x2b3: {  	v42 =	vadd.s32 $0x1A69, v34;
	[tilespmem:$0x1FB50] =	vst v0;
	v0 =	vadd.s32 $0x1A69, v25  }
0x2b4: {  	[tilespmem:$0x1FB60] =	vst v0;
	v0 =	vadd.s32 $0x1E78, v34;
	_ =	sdelay $0x3  }
0x2b5: {  	v15 =	vld.idx.msk [tilespmem:v42+s3+$0x0], $0xffff  }
0x2b6: {  	v42 =	vld.idx.msk [tilespmem:v0+s3+$0x0], $0xffff;
	v0 =	vadd.s32 $0x2491, v25  }
0x2b7: {  	[tilespmem:$0x1FC00] =	vst v0;
	v0 =	vadd.s32 $0x2698, v25  }
0x2b8: {  	[tilespmem:$0x1FC10] =	vst v0;
	v0 =	vadd.s32 $0x1450, v34;
	_ =	sdelay $0x1  }
0x2b9: {  	v56 =	vld.idx.msk [tilespmem:v11+s18+$0x0], $0xffff  }
0x2ba: {  	v59 =	vmul.f32 v6, v17;
	v1 =	vadd.s32 $0x2080, v34;
	_ =	sdelay $0x1  }
0x2bb: {  	v14 =	vmul.f32 v14, v51;
	v43 =	vadd.f32 v59, v43;
	v51 =	vld.idx.msk [tilespmem:v0+s3+$0x0], $0xffff;
	v0 =	vmul.f32 v52, v44;
	_ =	sdelay $0x1  }
0x2bc: {  	v14 =	vadd.f32 v14, v45;
	v20 =	vmul.f32 v20, v56;
	v0 =	vadd.f32 v0, v43  }
0x2bd: {  	v31 =	vld.idx.msk [tilespmem:v1+s3+$0x0], $0xffff;
	v1 =	vadd.s32 $0x2491, v34  }
0x2be: {  	[tilespmem:$0x1FC70] =	vst v0;
	v0 =	vadd.f32 v20, v14  }
0x2bf: {  	v50 =	vadd.s32 $0x1658, v34  }
0x2c0: {  	[tilespmem:$0x1FD30] =	vst v0;
	v0 =	vld [tilespmem:$0x1FFC0];
	_ =	sdelay $0x1  }
0x2c1: {  	v55 =	vld.idx.msk [tilespmem:v1+s3+$0x0], $0xffff;
	v1 =	vadd.s32 $0x1C70, v25  }
0x2c2: {  	[tilespmem:$0x1FB70] =	vst v1;
	v1 =	vadd.s32 $0x1C71, v25  }
0x2c3: {  	s13 =	sadd.s32 $0x280, s13;
	v16 =	vmul.f32 v16, v53;
	v53 =	vld.idx.msk [tilespmem:v50+s3+$0x0], $0xffff;
	[tilespmem:$0x1FB80] =	vst v1;
	v1 =	vadd.s32 $0x1E79, v34  }
0x2c4: {  	v50 =	vadd.s32 s13, v0;
	v0 =	vld [tilespmem:$0x1FFD0];
	_ =	sdelay $0x1  }
0x2c5: {  	v4 =	vadd.f32 v4, v23  }
0x2c6: {  	v61 =	vld.idx.msk [tilespmem:v5+s18+$0x0], $0xffff  }
0x2c7: {  	v54 =	vadd.f32 v2, v4;
	v9 =	vadd.s32 $0x2490, v34;
	v13 =	vld.idx.msk [tilespmem:v1+s3+$0x0], $0xffff  }
0x2c8: {  	v1 =	vadd.s32 $0x2699, v25;
	v45 =	vadd.s32 s13, v0;
	v0 =	vld [tilespmem:$0x1FEE0]  }
0x2c9: {  	v32 =	vmul.f32 v18, v57;
	v4 =	vld [tilespmem:$0x1FFA0];
	v62 =	vadd.s32 $0x2698, v34;
	[tilespmem:$0x1FC20] =	vst v1;
	v1 =	vadd.f32 v16, v54  }
0x2ca: {  	v36 =	vadd.s32 $0x1860, v34;
	v63 =	vld.idx.msk [tilespmem:v3+s18+$0x0], $0xffff  }
0x2cb: {  	v38 =	vadd.s32 $0x1861, v34;
	v33 =	vld.idx.msk [tilespmem:v34+s3+$0x0], $0xffff;
	[tilespmem:$0x1FC50] =	vst v1;
	v1 =	vadd.f32 v32, v58  }
0x2cc: {  	v37 =	vadd.s32 $0x1C71, v34;
	v30 =	vld.idx.msk [tilespmem:v9+s3+$0x0], $0xffff  }
0x2cd: {  	v39 =	vadd.s32 $0x1041, v34;
	[tilespmem:$0x1FD10] =	vst v1;
	v1 =	vmul.f32 v49, v61;
	v49 =	vadd.s32 s13, v0;
	v0 =	vld [tilespmem:$0x1FF00]  }
0x2ce: {  	v35 =	vld.idx.msk [tilespmem:v62+s3+$0x0], $0xffff  }
0x2cf: {  	v59 =	vadd.s32 $0xE39, v34;
	v36 =	vld.idx.msk [tilespmem:v36+s3+$0x0], $0xffff  }
0x2d0: {  	v41 =	vadd.s32 $0x1A68, v34;
	v62 =	vld.idx.msk [tilespmem:v38+s3+$0x0], $0xffff  }
0x2d1: {  	v46 =	vadd.s32 $0x1C70, v34;
	v37 =	vld.idx.msk [tilespmem:v37+s3+$0x0], $0xffff  }
0x2d2: {  	v10 =	vadd.s32 $0x1040, v34;
	v39 =	vld.idx.msk [tilespmem:v39+s3+$0x0], $0xffff;
	v0 =	vadd.s32 s13, v0  }
0x2d3: {  	[tilespmem:$0x1F9C0] =	vst v0;
	v0 =	vld [tilespmem:$0x1FFE0]  }
0x2d4: {  	v47 =	vadd.s32 $0x1249, v34;
	v59 =	vld.idx.msk [tilespmem:v59+s3+$0x0], $0xffff  }
0x2d5: {  	v48 =	vcvt.s32.f32 v25;
	v7 =	vadd.s32 $0x2289, v34;
	v38 =	vld.idx.msk [tilespmem:v41+s3+$0x0], $0xffff  }
0x2d6: {  	v12 =	vadd.s32 s13, v4;
	v4 =	vadd.s32 $0x410, v34;
	v41 =	vld.idx.msk [tilespmem:v46+s3+$0x0], $0xffff  }
0x2d7: {  	v57 =	vadd.s32 $0x820, v34;
	v2 =	vadd.s32 $0x1E78, v25;
	v40 =	vsub.f32 v40, v48;
	v48 =	vld.idx.msk [tilespmem:v10+s3+$0x0], $0xffff  }
0x2d8: {  	[tilespmem:$0x1FB90] =	vst v2;
	v2 =	vadd.s32 $0x1E79, v25;
	v20 =	vadd.s32 s13, v0;
	v0 =	vld [tilespmem:$0x1FFF0]  }
0x2d9: {  	[tilespmem:$0x1FBA0] =	vst v2;
	v2 =	vadd.s32 $0x2080, v25;
	v47 =	vld.idx.msk [tilespmem:v47+s3+$0x0], $0xffff  }
0x2da: {  	v5 =	vadd.s32 $0x2081, v34;
	[tilespmem:$0x1FBB0] =	vst v2;
	v2 =	vadd.s32 $0x2081, v25;
	v17 =	vld.idx.msk [tilespmem:v7+s3+$0x0], $0xffff  }
0x2db: {  	v3 =	vadd.s32 $0x2288, v34;
	[tilespmem:$0x1FBC0] =	vst v2;
	v2 =	vadd.s32 $0x2288, v25;
	v4 =	vld.idx.msk [tilespmem:v4+s3+$0x0], $0xffff  }
0x2dc: {  	v46 =	vadd.s32 $0x1248, v34;
	[tilespmem:$0x1FBD0] =	vst v2;
	v2 =	vadd.s32 $0x2289, v25;
	v56 =	vld.idx.msk [tilespmem:v57+s3+$0x0], $0xffff  }
0x2dd: {  	[tilespmem:$0x1FBE0] =	vst v2;
	v2 =	vadd.s32 $0x2490, v25;
	v57 =	vadd.s32 s13, v0;
	v0 =	vld [tilespmem:$0x1FE80]  }
0x2de: {  	v12 =	vld.idx.msk [tilespmem:v12+s18+$0x0], $0xffff;
	[tilespmem:$0x1FBF0] =	vst v2;
	v2 =	vadd.s32 $0x208, v34  }
0x2df: {  	v19 =	vld.idx.msk [tilespmem:v5+s3+$0x0], $0xffff  }
0x2e0: {  	v29 =	vld.idx.msk [tilespmem:v3+s3+$0x0], $0xffff  }
0x2e1: {  	v3 =	vadd.s32 $0x2699, v34;
	v22 =	vld.idx.msk [tilespmem:v46+s3+$0x0], $0xffff  }
0x2e2: {  	v43 =	vadd.s32 s13, v0;
	v0 =	vld [tilespmem:$0x1FEA0]  }
0x2e3: {  	v46 =	vadd.s32 $0x1659, v34;
	v7 =	vld.idx.msk [tilespmem:v2+s3+$0x0], $0xffff  }
0x2e4: {  	v2 =	vld [tilespmem:$0x1FF20]  }
0x2e5: {  	v5 =	vld [tilespmem:$0x1FD90]  }
0x2e6: {  	v60 =	vld.idx.msk [tilespmem:v3+s3+$0x0], $0xffff;
	v3 =	vadd.s32 $0xC30, v34  }
0x2e7: {  	v52 =	vadd.s32 s13, v0;
	v0 =	vld [tilespmem:$0x1FE00]  }
0x2e8: {  	v46 =	vld.idx.msk [tilespmem:v46+s3+$0x0], $0xffff;
	v32 =	vadd.s32 $0xA28, v34  }
0x2e9: {  	v11 =	vadd.s32 s13, v2;
	v2 =	vld [tilespmem:$0x1FF40]  }
0x2ea: {  	v14 =	vadd.s32 s13, v5;
	v5 =	vld [tilespmem:$0x1FDB0]  }
0x2eb: {  	v54 =	vld.idx.msk [tilespmem:v3+s3+$0x0], $0xffff;
	[tilespmem:$0x1FC60] =	vst v1;
	v1 =	vmul.f32 v28, v63;
	v28 =	vadd.s32 $0xA29, v34  }
0x2ec: {  	v21 =	vadd.s32 s13, v0;
	v0 =	vld [tilespmem:$0x1FE20]  }
0x2ed: {  	v10 =	vadd.s32 $0x1451, v34;
	v61 =	vld.idx.msk [tilespmem:v32+s3+$0x0], $0xffff  }
0x2ee: {  	v32 =	vld [tilespmem:$0x1FFB0]  }
0x2ef: {  	[tilespmem:$0x1FD20] =	vst v1;
	v1 =	vadd.s32 $0x1, v34;
	v26 =	vadd.s32 s13, v5;
	v5 =	vld [tilespmem:$0x1FDD0]  }
0x2f0: {  	v6 =	vld.idx.msk [tilespmem:v28+s3+$0x0], $0xffff  }
0x2f1: {  	v16 =	vadd.s32 $0x821, v34;
	v28 =	vadd.s32 s13, v0;
	v0 =	vld [tilespmem:$0x1FE40]  }
0x2f2: {  	v3 =	vadd.s32 $0x209, v34;
	v44 =	vld.idx.msk [tilespmem:v10+s3+$0x0], $0xffff  }
0x2f3: {  	v58 =	vadd.s32 $0xC31, v34;
	v10 =	vadd.s32 s13, v2;
	v2 =	vld [tilespmem:$0x1FF60]  }
0x2f4: {  	v23 =	vadd.s32 s13, v5;
	v5 =	vld.idx.msk [tilespmem:v1+s3+$0x0], $0xffff;
	v1 =	vadd.s32 $0x618, v34  }
0x2f5: {  	v11 =	vld.idx.msk [tilespmem:v11+s18+$0x0], $0xffff  }
0x2f6: {  	v16 =	vld.idx.msk [tilespmem:v16+s3+$0x0], $0xffff;
	v63 =	vadd.s32 $0xE38, v34;
	v27 =	vadd.s32 s13, v0;
	v0 =	vcvt.s32.f32 v34  }
0x2f7: {  	v3 =	vld.idx.msk [tilespmem:v3+s3+$0x0], $0xffff;
	v18 =	vadd.s32 s13, v32  }
0x2f8: {  	v62 =	vsub.f32 v62, v36;
	v58 =	vld.idx.msk [tilespmem:v58+s3+$0x0], $0xffff;
	v0 =	vsub.f32 v24, v0;
	v24 =	vadd.s32 $0x411, v34  }
0x2f9: {  	v15 =	vsub.f32 v15, v38;
	v37 =	vsub.f32 v37, v41;
	v9 =	vadd.s32 s13, v2;
	v2 =	vld.idx.msk [tilespmem:v1+s3+$0x0], $0xffff  }
0x2fa: {  	v39 =	vsub.f32 v39, v48;
	v19 =	vsub.f32 v19, v31;
	v1 =	vld [tilespmem:$0x1FF80]  }
0x2fb: {  	v17 =	vsub.f32 v17, v29;
	v47 =	vsub.f32 v47, v22;
	v63 =	vld.idx.msk [tilespmem:v63+s3+$0x0], $0xffff  }
0x2fc: {  	v55 =	vsub.f32 v55, v30;
	v60 =	vsub.f32 v60, v35;
	v18 =	vld.idx.msk [tilespmem:v18+s18+$0x0], $0xffff  }
0x2fd: {  	v46 =	vsub.f32 v46, v53;
	v16 =	vsub.f32 v16, v56;
	v24 =	vld.idx.msk [tilespmem:v24+s3+$0x0], $0xffff  }
0x2fe: {  	v3 =	vsub.f32 v3, v7;
	v58 =	vsub.f32 v58, v54;
	v10 =	vld.idx.msk [tilespmem:v10+s18+$0x0], $0xffff  }
0x2ff: {  	v6 =	vsub.f32 v6, v61;
	v14 =	vld.idx.msk [tilespmem:v14+s18+$0x0], $0xffff;
	v8 =	vadd.s32 s13, v1;
	v1 =	vmul.f32 v19, v0  }
0x300: {  	v13 =	vsub.f32 v13, v42;
	v9 =	vld.idx.msk [tilespmem:v9+s18+$0x0], $0xffff;
	v17 =	vmul.f32 v17, v0;
	v55 =	vmul.f32 v55, v0  }
0x301: {  	v26 =	vld.idx.msk [tilespmem:v26+s18+$0x0], $0xffff;
	v34 =	vadd.s32 $0x619, v34;
	v62 =	vmul.f32 v62, v0;
	v60 =	vmul.f32 v60, v0  }
0x302: {  	v50 =	vld.idx.msk [tilespmem:v50+s18+$0x0], $0xffff;
	v15 =	vmul.f32 v15, v0;
	v37 =	vmul.f32 v37, v0;
	v24 =	vsub.f32 v24, v4  }
0x303: {  	v44 =	vsub.f32 v44, v51;
	v45 =	vld.idx.msk [tilespmem:v45+s18+$0x0], $0xffff;
	v39 =	vmul.f32 v39, v0;
	v13 =	vmul.f32 v13, v0  }
0x304: {  	v59 =	vsub.f32 v59, v63;
	v8 =	vld.idx.msk [tilespmem:v8+s18+$0x0], $0xffff;
	v3 =	vmul.f32 v3, v0;
	v24 =	vmul.f32 v24, v0  }
0x305: {  	v20 =	vld.idx.msk [tilespmem:v20+s18+$0x0], $0xffff;
	v47 =	vmul.f32 v47, v0;
	v44 =	vmul.f32 v44, v0;
	v17 =	vadd.f32 v17, v29  }
0x306: {  	v29 =	vmul.f32 v58, v0;
	v3 =	vadd.f32 v3, v7;
	v34 =	vld.idx.msk [tilespmem:v34+s3+$0x0], $0xffff;
	v4 =	vadd.f32 v24, v4  }
0x307: {  	v5 =	vsub.f32 v5, v33;
	v57 =	vld.idx.msk [tilespmem:v57+s18+$0x0], $0xffff;
	v16 =	vmul.f32 v16, v0;
	v46 =	vmul.f32 v46, v0  }
0x308: {  	v21 =	vld.idx.msk [tilespmem:v21+s18+$0x0], $0xffff;
	v3 =	vmul.f32 v3, v10;
	v10 =	vadd.f32 v29, v54;
	v4 =	vmul.f32 v4, v9  }
0x309: {  	v19 =	vld [tilespmem:$0x1F9B0];
	v5 =	vmul.f32 v5, v0;
	v1 =	vadd.f32 v1, v31;
	v30 =	vadd.f32 v55, v30  }
0x30a: {  	v55 =	vld [tilespmem:$0x1FFA0];
	v31 =	vadd.f32 v60, v35;
	v10 =	vmul.f32 v10, v26;
	v4 =	vadd.f32 $0.0e+00, v4  }
0x30b: {  	v6 =	vmul.f32 v6, v0;
	v22 =	vadd.f32 v47, v22;
	v7 =	vld.idx.msk [tilespmem:v23+s18+$0x0], $0xffff;
	v34 =	vsub.f32 v34, v2  }
0x30c: {  	v35 =	vmul.f32 v59, v0;
	v5 =	vadd.f32 v5, v33;
	v4 =	vadd.f32 v10, v4;
	v10 =	vld [tilespmem:$0x1F9F0]  }
0x30d: {  	v6 =	vadd.f32 v6, v61;
	v21 =	vmul.f32 v22, v21;
	v22 =	vld.idx.msk [tilespmem:v28+s18+$0x0], $0xffff;
	v0 =	vmul.f32 v34, v0  }
0x30e: {  	v36 =	vadd.f32 v62, v36;
	v16 =	vadd.f32 v16, v56;
	v5 =	vmul.f32 v5, v11;
	v11 =	vld.idx.msk [tilespmem:v43+s18+$0x0], $0xffff  }
0x30f: {  	v15 =	vadd.f32 v15, v38;
	v6 =	vmul.f32 v6, v14;
	v14 =	vld.idx.msk [tilespmem:v49+s18+$0x0], $0xffff;
	v0 =	vadd.f32 v0, v2  }
0x310: {  	v47 =	vadd.f32 v44, v51;
	v5 =	vadd.f32 $0.0e+00, v5;
	v2 =	vmul.f32 v16, v12;
	v9 =	vld.idx.msk [tilespmem:v52+s18+$0x0], $0xffff  }
0x311: {  	v37 =	vadd.f32 v37, v41;
	v12 =	vld.idx.msk [tilespmem:v27+s18+$0x0], $0xffff;
	v0 =	vmul.f32 v0, v8;
	v8 =	vadd.f32 v35, v63  }
0x312: {  	v62 =	vld [tilespmem:$0x1FF80];
	v13 =	vadd.f32 v13, v42;
	v2 =	vadd.f32 v2, v5;
	v5 =	vmul.f32 v47, v22  }
0x313: {  	v38 =	vadd.f32 v39, v48;
	v48 =	vadd.f32 v46, v53;
	v7 =	vmul.f32 v8, v7;
	v8 =	vld [tilespmem:$0x1F9C0]  }
0x314: {  	v0 =	vadd.f32 $0.0e+00, v0;
	v4 =	vadd.f32 v5, v4;
	v22 =	vld.idx.msk [tilespmem:v10+s3+$0x0], $0xffff;
	v10 =	vmul.f32 v37, v11  }
0x315: {  	v5 =	vmul.f32 v13, v9;
	v9 =	vmul.f32 v30, v14;
	v14 =	vld [tilespmem:$0x1FA40]  }
0x316: {  	v0 =	vadd.f32 v7, v0;
	v7 =	vmul.f32 v48, v12;
	v4 =	vadd.f32 v10, v4;
	v10 =	vld [tilespmem:$0x1FA30]  }
0x317: {  	v3 =	vadd.f32 $0.0e+00, v3;
	v12 =	vld [tilespmem:$0x1FA20]  }
0x318: {  	v0 =	vadd.f32 v7, v0;
	v7 =	vld [tilespmem:$0x1FA10]  }
0x319: {  	v3 =	vadd.f32 v6, v3;
	v6 =	vld [tilespmem:$0x1F9E0]  }
0x31a: {  	v19 =	vld.idx.msk [tilespmem:v19+s3+$0x0], $0xffff  }
0x31b: {  	v16 =	vld [tilespmem:$0x1F9D0]  }
0x31c: {  	v15 =	vmul.f32 v15, v57;
	v18 =	vmul.f32 v38, v18;
	v3 =	vadd.f32 v21, v3;
	v8 =	vld.idx.msk [tilespmem:v8+s18+$0x0], $0xffff  }
0x31d: {  	v14 =	vld.idx.msk [tilespmem:v14+s3+$0x0], $0xffff  }
0x31e: {  	v20 =	vmul.f32 v36, v20;
	v3 =	vadd.f32 v15, v3;
	v2 =	vadd.f32 v18, v2;
	v15 =	vld.idx.msk [tilespmem:v10+s3+$0x0], $0xffff  }
0x31f: {  	v12 =	vld.idx.msk [tilespmem:v12+s3+$0x0], $0xffff  }
0x320: {  	v1 =	vmul.f32 v1, v50;
	v2 =	vadd.f32 v20, v2;
	v7 =	vld.idx.msk [tilespmem:v7+s3+$0x0], $0xffff  }
0x321: {  	v6 =	vld.idx.msk [tilespmem:v6+s3+$0x0], $0xffff  }
0x322: {  	v17 =	vmul.f32 v17, v45;
	v13 =	vld.idx.msk [tilespmem:v25+s3+$0x0], $0xffff;
	v1 =	vadd.f32 v1, v2  }
0x323: {  	v0 =	vadd.f32 v5, v0;
	v5 =	vmul.f32 v31, v8;
	v25 =	vsub.f32 v14, v15;
	v14 =	vld [tilespmem:$0x1FAC0]  }
0x324: {  	v16 =	vld.idx.msk [tilespmem:v16+s3+$0x0], $0xffff;
	v2 =	vadd.f32 v17, v3;
	v4 =	vadd.f32 v9, v4  }
0x325: {  	v63 =	vld [tilespmem:$0x1FF90];
	v0 =	vadd.f32 v5, v0;
	v12 =	vsub.f32 v12, v7  }
0x326: {  	v60 =	vld [tilespmem:$0x1FF60]  }
0x327: {  	s16 =	sadd.s32 $0xFFFFFEC0, s13;
	v1 =	vadd.f32 v2, v1;
	v0 =	vadd.f32 v0, v4;
	v27 =	vmul.f32 v12, v40;
	v12 =	vld [tilespmem:$0x1FD80]  }
0x328: {  	v56 =	vld [tilespmem:$0x1FF20];
	v9 =	vadd.s32 s16, v62  }
0x329: {  	v61 =	vld [tilespmem:$0x1FF70];
	v2 =	vsub.f32 v6, v16;
	v6 =	vand.u32 $0x1FF80, v9;
	v0 =	vadd.f32 v0, v1  }
0x32a: {  	v11 =	vld [tilespmem:$0x1FA00];
	v1 =	vsub.f32 v19, v13;
	v19 =	vor.u32 v63, v6;
	v6 =	vadd.s32 s16, v55  }
0x32b: {  	v6 =	vand.u32 $0x1FF80, v6;
	v26 =	vld.idx.msk [tilespmem:v14+s3+$0x0], $0xffff  }
0x32c: {  	v14 =	vor.u32 v12, v6;
	v6 =	vld [tilespmem:$0x1FAD0]  }
0x32d: {  	s17 =	sadd.s32 $0x20, s17;
	v24 =	vld [tilespmem:$0x1FDD0];
	v8 =	vadd.s32 s16, v56  }
0x32e: {  	v5 =	vand.u32 $0x1FF80, v8;
	v8 =	vadd.s32 s16, v60;
	v10 =	vld [tilespmem:s17+$0x0]  }
0x32f: {  	v17 =	vld [tilespmem:$0x1FA70];
	v4 =	vand.u32 $0x1FF80, v8  }
0x330: {  	v18 =	vor.u32 v61, v4;
	v4 =	vld [tilespmem:$0x1FA80]  }
0x331: {  	v20 =	vld [tilespmem:$0x1FDB0]  }
0x332: {  	v11 =	vld.idx.msk [tilespmem:v11+s3+$0x0], $0xffff  }
0x333: {  	v0 =	vmul.f32 v0, v10;
	v10 =	vld [tilespmem:$0x1FD90]  }
0x334: {  	v28 =	vld.idx.msk [tilespmem:v6+s3+$0x0], $0xffff  }
0x335: {  	v6 =	vld [tilespmem:$0x1FDA0];
	_ =	sdelay $0x1  }
0x336: {  	s8 =	smov.u32 s9;
	s9 =	smov.u32 s10;
	s10 =	sadd.s32 $0x20, s10;
	v24 =	vadd.s32 s16, v24;
	v20 =	vadd.s32 s16, v20;
	v17 =	vld.idx.msk [tilespmem:v17+s3+$0x0], $0xffff  }
0x337: {  	v9 =	vsub.f32 v11, v22;
	v4 =	vld.idx.msk [tilespmem:v4+s3+$0x0], $0xffff;
	[tilespmem:s10+$0x0] =	vst v0;
	v0 =	vmul.f32 v1, v40;
	v10 =	vadd.s32 s16, v10  }
0x338: {  	v1 =	vand.u32 $0x1FF80, v20;
	v20 =	vand.u32 $0x1FF80, v24;
	v24 =	vld [tilespmem:$0x1FAB0];
	v10 =	vand.u32 $0x1FF80, v10  }
0x339: {  	v9 =	vmul.f32 v9, v40;
	v12 =	vor.u32 v6, v10;
	v6 =	vld [tilespmem:$0x1FDC0];
	_ =	sdelay $0x1  }
0x33a: {  	v9 =	vadd.f32 v9, v22;
	v22 =	vld [tilespmem:$0x1FB30];
	_ =	sdelay $0x1  }
0x33b: {  	v52 =	vld [tilespmem:$0x1FE40]  }
0x33c: {  	v6 =	vor.u32 v6, v1;
	v1 =	vsub.f32 v4, v17;
	v4 =	vld [tilespmem:$0x1FAE0]  }
0x33d: {  	v53 =	vld [tilespmem:$0x1FB10]  }
0x33e: {  	v24 =	vld.idx.msk [tilespmem:v24+s3+$0x0], $0xffff  }
0x33f: {  	v54 =	vadd.f32 v0, v13;
	v0 =	vld [tilespmem:$0x1FB20]  }
0x340: {  	v33 =	vadd.s32 s16, v52  }
0x341: {  	v13 =	vand.u32 $0x1FF80, v33;
	v33 =	vld.idx.msk [tilespmem:v22+s3+$0x0], $0xffff  }
0x342: {  	v10 =	vld [tilespmem:$0x1FDE0]  }
0x343: {  	v22 =	vsub.f32 v26, v24;
	v26 =	vld [tilespmem:$0x1FDF0]  }
0x344: {  	v4 =	vld.idx.msk [tilespmem:v4+s3+$0x0], $0xffff;
	_ =	sdelay $0x1  }
0x345: {  	v34 =	vld.idx.msk [tilespmem:v53+s3+$0x0], $0xffff  }
0x346: {  	v0 =	vld.idx.msk [tilespmem:v0+s3+$0x0], $0xffff;
	v10 =	vor.u32 v10, v20;
	v20 =	vadd.s32 s16, v32  }
0x347: {  	v20 =	vand.u32 $0x1FF80, v20  }
0x348: {  	v20 =	vor.u32 v26, v20;
	v26 =	vsub.f32 v4, v28;
	v4 =	vld [tilespmem:$0x1FB50]  }
0x349: {  	v58 =	vld [tilespmem:$0x1FF40]  }
0x34a: {  	v59 =	vld [tilespmem:$0x1FF50]  }
0x34b: {  	v48 =	vsub.f32 v0, v34;
	v0 =	vld [tilespmem:$0x1FB80]  }
0x34c: {  	v23 =	vld [tilespmem:$0x1FAA0]  }
0x34d: {  	v51 =	vld [tilespmem:$0x1FE20]  }
0x34e: {  	v57 =	vld [tilespmem:$0x1FF30]  }
0x34f: {  	v29 =	vld [tilespmem:$0x1FE00]  }
0x350: {  	v36 =	vld.idx.msk [tilespmem:v4+s3+$0x0], $0xffff  }
0x351: {  	v4 =	vld [tilespmem:$0x1FE10]  }
0x352: {  	v21 =	vld [tilespmem:$0x1FA90]  }
0x353: {  	v49 =	vld.idx.msk [tilespmem:v0+s3+$0x0], $0xffff  }
0x354: {  	v29 =	vadd.s32 s16, v29;
	v0 =	vld [tilespmem:$0x1FE80]  }
0x355: {  	v23 =	vld.idx.msk [tilespmem:v23+s3+$0x0], $0xffff;
	v29 =	vand.u32 $0x1FF80, v29  }
0x356: {  	v3 =	vadd.s32 s16, v58;
	v37 =	vor.u32 v4, v29;
	v4 =	vld [tilespmem:$0x1FE30]  }
0x357: {  	v30 =	vld [tilespmem:$0x1FAF0];
	v3 =	vand.u32 $0x1FF80, v3  }
0x358: {  	v3 =	vor.u32 v59, v3;
	v8 =	vld [tilespmem:$0x1FA50]  }
0x359: {  	v11 =	vld [tilespmem:$0x1FA60];
	v32 =	vadd.s32 s16, v51;
	v0 =	vadd.s32 s16, v0  }
0x35a: {  	v32 =	vand.u32 $0x1FF80, v32;
	v52 =	vand.u32 $0x1FF80, v0;
	v0 =	vld [tilespmem:$0x1FB90]  }
0x35b: {  	v32 =	vor.u32 v4, v32;
	v4 =	vld [tilespmem:$0x1FB60]  }
0x35c: {  	v21 =	vld.idx.msk [tilespmem:v21+s3+$0x0], $0xffff  }
0x35d: {  	v3 =	vld.idx.msk [tilespmem:v3+s18+$0x0], $0xffff  }
0x35e: {  	v31 =	vld [tilespmem:$0x1FB00]  }
0x35f: {  	v30 =	vld.idx.msk [tilespmem:v30+s3+$0x0], $0xffff  }
0x360: {  	v8 =	vld.idx.msk [tilespmem:v8+s3+$0x0], $0xffff  }
0x361: {  	v11 =	vld.idx.msk [tilespmem:v11+s3+$0x0], $0xffff  }
0x362: {  	v45 =	vld.idx.msk [tilespmem:v0+s3+$0x0], $0xffff  }
0x363: {  	v2 =	vmul.f32 v2, v40;
	v29 =	vld.idx.msk [tilespmem:v4+s3+$0x0], $0xffff  }
0x364: {  	v4 =	vld [tilespmem:$0x1FE50]  }
0x365: {  	v2 =	vadd.f32 v2, v16;
	v0 =	vld [tilespmem:$0x1FBA0]  }
0x366: {  	v5 =	vor.u32 v57, v5;
	v31 =	vld.idx.msk [tilespmem:v31+s3+$0x0], $0xffff  }
0x367: {  	v3 =	vmul.f32 v2, v3;
	v2 =	vld [tilespmem:$0x1FBE0]  }
0x368: {  	v11 =	vsub.f32 v11, v8  }
0x369: {  	v23 =	vsub.f32 v23, v21;
	v38 =	vor.u32 v4, v13;
	v4 =	vld [tilespmem:$0x1FFE0]  }
0x36a: {  	v16 =	vmul.f32 v25, v40;
	v11 =	vmul.f32 v11, v40  }
0x36b: {  	v23 =	vmul.f32 v23, v40;
	v7 =	vadd.f32 v27, v7;
	v5 =	vld.idx.msk [tilespmem:v5+s18+$0x0], $0xffff;
	v27 =	vsub.f32 v31, v30  }
0x36c: {  	v46 =	vadd.f32 v16, v15;
	v15 =	vld [tilespmem:$0x1FE60];
	v47 =	vadd.f32 v11, v8  }
0x36d: {  	v1 =	vmul.f32 v1, v40;
	v16 =	vmul.f32 v26, v40;
	v8 =	vld.idx.msk [tilespmem:v0+s3+$0x0], $0xffff;
	v0 =	vadd.f32 v23, v21  }
0x36e: {  	v26 =	vld [tilespmem:$0x1FF00];
	v21 =	vmul.f32 v27, v40;
	v27 =	vmul.f32 v48, v40;
	v4 =	vadd.s32 s16, v4  }
0x36f: {  	v48 =	vld.idx.msk [tilespmem:v2+s3+$0x0], $0xffff;
	v51 =	vand.u32 $0x1FF80, v4;
	v4 =	vadd.f32 v1, v17;
	v1 =	vmul.f32 v22, v40  }
0x370: {  	v13 =	vld [tilespmem:$0x1FFF0]  }
0x371: {  	v2 =	vadd.f32 v1, v24;
	v1 =	vld [tilespmem:$0x1FBF0]  }
0x372: {  	v17 =	vor.u32 v15, v51;
	v15 =	vld [tilespmem:$0x1FE70]  }
0x373: {  	v18 =	vld.idx.msk [tilespmem:v18+s18+$0x0], $0xffff;
	_ =	sdelay $0x1  }
0x374: {  	v23 =	vld.idx.msk [tilespmem:v19+s18+$0x0], $0xffff;
	v13 =	vadd.s32 s16, v13  }
0x375: {  	v5 =	vmul.f32 v54, v5;
	v13 =	vand.u32 $0x1FF80, v13  }
0x376: {  	v26 =	vadd.s32 s16, v26;
	v19 =	vor.u32 v15, v13;
	v13 =	vld [tilespmem:$0x1FE90]  }
0x377: {  	v50 =	vld [tilespmem:$0x1FEA0];
	v54 =	vand.u32 $0x1FF80, v26;
	v26 =	vadd.f32 $0.0e+00, v5;
	v5 =	vmul.f32 v9, v18  }
0x378: {  	v24 =	vld.idx.msk [tilespmem:v1+s3+$0x0], $0xffff  }
0x379: {  	v1 =	vmul.f32 v7, v23;
	v23 =	vadd.f32 $0.0e+00, v5;
	v5 =	vld [tilespmem:$0x1FC10]  }
0x37a: {  	v31 =	vld [tilespmem:$0x1FB70]  }
0x37b: {  	v15 =	vor.u32 v13, v52;
	v13 =	vld [tilespmem:$0x1FEB0]  }
0x37c: {  	v25 =	vld [tilespmem:$0x1FB40]  }
0x37d: {  	v42 =	vadd.s32 s16, v50;
	v53 =	vld [tilespmem:$0x1FBD0]  }
0x37e: {  	v11 =	vand.u32 $0x1FF80, v42;
	v42 =	vsub.f32 v8, v45;
	v8 =	vld [tilespmem:$0x1FBC0]  }
0x37f: {  	v22 =	vld [tilespmem:$0x1FFD0]  }
0x380: {  	v13 =	vor.u32 v13, v11;
	v11 =	vld [tilespmem:$0x1FBB0]  }
0x381: {  	v7 =	vadd.f32 v21, v30;
	v21 =	vld.idx.msk [tilespmem:v5+s3+$0x0], $0xffff  }
0x382: {  	v5 =	vld [tilespmem:$0x1FC20]  }
0x383: {  	v31 =	vld.idx.msk [tilespmem:v31+s3+$0x0], $0xffff  }
0x384: {  	v25 =	vld.idx.msk [tilespmem:v25+s3+$0x0], $0xffff;
	v22 =	vadd.s32 s16, v22  }
0x385: {  	v44 =	vand.u32 $0x1FF80, v22;
	v22 =	vadd.f32 $0.0e+00, v3;
	v3 =	vld [tilespmem:$0x1FC00]  }
0x386: {  	v43 =	vld.idx.msk [tilespmem:v8+s3+$0x0], $0xffff  }
0x387: {  	v8 =	vld [tilespmem:$0x1FEE0]  }
0x388: {  	v41 =	vld.idx.msk [tilespmem:v11+s3+$0x0], $0xffff  }
0x389: {  	v11 =	vld [tilespmem:$0x1FFC0]  }
0x38a: {  	v39 =	vsub.f32 v49, v31;
	v9 =	vadd.f32 v27, v34;
	v34 =	vld.idx.msk [tilespmem:v5+s3+$0x0], $0xffff  }
0x38b: {  	v25 =	vsub.f32 v25, v33;
	v5 =	vld [tilespmem:$0x1FEC0]  }
0x38c: {  	v18 =	vmul.f32 v39, v40;
	v39 =	vld.idx.msk [tilespmem:v12+s18+$0x0], $0xffff;
	v8 =	vadd.s32 s16, v8  }
0x38d: {  	v49 =	vand.u32 $0x1FF80, v8;
	v8 =	vadd.f32 v16, v28;
	v16 =	vld.idx.msk [tilespmem:v3+s3+$0x0], $0xffff;
	v3 =	vmul.f32 v25, v40  }
0x38e: {  	v27 =	vld.idx.msk [tilespmem:v6+s18+$0x0], $0xffff;
	v11 =	vadd.s32 s16, v11  }
0x38f: {  	v6 =	vadd.f32 v3, v33;
	v3 =	vld [tilespmem:$0x1FEF0];
	v11 =	vand.u32 $0x1FF80, v11  }
0x390: {  	v12 =	vor.u32 v5, v11;
	v5 =	vld [tilespmem:$0x1FED0];
	_ =	sdelay $0x1  }
0x391: {  	v35 =	vld.idx.msk [tilespmem:v53+s3+$0x0], $0xffff;
	v29 =	vsub.f32 v29, v36;
	_ =	sdelay $0x1  }
0x392: {  	v32 =	vld.idx.msk [tilespmem:v32+s18+$0x0], $0xffff;
	v25 =	vadd.f32 $0.0e+00, v1;
	v1 =	vmul.f32 v29, v40  }
0x393: {  	v29 =	vsub.f32 v43, v41;
	v11 =	vor.u32 v5, v44;
	v5 =	vor.u32 v3, v49;
	v3 =	vld [tilespmem:$0x1FF10]  }
0x394: {  	v28 =	vld.idx.msk [tilespmem:v10+s18+$0x0], $0xffff  }
0x395: {  	v51 =	vld.idx.msk [tilespmem:v14+s18+$0x0], $0xffff;
	v52 =	vsub.f32 v48, v35;
	v14 =	vadd.f32 v1, v36;
	v1 =	vmul.f32 v29, v40  }
0x396: {  	v29 =	vld.idx.msk [tilespmem:v20+s18+$0x0], $0xffff  }
0x397: {  	s14 =	sadd.s32 $0x2, s14;
	v20 =	vmul.f32 v52, v40;
	v52 =	vadd.f32 v1, v41;
	v1 =	vld [tilespmem:$0x1FC50]  }
0x398: {  	p0 =	slt.u32 s14, $0x7A;
	v30 =	vmul.f32 v42, v40;
	v3 =	vor.u32 v3, v54;
	v54 =	vld [tilespmem:$0x1FC60]  }
.Ltmp0:
0x399: {  	v33 =	vmul.f32 v47, v39;
	v47 =	vld [tilespmem:$0x1FC70];
	v10 =	vsub.f32 v16, v24;
	(pc) =	sbr.rel @p0 .LBB2_3-.Ltmp0, $4  }
0x39a: {  	v16 =	vadd.f32 v18, v31;
	v18 =	vadd.f32 v30, v45;
	v30 =	vld.idx.msk [tilespmem:v37+s18+$0x0], $0xffff  }
0x39b: {  	v10 =	vmul.f32 v10, v40;
	v53 =	vsub.f32 v34, v21;
	v34 =	vld.idx.msk [tilespmem:v38+s18+$0x0], $0xffff  }
0x39c: {  	v31 =	vmul.f32 v46, v51;
	v41 =	vld [tilespmem:$0x1FC40];
	v20 =	vadd.f32 v20, v35  }
0x39d: {  	s15 =	sadd.s32 $0x20, s15;
	v35 =	vmul.f32 v53, v40;
	v44 =	vld [tilespmem:$0x1FC30];
	v49 =	vadd.f32 v10, v24;
	v1 =	vadd.f32 v54, v1  }
0x39e: {  	_ =	sdelay $0x3  }
0x39f: {  	v10 =	vld.idx.msk [tilespmem:v17+s18+$0x0], $0xffff  }
0x3a0: {  	v17 =	vld.idx.msk [tilespmem:v19+s18+$0x0], $0xffff  }
0x3a1: {  	v13 =	vld.idx.msk [tilespmem:v13+s18+$0x0], $0xffff  }
0x3a2: {  	v15 =	vld.idx.msk [tilespmem:v15+s18+$0x0], $0xffff;
	v0 =	vmul.f32 v0, v28  }
0x3a3: {  	v3 =	vld.idx.msk [tilespmem:v3+s18+$0x0], $0xffff  }
0x3a4: {  	v19 =	vadd.f32 v31, v26;
	v24 =	vld [tilespmem:$0x1FD10];
	v0 =	vadd.f32 v0, v25;
	v9 =	vmul.f32 v9, v34  }
0x3a5: {  	v4 =	vmul.f32 v4, v27;
	v12 =	vld.idx.msk [tilespmem:v12+s18+$0x0], $0xffff;
	v22 =	vadd.f32 v33, v22;
	v2 =	vmul.f32 v2, v29  }
0x3a6: {  	v11 =	vld.idx.msk [tilespmem:v11+s18+$0x0], $0xffff;
	v21 =	vadd.f32 v35, v21;
	v0 =	vadd.f32 v9, v0;
	v9 =	vmul.f32 v18, v13  }
0x3a7: {  	v5 =	vld.idx.msk [tilespmem:v5+s18+$0x0], $0xffff;
	v7 =	vmul.f32 v7, v32;
	v8 =	vmul.f32 v8, v30;
	v4 =	vadd.f32 v4, v23  }
0x3a8: {  	v26 =	vld [tilespmem:$0x1FD20];
	v2 =	vadd.f32 v2, v19;
	v3 =	vmul.f32 v21, v3;
	v0 =	vadd.f32 v9, v0  }
0x3a9: {  	v4 =	vadd.f32 v7, v4;
	v6 =	vmul.f32 v6, v10;
	v7 =	vmul.f32 v16, v15  }
0x3aa: {  	v8 =	vadd.f32 v8, v22;
	v10 =	vmul.f32 v14, v17;
	v0 =	vadd.f32 v3, v0;
	v3 =	vld [tilespmem:$0x1FD30]  }
0x3ab: {  	v2 =	vadd.f32 v6, v2;
	v4 =	vadd.f32 v7, v4;
	v7 =	vmul.f32 v52, v12  }
0x3ac: {  	v5 =	vmul.f32 v49, v5;
	v6 =	vadd.f32 v10, v8;
	v8 =	vmul.f32 v20, v11  }
0x3ad: {  	v24 =	vadd.f32 v26, v24;
	v2 =	vadd.f32 v7, v2  }
0x3ae: {  	v6 =	vadd.f32 v8, v6;
	v4 =	vadd.f32 v5, v4  }
0x3af: {  	v1 =	vadd.f32 v24, v1;
	v5 =	vld [tilespmem:s17+$0xFFFFFFF0];
	v3 =	vadd.f32 v3, v47  }
0x3b0: {  	v2 =	vadd.f32 v6, v2;
	v0 =	vadd.f32 v0, v4  }
0x3b1: {  	v1 =	vadd.f32 v1, v3;
	v3 =	vld [tilespmem:$0x1FD00]  }
0x3b2: {  	v0 =	vadd.f32 v0, v2  }
0x3b3: {  	v45 =	vld [tilespmem:$0x1FFD0]  }
0x3b4: {  	v43 =	vld [tilespmem:$0x1FFC0];
	v0 =	vmul.f32 v0, v5  }
0x3b5: {  	v50 =	vld [tilespmem:$0x1FFF0];
	v1 =	vmul.f32 v1, v44  }
0x3b6: {  	v46 =	vld [tilespmem:$0x1FFE0];
	[tilespmem:s10+$0xFFFFFFF0] =	vst v0;
	v3 =	vmul.f32 v3, v41  }
0x3b7: {  	[tilespmem:s9+$0xFFFFFFF0] =	vst v1  }
0x3b8: {  	v7 =	vadd.s32 $0x9B00, v56;
	[tilespmem:s8+$0xFFFFFFF0] =	vst v3  }
0x3b9: {  	v10 =	vadd.s32 $0x9B01, v56;
	v0 =	vld [tilespmem:$0x30C0]  }
0x3ba: {  	v13 =	vadd.s32 $0x9B02, v56  }
0x3bb: {  	v16 =	vadd.s32 $0x9B03, v56  }
0x3bc: {  	v19 =	vadd.s32 $0x9B04, v56  }
0x3bd: {  	v25 =	vadd.s32 $0x9B06, v56;
	[tilespmem:$0x1F870] =	vst v7;
	v7 =	vld.idx.msk [tilespmem:v7+s18+$0x0], $0xffff  }
0x3be: {  	v29 =	vadd.s32 $0x9B09, v56;
	[tilespmem:$0x1F880] =	vst v10;
	v10 =	vld.idx.msk [tilespmem:v10+s18+$0x0], $0xffff;
	v1 =	vtrunc.f32 v0  }
0x3bf: {  	v23 =	vadd.s32 $0x9B05, v56;
	[tilespmem:$0x1F890] =	vst v13;
	v13 =	vld.idx.msk [tilespmem:v13+s18+$0x0], $0xffff;
	v1 =	vcvt.f32.s32 v1  }
0x3c0: {  	[tilespmem:$0x1F8A0] =	vst v16;
	v16 =	vld.idx.msk [tilespmem:v16+s18+$0x0], $0xffff  }
0x3c1: {  	[tilespmem:$0x1F8B0] =	vst v19;
	v19 =	vld.idx.msk [tilespmem:v19+s18+$0x0], $0xffff;
	v2 =	vadd.s32 $0x1, v1  }
0x3c2: {  	[tilespmem:$0x1F8D0] =	vst v25;
	v25 =	vld.idx.msk [tilespmem:v25+s18+$0x0], $0xffff;
	v3 =	vadd.s32 $0x208, v1;
	v21 =	vcvt.s32.f32 v1  }
0x3c3: {  	[tilespmem:$0x1F900] =	vst v29;
	v29 =	vld.idx.msk [tilespmem:v29+s18+$0x0], $0xffff;
	v4 =	vadd.s32 $0x209, v1  }
0x3c4: {  	v6 =	vadd.s32 $0x410, v1;
	v0 =	vsub.f32 v0, v21;
	v21 =	vld.idx.msk [tilespmem:v23+s18+$0x0], $0xffff  }
0x3c5: {  	v8 =	vadd.s32 $0x411, v1;
	v5 =	vld.idx.msk [tilespmem:v1+s3+$0x0], $0xffff  }
0x3c6: {  	v9 =	vadd.s32 $0x618, v1;
	v2 =	vld.idx.msk [tilespmem:v2+s3+$0x0], $0xffff  }
0x3c7: {  	v11 =	vadd.s32 $0x619, v1;
	v3 =	vld.idx.msk [tilespmem:v3+s3+$0x0], $0xffff  }
0x3c8: {  	v12 =	vadd.s32 $0x820, v1;
	v4 =	vld.idx.msk [tilespmem:v4+s3+$0x0], $0xffff  }
0x3c9: {  	v14 =	vadd.s32 $0x821, v1;
	v6 =	vld.idx.msk [tilespmem:v6+s3+$0x0], $0xffff  }
0x3ca: {  	v15 =	vadd.s32 $0xA28, v1;
	v8 =	vld.idx.msk [tilespmem:v8+s3+$0x0], $0xffff  }
0x3cb: {  	v17 =	vadd.s32 $0xA29, v1;
	v9 =	vld.idx.msk [tilespmem:v9+s3+$0x0], $0xffff  }
0x3cc: {  	v18 =	vadd.s32 $0xC30, v1;
	v11 =	vld.idx.msk [tilespmem:v11+s3+$0x0], $0xffff  }
0x3cd: {  	v20 =	vadd.s32 $0xC31, v1;
	v12 =	vld.idx.msk [tilespmem:v12+s3+$0x0], $0xffff  }
0x3ce: {  	v22 =	vadd.s32 $0xE38, v1;
	v14 =	vld.idx.msk [tilespmem:v14+s3+$0x0], $0xffff  }
0x3cf: {  	v27 =	vadd.s32 $0x9B07, v56;
	[tilespmem:$0x1F8C0] =	vst v23;
	v23 =	vadd.s32 $0xE39, v1;
	v15 =	vld.idx.msk [tilespmem:v15+s3+$0x0], $0xffff;
	v2 =	vsub.f32 v2, v5  }
0x3d0: {  	v28 =	vadd.s32 $0x9B08, v56;
	v31 =	vadd.s32 $0x9B0A, v56;
	v17 =	vld.idx.msk [tilespmem:v17+s3+$0x0], $0xffff;
	v4 =	vsub.f32 v4, v3  }
0x3d1: {  	v24 =	vadd.s32 $0x1040, v1;
	v26 =	vadd.s32 $0x1041, v1;
	v18 =	vld.idx.msk [tilespmem:v18+s3+$0x0], $0xffff;
	v2 =	vmul.f32 v2, v0  }
0x3d2: {  	v20 =	vld.idx.msk [tilespmem:v20+s3+$0x0], $0xffff;
	v8 =	vsub.f32 v8, v6;
	v11 =	vsub.f32 v11, v9;
	v4 =	vmul.f32 v4, v0  }
0x3d3: {  	v30 =	vadd.s32 $0x1659, v1;
	v14 =	vsub.f32 v14, v12;
	v2 =	vadd.f32 v2, v5;
	v5 =	vld.idx.msk [tilespmem:v22+s3+$0x0], $0xffff  }
0x3d4: {  	v8 =	vmul.f32 v8, v0;
	v11 =	vmul.f32 v11, v0;
	v3 =	vadd.f32 v4, v3;
	v4 =	vld.idx.msk [tilespmem:v23+s3+$0x0], $0xffff  }
0x3d5: {  	v14 =	vmul.f32 v14, v0;
	v22 =	vadd.s32 $0x1248, v1;
	v2 =	vmul.f32 v2, v7;
	v7 =	vld.idx.msk [tilespmem:v27+s18+$0x0], $0xffff  }
0x3d6: {  	v6 =	vadd.f32 v8, v6;
	v8 =	vsub.f32 v17, v15;
	v3 =	vmul.f32 v3, v10;
	v10 =	vld.idx.msk [tilespmem:v24+s3+$0x0], $0xffff  }
0x3d7: {  	v23 =	vadd.s32 $0x1249, v1;
	v9 =	vadd.f32 v11, v9;
	v11 =	vadd.f32 v14, v12;
	v24 =	vld.idx.msk [tilespmem:v26+s3+$0x0], $0xffff  }
0x3d8: {  	[tilespmem:$0x1F8E0] =	vst v27;
	v14 =	vadd.s32 $0x1860, v1;
	v27 =	vld.idx.msk [tilespmem:v28+s18+$0x0], $0xffff;
	v8 =	vmul.f32 v8, v0  }
0x3d9: {  	v26 =	vadd.s32 $0x1450, v1;
	v11 =	vmul.f32 v11, v19;
	v19 =	vsub.f32 v20, v18;
	v20 =	vld.idx.msk [tilespmem:v30+s3+$0x0], $0xffff  }
0x3da: {  	[tilespmem:$0x1F8F0] =	vst v28;
	v28 =	vadd.s32 $0x1451, v1;
	v8 =	vadd.f32 v8, v15;
	v15 =	vld.idx.msk [tilespmem:v31+s18+$0x0], $0xffff  }
0x3db: {  	v49 =	vadd.s32 $0x9B0B, v56;
	v6 =	vmul.f32 v6, v13;
	v22 =	vld.idx.msk [tilespmem:v22+s3+$0x0], $0xffff  }
0x3dc: {  	v9 =	vmul.f32 v9, v16;
	v2 =	vadd.f32 $0.0e+00, v2;
	v17 =	vld.idx.msk [tilespmem:v23+s3+$0x0], $0xffff;
	v23 =	vadd.s32 $0x1658, v1  }
0x3dd: {  	v4 =	vsub.f32 v4, v5;
	v14 =	vld.idx.msk [tilespmem:v14+s3+$0x0], $0xffff;
	v8 =	vmul.f32 v8, v21;
	v21 =	vadd.s32 $0x1A68, v1  }
0x3de: {  	v30 =	vadd.s32 $0x9B0D, v56;
	v3 =	vadd.f32 $0.0e+00, v3;
	v13 =	vld.idx.msk [tilespmem:v26+s3+$0x0], $0xffff;
	v26 =	vadd.s32 $0x1861, v1  }
0x3df: {  	v2 =	vadd.f32 v11, v2;
	v12 =	vld.idx.msk [tilespmem:v28+s3+$0x0], $0xffff;
	v28 =	vadd.s32 $0x9B0C, v56;
	v4 =	vmul.f32 v4, v0  }
0x3e0: {  	v11 =	vld.idx.msk [tilespmem:v49+s18+$0x0], $0xffff;
	v3 =	vadd.f32 v8, v3;
	v8 =	vmul.f32 v19, v0;
	v19 =	vsub.f32 v24, v10  }
0x3e1: {  	v4 =	vadd.f32 v4, v5;
	v16 =	vld.idx.msk [tilespmem:v23+s3+$0x0], $0xffff;
	v23 =	vadd.s32 $0x1A69, v1;
	v17 =	vsub.f32 v17, v22  }
0x3e2: {  	v8 =	vadd.f32 v8, v18;
	v5 =	vmul.f32 v19, v0;
	v19 =	vld.idx.msk [tilespmem:v21+s3+$0x0], $0xffff;
	v21 =	vadd.s32 $0x1E78, v1  }
0x3e3: {  	v9 =	vadd.f32 $0.0e+00, v9;
	v24 =	vld.idx.msk [tilespmem:v26+s3+$0x0], $0xffff;
	v26 =	vadd.s32 $0x1C70, v1;
	v17 =	vmul.f32 v17, v0  }
0x3e4: {  	[tilespmem:$0x1F930] =	vst v28;
	v4 =	vmul.f32 v4, v7;
	v18 =	vld.idx.msk [tilespmem:v28+s18+$0x0], $0xffff;
	v28 =	vadd.s32 $0x1C71, v1;
	v8 =	vmul.f32 v8, v25  }
0x3e5: {  	v7 =	vld.idx.msk [tilespmem:v30+s18+$0x0], $0xffff;
	v25 =	vadd.s32 $0x1E79, v1;
	v5 =	vadd.f32 v5, v10;
	v17 =	vadd.f32 v17, v22  }
0x3e6: {  	v6 =	vadd.f32 $0.0e+00, v6;
	v10 =	vadd.s32 $0x2080, v1;
	v4 =	vadd.f32 v4, v9;
	v23 =	vld.idx.msk [tilespmem:v23+s3+$0x0], $0xffff  }
0x3e7: {  	v5 =	vmul.f32 v5, v27;
	v27 =	vadd.s32 $0x2288, v1;
	v9 =	vmul.f32 v17, v29;
	v17 =	vld.idx.msk [tilespmem:v21+s3+$0x0], $0xffff  }
0x3e8: {  	v21 =	vadd.s32 $0x2289, v1;
	v22 =	vld.idx.msk [tilespmem:v26+s3+$0x0], $0xffff  }
0x3e9: {  	v6 =	vadd.f32 v8, v6;
	v26 =	vadd.s32 $0x2081, v1;
	v8 =	vld.idx.msk [tilespmem:v28+s3+$0x0], $0xffff  }
0x3ea: {  	v2 =	vadd.f32 v5, v2;
	v5 =	vsub.f32 v12, v13;
	v12 =	vld.idx.msk [tilespmem:v25+s3+$0x0], $0xffff;
	v25 =	vadd.s32 $0x2490, v1  }
0x3eb: {  	v10 =	vld.idx.msk [tilespmem:v10+s3+$0x0], $0xffff;
	v28 =	vadd.s32 $0x2698, v1;
	v3 =	vadd.f32 v9, v3;
	v9 =	vsub.f32 v20, v16  }
0x3ec: {  	v24 =	vsub.f32 v24, v14;
	v20 =	vadd.s32 $0x2491, v1;
	v5 =	vmul.f32 v5, v0;
	v27 =	vld.idx.msk [tilespmem:v27+s3+$0x0], $0xffff  }
0x3ed: {  	v1 =	vadd.s32 $0x2699, v1;
	v9 =	vmul.f32 v9, v0;
	v23 =	vsub.f32 v23, v19;
	v21 =	vld.idx.msk [tilespmem:v21+s3+$0x0], $0xffff  }
0x3ee: {  	v5 =	vadd.f32 v5, v13;
	v13 =	vmul.f32 v24, v0;
	v24 =	vadd.s32 $0x9B0E, v56;
	v26 =	vld.idx.msk [tilespmem:v26+s3+$0x0], $0xffff  }
0x3ef: {  	v29 =	vadd.s32 $0x9B0F, v56;
	v9 =	vadd.f32 v9, v16;
	v16 =	vmul.f32 v23, v0;
	v23 =	vld.idx.msk [tilespmem:v25+s3+$0x0], $0xffff  }
0x3f0: {  	v5 =	vmul.f32 v5, v15;
	v13 =	vadd.f32 v13, v14;
	v25 =	vadd.s32 $0x9B10, v56;
	v15 =	vld.idx.msk [tilespmem:v28+s3+$0x0], $0xffff  }
0x3f1: {  	v14 =	vld.idx.msk [tilespmem:v20+s3+$0x0], $0xffff;
	v9 =	vmul.f32 v9, v11;
	v11 =	vadd.f32 v16, v19;
	v16 =	vadd.s32 $0x9B11, v56  }
0x3f2: {  	v1 =	vld.idx.msk [tilespmem:v1+s3+$0x0], $0xffff;
	v5 =	vadd.f32 v5, v6;
	v6 =	vmul.f32 v13, v18;
	v18 =	vadd.s32 $0x9B12, v56  }
0x3f3: {  	v19 =	vadd.s32 $0x9B13, v56;
	[tilespmem:$0x1F980] =	vst v16;
	v4 =	vadd.f32 v9, v4;
	v7 =	vmul.f32 v11, v7;
	v9 =	vld.idx.msk [tilespmem:v24+s18+$0x0], $0xffff  }
0x3f4: {  	[tilespmem:$0x1F990] =	vst v18;
	v2 =	vadd.f32 v6, v2;
	v6 =	vsub.f32 v8, v22;
	v8 =	vld.idx.msk [tilespmem:v29+s18+$0x0], $0xffff  }
0x3f5: {  	[tilespmem:$0x1F9A0] =	vst v19;
	v11 =	vld.idx.msk [tilespmem:v25+s18+$0x0], $0xffff;
	v3 =	vadd.f32 v7, v3;
	v7 =	vsub.f32 v12, v17  }
0x3f6: {  	v6 =	vmul.f32 v6, v0;
	v12 =	vsub.f32 v26, v10;
	v13 =	vld.idx.msk [tilespmem:v16+s18+$0x0], $0xffff;
	v16 =	vsub.f32 v21, v27  }
0x3f7: {  	v14 =	vsub.f32 v14, v23;
	v1 =	vsub.f32 v1, v15;
	v18 =	vld.idx.msk [tilespmem:v18+s18+$0x0], $0xffff;
	v7 =	vmul.f32 v7, v0  }
0x3f8: {  	v19 =	vld.idx.msk [tilespmem:v19+s18+$0x0], $0xffff;
	v6 =	vadd.f32 v6, v22;
	v12 =	vmul.f32 v12, v0;
	v16 =	vmul.f32 v16, v0  }
0x3f9: {  	v14 =	vmul.f32 v14, v0;
	v0 =	vmul.f32 v1, v0;
	v7 =	vadd.f32 v7, v17  }
0x3fa: {  	v1 =	vmul.f32 v6, v9;
	v6 =	vadd.f32 v12, v10;
	v9 =	vadd.f32 v16, v27  }
0x3fb: {  	v0 =	vadd.f32 v0, v15;
	v7 =	vmul.f32 v7, v8;
	v8 =	vadd.f32 v14, v23  }
0x3fc: {  	v1 =	vadd.f32 v1, v5;
	v5 =	vmul.f32 v6, v11;
	v6 =	vmul.f32 v9, v13  }
0x3fd: {  	v0 =	vmul.f32 v0, v19;
	v4 =	vadd.f32 v7, v4;
	v7 =	vmul.f32 v8, v18  }
0x3fe: {  	v2 =	vadd.f32 v5, v2;
	v3 =	vadd.f32 v6, v3  }
0x3ff: {  	v1 =	vadd.f32 v7, v1;
	v0 =	vadd.f32 v0, v4  }
0x400: {  	v4 =	vld [tilespmem:$0x40C0]  }
0x401: {  	[tilespmem:$0x1F910] =	vst v31;
	v2 =	vadd.f32 v3, v2;
	v0 =	vadd.f32 v0, v1  }
0x402: {  	[tilespmem:$0x1F920] =	vst v49  }
0x403: {  	[tilespmem:$0x1F940] =	vst v30;
	v0 =	vadd.f32 v0, v2  }
0x404: {  	[tilespmem:$0x1F960] =	vst v29  }
0x405: {  	[tilespmem:$0x1F950] =	vst v24;
	v0 =	vmul.f32 v0, v4  }
0x406: {  	s2 =	sshrl.u32 s2, $0x3;
	[tilespmem:$0x1F970] =	vst v25  }
0x407: {  	s2 =	sadd.s32 s1, s2;
	[tilespmem:$0x189C0] =	vst v0  }
0x408: {  	[hbm4b:s2+s3] =	stream.linear.scatter [tilespmem:s23], [sflag:$0x3], $0x7D0, $0x38;
	[tilespmem:$0x19200] =	vst v63  }
0x409: {  	_ =	swait.ge [sflag:s24], $0x7D0  }
0x40a: {  	[sflag:s24] =	ssyncset.done $0x0  }
0x40b: {  	[sflag:s24] =	ssyncadd.s32 $0xFFFFF830  }
0x40c: {  	_ =	swait.ge [sflag:s24], $0x7D0  }
0x40d: {  	[sflag:s24] =	ssyncset.done $0x0  }
0x40e: {  	p0 =	seq.s32 s30, $0x3;
	[sflag:s24] =	ssyncadd.s32 $0xFFFFF830  }
0x40f: {  	s10 =	simm.s32 @!p0 $0x2900;
	s2 =	sadd.s32 @!p0 s4, s12;
	_ =	swait.ge [sflag:s24], $0x9C40  }
0x410: {  	s9 =	simm.s32 @!p0 $0x0;
	s4 =	sshrl.u32 @!p0 s2, $0x3;
	[sflag:s24] =	ssyncset.done $0x0  }
0x411: {  	s2 =	smul.u32 @!p0 $0x14, s2;
	s8 =	sadd.s32 @!p0 s6, s4;
	[sflag:s24] =	ssyncadd.s32 $0xFFFF63C0  }
0x412: {  	[tilespmem:s10], [sflag:$0x1] =	stream.linear.gather @!p0 [hbm4b:s8+s9], $0x7D0, $0x38;
	[tilespmem:$0x19200] =	vst v63  }
0x413: {  	s4 =	sadd.s32 @!p0 s0, s4;
	s2 =	sshrl.u32 @!p0 s2, $0x3;
	s8 =	simm.s32 @!p0 $0x3900  }
0x414: {  	[tilespmem:s8], [sflag:$0x1] =	stream.linear.gather @!p0 [hbm4b:s4+s9], $0x7D0, $0x38;
	[tilespmem:$0x19200] =	vst v63  }
0x415: {  	p1 =	seq.s32 @!p0 s30, $0x0;
	s2 =	sadd.s32 @!p0 s7, s2;
	s4 =	simm.s32 @!p0 $0x4900  }
0x416: {  	[tilespmem:s4], [sflag:$0x1] =	stream.linear.gather @!p0 [hbm4b:s2+s9], $0x9C40, $0x38;
	[tilespmem:$0x19200] =	vst v63  }
0x417: {  	p0 =	por p0, !p1  }
0x418: {  	_ =	swait.ge @p0 [sflag:s28], $0x7D0  }
0x419: {  	[sflag:s28] =	ssyncset.done @p0 $0x0  }
0x41a: {  	s17 =	simm.s32 $0x3110;
	[sflag:s28] =	ssyncadd.s32 @p0 $0xFFFFF830  }
0x41b: {  	v1 =	vld [tilespmem:s17+$0x0];
	_ =	sdelay $0x4  }
0x41c: {  	v0 =	vtrunc.f32 v1  }
0x41d: {  	v3 =	vcvt.f32.s32 v0;
	_ =	sdelay $0x1  }
0x41e: {  	v0 =	vadd.s32 $0x2080, v3  }
0x41f: {  	v4 =	vadd.s32 $0x2081, v3  }
0x420: {  	v5 =	vadd.s32 $0x2288, v3  }
0x421: {  	v6 =	vld [tilespmem:s17+$0xFFFFFFF0];
	v7 =	vadd.s32 $0x2289, v3  }
0x422: {  	v8 =	vadd.s32 $0x2490, v3;
	v2 =	vld.idx.msk [tilespmem:v3+s3+$0x0], $0xffff  }
0x423: {  	v9 =	vadd.s32 $0x1860, v3;
	v13 =	vld.idx.msk [tilespmem:v0+s3+$0x0], $0xffff  }
0x424: {  	v12 =	vadd.s32 $0x1658, v3;
	v11 =	vld.idx.msk [tilespmem:v4+s3+$0x0], $0xffff  }
0x425: {  	v31 =	vadd.s32 $0x1659, v3;
	v14 =	vld.idx.msk [tilespmem:v5+s3+$0x0], $0xffff  }
0x426: {  	v51 =	vadd.s32 $0x820, v3;
	v15 =	vld.idx.msk [tilespmem:v7+s3+$0x0], $0xffff  }
0x427: {  	v52 =	vadd.s32 $0x821, v3;
	v16 =	vld.idx.msk [tilespmem:v8+s3+$0x0], $0xffff  }
0x428: {  	v37 =	vadd.s32 $0xA28, v3;
	v20 =	vld.idx.msk [tilespmem:v9+s3+$0x0], $0xffff  }
0x429: {  	v53 =	vadd.s32 $0xA29, v3;
	v42 =	vld.idx.msk [tilespmem:v12+s3+$0x0], $0xffff  }
0x42a: {  	v47 =	vadd.s32 $0xE39, v3;
	v31 =	vld.idx.msk [tilespmem:v31+s3+$0x0], $0xffff  }
0x42b: {  	s4 =	simm.s32 $0x140;
	v48 =	vadd.s32 $0x1, v3;
	v32 =	vld.idx.msk [tilespmem:v51+s3+$0x0], $0xffff  }
0x42c: {  	v49 =	vadd.s32 s4, v50;
	v50 =	vadd.s32 $0x208, v3;
	v35 =	vld.idx.msk [tilespmem:v52+s3+$0x0], $0xffff  }
0x42d: {  	v0 =	vadd.s32 $0x2491, v3;
	v37 =	vld.idx.msk [tilespmem:v37+s3+$0x0], $0xffff  }
0x42e: {  	v4 =	vadd.s32 $0x2698, v3;
	v41 =	vld.idx.msk [tilespmem:v53+s3+$0x0], $0xffff  }
0x42f: {  	v5 =	vadd.s32 $0x2699, v3;
	v47 =	vld.idx.msk [tilespmem:v47+s3+$0x0], $0xffff  }
0x430: {  	v7 =	vadd.s32 $0x1861, v3;
	v48 =	vld.idx.msk [tilespmem:v48+s3+$0x0], $0xffff  }
0x431: {  	v8 =	vadd.s32 $0x1A68, v3;
	v50 =	vld.idx.msk [tilespmem:v50+s3+$0x0], $0xffff  }
0x432: {  	v9 =	vadd.s32 $0x1040, v3;
	v17 =	vld.idx.msk [tilespmem:v0+s3+$0x0], $0xffff  }
0x433: {  	v12 =	vadd.s32 $0xC30, v3;
	v18 =	vld.idx.msk [tilespmem:v4+s3+$0x0], $0xffff  }
0x434: {  	v54 =	vcvt.s32.f32 v3;
	v19 =	vld.idx.msk [tilespmem:v5+s3+$0x0], $0xffff  }
0x435: {  	v21 =	vld.idx.msk [tilespmem:v7+s3+$0x0], $0xffff  }
0x436: {  	v44 =	vsub.f32 v1, v54;
	v0 =	vadd.s32 $0x1A69, v3;
	v22 =	vld.idx.msk [tilespmem:v8+s3+$0x0], $0xffff;
	v15 =	vsub.f32 v15, v14  }
0x437: {  	v4 =	vadd.s32 $0x1C70, v3;
	v28 =	vld.idx.msk [tilespmem:v9+s3+$0x0], $0xffff  }
0x438: {  	v5 =	vadd.s32 $0x1C71, v3;
	v12 =	vld.idx.msk [tilespmem:v12+s3+$0x0], $0xffff;
	v15 =	vmul.f32 v15, v44  }
0x439: {  	v7 =	vadd.s32 $0x1E78, v3;
	v1 =	vsub.f32 v11, v13;
	v11 =	vld [tilespmem:$0x1FFB0]  }
0x43a: {  	v8 =	vadd.s32 $0x1E79, v3;
	v15 =	vadd.f32 v15, v14;
	v14 =	vld [tilespmem:$0x1FE00]  }
0x43b: {  	v23 =	vld.idx.msk [tilespmem:v0+s3+$0x0], $0xffff;
	v0 =	vadd.s32 $0x1041, v3  }
0x43c: {  	v52 =	vadd.s32 $0x209, v3;
	v24 =	vld.idx.msk [tilespmem:v4+s3+$0x0], $0xffff  }
0x43d: {  	v4 =	vadd.s32 $0x1248, v3;
	v25 =	vld.idx.msk [tilespmem:v5+s3+$0x0], $0xffff  }
0x43e: {  	v5 =	vadd.s32 $0x1249, v3;
	v26 =	vld.idx.msk [tilespmem:v7+s3+$0x0], $0xffff  }
0x43f: {  	v9 =	vtrunc.f32 v6;
	v1 =	vmul.f32 v1, v44;
	v7 =	vadd.s32 $0x1450, v3;
	v27 =	vld.idx.msk [tilespmem:v8+s3+$0x0], $0xffff  }
0x440: {  	v8 =	vadd.s32 $0x1451, v3;
	v29 =	vld.idx.msk [tilespmem:v0+s3+$0x0], $0xffff;
	v0 =	vcvt.f32.s32 v9  }
0x441: {  	v52 =	vld.idx.msk [tilespmem:v52+s3+$0x0], $0xffff;
	v54 =	vadd.f32 v1, v13;
	v13 =	vsub.f32 v19, v18;
	v19 =	vadd.s32 s4, v14  }
0x442: {  	v30 =	vld.idx.msk [tilespmem:v4+s3+$0x0], $0xffff;
	v10 =	vadd.s32 $0x208, v0;
	v39 =	vcvt.s32.f32 v0  }
0x443: {  	v33 =	vld.idx.msk [tilespmem:v5+s3+$0x0], $0xffff;
	v9 =	vadd.s32 $0x209, v0  }
0x444: {  	v36 =	vld.idx.msk [tilespmem:v7+s3+$0x0], $0xffff;
	v40 =	vsub.f32 v6, v39;
	v6 =	vadd.s32 $0xC31, v3  }
0x445: {  	v38 =	vld.idx.msk [tilespmem:v8+s3+$0x0], $0xffff;
	v39 =	vadd.s32 s4, v43;
	v43 =	vadd.s32 $0xE38, v3  }
0x446: {  	v7 =	vadd.s32 $0x410, v0;
	v19 =	vld.idx.msk [tilespmem:v19+s22+$0x0], $0xffff  }
0x447: {  	v8 =	vadd.s32 $0x411, v0;
	v10 =	vld.idx.msk [tilespmem:v10+s3+$0x0], $0xffff  }
0x448: {  	v9 =	vld.idx.msk [tilespmem:v9+s3+$0x0], $0xffff  }
0x449: {  	v17 =	vsub.f32 v17, v16;
	v53 =	vld.idx.msk [tilespmem:v6+s3+$0x0], $0xffff;
	v6 =	vadd.s32 $0x410, v3  }
0x44a: {  	v51 =	vadd.s32 s4, v11;
	v29 =	vsub.f32 v29, v28;
	v11 =	vld.idx.msk [tilespmem:v43+s3+$0x0], $0xffff;
	v43 =	vadd.s32 $0x411, v3  }
0x44b: {  	v1 =	vadd.s32 $0x618, v3;
	v17 =	vmul.f32 v17, v44;
	v33 =	vsub.f32 v33, v30;
	v7 =	vld.idx.msk [tilespmem:v7+s3+$0x0], $0xffff  }
0x44c: {  	v29 =	vmul.f32 v29, v44;
	v8 =	vld.idx.msk [tilespmem:v8+s3+$0x0], $0xffff  }
0x44d: {  	v14 =	vadd.s32 $0x619, v3;
	v33 =	vmul.f32 v33, v44;
	v3 =	vadd.f32 v17, v16;
	v16 =	vld [tilespmem:$0x1FE20]  }
0x44e: {  	v13 =	vmul.f32 v13, v44;
	v28 =	vadd.f32 v29, v28;
	v29 =	vadd.s32 s4, v58;
	v17 =	vld.idx.msk [tilespmem:v6+s3+$0x0], $0xffff  }
0x44f: {  	v30 =	vadd.f32 v33, v30;
	v33 =	vadd.s32 s4, v60;
	v43 =	vld.idx.msk [tilespmem:v43+s3+$0x0], $0xffff  }
0x450: {  	v25 =	vsub.f32 v25, v24;
	v6 =	vadd.f32 v13, v18;
	v18 =	vadd.s32 s4, v55;
	v55 =	vld.idx.msk [tilespmem:v1+s3+$0x0], $0xffff  }
0x451: {  	v4 =	vadd.s32 $0x618, v0;
	v1 =	vld [tilespmem:$0x1FD90]  }
0x452: {  	v13 =	vmul.f32 v25, v44;
	v25 =	vld.idx.msk [tilespmem:v14+s3+$0x0], $0xffff;
	v47 =	vsub.f32 v47, v11  }
0x453: {  	v45 =	vadd.s32 s4, v45;
	v21 =	vsub.f32 v21, v20;
	v29 =	vld.idx.msk [tilespmem:v29+s22+$0x0], $0xffff  }
0x454: {  	v31 =	vsub.f32 v31, v42;
	v16 =	vadd.s32 s4, v16;
	v33 =	vld.idx.msk [tilespmem:v33+s22+$0x0], $0xffff;
	v47 =	vmul.f32 v47, v44  }
0x455: {  	v35 =	vsub.f32 v35, v32;
	v21 =	vmul.f32 v21, v44;
	v14 =	vadd.f32 v13, v24;
	v13 =	vld [tilespmem:$0x1FDD0]  }
0x456: {  	v46 =	vadd.s32 s4, v46;
	v27 =	vsub.f32 v27, v26;
	v11 =	vadd.f32 v47, v11;
	v47 =	vld.idx.msk [tilespmem:v4+s3+$0x0], $0xffff  }
0x457: {  	v35 =	vmul.f32 v35, v44;
	v20 =	vadd.f32 v21, v20;
	v21 =	vadd.s32 s4, v1;
	v1 =	vld [tilespmem:$0x1FDB0]  }
0x458: {  	v41 =	vsub.f32 v41, v37;
	v31 =	vmul.f32 v31, v44;
	v27 =	vmul.f32 v27, v44;
	v18 =	vld.idx.msk [tilespmem:v18+s22+$0x0], $0xffff  }
0x459: {  	v34 =	vadd.s32 $0x1, v0;
	v5 =	vadd.s32 $0x619, v0;
	v25 =	vsub.f32 v25, v55;
	v16 =	vld.idx.msk [tilespmem:v16+s22+$0x0], $0xffff  }
0x45a: {  	v24 =	vadd.s32 s4, v13;
	v13 =	vadd.f32 v27, v26;
	v27 =	vsub.f32 v38, v36;
	v38 =	vld.idx.msk [tilespmem:v45+s22+$0x0], $0xffff  }
0x45b: {  	v48 =	vsub.f32 v48, v2;
	v41 =	vmul.f32 v41, v44;
	v23 =	vsub.f32 v23, v22;
	v45 =	vld.idx.msk [tilespmem:v49+s22+$0x0], $0xffff  }
0x45c: {  	v31 =	vadd.f32 v31, v42;
	v32 =	vadd.f32 v35, v32;
	v49 =	vld.idx.msk [tilespmem:v51+s22+$0x0], $0xffff;
	v25 =	vmul.f32 v25, v44  }
0x45d: {  	v37 =	vadd.f32 v41, v37;
	v23 =	vmul.f32 v23, v44;
	v51 =	vsub.f32 v52, v50;
	v52 =	vld [tilespmem:$0x1FE40]  }
0x45e: {  	v48 =	vmul.f32 v48, v44;
	v43 =	vsub.f32 v43, v17;
	v25 =	vadd.f32 v25, v55;
	v55 =	vld.idx.msk [tilespmem:v5+s3+$0x0], $0xffff  }
0x45f: {  	v22 =	vadd.f32 v23, v22;
	v26 =	vadd.s32 s4, v56;
	v23 =	vadd.s32 s4, v1;
	v1 =	vld.idx.msk [tilespmem:v34+s3+$0x0], $0xffff  }
0x460: {  	v2 =	vadd.f32 v48, v2;
	v35 =	vadd.s32 $0x820, v0;
	v43 =	vmul.f32 v43, v44;
	v34 =	vld.idx.msk [tilespmem:v39+s22+$0x0], $0xffff  }
0x461: {  	v19 =	vmul.f32 v30, v19;
	v30 =	vadd.s32 $0xE39, v0;
	v27 =	vmul.f32 v27, v44;
	v39 =	vld.idx.msk [tilespmem:v46+s22+$0x0], $0xffff  }
0x462: {  	v51 =	vmul.f32 v51, v44;
	v17 =	vadd.f32 v43, v17;
	v43 =	vadd.s32 $0xC31, v0;
	v21 =	vld.idx.msk [tilespmem:v21+s22+$0x0], $0xffff  }
0x463: {  	v46 =	vsub.f32 v53, v12;
	v53 =	vld [tilespmem:$0x1FE80];
	v18 =	vmul.f32 v32, v18;
	v27 =	vadd.f32 v27, v36  }
0x464: {  	v36 =	vadd.s32 s4, v62;
	v50 =	vadd.f32 v51, v50;
	v51 =	vadd.s32 $0xA28, v0;
	v26 =	vld.idx.msk [tilespmem:v26+s22+$0x0], $0xffff  }
0x465: {  	v17 =	vmul.f32 v17, v33;
	v46 =	vmul.f32 v46, v44;
	v42 =	vadd.s32 s4, v52;
	v52 =	vld [tilespmem:$0x1FEA0]  }
0x466: {  	v33 =	vadd.s32 $0x1658, v0;
	v24 =	vld.idx.msk [tilespmem:v24+s22+$0x0], $0xffff;
	v15 =	vmul.f32 v15, v38;
	v22 =	vmul.f32 v22, v45  }
0x467: {  	v45 =	vadd.s32 $0xC30, v0;
	v28 =	vmul.f32 v28, v49;
	v49 =	vadd.s32 $0xE38, v0;
	v23 =	vld.idx.msk [tilespmem:v23+s22+$0x0], $0xffff  }
0x468: {  	v29 =	vmul.f32 v50, v29;
	v50 =	vadd.s32 $0x1450, v0;
	v44 =	vadd.s32 s4, v53;
	v53 =	vld [tilespmem:$0x1FEE0]  }
0x469: {  	v16 =	vmul.f32 v27, v16;
	v27 =	vadd.s32 $0x1C70, v0;
	v34 =	vmul.f32 v54, v34;
	v54 =	vld [tilespmem:$0x1FF00]  }
0x46a: {  	v12 =	vadd.f32 v46, v12;
	v21 =	vmul.f32 v37, v21;
	v5 =	vadd.f32 $0.0e+00, v29;
	v36 =	vld.idx.msk [tilespmem:v36+s22+$0x0], $0xffff  }
0x46b: {  	v46 =	vadd.s32 $0x1451, v0;
	v20 =	vmul.f32 v20, v39;
	v39 =	vld.idx.msk [tilespmem:v42+s22+$0x0], $0xffff;
	v2 =	vmul.f32 v2, v26  }
0x46c: {  	v41 =	vadd.s32 s4, v52;
	v11 =	vmul.f32 v11, v24;
	v24 =	vld.idx.msk [tilespmem:v0+s3+$0x0], $0xffff;
	v5 =	vadd.f32 v21, v5  }
0x46d: {  	v37 =	vadd.s32 $0x1248, v0;
	v29 =	vadd.s32 $0x1A68, v0;
	v45 =	vld.idx.msk [tilespmem:v45+s3+$0x0], $0xffff;
	v2 =	vadd.f32 $0.0e+00, v2  }
0x46e: {  	v52 =	vadd.s32 $0x821, v0;
	v42 =	vadd.s32 $0xA29, v0;
	v5 =	vadd.f32 v19, v5;
	v44 =	vld.idx.msk [tilespmem:v44+s22+$0x0], $0xffff  }
0x46f: {  	v48 =	vadd.s32 s4, v53;
	v38 =	vadd.s32 s4, v54;
	v18 =	vadd.f32 v18, v2;
	v2 =	vld.idx.msk [tilespmem:v35+s3+$0x0], $0xffff  }
0x470: {  	v4 =	vmul.f32 v12, v23;
	v12 =	vadd.f32 $0.0e+00, v17;
	v5 =	vadd.f32 v22, v5;
	v22 =	vld.idx.msk [tilespmem:v30+s3+$0x0], $0xffff  }
0x471: {  	v26 =	vadd.s32 $0x1249, v0;
	v21 =	vadd.s32 $0x1A69, v0;
	v53 =	vadd.s32 $0x1040, v0;
	v41 =	vld.idx.msk [tilespmem:v41+s22+$0x0], $0xffff  }
0x472: {  	v54 =	vadd.s32 $0x1860, v0;
	v25 =	vmul.f32 v25, v36;
	v4 =	vadd.f32 v4, v12;
	v12 =	vld.idx.msk [tilespmem:v51+s3+$0x0], $0xffff  }
0x473: {  	v23 =	vadd.s32 $0x1861, v0;
	v36 =	vadd.s32 $0x1659, v0;
	v35 =	vadd.s32 $0x1C71, v0;
	v19 =	vld.idx.msk [tilespmem:v42+s3+$0x0], $0xffff  }
0x474: {  	v30 =	vadd.s32 $0x2698, v0;
	v31 =	vmul.f32 v31, v39;
	v17 =	vadd.f32 $0.0e+00, v25;
	v48 =	vld.idx.msk [tilespmem:v48+s22+$0x0], $0xffff  }
0x475: {  	v39 =	vadd.s32 $0x1E78, v0;
	v42 =	vadd.s32 $0x2080, v0;
	v51 =	vadd.s32 $0x2699, v0;
	v32 =	vld.idx.msk [tilespmem:v38+s22+$0x0], $0xffff  }
0x476: {  	v49 =	vld.idx.msk [tilespmem:v49+s3+$0x0], $0xffff;
	v18 =	vadd.f32 v28, v18;
	v28 =	vadd.s32 $0x1E79, v0;
	v11 =	vadd.f32 v11, v17  }
0x477: {  	s8 =	simm.s32 $0x4110;
	v26 =	vld.idx.msk [tilespmem:v26+s3+$0x0], $0xffff;
	v15 =	vadd.f32 v15, v5;
	v4 =	vadd.f32 v16, v4;
	v14 =	vmul.f32 v14, v44  }
0x478: {  	v25 =	vld [tilespmem:s8+$0x0];
	v18 =	vadd.f32 v20, v18;
	v11 =	vadd.f32 v31, v11;
	v13 =	vmul.f32 v13, v41  }
0x479: {  	v16 =	vadd.s32 $0x2288, v0;
	v17 =	vld.idx.msk [tilespmem:v52+s3+$0x0], $0xffff;
	v52 =	vsub.f32 v1, v24;
	v4 =	vadd.f32 v14, v4  }
0x47a: {  	v5 =	vld.idx.msk [tilespmem:v50+s3+$0x0], $0xffff;
	v11 =	vadd.f32 v13, v11;
	v48 =	vmul.f32 v3, v48;
	v6 =	vmul.f32 v6, v32  }
0x47b: {  	v38 =	vadd.s32 $0x1041, v0;
	v1 =	vld.idx.msk [tilespmem:v54+s3+$0x0], $0xffff;
	v18 =	vadd.f32 v34, v18;
	v34 =	vsub.f32 v8, v7  }
0x47c: {  	v44 =	vadd.s32 $0x2081, v0;
	v8 =	vld [tilespmem:$0x1FFA0];
	v4 =	vadd.f32 v48, v4;
	v6 =	vadd.f32 v6, v11  }
0x47d: {  	s9 =	simm.s32 $0x0;
	v20 =	vadd.s32 $0x2491, v0;
	v31 =	vld.idx.msk [tilespmem:v43+s3+$0x0], $0xffff;
	v43 =	vadd.s32 $0x2289, v0;
	v41 =	vadd.s32 $0x2490, v0  }
0x47e: {  	v0 =	vld.idx.msk [tilespmem:v53+s3+$0x0], $0xffff;
	v14 =	vadd.s32 s9, v56;
	v15 =	vadd.f32 v15, v18;
	v6 =	vadd.f32 v6, v4  }
0x47f: {  	v18 =	vld.idx.msk [tilespmem:v46+s3+$0x0], $0xffff;
	v11 =	vand.u32 $0x1FF80, v14;
	v14 =	vadd.s32 s9, v60  }
0x480: {  	v3 =	vld.idx.msk [tilespmem:v37+s3+$0x0], $0xffff;
	v37 =	vsub.f32 v9, v10;
	v9 =	vand.u32 $0x1FF80, v14;
	v6 =	vadd.f32 v6, v15  }
0x481: {  	v46 =	vor.u32 v61, v9;
	v9 =	vadd.s32 s9, v8;
	v8 =	vld [tilespmem:$0x1FD90]  }
0x482: {  	v13 =	vld.idx.msk [tilespmem:v38+s3+$0x0], $0xffff;
	v6 =	vmul.f32 v6, v25  }
0x483: {  	v4 =	vld.idx.msk [tilespmem:v33+s3+$0x0], $0xffff  }
0x484: {  	v15 =	vld.idx.msk [tilespmem:v36+s3+$0x0], $0xffff;
	[tilespmem:$0x1F850] =	vst v6  }
0x485: {  	v6 =	vld.idx.msk [tilespmem:v23+s3+$0x0], $0xffff  }
0x486: {  	v23 =	vadd.s32 s9, v8;
	v8 =	vld [tilespmem:$0x1FDB0]  }
0x487: {  	v33 =	vor.u32 v57, v11;
	v11 =	vld [tilespmem:$0x1FD80];
	_ =	sdelay $0x3  }
0x488: {  	v25 =	vadd.s32 s9, v8;
	v8 =	vld.idx.msk [tilespmem:v29+s3+$0x0], $0xffff;
	v29 =	vand.u32 $0x1FF80, v9  }
0x489: {  	v29 =	vor.u32 v11, v29;
	v11 =	vld [tilespmem:$0x1FDA0];
	_ =	sdelay $0x3  }
0x48a: {  	v23 =	vand.u32 $0x1FF80, v23  }
0x48b: {  	v23 =	vor.u32 v11, v23;
	v11 =	vld [tilespmem:$0x1FDC0];
	_ =	sdelay $0x2  }
0x48c: {  	v9 =	vld [tilespmem:$0x1FDD0]  }
0x48d: {  	v25 =	vand.u32 $0x1FF80, v25  }
0x48e: {  	v25 =	vor.u32 v11, v25;
	v11 =	vld [tilespmem:$0x1FDE0];
	_ =	sdelay $0x2  }
0x48f: {  	v38 =	vadd.s32 s9, v58;
	v9 =	vadd.s32 s9, v9  }
0x490: {  	v53 =	vsub.f32 v55, v47;
	v32 =	vand.u32 $0x1FF80, v38;
	v38 =	vld.idx.msk [tilespmem:v39+s3+$0x0], $0xffff;
	v55 =	vand.u32 $0x1FF80, v9  }
0x491: {  	v39 =	vor.u32 v11, v55;
	v11 =	vld [tilespmem:$0x1FFB0];
	_ =	sdelay $0x3  }
0x492: {  	v48 =	vadd.s32 s9, v62  }
0x493: {  	v14 =	vand.u32 $0x1FF80, v48;
	v48 =	vadd.s32 s9, v11;
	v11 =	vld [tilespmem:$0x1FE00];
	_ =	sdelay $0x4  }
0x494: {  	v50 =	vadd.s32 s9, v11;
	v11 =	vld [tilespmem:$0x1FE20];
	_ =	sdelay $0x4  }
0x495: {  	v36 =	vmul.f32 v52, v40;
	v52 =	vadd.s32 s9, v11;
	v11 =	vld [tilespmem:$0x1FE40];
	_ =	sdelay $0x3  }
0x496: {  	v9 =	vld.idx.msk [tilespmem:v27+s3+$0x0], $0xffff  }
0x497: {  	v27 =	vmul.f32 v37, v40;
	v37 =	vmul.f32 v53, v40;
	v53 =	vadd.s32 s9, v11;
	v11 =	vld [tilespmem:$0x1FDF0];
	_ =	sdelay $0x1  }
0x498: {  	v18 =	vsub.f32 v18, v5  }
0x499: {  	v54 =	vld [tilespmem:$0x1FFC0];
	v26 =	vsub.f32 v26, v3  }
0x49a: {  	v18 =	vmul.f32 v18, v40;
	v24 =	vadd.f32 v36, v24;
	v36 =	vld.idx.msk [tilespmem:v42+s3+$0x0], $0xffff;
	v48 =	vand.u32 $0x1FF80, v48  }
0x49b: {  	v26 =	vmul.f32 v26, v40;
	v42 =	vor.u32 v11, v48;
	v11 =	vld [tilespmem:$0x1FE10]  }
0x49c: {  	v34 =	vmul.f32 v34, v40;
	v18 =	vadd.f32 v18, v5;
	v5 =	vld [tilespmem:$0x1FEF0]  }
0x49d: {  	v26 =	vadd.f32 v26, v3;
	v3 =	vld [tilespmem:$0x1FED0]  }
0x49e: {  	v7 =	vadd.f32 v34, v7;
	v21 =	vld.idx.msk [tilespmem:v21+s3+$0x0], $0xffff  }
0x49f: {  	v32 =	vor.u32 v59, v32;
	v34 =	vadd.f32 v37, v47;
	v37 =	vld.idx.msk [tilespmem:v44+s3+$0x0], $0xffff;
	v50 =	vand.u32 $0x1FF80, v50  }
0x4a0: {  	v44 =	vor.u32 v11, v50;
	v11 =	vld [tilespmem:$0x1FE30]  }
0x4a1: {  	v35 =	vld.idx.msk [tilespmem:v35+s3+$0x0], $0xffff  }
0x4a2: {  	v14 =	vor.u32 v63, v14;
	v28 =	vld.idx.msk [tilespmem:v28+s3+$0x0], $0xffff  }
0x4a3: {  	v33 =	vld.idx.msk [tilespmem:v33+s22+$0x0], $0xffff  }
0x4a4: {  	v32 =	vld.idx.msk [tilespmem:v32+s22+$0x0], $0xffff;
	v52 =	vand.u32 $0x1FF80, v52  }
0x4a5: {  	v47 =	vor.u32 v11, v52;
	v11 =	vld [tilespmem:$0x1FE50]  }
0x4a6: {  	v46 =	vld.idx.msk [tilespmem:v46+s22+$0x0], $0xffff  }
0x4a7: {  	v14 =	vld.idx.msk [tilespmem:v14+s22+$0x0], $0xffff  }
0x4a8: {  	v31 =	vsub.f32 v31, v45;
	v16 =	vld.idx.msk [tilespmem:v16+s3+$0x0], $0xffff  }
0x4a9: {  	v43 =	vld.idx.msk [tilespmem:v43+s3+$0x0], $0xffff;
	v10 =	vadd.f32 v27, v10;
	v27 =	vand.u32 $0x1FF80, v53  }
0x4aa: {  	v31 =	vmul.f32 v31, v40;
	v27 =	vor.u32 v11, v27;
	v11 =	vld [tilespmem:$0x1FFE0]  }
0x4ab: {  	v19 =	vsub.f32 v19, v12;
	v41 =	vld.idx.msk [tilespmem:v41+s3+$0x0], $0xffff  }
0x4ac: {  	v31 =	vadd.f32 v31, v45;
	v45 =	vsub.f32 v6, v1;
	v6 =	vld [tilespmem:$0x1FE60]  }
0x4ad: {  	v20 =	vld.idx.msk [tilespmem:v20+s3+$0x0], $0xffff  }
0x4ae: {  	v19 =	vmul.f32 v19, v40;
	v30 =	vld.idx.msk [tilespmem:v30+s3+$0x0], $0xffff  }
0x4af: {  	v52 =	vld [tilespmem:$0x1FFF0];
	v48 =	vadd.s32 s9, v11  }
0x4b0: {  	v12 =	vadd.f32 v19, v12;
	v19 =	vld.idx.msk [tilespmem:v51+s3+$0x0], $0xffff;
	v48 =	vand.u32 $0x1FF80, v48  }
0x4b1: {  	v48 =	vor.u32 v6, v48;
	v6 =	vld [tilespmem:$0x1FE70]  }
0x4b2: {  	v22 =	vsub.f32 v22, v49;
	v29 =	vld.idx.msk [tilespmem:v29+s22+$0x0], $0xffff  }
0x4b3: {  	v53 =	vld [tilespmem:$0x1FEA0]  }
0x4b4: {  	v22 =	vmul.f32 v22, v40;
	v50 =	vadd.s32 s9, v52;
	v52 =	vld [tilespmem:$0x1FE80]  }
0x4b5: {  	v17 =	vsub.f32 v17, v2;
	v23 =	vld.idx.msk [tilespmem:v23+s22+$0x0], $0xffff;
	v50 =	vand.u32 $0x1FF80, v50  }
0x4b6: {  	v22 =	vadd.f32 v22, v49;
	v49 =	vor.u32 v6, v50;
	v6 =	vld [tilespmem:$0x1FE90]  }
0x4b7: {  	v17 =	vmul.f32 v17, v40;
	v25 =	vld.idx.msk [tilespmem:v25+s22+$0x0], $0xffff  }
0x4b8: {  	v55 =	vld [tilespmem:$0x1FFD0]  }
0x4b9: {  	v2 =	vadd.f32 v17, v2;
	v39 =	vld.idx.msk [tilespmem:v39+s22+$0x0], $0xffff;
	v53 =	vadd.s32 s9, v53;
	v52 =	vadd.s32 s9, v52  }
0x4ba: {  	v13 =	vsub.f32 v13, v0;
	v17 =	vand.u32 $0x1FF80, v53;
	v53 =	vld [tilespmem:$0x1FF00];
	v52 =	vand.u32 $0x1FF80, v52  }
0x4bb: {  	v50 =	vor.u32 v6, v52;
	v6 =	vld [tilespmem:$0x1FEB0]  }
0x4bc: {  	v13 =	vmul.f32 v13, v40;
	v15 =	vsub.f32 v15, v4;
	v52 =	vld [tilespmem:$0x1FEE0]  }
0x4bd: {  	v42 =	vld.idx.msk [tilespmem:v42+s22+$0x0], $0xffff  }
0x4be: {  	v0 =	vadd.f32 v13, v0;
	v15 =	vmul.f32 v15, v40;
	v44 =	vld.idx.msk [tilespmem:v44+s22+$0x0], $0xffff  }
0x4bf: {  	v24 =	vmul.f32 v24, v33;
	v10 =	vmul.f32 v10, v32;
	v51 =	vadd.s32 s9, v55;
	v13 =	vld.idx.msk [tilespmem:v27+s22+$0x0], $0xffff  }
0x4c0: {  	s10 =	simm.s32 $0x3130;
	v51 =	vand.u32 $0x1FF80, v51;
	v27 =	vld [tilespmem:$0x1FEC0];
	v17 =	vor.u32 v6, v17;
	v6 =	vadd.s32 s9, v54  }
0x4c1: {  	v53 =	vadd.s32 s9, v53;
	v52 =	vadd.s32 s9, v52;
	v33 =	vand.u32 $0x1FF80, v6;
	v6 =	vld [tilespmem:s10+$0x0]  }
0x4c2: {  	v3 =	vor.u32 v3, v51;
	v32 =	vand.u32 $0x1FF80, v52;
	v52 =	vand.u32 $0x1FF80, v53;
	v53 =	vld [tilespmem:$0x1FF10]  }
0x4c3: {  	v47 =	vld.idx.msk [tilespmem:v47+s22+$0x0], $0xffff  }
0x4c4: {  	v4 =	vadd.f32 v15, v4;
	v28 =	vsub.f32 v28, v38;
	v14 =	vmul.f32 v34, v14;
	v34 =	vld.idx.msk [tilespmem:v48+s22+$0x0], $0xffff  }
0x4c5: {  	v7 =	vmul.f32 v7, v46;
	v43 =	vsub.f32 v43, v16;
	v46 =	vld.idx.msk [tilespmem:v49+s22+$0x0], $0xffff;
	v27 =	vor.u32 v27, v33  }
0x4c6: {  	v21 =	vsub.f32 v21, v8;
	v49 =	vld.idx.msk [tilespmem:v50+s22+$0x0], $0xffff;
	v32 =	vor.u32 v5, v32;
	v5 =	vtrunc.f32 v6  }
0x4c7: {  	v35 =	vsub.f32 v35, v9;
	v50 =	vld.idx.msk [tilespmem:v3+s22+$0x0], $0xffff;
	v48 =	vor.u32 v53, v52;
	v5 =	vcvt.f32.s32 v5  }
0x4c8: {  	v19 =	vsub.f32 v19, v30;
	v24 =	vadd.f32 $0.0e+00, v24;
	v33 =	vld [tilespmem:s10+$0xFFFFFFF0]  }
0x4c9: {  	v15 =	vmul.f32 v21, v40;
	v21 =	vmul.f32 v35, v40;
	v17 =	vld.idx.msk [tilespmem:v17+s22+$0x0], $0xffff;
	v35 =	vadd.s32 $0x2080, v5  }
0x4ca: {  	v45 =	vmul.f32 v45, v40;
	v37 =	vsub.f32 v37, v36;
	v27 =	vld.idx.msk [tilespmem:v27+s22+$0x0], $0xffff;
	v51 =	vadd.s32 $0x2081, v5  }
0x4cb: {  	v28 =	vmul.f32 v28, v40;
	v8 =	vadd.f32 v15, v8;
	v15 =	vld.idx.msk [tilespmem:v32+s22+$0x0], $0xffff;
	v32 =	vadd.s32 $0x2288, v5  }
0x4cc: {  	v1 =	vadd.f32 v45, v1;
	v37 =	vmul.f32 v37, v40;
	v45 =	vadd.s32 $0x2289, v5;
	v48 =	vld.idx.msk [tilespmem:v48+s22+$0x0], $0xffff  }
0x4cd: {  	v9 =	vadd.f32 v21, v9;
	v21 =	vadd.f32 v28, v38;
	v28 =	vadd.s32 $0x2490, v5;
	v3 =	vld.idx.msk [tilespmem:v5+s3+$0x0], $0xffff  }
0x4ce: {  	v7 =	vadd.f32 $0.0e+00, v7;
	v36 =	vadd.f32 v37, v36;
	v37 =	vadd.s32 $0x2491, v5;
	v35 =	vld.idx.msk [tilespmem:v35+s3+$0x0], $0xffff  }
0x4cf: {  	v19 =	vmul.f32 v19, v40;
	v38 =	vmul.f32 v43, v40;
	v52 =	vadd.s32 $0x2698, v5;
	v51 =	vld.idx.msk [tilespmem:v51+s3+$0x0], $0xffff  }
0x4d0: {  	v2 =	vmul.f32 v2, v29;
	v10 =	vadd.f32 $0.0e+00, v10;
	v53 =	vadd.s32 $0x2699, v5;
	v29 =	vld.idx.msk [tilespmem:v32+s3+$0x0], $0xffff  }
0x4d1: {  	v12 =	vmul.f32 v12, v23;
	v16 =	vadd.f32 v38, v16;
	v23 =	vadd.s32 $0x1860, v5;
	v38 =	vld.idx.msk [tilespmem:v45+s3+$0x0], $0xffff  }
0x4d2: {  	v19 =	vadd.f32 v19, v30;
	v2 =	vadd.f32 v2, v24;
	v24 =	vadd.s32 $0x1861, v5;
	v28 =	vld.idx.msk [tilespmem:v28+s3+$0x0], $0xffff  }
0x4d3: {  	v10 =	vadd.f32 v12, v10;
	v25 =	vmul.f32 v31, v25;
	v12 =	vadd.s32 $0x1A68, v5;
	v31 =	vld.idx.msk [tilespmem:v37+s3+$0x0], $0xffff  }
0x4d4: {  	v14 =	vadd.f32 $0.0e+00, v14;
	v22 =	vmul.f32 v22, v39;
	v30 =	vadd.s32 $0x1A69, v5;
	v37 =	vld.idx.msk [tilespmem:v52+s3+$0x0], $0xffff  }
0x4d5: {  	v7 =	vadd.f32 v25, v7;
	v25 =	vadd.s32 $0x1C70, v5;
	v32 =	vld.idx.msk [tilespmem:v53+s3+$0x0], $0xffff  }
0x4d6: {  	v14 =	vadd.f32 v22, v14;
	v22 =	vmul.f32 v26, v44;
	v26 =	vadd.s32 $0x1C71, v5;
	v23 =	vld.idx.msk [tilespmem:v23+s3+$0x0], $0xffff  }
0x4d7: {  	v0 =	vmul.f32 v0, v42;
	v39 =	vadd.s32 $0x1E78, v5;
	v24 =	vld.idx.msk [tilespmem:v24+s3+$0x0], $0xffff  }
0x4d8: {  	v18 =	vmul.f32 v18, v47;
	v4 =	vmul.f32 v4, v13;
	v13 =	vadd.s32 $0x1E79, v5;
	v12 =	vld.idx.msk [tilespmem:v12+s3+$0x0], $0xffff  }
0x4d9: {  	v20 =	vsub.f32 v20, v41;
	v10 =	vadd.f32 v22, v10;
	v22 =	vadd.s32 $0x1040, v5;
	v30 =	vld.idx.msk [tilespmem:v30+s3+$0x0], $0xffff  }
0x4da: {  	v2 =	vadd.f32 v0, v2;
	v7 =	vadd.f32 v18, v7;
	v18 =	vadd.s32 $0x1041, v5;
	v25 =	vld.idx.msk [tilespmem:v25+s3+$0x0], $0xffff  }
0x4db: {  	v1 =	vmul.f32 v1, v34;
	v0 =	vtrunc.f32 v33;
	v53 =	vadd.s32 $0x1248, v5;
	v26 =	vld.idx.msk [tilespmem:v26+s3+$0x0], $0xffff  }
0x4dc: {  	v8 =	vmul.f32 v8, v46;
	v0 =	vcvt.f32.s32 v0;
	v39 =	vld.idx.msk [tilespmem:v39+s3+$0x0], $0xffff  }
0x4dd: {  	v20 =	vmul.f32 v20, v40;
	v9 =	vmul.f32 v9, v49;
	v13 =	vld.idx.msk [tilespmem:v13+s3+$0x0], $0xffff  }
0x4de: {  	v52 =	vcvt.s32.f32 v0;
	v22 =	vld.idx.msk [tilespmem:v22+s3+$0x0], $0xffff;
	v45 =	vadd.f32 v1, v2;
	v1 =	vadd.f32 v8, v10  }
0x4df: {  	v14 =	vadd.f32 v4, v14;
	v42 =	vadd.s32 $0x1249, v5;
	v17 =	vmul.f32 v21, v17;
	v18 =	vld.idx.msk [tilespmem:v18+s3+$0x0], $0xffff  }
0x4e0: {  	v40 =	vsub.f32 v33, v52;
	v52 =	vld.idx.msk [tilespmem:v53+s3+$0x0], $0xffff;
	[tilespmem:$0x1F790] =	vst v1;
	v1 =	vadd.f32 v9, v7  }
0x4e1: {  	v43 =	vadd.s32 $0x1450, v5  }
0x4e2: {  	v20 =	vadd.f32 v20, v41;
	[tilespmem:$0x1F7A0] =	vst v1;
	v1 =	vadd.f32 v17, v14  }
0x4e3: {  	v34 =	vadd.s32 $0x1451, v5  }
0x4e4: {  	v9 =	vld.idx.msk [tilespmem:v42+s3+$0x0], $0xffff;
	[tilespmem:$0x1F7C0] =	vst v1;
	v1 =	vmul.f32 v20, v15  }
0x4e5: {  	v2 =	vld [tilespmem:$0x1FDB0]  }
0x4e6: {  	s13 =	simm.s32 $0x3C0;
	v47 =	vadd.s32 $0x1658, v5;
	v10 =	vmul.f32 v36, v27;
	v14 =	vld.idx.msk [tilespmem:v43+s3+$0x0], $0xffff;
	[tilespmem:$0x1F7B0] =	vst v1;
	v1 =	vmul.f32 v19, v48  }
0x4e7: {  	v21 =	vadd.s32 $0x1659, v5;
	v33 =	vadd.s32 s13, v55;
	v55 =	vld [tilespmem:$0x1FE20]  }
0x4e8: {  	v8 =	vadd.s32 $0x820, v5;
	v15 =	vld.idx.msk [tilespmem:v34+s3+$0x0], $0xffff;
	[tilespmem:$0x1F7D0] =	vst v1;
	v1 =	vadd.f32 v10, v45  }
0x4e9: {  	v7 =	vadd.s32 $0x821, v5;
	v48 =	vadd.s32 s13, v11;
	v11 =	vld [tilespmem:$0x1FE40]  }
0x4ea: {  	v43 =	vmul.f32 v16, v50;
	v16 =	vadd.s32 $0xA28, v5;
	[tilespmem:$0x1F7E0] =	vst v1;
	v1 =	vld [tilespmem:$0x1FFF0]  }
0x4eb: {  	v17 =	vadd.s32 $0xA29, v5;
	v10 =	vld.idx.msk [tilespmem:v47+s3+$0x0], $0xffff  }
0x4ec: {  	v19 =	vadd.s32 $0xC30, v5;
	v21 =	vld.idx.msk [tilespmem:v21+s3+$0x0], $0xffff  }
0x4ed: {  	v36 =	vadd.s32 $0xE38, v5;
	v47 =	vld.idx.msk [tilespmem:v8+s3+$0x0], $0xffff  }
0x4ee: {  	v46 =	vadd.s32 $0x1, v5;
	v49 =	vld.idx.msk [tilespmem:v7+s3+$0x0], $0xffff  }
0x4ef: {  	v16 =	vld.idx.msk [tilespmem:v16+s3+$0x0], $0xffff  }
0x4f0: {  	v42 =	vadd.s32 $0x209, v5;
	v17 =	vld.idx.msk [tilespmem:v17+s3+$0x0], $0xffff  }
0x4f1: {  	v20 =	vadd.s32 s13, v54;
	v19 =	vld.idx.msk [tilespmem:v19+s3+$0x0], $0xffff  }
0x4f2: {  	v36 =	vld.idx.msk [tilespmem:v36+s3+$0x0], $0xffff  }
0x4f3: {  	v7 =	vsub.f32 v38, v29;
	v38 =	vld.idx.msk [tilespmem:v46+s3+$0x0], $0xffff  }
0x4f4: {  	v27 =	vcvt.s32.f32 v5;
	v46 =	vld [tilespmem:$0x1FE00]  }
0x4f5: {  	v4 =	vadd.s32 $0x208, v0;
	v53 =	vld.idx.msk [tilespmem:v42+s3+$0x0], $0xffff  }
0x4f6: {  	v27 =	vsub.f32 v6, v27;
	v6 =	vsub.f32 v51, v35;
	v34 =	vadd.s32 $0xC31, v5;
	v20 =	vld.idx.msk [tilespmem:v20+s22+$0x0], $0xffff  }
0x4f7: {  	v8 =	vadd.s32 $0xE39, v5;
	v33 =	vld.idx.msk [tilespmem:v33+s22+$0x0], $0xffff  }
0x4f8: {  	v31 =	vsub.f32 v31, v28;
	v6 =	vmul.f32 v6, v27;
	v48 =	vld.idx.msk [tilespmem:v48+s22+$0x0], $0xffff  }
0x4f9: {  	v41 =	vadd.s32 $0x208, v5;
	v32 =	vsub.f32 v32, v37;
	v42 =	vld [tilespmem:$0x1FEA0];
	v7 =	vmul.f32 v7, v27  }
0x4fa: {  	v31 =	vmul.f32 v31, v27;
	v35 =	vadd.f32 v6, v35;
	v6 =	vsub.f32 v24, v23;
	v4 =	vld.idx.msk [tilespmem:v4+s3+$0x0], $0xffff  }
0x4fb: {  	v32 =	vmul.f32 v32, v27;
	v34 =	vld.idx.msk [tilespmem:v34+s3+$0x0], $0xffff;
	v15 =	vsub.f32 v15, v14;
	v24 =	vadd.f32 v7, v29  }
0x4fc: {  	v29 =	vadd.s32 $0x410, v5;
	v7 =	vadd.f32 v31, v28;
	v31 =	vld.idx.msk [tilespmem:v8+s3+$0x0], $0xffff;
	v8 =	vsub.f32 v30, v12  }
0x4fd: {  	v15 =	vmul.f32 v15, v27;
	v50 =	vadd.s32 s13, v1;
	v1 =	vld [tilespmem:$0x1FFB0]  }
0x4fe: {  	v30 =	vmul.f32 v6, v27;
	v6 =	vadd.f32 v32, v37;
	v37 =	vld.idx.msk [tilespmem:v41+s3+$0x0], $0xffff;
	v8 =	vmul.f32 v8, v27  }
0x4ff: {  	v41 =	vld [tilespmem:$0x1FD90];
	v21 =	vsub.f32 v21, v10;
	v14 =	vadd.f32 v15, v14;
	v15 =	vadd.s32 s13, v62  }
0x500: {  	v23 =	vadd.f32 v30, v23;
	v30 =	vadd.s32 s13, v46;
	v12 =	vadd.f32 v8, v12;
	v8 =	vld [tilespmem:$0x1FFA0]  }
0x501: {  	v28 =	vadd.s32 $0x411, v5;
	v17 =	vsub.f32 v17, v16;
	v38 =	vsub.f32 v38, v3;
	v29 =	vld.idx.msk [tilespmem:v29+s3+$0x0], $0xffff  }
0x502: {  	v26 =	vsub.f32 v26, v25;
	v32 =	vadd.s32 $0x618, v5;
	v21 =	vmul.f32 v21, v27;
	v50 =	vld.idx.msk [tilespmem:v50+s22+$0x0], $0xffff  }
0x503: {  	v17 =	vmul.f32 v17, v27;
	v38 =	vmul.f32 v38, v27;
	v51 =	vadd.s32 s13, v1;
	v1 =	vld [tilespmem:$0x1FDD0]  }
0x504: {  	v26 =	vmul.f32 v26, v27;
	v10 =	vadd.f32 v21, v10;
	v21 =	vadd.s32 s13, v2;
	v15 =	vld.idx.msk [tilespmem:v15+s22+$0x0], $0xffff  }
0x505: {  	v16 =	vadd.f32 v17, v16;
	v17 =	vadd.s32 s13, v55;
	v3 =	vadd.f32 v38, v3;
	v30 =	vld.idx.msk [tilespmem:v30+s22+$0x0], $0xffff  }
0x506: {  	v38 =	vadd.s32 $0x410, v0;
	v54 =	vadd.s32 s13, v8;
	v8 =	vsub.f32 v18, v22;
	v18 =	vld.idx.msk [tilespmem:v28+s3+$0x0], $0xffff  }
0x507: {  	v5 =	vadd.s32 $0x619, v5;
	v28 =	vsub.f32 v9, v52;
	v9 =	vadd.f32 v26, v25;
	v26 =	vld.idx.msk [tilespmem:v32+s3+$0x0], $0xffff  }
0x508: {  	v44 =	vadd.s32 $0x1, v0;
	v13 =	vsub.f32 v13, v39;
	v51 =	vld.idx.msk [tilespmem:v51+s22+$0x0], $0xffff  }
0x509: {  	v31 =	vsub.f32 v31, v36;
	v21 =	vld.idx.msk [tilespmem:v21+s22+$0x0], $0xffff  }
0x50a: {  	v13 =	vmul.f32 v13, v27;
	v17 =	vld.idx.msk [tilespmem:v17+s22+$0x0], $0xffff  }
0x50b: {  	v31 =	vmul.f32 v31, v27;
	v25 =	vadd.s32 s13, v41;
	v38 =	vld.idx.msk [tilespmem:v38+s3+$0x0], $0xffff  }
0x50c: {  	v45 =	vmul.f32 v8, v27;
	v8 =	vadd.f32 v13, v39;
	v39 =	vld.idx.msk [tilespmem:v5+s3+$0x0], $0xffff  }
0x50d: {  	v32 =	vadd.s32 s13, v58;
	v31 =	vadd.f32 v31, v36;
	v28 =	vmul.f32 v28, v27;
	v5 =	vld.idx.msk [tilespmem:v44+s3+$0x0], $0xffff  }
0x50e: {  	v36 =	vadd.s32 $0xE39, v0;
	v44 =	vsub.f32 v49, v47;
	v22 =	vadd.f32 v45, v22;
	v45 =	vld [tilespmem:$0x1FE80]  }
0x50f: {  	v13 =	vadd.s32 s13, v56;
	v28 =	vadd.f32 v28, v52;
	v52 =	vsub.f32 v53, v37;
	v53 =	vld.idx.msk [tilespmem:v54+s22+$0x0], $0xffff  }
0x510: {  	v34 =	vsub.f32 v34, v19;
	v49 =	vadd.s32 s13, v60;
	v44 =	vmul.f32 v44, v27;
	v25 =	vld.idx.msk [tilespmem:v25+s22+$0x0], $0xffff  }
0x511: {  	v20 =	vmul.f32 v35, v20;
	v35 =	vadd.s32 s13, v11;
	v24 =	vmul.f32 v24, v33;
	v54 =	vld [tilespmem:$0x1FEE0]  }
0x512: {  	v34 =	vmul.f32 v34, v27;
	v32 =	vld.idx.msk [tilespmem:v32+s22+$0x0], $0xffff;
	v44 =	vadd.f32 v44, v47;
	v47 =	vadd.s32 s13, v1  }
0x513: {  	v23 =	vmul.f32 v23, v48;
	v12 =	vmul.f32 v12, v50;
	v18 =	vsub.f32 v18, v29;
	v36 =	vld.idx.msk [tilespmem:v36+s3+$0x0], $0xffff  }
0x514: {  	v28 =	vmul.f32 v28, v30;
	v30 =	vadd.s32 $0x619, v0;
	v39 =	vsub.f32 v39, v26;
	v13 =	vld.idx.msk [tilespmem:v13+s22+$0x0], $0xffff  }
0x515: {  	v48 =	vadd.s32 s13, v42;
	v52 =	vmul.f32 v52, v27;
	v18 =	vmul.f32 v18, v27;
	v49 =	vld.idx.msk [tilespmem:v49+s22+$0x0], $0xffff  }
0x516: {  	v27 =	vmul.f32 v39, v27;
	v33 =	vadd.s32 s13, v45;
	v50 =	vadd.s32 s13, v54;
	v54 =	vld [tilespmem:$0x1FF00]  }
0x517: {  	v39 =	vadd.s32 $0x209, v0;
	v47 =	vld.idx.msk [tilespmem:v47+s22+$0x0], $0xffff  }
0x518: {  	v18 =	vadd.f32 v18, v29;
	v29 =	vadd.s32 $0x618, v0;
	v26 =	vadd.f32 v27, v26;
	v27 =	vld.idx.msk [tilespmem:v35+s22+$0x0], $0xffff  }
0x519: {  	v14 =	vmul.f32 v14, v17;
	v37 =	vadd.f32 v52, v37;
	v17 =	vld.idx.msk [tilespmem:v30+s3+$0x0], $0xffff  }
0x51a: {  	v16 =	vmul.f32 v16, v25;
	v25 =	vadd.s32 $0xA28, v0;
	v3 =	vmul.f32 v3, v13;
	v13 =	vld.idx.msk [tilespmem:v48+s22+$0x0], $0xffff  }
0x51b: {  	v32 =	vmul.f32 v37, v32;
	v37 =	vadd.s32 $0xC30, v0;
	v33 =	vld.idx.msk [tilespmem:v33+s22+$0x0], $0xffff  }
0x51c: {  	v52 =	vadd.s32 $0x411, v0;
	v44 =	vmul.f32 v44, v53;
	v3 =	vadd.f32 $0.0e+00, v3;
	v39 =	vld.idx.msk [tilespmem:v39+s3+$0x0], $0xffff  }
0x51d: {  	v19 =	vadd.f32 v34, v19;
	v22 =	vmul.f32 v22, v51;
	v29 =	vld.idx.msk [tilespmem:v29+s3+$0x0], $0xffff  }
0x51e: {  	v18 =	vmul.f32 v18, v49;
	v51 =	vadd.s32 s13, v54;
	v50 =	vld.idx.msk [tilespmem:v50+s22+$0x0], $0xffff;
	v3 =	vadd.f32 v44, v3  }
0x51f: {  	v15 =	vmul.f32 v26, v15;
	v26 =	vadd.s32 $0x1040, v0;
	v25 =	vld.idx.msk [tilespmem:v25+s3+$0x0], $0xffff  }
0x520: {  	v19 =	vmul.f32 v19, v21;
	v18 =	vadd.f32 $0.0e+00, v18;
	v37 =	vld.idx.msk [tilespmem:v37+s3+$0x0], $0xffff;
	v3 =	vadd.f32 v22, v3  }
0x521: {  	v35 =	vadd.s32 $0x820, v0;
	v44 =	vld.idx.msk [tilespmem:v52+s3+$0x0], $0xffff  }
0x522: {  	v34 =	vadd.s32 $0xC31, v0;
	v18 =	vadd.f32 v19, v18;
	v19 =	vld.idx.msk [tilespmem:v0+s3+$0x0], $0xffff;
	v3 =	vadd.f32 v23, v3  }
0x523: {  	v53 =	vadd.s32 $0x821, v0;
	v48 =	vadd.s32 $0xA29, v0;
	v32 =	vadd.f32 $0.0e+00, v32;
	v49 =	vld.idx.msk [tilespmem:v51+s22+$0x0], $0xffff  }
0x524: {  	v15 =	vadd.f32 $0.0e+00, v15;
	v31 =	vmul.f32 v31, v47;
	v20 =	vadd.f32 v20, v3;
	v3 =	vld.idx.msk [tilespmem:v26+s3+$0x0], $0xffff  }
0x525: {  	v21 =	vadd.s32 $0x1041, v0;
	v16 =	vadd.f32 v16, v32;
	v32 =	vadd.s32 $0x1450, v0;
	v26 =	vld [tilespmem:$0x1F790]  }
0x526: {  	s14 =	simm.s32 $0x4130;
	v10 =	vmul.f32 v10, v27;
	v35 =	vld.idx.msk [tilespmem:v35+s3+$0x0], $0xffff;
	v15 =	vadd.f32 v31, v15;
	v51 =	vadd.s32 $0xE38, v0  }
0x527: {  	v16 =	vadd.f32 v28, v16;
	v28 =	vld [tilespmem:s14+$0x0];
	v14 =	vadd.f32 v14, v18;
	v9 =	vmul.f32 v9, v33  }
0x528: {  	v47 =	vadd.s32 $0x1248, v0;
	v8 =	vmul.f32 v8, v13;
	v18 =	vld.idx.msk [tilespmem:v53+s3+$0x0], $0xffff;
	v10 =	vadd.f32 v10, v15  }
0x529: {  	v52 =	vadd.s32 $0x1249, v0;
	v23 =	vld.idx.msk [tilespmem:v48+s3+$0x0], $0xffff;
	v7 =	vmul.f32 v7, v50;
	v9 =	vadd.f32 v9, v14  }
0x52a: {  	v14 =	vld.idx.msk [tilespmem:v34+s3+$0x0], $0xffff;
	v8 =	vadd.f32 v8, v10;
	v6 =	vmul.f32 v6, v49;
	v26 =	vadd.f32 v43, v26  }
0x52b: {  	v30 =	vadd.s32 $0x1451, v0;
	v12 =	vadd.f32 v12, v16;
	v51 =	vld.idx.msk [tilespmem:v51+s3+$0x0], $0xffff  }
0x52c: {  	v31 =	vadd.s32 $0x1658, v0;
	v7 =	vadd.f32 v7, v9;
	v6 =	vadd.f32 v6, v8;
	v8 =	vld.idx.msk [tilespmem:v21+s3+$0x0], $0xffff;
	[tilespmem:$0x1F7F0] =	vst v26  }
0x52d: {  	v27 =	vadd.s32 $0x1659, v0;
	v12 =	vadd.f32 v24, v12;
	v43 =	vld.idx.msk [tilespmem:v47+s3+$0x0], $0xffff  }
0x52e: {  	v22 =	vadd.s32 $0x1860, v0;
	v6 =	vadd.f32 v6, v7;
	v7 =	vld.idx.msk [tilespmem:v52+s3+$0x0], $0xffff  }
0x52f: {  	v33 =	vadd.s32 $0x1861, v0;
	v12 =	vadd.f32 v12, v20;
	v32 =	vld.idx.msk [tilespmem:v32+s3+$0x0], $0xffff  }
0x530: {  	v30 =	vld.idx.msk [tilespmem:v30+s3+$0x0], $0xffff  }
0x531: {  	v31 =	vld.idx.msk [tilespmem:v31+s3+$0x0], $0xffff;
	v6 =	vadd.f32 v6, v12  }
0x532: {  	v27 =	vld.idx.msk [tilespmem:v27+s3+$0x0], $0xffff  }
0x533: {  	v22 =	vld.idx.msk [tilespmem:v22+s3+$0x0], $0xffff;
	v6 =	vmul.f32 v6, v28  }
0x534: {  	v33 =	vld.idx.msk [tilespmem:v33+s3+$0x0], $0xffff  }
0x535: {  	s15 =	simm.s32 $0x280;
	[tilespmem:$0x1F860] =	vst v6;
	v6 =	vld [tilespmem:$0x1FFA0]  }
0x536: {  	v52 =	vadd.s32 s15, v60  }
0x537: {  	v47 =	vand.u32 $0x1FF80, v52;
	v52 =	vsub.f32 v44, v38;
	v44 =	vadd.s32 s15, v1;
	v1 =	vld [tilespmem:$0x1FD80];
	_ =	sdelay $0x2  }
0x538: {  	v6 =	vadd.s32 s15, v6  }
0x539: {  	v6 =	vand.u32 $0x1FF80, v6  }
0x53a: {  	v6 =	vor.u32 v1, v6;
	v1 =	vld [tilespmem:$0x1FDA0];
	_ =	sdelay $0x2  }
0x53b: {  	v28 =	vadd.s32 s15, v41  }
0x53c: {  	v39 =	vsub.f32 v39, v4;
	v28 =	vand.u32 $0x1FF80, v28  }
0x53d: {  	v28 =	vor.u32 v1, v28;
	v1 =	vld [tilespmem:$0x1FDC0]  }
0x53e: {  	v39 =	vmul.f32 v39, v40;
	_ =	sdelay $0x1  }
0x53f: {  	v53 =	vadd.s32 $0x1A68, v0;
	v4 =	vadd.f32 v39, v4;
	v39 =	vadd.s32 s15, v2  }
0x540: {  	v13 =	vadd.s32 $0x1C70, v0;
	v5 =	vsub.f32 v5, v19;
	v39 =	vand.u32 $0x1FF80, v39  }
0x541: {  	v39 =	vor.u32 v1, v39;
	v1 =	vld [tilespmem:$0x1FDE0]  }
0x542: {  	v5 =	vmul.f32 v5, v40  }
0x543: {  	v52 =	vmul.f32 v52, v40  }
0x544: {  	v5 =	vadd.f32 v5, v19;
	v19 =	vld.idx.msk [tilespmem:v53+s3+$0x0], $0xffff  }
0x545: {  	v53 =	vld.idx.msk [tilespmem:v13+s3+$0x0], $0xffff;
	v13 =	vadd.f32 v52, v38;
	v38 =	vand.u32 $0x1FF80, v44  }
0x546: {  	v38 =	vor.u32 v1, v38;
	v1 =	vld [tilespmem:$0x1FFB0]  }
0x547: {  	v17 =	vsub.f32 v17, v29;
	_ =	sdelay $0x1  }
0x548: {  	v17 =	vmul.f32 v17, v40;
	_ =	sdelay $0x1  }
0x549: {  	v17 =	vadd.f32 v17, v29;
	v29 =	vadd.s32 s15, v1;
	v1 =	vld [tilespmem:$0x1FDF0];
	_ =	sdelay $0x3  }
0x54a: {  	v47 =	vor.u32 v61, v47;
	v29 =	vand.u32 $0x1FF80, v29  }
0x54b: {  	v18 =	vsub.f32 v18, v35;
	v29 =	vor.u32 v1, v29;
	v1 =	vld [tilespmem:$0x1FE10];
	_ =	sdelay $0x1  }
0x54c: {  	v18 =	vmul.f32 v18, v40  }
0x54d: {  	v52 =	vadd.s32 s15, v46  }
0x54e: {  	v23 =	vsub.f32 v23, v25;
	v18 =	vadd.f32 v18, v35;
	v35 =	vld.idx.msk [tilespmem:v47+s22+$0x0], $0xffff;
	v47 =	vand.u32 $0x1FF80, v52  }
0x54f: {  	v47 =	vor.u32 v1, v47;
	v1 =	vld [tilespmem:$0x1FE30]  }
0x550: {  	v23 =	vmul.f32 v23, v40  }
0x551: {  	v54 =	vadd.s32 $0x2289, v0;
	v49 =	vadd.s32 $0x2288, v0  }
0x552: {  	v14 =	vsub.f32 v14, v37;
	v23 =	vadd.f32 v23, v25;
	v25 =	vadd.s32 s15, v55  }
0x553: {  	v10 =	vadd.s32 $0x2081, v0;
	v25 =	vand.u32 $0x1FF80, v25  }
0x554: {  	v14 =	vmul.f32 v14, v40;
	v25 =	vor.u32 v1, v25;
	v1 =	vld [tilespmem:$0x1FE50];
	_ =	sdelay $0x1  }
0x555: {  	v14 =	vadd.f32 v14, v37;
	v37 =	vld.idx.msk [tilespmem:v49+s3+$0x0], $0xffff  }
0x556: {  	v41 =	vadd.s32 s15, v11;
	v49 =	vld.idx.msk [tilespmem:v54+s3+$0x0], $0xffff  }
0x557: {  	v15 =	vadd.s32 $0x1A69, v0;
	v52 =	vld.idx.msk [tilespmem:v10+s3+$0x0], $0xffff;
	v10 =	vand.u32 $0x1FF80, v41  }
0x558: {  	v26 =	vadd.s32 s15, v56;
	v54 =	vor.u32 v1, v10;
	v1 =	vld [tilespmem:$0x1FFE0]  }
0x559: {  	v48 =	vadd.s32 $0x1C71, v0;
	v26 =	vand.u32 $0x1FF80, v26  }
0x55a: {  	v26 =	vor.u32 v57, v26;
	_ =	sdelay $0x1  }
0x55b: {  	v16 =	vadd.s32 $0x1E78, v0;
	v15 =	vld.idx.msk [tilespmem:v15+s3+$0x0], $0xffff  }
0x55c: {  	v20 =	vadd.s32 s15, v58;
	v10 =	vadd.s32 s15, v1;
	v1 =	vld [tilespmem:$0x1FE60]  }
0x55d: {  	v50 =	vadd.s32 $0x1E79, v0;
	v20 =	vand.u32 $0x1FF80, v20;
	v36 =	vsub.f32 v36, v51;
	v48 =	vld.idx.msk [tilespmem:v48+s3+$0x0], $0xffff  }
0x55e: {  	v20 =	vor.u32 v59, v20;
	v26 =	vld.idx.msk [tilespmem:v26+s22+$0x0], $0xffff  }
0x55f: {  	v34 =	vadd.s32 $0x2080, v0;
	v36 =	vmul.f32 v36, v40;
	v44 =	vld [tilespmem:$0x1FFF0]  }
0x560: {  	v24 =	vadd.s32 $0x2490, v0;
	v16 =	vld.idx.msk [tilespmem:v16+s3+$0x0], $0xffff;
	v10 =	vand.u32 $0x1FF80, v10  }
0x561: {  	v36 =	vadd.f32 v36, v51;
	v51 =	vor.u32 v1, v10;
	v1 =	vld [tilespmem:$0x1FE70]  }
0x562: {  	v9 =	vadd.s32 $0x2491, v0;
	v50 =	vld.idx.msk [tilespmem:v50+s3+$0x0], $0xffff  }
0x563: {  	v21 =	vadd.s32 $0x2698, v0;
	v0 =	vadd.s32 $0x2699, v0;
	v20 =	vld.idx.msk [tilespmem:v20+s22+$0x0], $0xffff  }
0x564: {  	v34 =	vld.idx.msk [tilespmem:v34+s3+$0x0], $0xffff;
	v5 =	vmul.f32 v5, v26;
	v26 =	vadd.s32 s15, v44  }
0x565: {  	v12 =	vadd.s32 s15, v62;
	v24 =	vld.idx.msk [tilespmem:v24+s3+$0x0], $0xffff;
	v26 =	vand.u32 $0x1FF80, v26  }
0x566: {  	v12 =	vand.u32 $0x1FF80, v12;
	v26 =	vor.u32 v1, v26;
	v1 =	vld [tilespmem:$0x1FE90]  }
0x567: {  	v12 =	vor.u32 v63, v12;
	v9 =	vld.idx.msk [tilespmem:v9+s3+$0x0], $0xffff  }
0x568: {  	v7 =	vsub.f32 v7, v43;
	v0 =	vld.idx.msk [tilespmem:v0+s3+$0x0], $0xffff  }
0x569: {  	s16 =	simm.s32 $0x3150;
	v27 =	vsub.f32 v27, v31;
	v4 =	vmul.f32 v4, v20;
	v20 =	vld.idx.msk [tilespmem:v21+s3+$0x0], $0xffff;
	v21 =	vadd.s32 s15, v45  }
0x56a: {  	v11 =	vld [tilespmem:s16+$0x0];
	v7 =	vmul.f32 v7, v40;
	v21 =	vand.u32 $0x1FF80, v21  }
0x56b: {  	v27 =	vmul.f32 v27, v40;
	v15 =	vsub.f32 v15, v19;
	v21 =	vor.u32 v1, v21;
	v1 =	vld [tilespmem:$0x1FEB0]  }
0x56c: {  	v12 =	vld.idx.msk [tilespmem:v12+s22+$0x0], $0xffff;
	v2 =	vadd.f32 v7, v43;
	v9 =	vsub.f32 v9, v24;
	v35 =	vmul.f32 v13, v35  }
0x56d: {  	v43 =	vld [tilespmem:$0x1FFD0];
	v13 =	vadd.s32 s15, v42;
	v42 =	vsub.f32 v52, v34;
	v15 =	vmul.f32 v15, v40  }
0x56e: {  	v27 =	vadd.f32 v27, v31;
	v31 =	vld [tilespmem:s16+$0xFFFFFFF0];
	v13 =	vand.u32 $0x1FF80, v13  }
0x56f: {  	v15 =	vadd.f32 v15, v19;
	v19 =	vmul.f32 v42, v40;
	v42 =	vmul.f32 v9, v40;
	v6 =	vld.idx.msk [tilespmem:v6+s22+$0x0], $0xffff  }
0x570: {  	v55 =	vor.u32 v1, v13;
	v1 =	vld [tilespmem:$0x1FEE0]  }
0x571: {  	v24 =	vadd.f32 v42, v24;
	v42 =	vld [tilespmem:$0x1F7D0]  }
0x572: {  	v28 =	vld.idx.msk [tilespmem:v28+s22+$0x0], $0xffff  }
0x573: {  	v8 =	vsub.f32 v8, v3;
	v10 =	vld [tilespmem:$0x1FFC0]  }
0x574: {  	v29 =	vld.idx.msk [tilespmem:v29+s22+$0x0], $0xffff  }
0x575: {  	v8 =	vmul.f32 v8, v40;
	v13 =	vadd.s32 s15, v1;
	v1 =	vld [tilespmem:$0x1FEC0]  }
0x576: {  	v39 =	vld.idx.msk [tilespmem:v39+s22+$0x0], $0xffff  }
0x577: {  	v3 =	vadd.f32 v8, v3;
	v38 =	vld.idx.msk [tilespmem:v38+s22+$0x0], $0xffff  }
0x578: {  	v47 =	vld.idx.msk [tilespmem:v47+s22+$0x0], $0xffff;
	v8 =	vadd.s32 s15, v10  }
0x579: {  	v30 =	vsub.f32 v30, v32;
	v3 =	vmul.f32 v3, v29;
	v29 =	vld [tilespmem:$0x1F7F0];
	v8 =	vand.u32 $0x1FF80, v8  }
0x57a: {  	v33 =	vsub.f32 v33, v22;
	v8 =	vor.u32 v1, v8;
	v1 =	vld [tilespmem:$0x1FED0]  }
0x57b: {  	v30 =	vmul.f32 v30, v40;
	v25 =	vld.idx.msk [tilespmem:v25+s22+$0x0], $0xffff  }
0x57c: {  	v12 =	vmul.f32 v17, v12;
	v17 =	vsub.f32 v50, v16;
	v50 =	vmul.f32 v33, v40;
	v33 =	vld.idx.msk [tilespmem:v54+s22+$0x0], $0xffff  }
0x57d: {  	v30 =	vadd.f32 v30, v32;
	v7 =	vadd.s32 s15, v43;
	v32 =	vld.idx.msk [tilespmem:v51+s22+$0x0], $0xffff  }
0x57e: {  	v7 =	vand.u32 $0x1FF80, v7;
	v26 =	vld.idx.msk [tilespmem:v26+s22+$0x0], $0xffff  }
0x57f: {  	v7 =	vor.u32 v1, v7;
	v1 =	vld [tilespmem:$0x1FEF0]  }
0x580: {  	v22 =	vadd.f32 v50, v22;
	v50 =	vld.idx.msk [tilespmem:v55+s22+$0x0], $0xffff  }
0x581: {  	v17 =	vmul.f32 v17, v40;
	v8 =	vld.idx.msk [tilespmem:v8+s22+$0x0], $0xffff  }
0x582: {  	v48 =	vsub.f32 v48, v53;
	v21 =	vld.idx.msk [tilespmem:v21+s22+$0x0], $0xffff  }
0x583: {  	v41 =	vtrunc.f32 v11;
	v16 =	vadd.f32 v17, v16;
	v55 =	vld [tilespmem:$0x1FFA0];
	v13 =	vand.u32 $0x1FF80, v13  }
0x584: {  	v19 =	vadd.f32 v19, v34;
	v45 =	vor.u32 v1, v13;
	v13 =	vcvt.f32.s32 v41;
	v1 =	vld [tilespmem:$0x1F7A0]  }
0x585: {  	v48 =	vmul.f32 v48, v40;
	v16 =	vmul.f32 v16, v50;
	v41 =	vld [tilespmem:$0x1F7B0]  }
0x586: {  	v49 =	vsub.f32 v49, v37;
	v50 =	vld [tilespmem:$0x1FFB0];
	v8 =	vmul.f32 v19, v8;
	v19 =	vcvt.s32.f32 v13  }
0x587: {  	v48 =	vadd.f32 v48, v53;
	v7 =	vld.idx.msk [tilespmem:v7+s22+$0x0], $0xffff;
	v46 =	vadd.s32 $0x2080, v13  }
0x588: {  	v17 =	vmul.f32 v49, v40;
	v53 =	vadd.s32 $0x2081, v13;
	v19 =	vsub.f32 v11, v19;
	v11 =	vld [tilespmem:$0x1FD90]  }
0x589: {  	v49 =	vadd.s32 $0x2288, v13;
	v52 =	vld.idx.msk [tilespmem:v45+s22+$0x0], $0xffff  }
0x58a: {  	v17 =	vadd.f32 v17, v37;
	v54 =	vadd.s32 $0x2289, v13;
	v37 =	vadd.f32 v41, v1;
	v1 =	vld [tilespmem:$0x1F7C0]  }
0x58b: {  	v6 =	vmul.f32 v18, v6;
	v18 =	vadd.s32 $0x2490, v13;
	v9 =	vld.idx.msk [tilespmem:v13+s3+$0x0], $0xffff  }
0x58c: {  	v0 =	vsub.f32 v0, v20;
	v51 =	vadd.s32 $0x2698, v13;
	v45 =	vld.idx.msk [tilespmem:v46+s3+$0x0], $0xffff  }
0x58d: {  	v4 =	vadd.f32 $0.0e+00, v4;
	v23 =	vmul.f32 v23, v28;
	v28 =	vld.idx.msk [tilespmem:v53+s3+$0x0], $0xffff  }
0x58e: {  	v0 =	vmul.f32 v0, v40;
	v40 =	vadd.s32 $0x2699, v13;
	v34 =	vld.idx.msk [tilespmem:v49+s3+$0x0], $0xffff  }
0x58f: {  	v5 =	vadd.f32 $0.0e+00, v5;
	v4 =	vadd.f32 v23, v4;
	v23 =	vadd.s32 $0x1A68, v13;
	v49 =	vld.idx.msk [tilespmem:v54+s3+$0x0], $0xffff  }
0x590: {  	v0 =	vadd.f32 v0, v20;
	v20 =	vadd.s32 $0x1A69, v13;
	v18 =	vld.idx.msk [tilespmem:v18+s3+$0x0], $0xffff  }
0x591: {  	v5 =	vadd.f32 v6, v5;
	v36 =	vmul.f32 v36, v38;
	v46 =	vadd.s32 $0x2491, v13;
	v38 =	vld.idx.msk [tilespmem:v51+s3+$0x0], $0xffff  }
0x592: {  	v14 =	vmul.f32 v14, v39;
	v6 =	vadd.s32 $0x1860, v13;
	v39 =	vadd.f32 v42, v1;
	v1 =	vld [tilespmem:$0x1F7E0]  }
0x593: {  	v40 =	vld.idx.msk [tilespmem:v40+s3+$0x0], $0xffff;
	v51 =	vadd.s32 $0x1E78, v13  }
0x594: {  	v35 =	vadd.f32 $0.0e+00, v35;
	v12 =	vadd.f32 $0.0e+00, v12;
	v23 =	vld.idx.msk [tilespmem:v23+s3+$0x0], $0xffff  }
0x595: {  	v20 =	vld.idx.msk [tilespmem:v20+s3+$0x0], $0xffff;
	v42 =	vadd.s32 $0x1861, v13  }
0x596: {  	v14 =	vadd.f32 v14, v35;
	v12 =	vadd.f32 v36, v12;
	v53 =	vld.idx.msk [tilespmem:v46+s3+$0x0], $0xffff;
	v46 =	vadd.s32 $0x1C70, v13  }
0x597: {  	v3 =	vadd.f32 v3, v5;
	v1 =	vadd.f32 v29, v1;
	v29 =	vld.idx.msk [tilespmem:v6+s3+$0x0], $0xffff;
	v6 =	vadd.s32 $0x1C71, v13  }
0x598: {  	v47 =	vmul.f32 v2, v47;
	v5 =	vadd.s32 $0x1E79, v13;
	v37 =	vadd.f32 v39, v37;
	v39 =	vld.idx.msk [tilespmem:v51+s3+$0x0], $0xffff  }
0x599: {  	v2 =	vtrunc.f32 v31;
	v25 =	vmul.f32 v30, v25;
	v30 =	vadd.s32 $0x1040, v13;
	v51 =	vld [tilespmem:$0x1FDD0]  }
0x59a: {  	v27 =	vmul.f32 v27, v33;
	v54 =	vadd.s32 $0x1041, v13;
	v41 =	vld.idx.msk [tilespmem:v42+s3+$0x0], $0xffff;
	v1 =	vadd.f32 v37, v1  }
0x59b: {  	v2 =	vcvt.f32.s32 v2;
	v14 =	vadd.f32 v25, v14;
	v25 =	vadd.s32 $0x1248, v13;
	v35 =	vld.idx.msk [tilespmem:v46+s3+$0x0], $0xffff  }
0x59c: {  	v12 =	vadd.f32 v27, v12;
	v27 =	vadd.s32 $0x1249, v13;
	v36 =	vld.idx.msk [tilespmem:v6+s3+$0x0], $0xffff;
	[tilespmem:$0x1F800] =	vst v1  }
0x59d: {  	v6 =	vcvt.s32.f32 v2;
	v1 =	vmul.f32 v22, v32;
	v32 =	vld.idx.msk [tilespmem:v5+s3+$0x0], $0xffff  }
0x59e: {  	v21 =	vmul.f32 v48, v21;
	v30 =	vld.idx.msk [tilespmem:v30+s3+$0x0], $0xffff  }
0x59f: {  	v15 =	vmul.f32 v15, v26;
	v22 =	vadd.s32 $0x1450, v13;
	v26 =	vld.idx.msk [tilespmem:v54+s3+$0x0], $0xffff;
	v5 =	vsub.f32 v31, v6  }
0x5a0: {  	v25 =	vld.idx.msk [tilespmem:v25+s3+$0x0], $0xffff;
	v31 =	vadd.s32 $0x1451, v13;
	v6 =	vadd.f32 v1, v3;
	v1 =	vadd.f32 v21, v14  }
0x5a1: {  	v27 =	vld.idx.msk [tilespmem:v27+s3+$0x0], $0xffff;
	v3 =	vadd.f32 v16, v12  }
0x5a2: {  	v4 =	vadd.f32 v47, v4;
	v46 =	vadd.s32 $0x1658, v13;
	v54 =	vsub.f32 v49, v34;
	v49 =	vld [tilespmem:$0x1FE00];
	[tilespmem:$0x1F830] =	vst v1  }
0x5a3: {  	v47 =	vadd.s32 $0x1659, v13;
	[tilespmem:$0x1F810] =	vst v3;
	v3 =	vld [tilespmem:$0x1FE40]  }
0x5a4: {  	v4 =	vadd.f32 v15, v4;
	v15 =	vadd.s32 $0x820, v13;
	v1 =	vmul.f32 v24, v52;
	v14 =	vld.idx.msk [tilespmem:v22+s3+$0x0], $0xffff  }
0x5a5: {  	v7 =	vmul.f32 v17, v7;
	v12 =	vadd.s32 $0x821, v13;
	v17 =	vld.idx.msk [tilespmem:v31+s3+$0x0], $0xffff  }
0x5a6: {  	v16 =	vadd.s32 $0xA28, v13;
	[tilespmem:$0x1F840] =	vst v1;
	v1 =	vld [tilespmem:$0x1FFE0]  }
0x5a7: {  	v21 =	vadd.s32 $0xA29, v13;
	v22 =	vld.idx.msk [tilespmem:v46+s3+$0x0], $0xffff  }
0x5a8: {  	s4 =	simm.s32 $0x640;
	v42 =	vadd.s32 $0xE38, v13;
	v33 =	vld.idx.msk [tilespmem:v47+s3+$0x0], $0xffff  }
0x5a9: {  	v37 =	vadd.s32 s4, v43;
	v43 =	vadd.s32 $0x1, v13;
	v41 =	vsub.f32 v41, v29;
	v15 =	vld.idx.msk [tilespmem:v15+s3+$0x0], $0xffff  }
0x5aa: {  	v47 =	vld.idx.msk [tilespmem:v12+s3+$0x0], $0xffff  }
0x5ab: {  	v20 =	vsub.f32 v20, v23;
	v41 =	vmul.f32 v41, v19;
	v24 =	vadd.s32 $0xC30, v13;
	v16 =	vld.idx.msk [tilespmem:v16+s3+$0x0], $0xffff  }
0x5ac: {  	v52 =	vadd.s32 $0x208, v13;
	v21 =	vld.idx.msk [tilespmem:v21+s3+$0x0], $0xffff  }
0x5ad: {  	v20 =	vmul.f32 v20, v19;
	v29 =	vadd.f32 v41, v29;
	v41 =	vadd.s32 $0x618, v13;
	v42 =	vld.idx.msk [tilespmem:v42+s3+$0x0], $0xffff  }
0x5ae: {  	v31 =	vadd.s32 s4, v10;
	v10 =	vsub.f32 v28, v45;
	v28 =	vadd.s32 $0xC31, v13;
	v43 =	vld.idx.msk [tilespmem:v43+s3+$0x0], $0xffff  }
0x5af: {  	v40 =	vsub.f32 v40, v38;
	v20 =	vadd.f32 v20, v23;
	v37 =	vld.idx.msk [tilespmem:v37+s22+$0x0], $0xffff  }
0x5b0: {  	v48 =	vadd.s32 $0xE39, v13;
	v36 =	vsub.f32 v36, v35;
	v26 =	vsub.f32 v26, v30;
	v24 =	vld.idx.msk [tilespmem:v24+s3+$0x0], $0xffff  }
0x5b1: {  	v40 =	vmul.f32 v40, v19;
	v27 =	vsub.f32 v27, v25;
	v12 =	vsub.f32 v53, v18;
	v52 =	vld.idx.msk [tilespmem:v52+s3+$0x0], $0xffff  }
0x5b2: {  	v53 =	vadd.s32 $0x209, v13;
	v26 =	vmul.f32 v26, v19;
	v10 =	vmul.f32 v10, v19;
	v41 =	vld.idx.msk [tilespmem:v41+s3+$0x0], $0xffff  }
0x5b3: {  	v46 =	vmul.f32 v54, v19;
	v54 =	vadd.s32 $0x411, v13;
	v27 =	vmul.f32 v27, v19;
	v28 =	vld.idx.msk [tilespmem:v28+s3+$0x0], $0xffff  }
0x5b4: {  	v26 =	vadd.f32 v26, v30;
	v45 =	vadd.f32 v10, v45;
	v10 =	vmul.f32 v12, v19;
	v31 =	vld.idx.msk [tilespmem:v31+s22+$0x0], $0xffff  }
0x5b5: {  	v30 =	vadd.s32 s4, v49;
	v25 =	vadd.f32 v27, v25;
	v23 =	vadd.s32 s4, v1;
	v1 =	vld [tilespmem:$0x1FDB0]  }
0x5b6: {  	v27 =	vadd.s32 s4, v55;
	v12 =	vadd.f32 v10, v18;
	v10 =	vadd.f32 v40, v38;
	v40 =	vld.idx.msk [tilespmem:v48+s3+$0x0], $0xffff  }
0x5b7: {  	v34 =	vadd.f32 v46, v34;
	v46 =	vld.idx.msk [tilespmem:v53+s3+$0x0], $0xffff  }
0x5b8: {  	v32 =	vsub.f32 v32, v39;
	v36 =	vmul.f32 v36, v19;
	v18 =	vadd.s32 $0x410, v13;
	v38 =	vld.idx.msk [tilespmem:v54+s3+$0x0], $0xffff  }
0x5b9: {  	v17 =	vsub.f32 v17, v14;
	v13 =	vadd.s32 $0x619, v13;
	v53 =	vadd.s32 s4, v44;
	v44 =	vld [tilespmem:$0x1FE20]  }
0x5ba: {  	v32 =	vmul.f32 v32, v19;
	v35 =	vadd.f32 v36, v35;
	v33 =	vsub.f32 v33, v22;
	v30 =	vld.idx.msk [tilespmem:v30+s22+$0x0], $0xffff  }
0x5bb: {  	v54 =	vadd.s32 s4, v50;
	v21 =	vsub.f32 v21, v16;
	v17 =	vmul.f32 v17, v19;
	v27 =	vld.idx.msk [tilespmem:v27+s22+$0x0], $0xffff  }
0x5bc: {  	v32 =	vadd.f32 v32, v39;
	v43 =	vsub.f32 v43, v9;
	v33 =	vmul.f32 v33, v19;
	v23 =	vld.idx.msk [tilespmem:v23+s22+$0x0], $0xffff  }
0x5bd: {  	v21 =	vmul.f32 v21, v19;
	v14 =	vadd.f32 v17, v14;
	v17 =	vadd.s32 s4, v11;
	v18 =	vld.idx.msk [tilespmem:v18+s3+$0x0], $0xffff  }
0x5be: {  	v43 =	vmul.f32 v43, v19;
	v22 =	vadd.f32 v33, v22;
	v33 =	vadd.s32 s4, v56;
	v13 =	vld.idx.msk [tilespmem:v13+s3+$0x0], $0xffff  }
0x5bf: {  	v47 =	vsub.f32 v47, v15;
	v16 =	vadd.f32 v21, v16;
	v21 =	vadd.s32 s4, v60;
	v36 =	vld.idx.msk [tilespmem:v53+s22+$0x0], $0xffff  }
0x5c0: {  	v9 =	vadd.f32 v43, v9;
	v43 =	vadd.s32 s4, v62;
	v46 =	vsub.f32 v46, v52;
	v39 =	vld.idx.msk [tilespmem:v54+s22+$0x0], $0xffff  }
0x5c1: {  	v34 =	vmul.f32 v34, v37;
	v47 =	vmul.f32 v47, v19;
	v37 =	vadd.s32 s4, v1;
	v54 =	vld [tilespmem:$0x1FF00]  }
0x5c2: {  	v28 =	vsub.f32 v28, v24;
	v46 =	vmul.f32 v46, v19;
	v17 =	vld.idx.msk [tilespmem:v17+s22+$0x0], $0xffff  }
0x5c3: {  	v15 =	vadd.f32 v47, v15;
	v31 =	vmul.f32 v45, v31;
	v40 =	vsub.f32 v40, v42;
	v33 =	vld.idx.msk [tilespmem:v33+s22+$0x0], $0xffff  }
0x5c4: {  	v45 =	vadd.f32 v46, v52;
	v23 =	vmul.f32 v29, v23;
	v29 =	vadd.s32 s4, v51;
	v21 =	vld.idx.msk [tilespmem:v21+s22+$0x0], $0xffff  }
0x5c5: {  	v53 =	vadd.s32 s4, v44;
	v46 =	vld.idx.msk [tilespmem:v43+s22+$0x0], $0xffff;
	v38 =	vsub.f32 v38, v18;
	v13 =	vsub.f32 v13, v41  }
0x5c6: {  	v28 =	vmul.f32 v28, v19;
	v40 =	vmul.f32 v40, v19;
	v37 =	vld.idx.msk [tilespmem:v37+s22+$0x0], $0xffff;
	v55 =	vadd.s32 s15, v54  }
0x5c7: {  	v52 =	vld [tilespmem:$0x1FEA0];
	v38 =	vmul.f32 v38, v19;
	v13 =	vmul.f32 v13, v19;
	v19 =	vadd.s32 s4, v58  }
0x5c8: {  	v47 =	vadd.s32 s4, v3;
	v25 =	vmul.f32 v25, v30;
	v48 =	vand.u32 $0x1FF80, v55;
	v55 =	vld [tilespmem:$0x1FF10]  }
0x5c9: {  	v30 =	vadd.s32 $0x1, v2;
	v15 =	vmul.f32 v15, v27;
	v27 =	vadd.s32 $0x208, v2;
	v29 =	vld.idx.msk [tilespmem:v29+s22+$0x0], $0xffff  }
0x5ca: {  	v24 =	vadd.f32 v28, v24;
	v28 =	vadd.s32 $0x411, v2;
	v18 =	vadd.f32 v38, v18;
	v38 =	vld.idx.msk [tilespmem:v53+s22+$0x0], $0xffff  }
0x5cb: {  	v40 =	vadd.f32 v40, v42;
	v20 =	vmul.f32 v20, v36;
	v26 =	vmul.f32 v26, v39;
	v53 =	vld [tilespmem:$0x1FEE0]  }
0x5cc: {  	v39 =	vadd.s32 $0x618, v2;
	v16 =	vmul.f32 v16, v17;
	v9 =	vmul.f32 v9, v33;
	v19 =	vld.idx.msk [tilespmem:v19+s22+$0x0], $0xffff  }
0x5cd: {  	v17 =	vadd.s32 $0x209, v2;
	v13 =	vadd.f32 v13, v41;
	v36 =	vor.u32 v55, v48;
	v48 =	vld [tilespmem:$0x1FE80]  }
0x5ce: {  	v41 =	vadd.s32 $0x410, v2;
	v33 =	vld.idx.msk [tilespmem:v47+s22+$0x0], $0xffff;
	v18 =	vmul.f32 v18, v21;
	v9 =	vadd.f32 $0.0e+00, v9  }
0x5cf: {  	v24 =	vmul.f32 v24, v37;
	v47 =	vadd.s32 s4, v54;
	v13 =	vmul.f32 v13, v46  }
0x5d0: {  	v18 =	vadd.f32 $0.0e+00, v18;
	v9 =	vadd.f32 v15, v9;
	v15 =	vadd.s32 $0x619, v2  }
0x5d1: {  	v30 =	vld.idx.msk [tilespmem:v30+s3+$0x0], $0xffff;
	v13 =	vadd.f32 $0.0e+00, v13;
	v19 =	vmul.f32 v45, v19;
	v45 =	vadd.s32 s4, v52  }
0x5d2: {  	v27 =	vld.idx.msk [tilespmem:v27+s3+$0x0], $0xffff;
	v46 =	vadd.s32 s4, v53;
	v29 =	vmul.f32 v40, v29;
	v21 =	vadd.s32 s4, v48  }
0x5d3: {  	v17 =	vld.idx.msk [tilespmem:v17+s3+$0x0], $0xffff;
	v14 =	vmul.f32 v14, v38;
	v38 =	vadd.s32 $0x821, v2;
	v22 =	vmul.f32 v22, v33  }
0x5d4: {  	v33 =	vadd.s32 $0xC30, v2;
	v40 =	vld.idx.msk [tilespmem:v47+s22+$0x0], $0xffff;
	v18 =	vadd.f32 v24, v18;
	v24 =	vadd.s32 $0xA28, v2  }
0x5d5: {  	v9 =	vadd.f32 v26, v9;
	v26 =	vadd.s32 $0xC31, v2;
	v36 =	vld.idx.msk [tilespmem:v36+s22+$0x0], $0xffff;
	v13 =	vadd.f32 v29, v13  }
0x5d6: {  	v29 =	vadd.s32 $0xA29, v2;
	v14 =	vadd.f32 v14, v18;
	v18 =	vadd.s32 $0x1040, v2;
	v42 =	vld.idx.msk [tilespmem:v45+s22+$0x0], $0xffff  }
0x5d7: {  	v9 =	vadd.f32 v23, v9;
	v23 =	vadd.s32 $0x1249, v2;
	v19 =	vadd.f32 $0.0e+00, v19;
	v21 =	vld.idx.msk [tilespmem:v21+s22+$0x0], $0xffff  }
0x5d8: {  	v28 =	vld.idx.msk [tilespmem:v28+s3+$0x0], $0xffff;
	v13 =	vadd.f32 v22, v13;
	v22 =	vadd.s32 $0x1041, v2;
	v17 =	vsub.f32 v17, v27  }
0x5d9: {  	v37 =	vld.idx.msk [tilespmem:v46+s22+$0x0], $0xffff;
	v10 =	vmul.f32 v10, v40;
	v16 =	vadd.f32 v16, v19;
	v19 =	vadd.s32 $0x820, v2  }
0x5da: {  	v39 =	vld.idx.msk [tilespmem:v39+s3+$0x0], $0xffff;
	v9 =	vadd.f32 v31, v9;
	v31 =	vadd.s32 $0x1860, v2;
	v40 =	vadd.f32 v8, v6  }
0x5db: {  	v15 =	vld.idx.msk [tilespmem:v15+s3+$0x0], $0xffff;
	v17 =	vmul.f32 v17, v5;
	v16 =	vadd.f32 v25, v16;
	v32 =	vmul.f32 v32, v42  }
0x5dc: {  	v46 =	vld.idx.msk [tilespmem:v2+s3+$0x0], $0xffff;
	v6 =	vadd.s32 $0x1E78, v2;
	v0 =	vmul.f32 v0, v36;
	v21 =	vmul.f32 v35, v21  }
0x5dd: {  	v36 =	vadd.s32 $0x1A69, v2;
	v45 =	vld.idx.msk [tilespmem:v41+s3+$0x0], $0xffff;
	v16 =	vadd.f32 v20, v16;
	v13 =	vadd.f32 v32, v13  }
0x5de: {  	s13 =	simm.s32 $0x4150;
	v41 =	vadd.f32 v7, v4;
	v12 =	vmul.f32 v12, v37;
	v19 =	vld.idx.msk [tilespmem:v19+s3+$0x0], $0xffff;
	v14 =	vadd.f32 v21, v14  }
0x5df: {  	v7 =	vadd.s32 $0x2080, v2;
	v16 =	vadd.f32 v34, v16;
	v10 =	vadd.f32 v10, v13;
	v13 =	vld [tilespmem:s13+$0x0];
	[tilespmem:$0x1F820] =	vst v0  }
0x5e0: {  	s17 =	simm.s32 $0x500;
	v17 =	vadd.f32 v17, v27;
	v35 =	vadd.s32 $0xE39, v2;
	v12 =	vadd.f32 v12, v14;
	v0 =	vld.idx.msk [tilespmem:v38+s3+$0x0], $0xffff  }
0x5e1: {  	v27 =	vadd.s32 s17, v60;
	v25 =	vadd.s32 $0xE38, v2;
	v9 =	vadd.f32 v16, v9;
	v24 =	vld.idx.msk [tilespmem:v24+s3+$0x0], $0xffff  }
0x5e2: {  	v27 =	vand.u32 $0x1FF80, v27;
	v8 =	vld.idx.msk [tilespmem:v29+s3+$0x0], $0xffff;
	v10 =	vadd.f32 v10, v12;
	v12 =	vsub.f32 v30, v46  }
0x5e3: {  	v60 =	vadd.s32 $0x2081, v2;
	v37 =	vadd.s32 $0x1451, v2;
	v27 =	vor.u32 v61, v27;
	v29 =	vld.idx.msk [tilespmem:v33+s3+$0x0], $0xffff  }
0x5e4: {  	v61 =	vadd.s32 $0x2699, v2;
	v4 =	vld.idx.msk [tilespmem:v26+s3+$0x0], $0xffff;
	v9 =	vadd.f32 v10, v9;
	v26 =	vmul.f32 v12, v5  }
0x5e5: {  	v20 =	vadd.s32 $0x1450, v2;
	v42 =	vadd.s32 $0x1248, v2;
	v34 =	vadd.s32 $0x1861, v2;
	v30 =	vld.idx.msk [tilespmem:v35+s3+$0x0], $0xffff  }
0x5e6: {  	v12 =	vmul.f32 v9, v13;
	v13 =	vld.idx.msk [tilespmem:v25+s3+$0x0], $0xffff;
	v25 =	vadd.f32 v26, v46;
	v26 =	vadd.s32 s17, v58  }
0x5e7: {  	v21 =	vadd.s32 $0x1658, v2;
	v32 =	vadd.s32 $0x1659, v2;
	v26 =	vand.u32 $0x1FF80, v26  }
0x5e8: {  	v16 =	vadd.s32 $0x1C70, v2;
	v18 =	vld.idx.msk [tilespmem:v18+s3+$0x0], $0xffff;
	v26 =	vor.u32 v59, v26;
	v59 =	vadd.s32 s17, v62  }
0x5e9: {  	v22 =	vld.idx.msk [tilespmem:v22+s3+$0x0], $0xffff;
	v0 =	vsub.f32 v0, v19;
	v8 =	vsub.f32 v8, v24;
	v35 =	vand.u32 $0x1FF80, v59  }
0x5ea: {  	v14 =	vadd.s32 $0x1A68, v2;
	v4 =	vsub.f32 v4, v29;
	v35 =	vor.u32 v63, v35  }
0x5eb: {  	v0 =	vmul.f32 v0, v5;
	v8 =	vmul.f32 v8, v5;
	v30 =	vsub.f32 v30, v13  }
0x5ec: {  	v38 =	vadd.s32 $0x1C71, v2;
	v10 =	vadd.s32 $0x1E79, v2;
	v58 =	vld.idx.msk [tilespmem:v42+s3+$0x0], $0xffff;
	v4 =	vmul.f32 v4, v5  }
0x5ed: {  	v42 =	vadd.f32 v0, v19;
	v24 =	vadd.f32 v8, v24;
	v26 =	vld.idx.msk [tilespmem:v26+s22+$0x0], $0xffff;
	v0 =	vmul.f32 v30, v5  }
0x5ee: {  	v19 =	vadd.s32 $0x2288, v2;
	v4 =	vadd.f32 v4, v29;
	v8 =	vsub.f32 v22, v18  }
0x5ef: {  	v29 =	vadd.s32 $0x2490, v2;
	v22 =	vadd.s32 $0x2491, v2;
	v0 =	vadd.f32 v0, v13;
	v13 =	vld.idx.msk [tilespmem:v35+s22+$0x0], $0xffff  }
0x5f0: {  	v30 =	vadd.s32 $0x2289, v2;
	v35 =	vadd.s32 $0x2698, v2;
	v2 =	vmul.f32 v8, v5;
	v8 =	vld [tilespmem:$0x1FFA0]  }
0x5f1: {  	v28 =	vsub.f32 v28, v45;
	v27 =	vld.idx.msk [tilespmem:v27+s22+$0x0], $0xffff  }
0x5f2: {  	v43 =	vmul.f32 v17, v26;
	v17 =	vadd.s32 s17, v11;
	v11 =	vld [tilespmem:$0x1FD80]  }
0x5f3: {  	v28 =	vmul.f32 v28, v5  }
0x5f4: {  	v23 =	vld.idx.msk [tilespmem:v23+s3+$0x0], $0xffff  }
0x5f5: {  	v28 =	vadd.f32 v28, v45;
	v31 =	vld.idx.msk [tilespmem:v31+s3+$0x0], $0xffff;
	v8 =	vadd.s32 s17, v8  }
0x5f6: {  	v26 =	vld.idx.msk [tilespmem:v34+s3+$0x0], $0xffff;
	v8 =	vand.u32 $0x1FF80, v8  }
0x5f7: {  	v9 =	vadd.s32 s17, v56;
	v47 =	vmul.f32 v28, v27;
	v27 =	vor.u32 v11, v8;
	v11 =	vld [tilespmem:$0x1FDC0]  }
0x5f8: {  	v9 =	vand.u32 $0x1FF80, v9  }
0x5f9: {  	v15 =	vsub.f32 v15, v39;
	v9 =	vor.u32 v57, v9  }
0x5fa: {  	v23 =	vsub.f32 v23, v58;
	v2 =	vadd.f32 v2, v18;
	v18 =	vadd.s32 s17, v1  }
0x5fb: {  	v15 =	vmul.f32 v15, v5;
	v62 =	vld.idx.msk [tilespmem:v6+s3+$0x0], $0xffff;
	v18 =	vand.u32 $0x1FF80, v18  }
0x5fc: {  	v6 =	vmul.f32 v23, v5;
	v23 =	vsub.f32 v26, v31;
	v26 =	vor.u32 v11, v18;
	v11 =	vld [tilespmem:$0x1FDE0]  }
0x5fd: {  	v15 =	vadd.f32 v15, v39;
	v20 =	vld.idx.msk [tilespmem:v20+s3+$0x0], $0xffff  }
0x5fe: {  	v37 =	vld.idx.msk [tilespmem:v37+s3+$0x0], $0xffff  }
0x5ff: {  	v9 =	vld.idx.msk [tilespmem:v9+s22+$0x0], $0xffff;
	v34 =	vmul.f32 v15, v13;
	v13 =	vadd.s32 s17, v51  }
0x600: {  	v13 =	vand.u32 $0x1FF80, v13;
	v8 =	vld [tilespmem:$0x1FDA0]  }
0x601: {  	v63 =	vor.u32 v11, v13;
	v11 =	vld [tilespmem:$0x1FDF0];
	_ =	sdelay $0x2  }
0x602: {  	v21 =	vld.idx.msk [tilespmem:v21+s3+$0x0], $0xffff;
	v25 =	vmul.f32 v25, v9;
	v17 =	vand.u32 $0x1FF80, v17;
	v18 =	vadd.s32 s17, v50  }
0x603: {  	v9 =	vld.idx.msk [tilespmem:v32+s3+$0x0], $0xffff;
	v17 =	vor.u32 v8, v17;
	v8 =	vsub.f32 v37, v20;
	v18 =	vand.u32 $0x1FF80, v18  }
0x604: {  	v57 =	vor.u32 v11, v18;
	v11 =	vld [tilespmem:$0x1FE10]  }
0x605: {  	v13 =	vmul.f32 v8, v5;
	_ =	sdelay $0x1  }
0x606: {  	v56 =	vld.idx.msk [tilespmem:v7+s3+$0x0], $0xffff;
	v7 =	vadd.f32 v13, v20;
	v13 =	vadd.s32 s17, v49  }
0x607: {  	v9 =	vsub.f32 v9, v21;
	v13 =	vand.u32 $0x1FF80, v13  }
0x608: {  	v8 =	vadd.f32 v6, v58;
	v58 =	vor.u32 v11, v13;
	v11 =	vld [tilespmem:$0x1FE30]  }
0x609: {  	v14 =	vld.idx.msk [tilespmem:v14+s3+$0x0], $0xffff;
	v9 =	vmul.f32 v9, v5  }
0x60a: {  	v10 =	vld.idx.msk [tilespmem:v10+s3+$0x0], $0xffff  }
0x60b: {  	v15 =	vld.idx.msk [tilespmem:v36+s3+$0x0], $0xffff;
	v9 =	vadd.f32 v9, v21;
	v21 =	vadd.s32 s17, v44  }
0x60c: {  	v21 =	vand.u32 $0x1FF80, v21;
	v20 =	vld.idx.msk [tilespmem:v60+s3+$0x0], $0xffff  }
0x60d: {  	v59 =	vor.u32 v11, v21;
	v11 =	vld [tilespmem:$0x1FE50];
	_ =	sdelay $0x1  }
0x60e: {  	v16 =	vld.idx.msk [tilespmem:v16+s3+$0x0], $0xffff;
	v10 =	vsub.f32 v10, v62  }
0x60f: {  	v28 =	vld.idx.msk [tilespmem:v38+s3+$0x0], $0xffff;
	v15 =	vsub.f32 v15, v14;
	v6 =	vmul.f32 v23, v5;
	v23 =	vadd.s32 s17, v3  }
0x610: {  	v10 =	vmul.f32 v10, v5;
	v23 =	vand.u32 $0x1FF80, v23  }
0x611: {  	v15 =	vmul.f32 v15, v5;
	v18 =	vsub.f32 v20, v56;
	v60 =	vor.u32 v11, v23;
	v11 =	vld [tilespmem:$0x1FFE0]  }
0x612: {  	v20 =	vld.idx.msk [tilespmem:v22+s3+$0x0], $0xffff  }
0x613: {  	v14 =	vadd.f32 v15, v14;
	v15 =	vmul.f32 v18, v5;
	v18 =	vadd.f32 v10, v62;
	v10 =	vld [tilespmem:$0x1FE60]  }
0x614: {  	v13 =	vsub.f32 v28, v16;
	v28 =	vld.idx.msk [tilespmem:v19+s3+$0x0], $0xffff  }
0x615: {  	v19 =	vld.idx.msk [tilespmem:v30+s3+$0x0], $0xffff  }
0x616: {  	v22 =	vadd.s32 s17, v11;
	v11 =	vld [tilespmem:$0x1FFF0]  }
0x617: {  	v62 =	vld.idx.msk [tilespmem:v17+s22+$0x0], $0xffff;
	v22 =	vand.u32 $0x1FF80, v22  }
0x618: {  	v17 =	vor.u32 v10, v22;
	v10 =	vld [tilespmem:$0x1FE70]  }
0x619: {  	v13 =	vmul.f32 v13, v5;
	_ =	sdelay $0x1  }
0x61a: {  	v16 =	vadd.f32 v13, v16;
	v19 =	vsub.f32 v19, v28;
	v13 =	vadd.s32 s17, v11  }
0x61b: {  	v13 =	vand.u32 $0x1FF80, v13  }
0x61c: {  	v22 =	vmul.f32 v19, v5;
	v19 =	vor.u32 v10, v13;
	v10 =	vld [tilespmem:$0x1FE90];
	_ =	sdelay $0x2  }
0x61d: {  	v23 =	vld.idx.msk [tilespmem:v29+s3+$0x0], $0xffff;
	v29 =	vadd.s32 s17, v48  }
0x61e: {  	v30 =	vld.idx.msk [tilespmem:v61+s3+$0x0], $0xffff;
	v48 =	vadd.f32 v15, v56;
	v15 =	vadd.s32 s17, v52;
	v29 =	vand.u32 $0x1FF80, v29  }
0x61f: {  	v61 =	vand.u32 $0x1FF80, v15;
	v15 =	vor.u32 v10, v29;
	v10 =	vld [tilespmem:$0x1FEB0];
	_ =	sdelay $0x4  }
0x620: {  	v13 =	vor.u32 v10, v61;
	v10 =	vld [tilespmem:$0x1FFD0];
	_ =	sdelay $0x2  }
0x621: {  	v1 =	vld [tilespmem:$0x1F830]  }
0x622: {  	v3 =	vld [tilespmem:$0x1F840]  }
0x623: {  	v33 =	vmul.f32 v24, v62;
	v24 =	vadd.s32 s17, v10;
	v10 =	vld [tilespmem:$0x1F850];
	_ =	sdelay $0x3  }
0x624: {  	s2 =	simm.s32 $0x18A10;
	v21 =	vld.idx.msk [tilespmem:v35+s3+$0x0], $0xffff  }
0x625: {  	v1 =	vadd.f32 v3, v1;
	v3 =	vld [tilespmem:$0x1FFC0];
	[tilespmem:s2+$0x0] =	vst v10  }
0x626: {  	v10 =	vld [tilespmem:$0x1F860]  }
0x627: {  	v20 =	vsub.f32 v20, v23;
	_ =	sdelay $0x1  }
0x628: {  	s9 =	simm.s32 $0x18A50;
	v29 =	vmul.f32 v20, v5;
	v20 =	vadd.f32 v22, v28;
	v22 =	vsub.f32 v30, v21  }
0x629: {  	v38 =	vld [tilespmem:s8+$0xFFFFFFF0];
	s8 =	simm.s32 $0x18A30;
	[tilespmem:s9+$0x0] =	vst v12  }
0x62a: {  	v28 =	vld.idx.msk [tilespmem:v63+s22+$0x0], $0xffff;
	v35 =	vmul.f32 v22, v5;
	v5 =	vadd.s32 s17, v54;
	[tilespmem:s8+$0x0] =	vst v10  }
0x62b: {  	v63 =	vand.u32 $0x1FF80, v5;
	v5 =	vld [tilespmem:$0x1FEC0];
	_ =	sdelay $0x2  }
0x62c: {  	v3 =	vadd.s32 s17, v3  }
0x62d: {  	v27 =	vld.idx.msk [tilespmem:v27+s22+$0x0], $0xffff;
	v3 =	vand.u32 $0x1FF80, v3  }
0x62e: {  	v12 =	vor.u32 v5, v3;
	v3 =	vld [tilespmem:$0x1FED0];
	_ =	sdelay $0x3  }
0x62f: {  	v6 =	vadd.f32 v6, v31;
	v31 =	vmul.f32 v42, v27;
	v42 =	vld [tilespmem:s14+$0xFFFFFFF0];
	v11 =	vand.u32 $0x1FF80, v24  }
0x630: {  	v11 =	vor.u32 v3, v11;
	v3 =	vld [tilespmem:$0x1FEF0]  }
0x631: {  	v27 =	vld.idx.msk [tilespmem:v26+s22+$0x0], $0xffff  }
0x632: {  	v26 =	vadd.f32 $0.0e+00, v25;
	v32 =	vld.idx.msk [tilespmem:v59+s22+$0x0], $0xffff  }
0x633: {  	v25 =	vadd.f32 $0.0e+00, v34;
	v34 =	vld.idx.msk [tilespmem:v60+s22+$0x0], $0xffff;
	v45 =	vadd.f32 v29, v23;
	v23 =	vadd.s32 s17, v53  }
0x634: {  	v30 =	vld.idx.msk [tilespmem:v58+s22+$0x0], $0xffff;
	v22 =	vadd.f32 $0.0e+00, v43;
	v24 =	vand.u32 $0x1FF80, v23  }
0x635: {  	s10 =	simm.s32 $0x4;
	s14 =	simm.s32 $0x3170;
	v29 =	vld.idx.msk [tilespmem:v57+s22+$0x0], $0xffff;
	v23 =	vadd.f32 $0.0e+00, v47;
	v5 =	vor.u32 v3, v24;
	v3 =	vor.u32 v55, v63  }
.LBB2_5:
0x636: {  	v10 =	vld [tilespmem:$0x1F810]  }
0x637: {  	v4 =	vmul.f32 v4, v27;
	v27 =	vld [tilespmem:$0x1F820];
	_ =	sdelay $0x2  }
0x638: {  	v44 =	vld [tilespmem:s14+$0xFFFFFFF0];
	v0 =	vmul.f32 v0, v28;
	v26 =	vadd.f32 v31, v26  }
0x639: {  	v22 =	vadd.f32 v33, v22;
	v28 =	vadd.f32 v35, v21;
	v2 =	vmul.f32 v2, v29  }
0x63a: {  	v0 =	vadd.f32 v0, v25;
	v8 =	vmul.f32 v8, v30;
	v27 =	vadd.f32 v27, v10  }
0x63b: {  	v21 =	vadd.f32 v41, v40;
	v40 =	vadd.f32 v2, v26;
	v2 =	vmul.f32 v7, v32;
	v7 =	vld [tilespmem:$0x1F800]  }
0x63c: {  	v47 =	vadd.f32 v8, v22;
	v8 =	vmul.f32 v9, v34;
	v9 =	vmovc v42;
	v1 =	vadd.f32 v27, v1  }
0x63d: {  	v24 =	vld [tilespmem:s14+$0x0];
	[tilespmem:$0x1F780] =	vst v9;
	v9 =	vtrunc.f32 v44  }
0x63e: {  	v17 =	vld.idx.msk [tilespmem:v17+s22+$0x0], $0xffff;
	v25 =	vcvt.f32.s32 v9;
	v55 =	vadd.f32 v8, v0;
	v0 =	vadd.f32 v1, v21  }
0x63f: {  	v49 =	vld.idx.msk [tilespmem:v19+s22+$0x0], $0xffff  }
0x640: {  	v50 =	vld.idx.msk [tilespmem:v15+s22+$0x0], $0xffff;
	v7 =	vmul.f32 v7, v38;
	[tilespmem:$0x1F800] =	vst v0;
	v0 =	vadd.s32 $0x1, v25  }
0x641: {  	v54 =	vld.idx.msk [tilespmem:v13+s22+$0x0], $0xffff;
	[tilespmem:$0x1F480] =	vst v0  }
0x642: {  	v41 =	vld.idx.msk [tilespmem:v12+s22+$0x0], $0xffff;
	v0 =	vadd.s32 $0x208, v25;
	[tilespmem:s2+$0xFFFFFFF0] =	vst v7  }
0x643: {  	[tilespmem:$0x1F4D0] =	vst v0;
	v0 =	vadd.s32 $0x209, v25  }
0x644: {  	[tilespmem:$0x1F4E0] =	vst v0;
	v0 =	vadd.s32 $0x410, v25  }
0x645: {  	[tilespmem:$0x1F4F0] =	vst v0;
	v0 =	vld [tilespmem:s13+$0xFFFFFFF0];
	_ =	sdelay $0x1  }
0x646: {  	v15 =	vtrunc.f32 v24  }
0x647: {  	v34 =	vcvt.f32.s32 v15;
	_ =	sdelay $0x1  }
0x648: {  	[tilespmem:$0x1F770] =	vst v0;
	v0 =	vadd.s32 $0x411, v25  }
0x649: {  	[tilespmem:$0x1F500] =	vst v0;
	v0 =	vadd.s32 $0x618, v25  }
0x64a: {  	[tilespmem:$0x1F510] =	vst v0;
	v0 =	vadd.s32 $0x619, v25  }
0x64b: {  	[tilespmem:$0x1F520] =	vst v0;
	v0 =	vadd.s32 $0x820, v25  }
0x64c: {  	[tilespmem:$0x1F530] =	vst v0;
	v0 =	vld.idx.msk [tilespmem:v34+s3+$0x0], $0xffff;
	_ =	sdelay $0x4  }
0x64d: {  	[tilespmem:$0x1F490] =	vst v0;
	v0 =	vadd.s32 $0x821, v25  }
0x64e: {  	[tilespmem:$0x1F540] =	vst v0;
	v0 =	vadd.s32 $0xA28, v25  }
0x64f: {  	[tilespmem:$0x1F550] =	vst v0;
	v0 =	vadd.s32 $0xA29, v25  }
0x650: {  	[tilespmem:$0x1F560] =	vst v0;
	v0 =	vadd.s32 $0xC30, v25  }
0x651: {  	[tilespmem:$0x1F570] =	vst v0;
	v0 =	vadd.s32 $0xC31, v25  }
0x652: {  	[tilespmem:$0x1F580] =	vst v0;
	v0 =	vadd.s32 $0xE38, v25  }
0x653: {  	[tilespmem:$0x1F590] =	vst v0;
	v0 =	vadd.s32 $0xE39, v25  }
0x654: {  	[tilespmem:$0x1F5A0] =	vst v0;
	v0 =	vadd.s32 $0x1040, v25  }
0x655: {  	[tilespmem:$0x1F5B0] =	vst v0;
	v0 =	vadd.s32 $0x1041, v25  }
0x656: {  	[tilespmem:$0x1F5C0] =	vst v0;
	v0 =	vadd.s32 $0x1248, v25  }
0x657: {  	[tilespmem:$0x1F5D0] =	vst v0;
	v0 =	vadd.s32 $0x1249, v25  }
0x658: {  	[tilespmem:$0x1F5E0] =	vst v0;
	v0 =	vadd.s32 $0x1450, v25  }
0x659: {  	[tilespmem:$0x1F5F0] =	vst v0;
	v0 =	vadd.s32 $0x1451, v25  }
0x65a: {  	[tilespmem:$0x1F600] =	vst v0;
	v0 =	vadd.s32 $0x1658, v25  }
0x65b: {  	[tilespmem:$0x1F610] =	vst v0;
	v0 =	vadd.s32 $0x1659, v25  }
0x65c: {  	[tilespmem:$0x1F620] =	vst v0;
	v0 =	vadd.s32 $0x1860, v25  }
0x65d: {  	[tilespmem:$0x1F630] =	vst v0;
	v0 =	vadd.s32 $0x1861, v25  }
0x65e: {  	[tilespmem:$0x1F640] =	vst v0;
	v0 =	vadd.s32 $0x1A68, v25  }
0x65f: {  	v1 =	vadd.s32 $0x2080, v34;
	[tilespmem:$0x1F650] =	vst v0;
	v0 =	vadd.s32 $0x1A69, v25  }
0x660: {  	[tilespmem:$0x1F660] =	vst v0;
	v0 =	vadd.s32 $0x1E78, v34;
	_ =	sdelay $0x2  }
0x661: {  	v62 =	vcvt.s32.f32 v25  }
0x662: {  	v31 =	vld.idx.msk [tilespmem:v1+s3+$0x0], $0xffff  }
0x663: {  	v44 =	vsub.f32 v44, v62;
	v1 =	vadd.s32 $0x2491, v34;
	v62 =	vld.idx.msk [tilespmem:v0+s3+$0x0], $0xffff;
	v0 =	vadd.s32 $0x2491, v25  }
0x664: {  	[tilespmem:$0x1F700] =	vst v0;
	v0 =	vadd.s32 $0x2698, v25  }
0x665: {  	[tilespmem:$0x1F710] =	vst v0;
	v0 =	vadd.s32 $0x1450, v34;
	_ =	sdelay $0x1  }
0x666: {  	v57 =	vmul.f32 v6, v17;
	v53 =	vld.idx.msk [tilespmem:v11+s22+$0x0], $0xffff  }
0x667: {  	v14 =	vmul.f32 v14, v49;
	v51 =	vld.idx.msk [tilespmem:v1+s3+$0x0], $0xffff;
	v1 =	vadd.s32 $0x1C70, v25  }
0x668: {  	v40 =	vadd.f32 v57, v40;
	[tilespmem:$0x1F670] =	vst v1;
	v1 =	vadd.s32 $0x1C71, v25  }
0x669: {  	v14 =	vadd.f32 v14, v47;
	[tilespmem:$0x1F680] =	vst v1;
	v1 =	vadd.s32 $0x1E78, v25;
	v47 =	vld.idx.msk [tilespmem:v0+s3+$0x0], $0xffff;
	v0 =	vmul.f32 v48, v41  }
0x66a: {  	v46 =	vadd.s32 $0x1861, v34;
	[tilespmem:$0x1F690] =	vst v1;
	v1 =	vadd.s32 $0x1E79, v25  }
0x66b: {  	v20 =	vmul.f32 v20, v53;
	[tilespmem:$0x1F6A0] =	vst v1;
	v1 =	vadd.s32 $0x2080, v25;
	v0 =	vadd.f32 v0, v40  }
0x66c: {  	v33 =	vadd.s32 $0x1E79, v34;
	[tilespmem:$0x1F6B0] =	vst v1  }
0x66d: {  	v1 =	vadd.s32 $0x2081, v25;
	[tilespmem:$0x1F740] =	vst v0;
	v0 =	vadd.f32 v20, v14  }
0x66e: {  	[tilespmem:$0x1F6C0] =	vst v1  }
0x66f: {  	v4 =	vadd.f32 v4, v23;
	v1 =	vadd.s32 $0x2288, v25;
	[tilespmem:$0x1F730] =	vst v0;
	v0 =	vld [tilespmem:$0x1FFC0]  }
0x670: {  	v58 =	vld.idx.msk [tilespmem:v46+s3+$0x0], $0xffff;
	[tilespmem:$0x1F6D0] =	vst v1;
	v1 =	vadd.s32 $0x2289, v25  }
0x671: {  	v16 =	vmul.f32 v16, v50;
	v52 =	vadd.f32 v2, v4;
	v46 =	vld.idx.msk [tilespmem:v33+s3+$0x0], $0xffff;
	[tilespmem:$0x1F6E0] =	vst v1;
	v1 =	vadd.s32 $0x2490, v25  }
0x672: {  	v63 =	vld.idx.msk [tilespmem:v5+s22+$0x0], $0xffff;
	[tilespmem:$0x1F6F0] =	vst v1;
	v1 =	vadd.s32 $0x2699, v25  }
0x673: {  	s4 =	sadd.s32 $0x280, s4;
	v33 =	vmul.f32 v18, v54;
	v59 =	vld.idx.msk [tilespmem:v3+s22+$0x0], $0xffff;
	[tilespmem:$0x1F720] =	vst v1;
	v1 =	vadd.f32 v16, v52  }
0x674: {  	v40 =	vadd.s32 s4, v0;
	v0 =	vld [tilespmem:$0x1FFD0]  }
0x675: {  	[tilespmem:$0x1F750] =	vst v1;
	v1 =	vadd.f32 v33, v55;
	_ =	sdelay $0x1  }
0x676: {  	v9 =	vadd.s32 $0x2490, v34;
	[tilespmem:$0x1F810] =	vst v1;
	v1 =	vmul.f32 v45, v63  }
0x677: {  	v43 =	vadd.s32 $0x2698, v34  }
0x678: {  	v36 =	vadd.s32 $0x1860, v34;
	[tilespmem:$0x1F760] =	vst v1;
	v1 =	vmul.f32 v28, v59;
	v59 =	vadd.s32 s4, v0;
	v0 =	vld [tilespmem:$0x1FEE0];
	_ =	sdelay $0x1  }
0x679: {  	v60 =	vadd.s32 $0x1A68, v34  }
0x67a: {  	v61 =	vadd.s32 $0x1A69, v34;
	v30 =	vld.idx.msk [tilespmem:v9+s3+$0x0], $0xffff  }
0x67b: {  	v32 =	vadd.s32 $0x1C70, v34;
	v35 =	vld.idx.msk [tilespmem:v43+s3+$0x0], $0xffff  }
0x67c: {  	v37 =	vadd.s32 $0x1C71, v34;
	v36 =	vld.idx.msk [tilespmem:v36+s3+$0x0], $0xffff;
	v0 =	vadd.s32 s4, v0  }
0x67d: {  	v10 =	vadd.s32 $0x1040, v34;
	[tilespmem:$0x1F4B0] =	vst v0;
	v0 =	vld [tilespmem:$0x1FF00]  }
0x67e: {  	v38 =	vld.idx.msk [tilespmem:v60+s3+$0x0], $0xffff  }
0x67f: {  	v39 =	vadd.s32 $0x1041, v34;
	v15 =	vld.idx.msk [tilespmem:v61+s3+$0x0], $0xffff  }
0x680: {  	v49 =	vadd.s32 $0x1658, v34;
	v61 =	vld.idx.msk [tilespmem:v32+s3+$0x0], $0xffff  }
0x681: {  	v2 =	vadd.s32 $0x208, v34;
	v37 =	vld.idx.msk [tilespmem:v37+s3+$0x0], $0xffff  }
0x682: {  	v60 =	vld.idx.msk [tilespmem:v10+s3+$0x0], $0xffff;
	v0 =	vadd.s32 s4, v0  }
0x683: {  	[tilespmem:$0x1F4C0] =	vst v0;
	v0 =	vld [tilespmem:$0x1FFE0]  }
0x684: {  	v42 =	vadd.s32 $0x1659, v34;
	v39 =	vld.idx.msk [tilespmem:v39+s3+$0x0], $0xffff  }
0x685: {  	v4 =	vadd.s32 $0xE39, v34;
	v49 =	vld.idx.msk [tilespmem:v49+s3+$0x0], $0xffff  }
0x686: {  	v7 =	vadd.s32 $0x2289, v34;
	v8 =	vld.idx.msk [tilespmem:v2+s3+$0x0], $0xffff  }
0x687: {  	v2 =	vld [tilespmem:$0x1FF20]  }
0x688: {  	v53 =	vadd.s32 s4, v0;
	v0 =	vld [tilespmem:$0x1FFF0]  }
0x689: {  	v32 =	vadd.s32 $0x1248, v34;
	v42 =	vld.idx.msk [tilespmem:v42+s3+$0x0], $0xffff  }
0x68a: {  	v4 =	vld.idx.msk [tilespmem:v4+s3+$0x0], $0xffff;
	v5 =	vadd.s32 $0x2081, v34  }
0x68b: {  	v3 =	vadd.s32 $0x2288, v34;
	v17 =	vld.idx.msk [tilespmem:v7+s3+$0x0], $0xffff  }
0x68c: {  	v12 =	vadd.s32 s4, v2;
	v2 =	vld [tilespmem:$0x1FF40]  }
0x68d: {  	v55 =	vadd.s32 s4, v0;
	v0 =	vld [tilespmem:$0x1FE80]  }
0x68e: {  	v43 =	vadd.s32 $0x1249, v34;
	v22 =	vld.idx.msk [tilespmem:v32+s3+$0x0], $0xffff  }
0x68f: {  	v19 =	vld.idx.msk [tilespmem:v5+s3+$0x0], $0xffff  }
0x690: {  	v29 =	vld.idx.msk [tilespmem:v3+s3+$0x0], $0xffff;
	v3 =	vadd.s32 $0x2699, v34  }
0x691: {  	v5 =	vld [tilespmem:$0x1FFA0]  }
0x692: {  	v11 =	vadd.s32 s4, v2;
	v63 =	vadd.s32 s4, v0;
	v0 =	vld [tilespmem:$0x1FEA0]  }
0x693: {  	v43 =	vld.idx.msk [tilespmem:v43+s3+$0x0], $0xffff  }
0x694: {  	v32 =	vadd.s32 $0x820, v34;
	v2 =	vld [tilespmem:$0x1FF60]  }
0x695: {  	v56 =	vld.idx.msk [tilespmem:v3+s3+$0x0], $0xffff;
	v3 =	vadd.s32 $0xC30, v34  }
0x696: {  	v12 =	vld.idx.msk [tilespmem:v12+s22+$0x0], $0xffff;
	v13 =	vadd.s32 s4, v5;
	v5 =	vadd.s32 $0x410, v34  }
0x697: {  	v11 =	vld.idx.msk [tilespmem:v11+s22+$0x0], $0xffff;
	v0 =	vadd.s32 s4, v0  }
0x698: {  	[tilespmem:$0x1F4A0] =	vst v0;
	v0 =	vld [tilespmem:$0x1FFB0]  }
0x699: {  	v52 =	vld.idx.msk [tilespmem:v32+s3+$0x0], $0xffff;
	v33 =	vadd.s32 $0xA28, v34  }
0x69a: {  	v50 =	vld.idx.msk [tilespmem:v3+s3+$0x0], $0xffff  }
0x69b: {  	v5 =	vld.idx.msk [tilespmem:v5+s3+$0x0], $0xffff;
	v45 =	vadd.s32 $0xC31, v34  }
0x69c: {  	v13 =	vld.idx.msk [tilespmem:v13+s22+$0x0], $0xffff;
	[tilespmem:$0x1F820] =	vst v1;
	v1 =	vadd.s32 $0x1, v34  }
0x69d: {  	v18 =	vadd.s32 s4, v0;
	v0 =	vld [tilespmem:$0x1FE00]  }
0x69e: {  	v57 =	vld.idx.msk [tilespmem:v33+s3+$0x0], $0xffff  }
0x69f: {  	v28 =	vadd.s32 $0xA29, v34;
	v33 =	vld [tilespmem:$0x1FDB0]  }
0x6a0: {  	v54 =	vld.idx.msk [tilespmem:v45+s3+$0x0], $0xffff;
	v20 =	vadd.s32 $0xE38, v34  }
0x6a1: {  	v6 =	vld.idx.msk [tilespmem:v1+s3+$0x0], $0xffff;
	v1 =	vadd.s32 $0x618, v34  }
0x6a2: {  	v21 =	vadd.s32 s4, v0;
	v0 =	vld [tilespmem:$0x1FE20]  }
0x6a3: {  	v45 =	vld [tilespmem:$0x1FD90]  }
0x6a4: {  	v10 =	vadd.s32 $0x1451, v34;
	v7 =	vld.idx.msk [tilespmem:v28+s3+$0x0], $0xffff  }
0x6a5: {  	v16 =	vadd.s32 $0x821, v34;
	v27 =	vld.idx.msk [tilespmem:v20+s3+$0x0], $0xffff  }
0x6a6: {  	v3 =	vadd.s32 $0x209, v34;
	v20 =	vld.idx.msk [tilespmem:v1+s3+$0x0], $0xffff  }
0x6a7: {  	v26 =	vadd.s32 s4, v33;
	v28 =	vadd.s32 s4, v0;
	v0 =	vld [tilespmem:$0x1FE40]  }
0x6a8: {  	v1 =	vld [tilespmem:$0x1FF80]  }
0x6a9: {  	v41 =	vld.idx.msk [tilespmem:v10+s3+$0x0], $0xffff;
	v10 =	vadd.s32 s4, v2  }
0x6aa: {  	v16 =	vld.idx.msk [tilespmem:v16+s3+$0x0], $0xffff;
	v14 =	vadd.s32 s4, v45  }
0x6ab: {  	v58 =	vsub.f32 v58, v36;
	v3 =	vld.idx.msk [tilespmem:v3+s3+$0x0], $0xffff  }
0x6ac: {  	v15 =	vsub.f32 v15, v38;
	v26 =	vld.idx.msk [tilespmem:v26+s22+$0x0], $0xffff;
	v32 =	vadd.s32 s4, v0;
	v0 =	vcvt.s32.f32 v34  }
0x6ad: {  	v37 =	vsub.f32 v37, v61;
	v39 =	vsub.f32 v39, v60;
	v48 =	vld [tilespmem:$0x1FDD0];
	v9 =	vadd.s32 s4, v1  }
0x6ae: {  	v42 =	vsub.f32 v42, v49;
	v10 =	vld.idx.msk [tilespmem:v10+s22+$0x0], $0xffff;
	v0 =	vsub.f32 v24, v0;
	v24 =	vadd.s32 $0x411, v34  }
0x6af: {  	v43 =	vsub.f32 v43, v22;
	v19 =	vsub.f32 v19, v31;
	v14 =	vld.idx.msk [tilespmem:v14+s22+$0x0], $0xffff  }
0x6b0: {  	v17 =	vsub.f32 v17, v29;
	v51 =	vsub.f32 v51, v30;
	v1 =	vld [tilespmem:$0x1F480]  }
0x6b1: {  	v56 =	vsub.f32 v56, v35;
	v16 =	vsub.f32 v16, v52;
	v40 =	vld.idx.msk [tilespmem:v40+s22+$0x0], $0xffff  }
0x6b2: {  	v3 =	vsub.f32 v3, v8;
	v54 =	vsub.f32 v54, v50;
	v9 =	vld.idx.msk [tilespmem:v9+s22+$0x0], $0xffff;
	v2 =	vmul.f32 v19, v0  }
0x6b3: {  	v46 =	vsub.f32 v46, v62;
	v17 =	vmul.f32 v17, v0;
	v51 =	vmul.f32 v51, v0;
	v24 =	vld.idx.msk [tilespmem:v24+s3+$0x0], $0xffff  }
0x6b4: {  	v41 =	vsub.f32 v41, v47;
	v59 =	vld.idx.msk [tilespmem:v59+s22+$0x0], $0xffff;
	v58 =	vmul.f32 v58, v0;
	v56 =	vmul.f32 v56, v0  }
0x6b5: {  	v53 =	vld.idx.msk [tilespmem:v53+s22+$0x0], $0xffff;
	v34 =	vadd.s32 $0x619, v34;
	v15 =	vmul.f32 v15, v0;
	v37 =	vmul.f32 v37, v0  }
0x6b6: {  	v7 =	vsub.f32 v7, v57;
	v55 =	vld.idx.msk [tilespmem:v55+s22+$0x0], $0xffff;
	v39 =	vmul.f32 v39, v0;
	v46 =	vmul.f32 v46, v0  }
0x6b7: {  	v23 =	vadd.s32 s4, v48;
	v18 =	vld.idx.msk [tilespmem:v18+s22+$0x0], $0xffff;
	v43 =	vmul.f32 v43, v0;
	v41 =	vmul.f32 v41, v0  }
0x6b8: {  	v19 =	vld.idx.msk [tilespmem:v1+s3+$0x0], $0xffff;
	v16 =	vmul.f32 v16, v0;
	v42 =	vmul.f32 v42, v0;
	v24 =	vsub.f32 v24, v5  }
0x6b9: {  	v4 =	vsub.f32 v4, v27;
	v1 =	vld [tilespmem:$0x1F490];
	v7 =	vmul.f32 v7, v0;
	v3 =	vmul.f32 v3, v0  }
0x6ba: {  	v2 =	vadd.f32 v2, v31;
	v17 =	vadd.f32 v17, v29;
	v34 =	vld.idx.msk [tilespmem:v34+s3+$0x0], $0xffff;
	v24 =	vmul.f32 v24, v0  }
0x6bb: {  	v21 =	vld.idx.msk [tilespmem:v21+s22+$0x0], $0xffff;
	v4 =	vmul.f32 v4, v0;
	v31 =	vadd.f32 v56, v35;
	v3 =	vadd.f32 v3, v8  }
0x6bc: {  	v29 =	vmul.f32 v54, v0;
	v56 =	vld [tilespmem:$0x1FF20];
	v54 =	vadd.f32 v58, v36;
	v5 =	vadd.f32 v24, v5  }
0x6bd: {  	v58 =	vld [tilespmem:$0x1FF40];
	v36 =	vadd.f32 v37, v61;
	v7 =	vadd.f32 v7, v57;
	v3 =	vmul.f32 v3, v11  }
0x6be: {  	v61 =	vld [tilespmem:$0x1FF70];
	v11 =	vadd.f32 v29, v50;
	v6 =	vsub.f32 v6, v1;
	v5 =	vmul.f32 v5, v10  }
0x6bf: {  	v37 =	vadd.f32 v46, v62;
	v7 =	vmul.f32 v7, v14;
	v14 =	vld [tilespmem:$0x1F4D0];
	v34 =	vsub.f32 v34, v20  }
0x6c0: {  	v62 =	vld [tilespmem:$0x1FF80];
	v6 =	vmul.f32 v6, v0;
	v10 =	vmul.f32 v11, v26;
	v5 =	vadd.f32 $0.0e+00, v5  }
0x6c1: {  	v22 =	vadd.f32 v43, v22;
	v16 =	vadd.f32 v16, v52;
	v8 =	vld.idx.msk [tilespmem:v23+s22+$0x0], $0xffff;
	v0 =	vmul.f32 v34, v0  }
0x6c2: {  	v6 =	vadd.f32 v6, v1;
	v5 =	vadd.f32 v10, v5;
	v10 =	vld [tilespmem:$0x1F4F0]  }
0x6c3: {  	v21 =	vmul.f32 v22, v21;
	v22 =	vld.idx.msk [tilespmem:v28+s22+$0x0], $0xffff;
	v1 =	vmul.f32 v2, v40;
	v0 =	vadd.f32 v0, v20  }
0x6c4: {  	v4 =	vadd.f32 v4, v27;
	v2 =	vmul.f32 v16, v13;
	v13 =	vld.idx.msk [tilespmem:v32+s22+$0x0], $0xffff;
	v6 =	vmul.f32 v6, v12  }
0x6c5: {  	v12 =	vld.idx.msk [tilespmem:v63+s22+$0x0], $0xffff;
	v0 =	vmul.f32 v0, v9  }
0x6c6: {  	v46 =	vadd.f32 v41, v47;
	v4 =	vmul.f32 v4, v8;
	v8 =	vld [tilespmem:$0x1F4C0];
	v6 =	vadd.f32 $0.0e+00, v6  }
0x6c7: {  	v16 =	vld.idx.msk [tilespmem:v14+s3+$0x0], $0xffff;
	v0 =	vadd.f32 $0.0e+00, v0  }
0x6c8: {  	v47 =	vadd.f32 v42, v49;
	v9 =	vld [tilespmem:$0x1F4A0];
	v2 =	vadd.f32 v2, v6;
	v6 =	vmul.f32 v46, v22  }
0x6c9: {  	v11 =	vld [tilespmem:$0x1F4B0];
	v0 =	vadd.f32 v4, v0  }
0x6ca: {  	v4 =	vmul.f32 v47, v13;
	v5 =	vadd.f32 v6, v5;
	v13 =	vld.idx.msk [tilespmem:v10+s3+$0x0], $0xffff;
	v10 =	vmul.f32 v36, v12  }
0x6cb: {  	v15 =	vadd.f32 v15, v38;
	v38 =	vadd.f32 v39, v60;
	v14 =	vld [tilespmem:$0x1F540]  }
0x6cc: {  	v3 =	vadd.f32 $0.0e+00, v3;
	v5 =	vadd.f32 v10, v5;
	v10 =	vld [tilespmem:$0x1F530]  }
0x6cd: {  	v60 =	vld [tilespmem:$0x1FF60]  }
0x6ce: {  	v18 =	vmul.f32 v38, v18;
	v3 =	vadd.f32 v7, v3;
	v6 =	vld [tilespmem:$0x1F510]  }
0x6cf: {  	v23 =	vmul.f32 v54, v53;
	v7 =	vld [tilespmem:$0x1F4E0]  }
0x6d0: {  	v15 =	vmul.f32 v15, v55;
	v3 =	vadd.f32 v21, v3;
	v2 =	vadd.f32 v18, v2;
	v9 =	vld.idx.msk [tilespmem:v9+s22+$0x0], $0xffff  }
0x6d1: {  	v11 =	vld.idx.msk [tilespmem:v11+s22+$0x0], $0xffff  }
0x6d2: {  	v17 =	vmul.f32 v17, v59;
	v3 =	vadd.f32 v15, v3;
	v8 =	vld.idx.msk [tilespmem:v8+s22+$0x0], $0xffff;
	v2 =	vadd.f32 v23, v2  }
0x6d3: {  	v30 =	vadd.f32 v51, v30;
	v14 =	vld.idx.msk [tilespmem:v14+s3+$0x0], $0xffff  }
0x6d4: {  	v1 =	vadd.f32 v1, v2;
	v2 =	vadd.f32 v17, v3;
	v17 =	vld.idx.msk [tilespmem:v10+s3+$0x0], $0xffff  }
0x6d5: {  	v63 =	vld [tilespmem:$0x1FF90];
	v0 =	vadd.f32 v4, v0;
	v4 =	vmul.f32 v37, v9  }
0x6d6: {  	v9 =	vld.idx.msk [tilespmem:v6+s3+$0x0], $0xffff;
	v6 =	vmul.f32 v30, v11  }
0x6d7: {  	v15 =	vld.idx.msk [tilespmem:v25+s3+$0x0], $0xffff;
	v0 =	vadd.f32 v4, v0;
	v4 =	vmul.f32 v31, v8  }
0x6d8: {  	v12 =	vld [tilespmem:$0x1F500];
	v5 =	vadd.f32 v6, v5  }
0x6d9: {  	s15 =	sadd.s32 $0xFFFFFEC0, s4;
	v0 =	vadd.f32 v4, v0;
	v25 =	vsub.f32 v14, v17;
	v14 =	vld [tilespmem:$0x1F5C0]  }
0x6da: {  	v51 =	vld [tilespmem:$0x1FFB0];
	v1 =	vadd.f32 v2, v1;
	v8 =	vadd.s32 s15, v56;
	v6 =	vadd.s32 s15, v60  }
0x6db: {  	v57 =	vld [tilespmem:$0x1FF30];
	v4 =	vand.u32 $0x1FF80, v8;
	v8 =	vadd.s32 s15, v62;
	v0 =	vadd.f32 v0, v5  }
0x6dc: {  	v42 =	vld [tilespmem:$0x1F770];
	v5 =	vand.u32 $0x1FF80, v6;
	v6 =	vand.u32 $0x1FF80, v8  }
0x6dd: {  	v0 =	vadd.f32 v0, v1;
	v1 =	vsub.f32 v19, v15;
	v19 =	vor.u32 v63, v6;
	v6 =	vld [tilespmem:$0x1F580]  }
0x6de: {  	v7 =	vld.idx.msk [tilespmem:v7+s3+$0x0], $0xffff  }
0x6df: {  	v55 =	vld [tilespmem:$0x1FFA0]  }
0x6e0: {  	v12 =	vld.idx.msk [tilespmem:v12+s3+$0x0], $0xffff  }
0x6e1: {  	v26 =	vld.idx.msk [tilespmem:v14+s3+$0x0], $0xffff  }
0x6e2: {  	v14 =	vld [tilespmem:$0x1FD80]  }
0x6e3: {  	s13 =	sadd.s32 $0x20, s13;
	v2 =	vsub.f32 v7, v16;
	v7 =	vld [tilespmem:$0x1F550]  }
0x6e4: {  	v10 =	vld [tilespmem:s13+$0x0]  }
0x6e5: {  	v20 =	vld.idx.msk [tilespmem:v6+s3+$0x0], $0xffff;
	v6 =	vadd.s32 s15, v55  }
0x6e6: {  	v8 =	vsub.f32 v12, v13;
	v12 =	vld [tilespmem:$0x1F560];
	v6 =	vand.u32 $0x1FF80, v6  }
0x6e7: {  	v14 =	vor.u32 v14, v6;
	v6 =	vld [tilespmem:$0x1F5D0]  }
0x6e8: {  	v59 =	vld [tilespmem:$0x1FF50]  }
0x6e9: {  	v29 =	vld [tilespmem:$0x1FE00];
	v0 =	vmul.f32 v0, v10  }
0x6ea: {  	s2 =	smov.u32 s8;
	s8 =	smov.u32 s9;
	s9 =	sadd.s32 $0x20, s9;
	v18 =	vld [tilespmem:$0x1F570]  }
0x6eb: {  	v47 =	vld [tilespmem:$0x1F610];
	[tilespmem:s9+$0x0] =	vst v0;
	v0 =	vmul.f32 v1, v44  }
0x6ec: {  	v7 =	vld.idx.msk [tilespmem:v7+s3+$0x0], $0xffff  }
0x6ed: {  	v35 =	vadd.f32 v0, v15;
	v0 =	vld [tilespmem:$0x1F620]  }
0x6ee: {  	v12 =	vld.idx.msk [tilespmem:v12+s3+$0x0], $0xffff  }
0x6ef: {  	v28 =	vld.idx.msk [tilespmem:v6+s3+$0x0], $0xffff  }
0x6f0: {  	v6 =	vld [tilespmem:$0x1FDA0]  }
0x6f1: {  	v50 =	vld [tilespmem:$0x1FEA0]  }
0x6f2: {  	v22 =	vld [tilespmem:$0x1F590]  }
0x6f3: {  	v18 =	vld.idx.msk [tilespmem:v18+s3+$0x0], $0xffff;
	v10 =	vadd.s32 s15, v45  }
0x6f4: {  	v34 =	vld.idx.msk [tilespmem:v47+s3+$0x0], $0xffff;
	v10 =	vand.u32 $0x1FF80, v10  }
0x6f5: {  	v8 =	vmul.f32 v8, v44;
	v27 =	vsub.f32 v12, v7;
	v12 =	vor.u32 v6, v10;
	v10 =	vld [tilespmem:$0x1F5E0]  }
0x6f6: {  	v0 =	vld.idx.msk [tilespmem:v0+s3+$0x0], $0xffff  }
0x6f7: {  	v8 =	vadd.f32 v8, v13;
	v13 =	vld [tilespmem:$0x1F630]  }
0x6f8: {  	v6 =	vld [tilespmem:$0x1FDC0]  }
0x6f9: {  	v23 =	vld [tilespmem:$0x1F5A0]  }
0x6fa: {  	v46 =	vld [tilespmem:$0x1FE40]  }
0x6fb: {  	v21 =	vadd.s32 s15, v33;
	v24 =	vadd.s32 s15, v48;
	v48 =	vsub.f32 v0, v34;
	v0 =	vld [tilespmem:$0x1F680]  }
0x6fc: {  	v22 =	vld.idx.msk [tilespmem:v22+s3+$0x0], $0xffff;
	v1 =	vand.u32 $0x1FF80, v21  }
0x6fd: {  	v2 =	vmul.f32 v2, v44;
	v6 =	vor.u32 v6, v1;
	v1 =	vsub.f32 v20, v18;
	v20 =	vld.idx.msk [tilespmem:v10+s3+$0x0], $0xffff  }
0x6fe: {  	v10 =	vld [tilespmem:$0x1FDE0]  }
0x6ff: {  	v3 =	vadd.s32 s15, v58;
	v2 =	vadd.f32 v2, v16;
	v16 =	vld.idx.msk [tilespmem:v13+s3+$0x0], $0xffff  }
0x700: {  	v3 =	vand.u32 $0x1FF80, v3;
	v13 =	vmul.f32 v27, v44;
	v27 =	vld [tilespmem:$0x1FDF0]  }
0x701: {  	v3 =	vor.u32 v59, v3;
	v23 =	vld.idx.msk [tilespmem:v23+s3+$0x0], $0xffff  }
0x702: {  	v11 =	vld [tilespmem:$0x1F520];
	v21 =	vand.u32 $0x1FF80, v24  }
0x703: {  	v49 =	vld.idx.msk [tilespmem:v0+s3+$0x0], $0xffff;
	v10 =	vor.u32 v10, v21;
	v21 =	vadd.s32 s15, v51  }
0x704: {  	v33 =	vadd.s32 s15, v46;
	v0 =	vld [tilespmem:$0x1FE80];
	v21 =	vand.u32 $0x1FF80, v21  }
0x705: {  	v15 =	vand.u32 $0x1FF80, v33;
	v33 =	vor.u32 v27, v21;
	v21 =	vld [tilespmem:$0x1F650]  }
0x706: {  	v3 =	vld.idx.msk [tilespmem:v3+s22+$0x0], $0xffff  }
0x707: {  	v30 =	vld [tilespmem:$0x1F5F0]  }
0x708: {  	v31 =	vld [tilespmem:$0x1F600]  }
0x709: {  	v24 =	vld [tilespmem:$0x1F5B0];
	v0 =	vadd.s32 s15, v0  }
0x70a: {  	v52 =	vand.u32 $0x1FF80, v0;
	v0 =	vld [tilespmem:$0x1F690]  }
0x70b: {  	v4 =	vor.u32 v57, v4;
	v3 =	vmul.f32 v2, v3;
	v2 =	vld [tilespmem:$0x1F6E0]  }
0x70c: {  	v11 =	vld.idx.msk [tilespmem:v11+s3+$0x0], $0xffff  }
0x70d: {  	v36 =	vld.idx.msk [tilespmem:v21+s3+$0x0], $0xffff  }
0x70e: {  	v21 =	vld [tilespmem:$0x1FE10]  }
0x70f: {  	v30 =	vld.idx.msk [tilespmem:v30+s3+$0x0], $0xffff  }
0x710: {  	v5 =	vor.u32 v61, v5;
	v53 =	vld.idx.msk [tilespmem:v4+s22+$0x0], $0xffff  }
0x711: {  	v29 =	vadd.s32 s15, v29;
	v24 =	vld.idx.msk [tilespmem:v24+s3+$0x0], $0xffff  }
0x712: {  	v29 =	vand.u32 $0x1FF80, v29;
	v11 =	vsub.f32 v11, v9;
	v43 =	vld.idx.msk [tilespmem:v0+s3+$0x0], $0xffff  }
0x713: {  	v37 =	vor.u32 v21, v29;
	v29 =	vld [tilespmem:$0x1FE50]  }
0x714: {  	v11 =	vmul.f32 v11, v44;
	v0 =	vld [tilespmem:$0x1F6A0]  }
0x715: {  	v5 =	vld.idx.msk [tilespmem:v5+s22+$0x0], $0xffff  }
0x716: {  	v45 =	vld [tilespmem:$0x1FE20];
	v9 =	vadd.f32 v11, v9  }
0x717: {  	v11 =	vmul.f32 v25, v44;
	v25 =	vsub.f32 v26, v24;
	v26 =	vld [tilespmem:$0x1F640];
	v1 =	vmul.f32 v1, v44  }
0x718: {  	v38 =	vor.u32 v29, v15;
	v15 =	vld [tilespmem:$0x1FFE0]  }
0x719: {  	v46 =	vadd.f32 v13, v7;
	v13 =	vld [tilespmem:$0x1FE60];
	v4 =	vadd.f32 v1, v18;
	v1 =	vmul.f32 v25, v44  }
0x71a: {  	v23 =	vsub.f32 v23, v22;
	v39 =	vmul.f32 v48, v44;
	v48 =	vld.idx.msk [tilespmem:v2+s3+$0x0], $0xffff  }
0x71b: {  	v2 =	vadd.f32 v1, v24;
	v1 =	vld [tilespmem:$0x1F6F0]  }
0x71c: {  	v23 =	vmul.f32 v23, v44;
	v7 =	vld.idx.msk [tilespmem:v0+s3+$0x0], $0xffff  }
0x71d: {  	v29 =	vld [tilespmem:$0x1FFF0];
	v15 =	vadd.s32 s15, v15  }
0x71e: {  	v0 =	vadd.f32 v23, v22;
	v22 =	vld [tilespmem:$0x1FFD0];
	v15 =	vand.u32 $0x1FF80, v15  }
0x71f: {  	v32 =	vadd.s32 s15, v45;
	v45 =	vadd.f32 v11, v17;
	v17 =	vor.u32 v13, v15;
	v13 =	vld [tilespmem:$0x1FE70]  }
0x720: {  	v31 =	vld.idx.msk [tilespmem:v31+s3+$0x0], $0xffff  }
0x721: {  	v26 =	vld.idx.msk [tilespmem:v26+s3+$0x0], $0xffff  }
0x722: {  	v23 =	vld.idx.msk [tilespmem:v19+s22+$0x0], $0xffff;
	v29 =	vadd.s32 s15, v29  }
0x723: {  	v41 =	vadd.s32 s15, v50;
	v24 =	vld.idx.msk [tilespmem:v1+s3+$0x0], $0xffff;
	v29 =	vand.u32 $0x1FF80, v29  }
0x724: {  	v5 =	vmul.f32 v8, v5;
	v22 =	vadd.s32 s15, v22;
	v19 =	vor.u32 v13, v29;
	v13 =	vld [tilespmem:$0x1FE90]  }
0x725: {  	v11 =	vand.u32 $0x1FF80, v41;
	v41 =	vand.u32 $0x1FF80, v22;
	v22 =	vadd.f32 $0.0e+00, v3;
	v3 =	vld [tilespmem:$0x1F700]  }
0x726: {  	v21 =	vld [tilespmem:$0x1FE30]  }
0x727: {  	v1 =	vmul.f32 v9, v23;
	v23 =	vadd.f32 $0.0e+00, v5;
	v5 =	vld [tilespmem:$0x1F710]  }
0x728: {  	v54 =	vsub.f32 v7, v43;
	v7 =	vld [tilespmem:$0x1F6C0]  }
0x729: {  	v20 =	vsub.f32 v20, v28;
	v15 =	vor.u32 v13, v52;
	v13 =	vld [tilespmem:$0x1FEB0]  }
0x72a: {  	v50 =	vld [tilespmem:$0x1F6D0];
	v32 =	vand.u32 $0x1FF80, v32  }
0x72b: {  	v27 =	vld [tilespmem:$0x1F660];
	v18 =	vmul.f32 v20, v44;
	v32 =	vor.u32 v21, v32;
	v21 =	vsub.f32 v31, v30  }
0x72c: {  	v31 =	vld [tilespmem:$0x1F670]  }
0x72d: {  	v8 =	vadd.f32 v18, v28;
	v20 =	vmul.f32 v21, v44;
	v21 =	vsub.f32 v26, v16;
	v18 =	vld.idx.msk [tilespmem:v3+s3+$0x0], $0xffff  }
0x72e: {  	v13 =	vor.u32 v13, v11;
	v11 =	vld [tilespmem:$0x1F6B0]  }
0x72f: {  	v3 =	vmul.f32 v21, v44;
	v21 =	vld.idx.msk [tilespmem:v5+s3+$0x0], $0xffff  }
0x730: {  	v5 =	vld [tilespmem:$0x1F720]  }
0x731: {  	v47 =	vld.idx.msk [tilespmem:v7+s3+$0x0], $0xffff  }
0x732: {  	v7 =	vld [tilespmem:$0x1FEE0]  }
0x733: {  	v25 =	vld [tilespmem:$0x1FF00]  }
0x734: {  	v27 =	vld.idx.msk [tilespmem:v27+s3+$0x0], $0xffff  }
0x735: {  	v31 =	vld.idx.msk [tilespmem:v31+s3+$0x0], $0xffff  }
0x736: {  	v40 =	vld.idx.msk [tilespmem:v11+s3+$0x0], $0xffff  }
0x737: {  	v7 =	vadd.s32 s15, v7;
	v11 =	vld [tilespmem:$0x1FFC0]  }
0x738: {  	v52 =	vand.u32 $0x1FF80, v7;
	v7 =	vadd.f32 v20, v30;
	v20 =	vld.idx.msk [tilespmem:v5+s3+$0x0], $0xffff  }
0x739: {  	v25 =	vadd.s32 s15, v25;
	v27 =	vsub.f32 v27, v36;
	v5 =	vld [tilespmem:$0x1FEC0]  }
0x73a: {  	v26 =	vmul.f32 v35, v53;
	v35 =	vld.idx.msk [tilespmem:v50+s3+$0x0], $0xffff;
	v53 =	vand.u32 $0x1FF80, v25  }
0x73b: {  	v25 =	vadd.f32 $0.0e+00, v1;
	v1 =	vmul.f32 v27, v44;
	v27 =	vld.idx.msk [tilespmem:v6+s22+$0x0], $0xffff;
	v29 =	vsub.f32 v49, v31  }
0x73c: {  	v6 =	vadd.f32 v3, v16;
	v3 =	vld [tilespmem:$0x1FEF0];
	v11 =	vadd.s32 s15, v11  }
0x73d: {  	v30 =	vmul.f32 v29, v44;
	v29 =	vsub.f32 v47, v40;
	v47 =	vld.idx.msk [tilespmem:v12+s22+$0x0], $0xffff;
	v11 =	vand.u32 $0x1FF80, v11  }
0x73e: {  	v12 =	vor.u32 v5, v11;
	v5 =	vld [tilespmem:$0x1FED0]  }
0x73f: {  	v28 =	vld.idx.msk [tilespmem:v10+s22+$0x0], $0xffff  }
0x740: {  	v9 =	vadd.f32 v39, v34;
	v34 =	vld.idx.msk [tilespmem:v14+s22+$0x0], $0xffff;
	v54 =	vmul.f32 v54, v44  }
0x741: {  	v14 =	vadd.f32 v1, v36;
	v32 =	vld.idx.msk [tilespmem:v32+s22+$0x0], $0xffff;
	v48 =	vsub.f32 v48, v35  }
0x742: {  	v10 =	vsub.f32 v18, v24;
	v18 =	vadd.f32 v54, v43;
	v54 =	vld [tilespmem:$0x1F760]  }
0x743: {  	v1 =	vmul.f32 v29, v44;
	v11 =	vor.u32 v5, v41;
	v5 =	vor.u32 v3, v52;
	v3 =	vld [tilespmem:$0x1FF10]  }
0x744: {  	s10 =	sadd.s32 $0x2, s10;
	v16 =	vadd.f32 v30, v31;
	v30 =	vld.idx.msk [tilespmem:v37+s22+$0x0], $0xffff  }
0x745: {  	p0 =	slt.u32 s10, $0x7A;
	v52 =	vmul.f32 v48, v44;
	v48 =	vadd.f32 v1, v40;
	v1 =	vld [tilespmem:$0x1F750]  }
.Ltmp1:
0x746: {  	v31 =	vmul.f32 v45, v34;
	v34 =	vld.idx.msk [tilespmem:v38+s22+$0x0], $0xffff;
	(pc) =	sbr.rel @p0 .LBB2_5-.Ltmp1, $4  }
0x747: {  	v10 =	vmul.f32 v10, v44;
	v38 =	vld [tilespmem:$0x1F780]  }
0x748: {  	v29 =	vld.idx.msk [tilespmem:v33+s22+$0x0], $0xffff;
	v3 =	vor.u32 v3, v53;
	v53 =	vsub.f32 v20, v21  }
0x749: {  	v26 =	vadd.f32 $0.0e+00, v26;
	v45 =	vadd.f32 v10, v24;
	v33 =	vmul.f32 v46, v47;
	v41 =	vld [tilespmem:$0x1F730]  }
0x74a: {  	s14 =	sadd.s32 $0x20, s14;
	v40 =	vld [tilespmem:$0x1F740];
	v20 =	vadd.f32 v52, v35;
	v1 =	vadd.f32 v54, v1;
	v35 =	vmul.f32 v53, v44  }
0x74b: {  	_ =	sdelay $0x3  }
0x74c: {  	v10 =	vld.idx.msk [tilespmem:v17+s22+$0x0], $0xffff  }
0x74d: {  	v52 =	vld.idx.msk [tilespmem:v19+s22+$0x0], $0xffff  }
0x74e: {  	v15 =	vld.idx.msk [tilespmem:v15+s22+$0x0], $0xffff  }
0x74f: {  	v13 =	vld.idx.msk [tilespmem:v13+s22+$0x0], $0xffff  }
0x750: {  	v53 =	vadd.f32 v31, v26;
	v4 =	vmul.f32 v4, v27;
	v24 =	vld [tilespmem:$0x1F810]  }
0x751: {  	v54 =	vld [tilespmem:$0x1F820];
	v0 =	vmul.f32 v0, v28;
	v22 =	vadd.f32 v33, v22;
	v8 =	vmul.f32 v8, v30  }
0x752: {  	v12 =	vld.idx.msk [tilespmem:v12+s22+$0x0], $0xffff;
	v7 =	vmul.f32 v7, v32;
	v21 =	vadd.f32 v35, v21;
	v2 =	vmul.f32 v2, v29  }
0x753: {  	v11 =	vld.idx.msk [tilespmem:v11+s22+$0x0], $0xffff;
	v9 =	vmul.f32 v9, v34;
	v4 =	vadd.f32 v4, v23;
	v0 =	vadd.f32 v0, v25  }
0x754: {  	v5 =	vld.idx.msk [tilespmem:v5+s22+$0x0], $0xffff;
	v8 =	vadd.f32 v8, v22;
	v2 =	vadd.f32 v2, v53  }
0x755: {  	v3 =	vld.idx.msk [tilespmem:v3+s22+$0x0], $0xffff;
	v4 =	vadd.f32 v7, v4;
	v0 =	vadd.f32 v9, v0  }
0x756: {  	v22 =	vadd.f32 v41, v40;
	v6 =	vmul.f32 v6, v10;
	v14 =	vmul.f32 v14, v52  }
0x757: {  	v24 =	vadd.f32 v54, v24;
	v16 =	vmul.f32 v16, v15;
	v17 =	vmul.f32 v18, v13  }
0x758: {  	v19 =	vmul.f32 v48, v12;
	v20 =	vmul.f32 v20, v11;
	v2 =	vadd.f32 v6, v2  }
0x759: {  	v5 =	vmul.f32 v45, v5;
	v18 =	vadd.f32 v14, v8;
	v4 =	vadd.f32 v16, v4  }
0x75a: {  	v3 =	vmul.f32 v21, v3;
	v0 =	vadd.f32 v17, v0;
	v1 =	vadd.f32 v24, v1  }
0x75b: {  	v2 =	vadd.f32 v19, v2;
	v6 =	vadd.f32 v20, v18  }
0x75c: {  	v24 =	vld [tilespmem:$0x1F800];
	v4 =	vadd.f32 v5, v4;
	v0 =	vadd.f32 v3, v0  }
0x75d: {  	v23 =	vld [tilespmem:s13+$0xFFFFFFF0];
	v1 =	vadd.f32 v1, v22  }
0x75e: {  	v2 =	vadd.f32 v6, v2;
	v0 =	vadd.f32 v0, v4;
	_ =	sdelay $0x1  }
0x75f: {  	v1 =	vmul.f32 v1, v42;
	v0 =	vadd.f32 v0, v2  }
0x760: {  	v3 =	vmul.f32 v24, v38  }
0x761: {  	[tilespmem:s8+$0xFFFFFFF0] =	vst v1;
	v0 =	vmul.f32 v0, v23  }
0x762: {  	[tilespmem:s2+$0xFFFFFFF0] =	vst v3  }
0x763: {  	[tilespmem:s9+$0xFFFFFFF0] =	vst v0  }
0x764: {  	v0 =	vld [tilespmem:$0x38C0]  }
0x765: {  	v30 =	vld [tilespmem:$0x1F870]  }
0x766: {  	v33 =	vld [tilespmem:$0x1F880]  }
0x767: {  	v36 =	vld [tilespmem:$0x1F890]  }
0x768: {  	v39 =	vld [tilespmem:$0x1F8A0]  }
0x769: {  	v42 =	vld [tilespmem:$0x1F8B0]  }
0x76a: {  	v45 =	vld [tilespmem:$0x1F8C0]  }
0x76b: {  	v48 =	vld [tilespmem:$0x1F8D0]  }
0x76c: {  	v53 =	vld [tilespmem:$0x1F8E0]  }
0x76d: {  	v7 =	vld.idx.msk [tilespmem:v30+s22+$0x0], $0xffff  }
0x76e: {  	v10 =	vld.idx.msk [tilespmem:v33+s22+$0x0], $0xffff  }
0x76f: {  	v25 =	vtrunc.f32 v0;
	v13 =	vld.idx.msk [tilespmem:v36+s22+$0x0], $0xffff  }
0x770: {  	v1 =	vcvt.f32.s32 v25;
	v16 =	vld.idx.msk [tilespmem:v39+s22+$0x0], $0xffff  }
0x771: {  	v19 =	vld.idx.msk [tilespmem:v42+s22+$0x0], $0xffff  }
0x772: {  	v26 =	vadd.s32 $0x1, v1;
	v22 =	vld.idx.msk [tilespmem:v45+s22+$0x0], $0xffff  }
0x773: {  	v27 =	vadd.s32 $0x208, v1;
	v25 =	vld.idx.msk [tilespmem:v48+s22+$0x0], $0xffff  }
0x774: {  	v28 =	vadd.s32 $0x209, v1;
	v42 =	vld [tilespmem:$0x1F900]  }
0x775: {  	v29 =	vadd.s32 $0x410, v1;
	v45 =	vld [tilespmem:$0x1F910]  }
0x776: {  	v31 =	vadd.s32 $0x411, v1;
	v5 =	vld.idx.msk [tilespmem:v1+s3+$0x0], $0xffff  }
0x777: {  	v32 =	vadd.s32 $0x618, v1;
	v2 =	vld.idx.msk [tilespmem:v26+s3+$0x0], $0xffff  }
0x778: {  	v34 =	vadd.s32 $0x619, v1;
	v3 =	vld.idx.msk [tilespmem:v27+s3+$0x0], $0xffff  }
0x779: {  	v35 =	vadd.s32 $0x820, v1;
	v4 =	vld.idx.msk [tilespmem:v28+s3+$0x0], $0xffff  }
0x77a: {  	v37 =	vadd.s32 $0x821, v1;
	v6 =	vld.idx.msk [tilespmem:v29+s3+$0x0], $0xffff  }
0x77b: {  	v38 =	vadd.s32 $0xA28, v1;
	v8 =	vld.idx.msk [tilespmem:v31+s3+$0x0], $0xffff  }
0x77c: {  	v40 =	vadd.s32 $0xA29, v1;
	v9 =	vld.idx.msk [tilespmem:v32+s3+$0x0], $0xffff  }
0x77d: {  	v41 =	vadd.s32 $0xC30, v1;
	v11 =	vld.idx.msk [tilespmem:v34+s3+$0x0], $0xffff  }
0x77e: {  	v43 =	vadd.s32 $0xC31, v1;
	v12 =	vld.idx.msk [tilespmem:v35+s3+$0x0], $0xffff  }
0x77f: {  	v44 =	vadd.s32 $0xE38, v1;
	v14 =	vld.idx.msk [tilespmem:v37+s3+$0x0], $0xffff  }
0x780: {  	v46 =	vadd.s32 $0xE39, v1;
	v15 =	vld.idx.msk [tilespmem:v38+s3+$0x0], $0xffff  }
0x781: {  	v17 =	vld.idx.msk [tilespmem:v40+s3+$0x0], $0xffff  }
0x782: {  	v47 =	vadd.s32 $0x1040, v1;
	v18 =	vld.idx.msk [tilespmem:v41+s3+$0x0], $0xffff  }
0x783: {  	v49 =	vadd.s32 $0x1041, v1;
	v20 =	vld.idx.msk [tilespmem:v43+s3+$0x0], $0xffff  }
0x784: {  	v21 =	vld.idx.msk [tilespmem:v44+s3+$0x0], $0xffff  }
0x785: {  	v23 =	vld.idx.msk [tilespmem:v46+s3+$0x0], $0xffff  }
0x786: {  	v27 =	vld.idx.msk [tilespmem:v53+s22+$0x0], $0xffff  }
0x787: {  	v54 =	vadd.s32 $0x1249, v1;
	v24 =	vld.idx.msk [tilespmem:v47+s3+$0x0], $0xffff  }
0x788: {  	v26 =	vld.idx.msk [tilespmem:v49+s3+$0x0], $0xffff;
	v41 =	vadd.s32 $0x1658, v1  }
0x789: {  	v37 =	vld [tilespmem:$0x1F8F0];
	v44 =	vadd.s32 $0x1860, v1  }
0x78a: {  	v48 =	vadd.s32 $0x1A68, v1;
	v49 =	vld [tilespmem:$0x1F920]  }
0x78b: {  	v35 =	vld [tilespmem:$0x1F930]  }
0x78c: {  	v50 =	vcvt.s32.f32 v1;
	v52 =	vadd.s32 $0x1248, v1;
	v40 =	vsub.f32 v11, v9;
	v11 =	vld.idx.msk [tilespmem:v54+s3+$0x0], $0xffff  }
0x78d: {  	v46 =	vadd.s32 $0x1861, v1;
	v28 =	vld.idx.msk [tilespmem:v41+s3+$0x0], $0xffff  }
0x78e: {  	v0 =	vsub.f32 v0, v50;
	v29 =	vld.idx.msk [tilespmem:v44+s3+$0x0], $0xffff  }
0x78f: {  	v8 =	vsub.f32 v8, v6;
	v47 =	vsub.f32 v17, v15;
	v17 =	vld.idx.msk [tilespmem:v48+s3+$0x0], $0xffff  }
0x790: {  	v20 =	vsub.f32 v20, v18;
	v41 =	vld [tilespmem:$0x1F940]  }
0x791: {  	v39 =	vmul.f32 v8, v0;
	v8 =	vld.idx.msk [tilespmem:v52+s3+$0x0], $0xffff  }
0x792: {  	v4 =	vsub.f32 v4, v3;
	v52 =	vmul.f32 v20, v0;
	v20 =	vld.idx.msk [tilespmem:v46+s3+$0x0], $0xffff  }
0x793: {  	v36 =	vadd.s32 $0x1450, v1;
	v2 =	vsub.f32 v2, v5;
	v23 =	vsub.f32 v23, v21;
	v31 =	vld.idx.msk [tilespmem:v37+s22+$0x0], $0xffff  }
0x794: {  	v38 =	vadd.s32 $0x1451, v1;
	v4 =	vmul.f32 v4, v0;
	v32 =	vld.idx.msk [tilespmem:v49+s22+$0x0], $0xffff  }
0x795: {  	v2 =	vmul.f32 v2, v0;
	v54 =	vmul.f32 v23, v0;
	v23 =	vld.idx.msk [tilespmem:v35+s22+$0x0], $0xffff  }
0x796: {  	v43 =	vadd.s32 $0x1659, v1;
	v14 =	vsub.f32 v14, v12;
	v35 =	vld [tilespmem:$0x1F950];
	v3 =	vadd.f32 v4, v3  }
0x797: {  	v50 =	vadd.s32 $0x1A69, v1;
	v2 =	vadd.f32 v2, v5;
	v5 =	vadd.f32 v39, v6;
	v6 =	vld.idx.msk [tilespmem:v42+s22+$0x0], $0xffff  }
0x798: {  	v44 =	vadd.s32 $0x2081, v1;
	v4 =	vmul.f32 v40, v0;
	v3 =	vmul.f32 v3, v10;
	v10 =	vld.idx.msk [tilespmem:v36+s3+$0x0], $0xffff  }
0x799: {  	v14 =	vmul.f32 v14, v0;
	v5 =	vmul.f32 v5, v13;
	v13 =	vld.idx.msk [tilespmem:v38+s3+$0x0], $0xffff  }
0x79a: {  	v37 =	vadd.s32 $0x1E78, v1;
	v49 =	vadd.s32 $0x2289, v1;
	v4 =	vadd.f32 v4, v9;
	v9 =	vld.idx.msk [tilespmem:v45+s22+$0x0], $0xffff  }
0x79b: {  	v12 =	vadd.f32 v14, v12;
	v14 =	vadd.f32 v52, v18;
	v2 =	vmul.f32 v2, v7;
	v7 =	vld.idx.msk [tilespmem:v43+s3+$0x0], $0xffff  }
0x79c: {  	v38 =	vld.idx.msk [tilespmem:v50+s3+$0x0], $0xffff  }
0x79d: {  	v40 =	vmul.f32 v14, v25;
	v25 =	vld.idx.msk [tilespmem:v44+s3+$0x0], $0xffff  }
0x79e: {  	v52 =	vadd.s32 $0x2491, v1;
	v14 =	vld.idx.msk [tilespmem:v41+s22+$0x0], $0xffff  }
0x79f: {  	v53 =	vadd.s32 $0x1C70, v1;
	v39 =	vadd.s32 $0x1E79, v1;
	v48 =	vld.idx.msk [tilespmem:v37+s3+$0x0], $0xffff  }
0x7a0: {  	v42 =	vadd.s32 $0x2080, v1;
	v36 =	vadd.s32 $0x1C71, v1;
	v45 =	vsub.f32 v26, v24;
	v18 =	vld.idx.msk [tilespmem:v49+s3+$0x0], $0xffff  }
0x7a1: {  	v12 =	vmul.f32 v12, v19;
	v11 =	vsub.f32 v11, v8;
	v20 =	vsub.f32 v20, v29;
	v37 =	vld [tilespmem:$0x1F960]  }
0x7a2: {  	v2 =	vadd.f32 $0.0e+00, v2;
	v4 =	vmul.f32 v4, v16;
	v16 =	vmul.f32 v47, v0;
	v41 =	vld [tilespmem:$0x1F980]  }
0x7a3: {  	v50 =	vadd.s32 $0x2490, v1;
	v3 =	vadd.f32 $0.0e+00, v3;
	v5 =	vadd.f32 $0.0e+00, v5;
	v30 =	vld.idx.msk [tilespmem:v52+s3+$0x0], $0xffff  }
0x7a4: {  	v47 =	vadd.s32 $0x2288, v1;
	v15 =	vadd.f32 v16, v15;
	v16 =	vadd.f32 v54, v21;
	v21 =	vld.idx.msk [tilespmem:v39+s3+$0x0], $0xffff  }
0x7a5: {  	v11 =	vmul.f32 v11, v0;
	v4 =	vadd.f32 $0.0e+00, v4;
	v2 =	vadd.f32 v12, v2;
	v39 =	vld [tilespmem:$0x1F970]  }
0x7a6: {  	v5 =	vadd.f32 v40, v5;
	v12 =	vmul.f32 v45, v0;
	v45 =	vld [tilespmem:$0x1F9A0];
	v13 =	vsub.f32 v13, v10  }
0x7a7: {  	v54 =	vmul.f32 v20, v0;
	v46 =	vld.idx.msk [tilespmem:v36+s3+$0x0], $0xffff;
	v7 =	vsub.f32 v7, v28;
	v19 =	vsub.f32 v38, v17  }
0x7a8: {  	v8 =	vadd.f32 v11, v8;
	v43 =	vmul.f32 v16, v27;
	v16 =	vld.idx.msk [tilespmem:v53+s3+$0x0], $0xffff;
	v53 =	vadd.s32 $0x2698, v1  }
0x7a9: {  	v15 =	vmul.f32 v15, v22;
	v22 =	vld.idx.msk [tilespmem:v42+s3+$0x0], $0xffff;
	v1 =	vadd.s32 $0x2699, v1;
	v7 =	vmul.f32 v7, v0  }
0x7aa: {  	v12 =	vadd.f32 v12, v24;
	v29 =	vadd.f32 v54, v29;
	v13 =	vmul.f32 v13, v0;
	v27 =	vld.idx.msk [tilespmem:v47+s3+$0x0], $0xffff  }
0x7ab: {  	v24 =	vmul.f32 v19, v0;
	v4 =	vadd.f32 v43, v4;
	v43 =	vld [tilespmem:$0x1F990];
	v7 =	vadd.f32 v7, v28  }
0x7ac: {  	v6 =	vmul.f32 v8, v6;
	v3 =	vadd.f32 v15, v3;
	v12 =	vmul.f32 v12, v31;
	v28 =	vld.idx.msk [tilespmem:v50+s3+$0x0], $0xffff  }
0x7ad: {  	v10 =	vadd.f32 v13, v10;
	v31 =	vadd.f32 v24, v17;
	v7 =	vmul.f32 v7, v32;
	v32 =	vld.idx.msk [tilespmem:v53+s3+$0x0], $0xffff  }
0x7ae: {  	v33 =	vmul.f32 v29, v23;
	v38 =	vsub.f32 v21, v48;
	v2 =	vadd.f32 v12, v2;
	v1 =	vld.idx.msk [tilespmem:v1+s3+$0x0], $0xffff  }
0x7af: {  	v8 =	vld.idx.msk [tilespmem:v35+s22+$0x0], $0xffff;
	v3 =	vadd.f32 v6, v3;
	v9 =	vmul.f32 v10, v9;
	v36 =	vsub.f32 v46, v16  }
0x7b0: {  	v34 =	vmul.f32 v31, v14;
	v40 =	vsub.f32 v25, v22;
	v14 =	vld.idx.msk [tilespmem:v41+s22+$0x0], $0xffff;
	v2 =	vadd.f32 v33, v2  }
0x7b1: {  	v10 =	vld.idx.msk [tilespmem:v39+s22+$0x0], $0xffff;
	v42 =	vsub.f32 v18, v27;
	v5 =	vadd.f32 v9, v5  }
0x7b2: {  	v4 =	vadd.f32 v7, v4;
	v9 =	vld.idx.msk [tilespmem:v37+s22+$0x0], $0xffff;
	v3 =	vadd.f32 v34, v3;
	v6 =	vmul.f32 v36, v0  }
0x7b3: {  	v17 =	vld.idx.msk [tilespmem:v45+s22+$0x0], $0xffff;
	v7 =	vmul.f32 v38, v0;
	v11 =	vsub.f32 v30, v28;
	v1 =	vsub.f32 v1, v32  }
0x7b4: {  	v12 =	vmul.f32 v40, v0;
	v44 =	vmul.f32 v42, v0;
	v6 =	vadd.f32 v6, v16;
	v18 =	vld.idx.msk [tilespmem:v43+s22+$0x0], $0xffff  }
0x7b5: {  	v7 =	vadd.f32 v7, v48;
	v11 =	vmul.f32 v11, v0;
	v0 =	vmul.f32 v1, v0  }
0x7b6: {  	v47 =	vadd.f32 v12, v22;
	v48 =	vadd.f32 v44, v27;
	v46 =	vmul.f32 v6, v8  }
0x7b7: {  	v7 =	vmul.f32 v7, v9;
	v49 =	vadd.f32 v11, v28;
	v0 =	vadd.f32 v0, v32  }
0x7b8: {  	v50 =	vmul.f32 v47, v10;
	v52 =	vmul.f32 v48, v14;
	v1 =	vadd.f32 v46, v5  }
0x7b9: {  	v4 =	vadd.f32 v7, v4;
	v53 =	vmul.f32 v49, v18;
	v0 =	vmul.f32 v0, v17  }
0x7ba: {  	v2 =	vadd.f32 v50, v2;
	v3 =	vadd.f32 v52, v3  }
0x7bb: {  	v1 =	vadd.f32 v53, v1;
	v0 =	vadd.f32 v0, v4  }
0x7bc: {  	v54 =	vld [tilespmem:$0x48C0]  }
0x7bd: {  	v2 =	vadd.f32 v3, v2;
	v0 =	vadd.f32 v0, v1  }
0x7be: {  	s30 =	sadd.s32 $0x1, s30  }
0x7bf: {  	p0 =	sne.s32 s30, $0x4;
	v0 =	vadd.f32 v0, v2  }
.Ltmp2:
0x7c0: {  	_ = 	snop;
	(pc) =	sbr.rel @p0 .LBB2_2-.Ltmp2, $4  }
0x7c1: {  	v45 =	vld [tilespmem:$0x1FFD0];
	v0 =	vmul.f32 v0, v54  }
0x7c2: {  	v43 =	vld [tilespmem:$0x1FFC0]  }
0x7c3: {  	s31 =	sadd.s32 s1, s31;
	v46 =	vld [tilespmem:$0x1FFE0];
	[tilespmem:$0x191C0] =	vst v0  }
0x7c4: {  	v49 =	vld [tilespmem:$0x1FFF0];
	[hbm4b:s31+s3] =	stream.linear.scatter [tilespmem:s25], [sflag:$0x4], $0x7D0, $0x38  }
0x7c5: {  	_ =	swait.ge [sflag:s26], $0x7D0  }
0x7c6: {  	[sflag:s26] =	ssyncset.done $0x0  }
0x7c7: {  	[sflag:s26] =	ssyncadd.s32 $0xFFFFF830  }
0x7c8: {  	_ =	swait.ge [sflag:s28], $0x7D0  }
0x7c9: {  	s29 =	sadd.s32 $0x1, s29;
	s2 =	rddreg [dreg:$0x8]  }
0x7ca: {  	p0 =	sne.s32 s29, s2  }
.Ltmp3:
0x7cb: {  	_ = 	snop;
	(pc) =	sbr.rel @p0 .LBB2_1-.Ltmp3, $3  }
0x7cc: {  	_ =	sdelay $0x1  }
0x7cd: {  	[sflag:s28] =	ssyncset.done $0x0  }
0x7ce: {  	[sflag:s28] =	ssyncadd.s32 $0xFFFFF830  }
0x7cf: {  	_ =	sfence.sel $0x180000  }
0x7d0: {  	[bflag:$0x0] =	sbarrier.arrive $0xFFFF  }
0x7d1: {  	_ =	strace $0x90000047  }
0x7d2: {  	s0 =	stileid.u32;
	[bflag:$0x2] =	sbarrier.arrive $0xFFFF  }
0x7d3: {  	p0 =	sne.s32 s0, $0x0;
	s0 =	rddreg [dreg:$0x3]  }
0x7d4: {  	s0 =	sadd.s32 @!p0 $0x100000, s0  }
0x7d5: {  	[sflag:s0] =	ssyncadd.tile.s32 @!p0 $0x1;
	_ =	shalt  }
.Lfunc_end2:
_tile_overlayer_lowered:
.L_overlay_start_2:
0x7d6: {  	(tag) =	ssettag $0x2  }
0x7d7: {  	s0 =	rddreg [dreg:$0x0];
	s2 =	stileid.u32  }
0x7d8: {  	s1 =	rddreg [dreg:$0x1];
	p0 =	sne.s32 s2, $0x0  }
0x7d9: {  	s3 =	rddreg [dreg:$0x2];
	[bflag:$0x3] =	sbarrier.arrive $0xFFFF;
	s2 =	simm.s32 @!p0 $0x1C05  }
0x7da: {  	[timem:s3], [sflag:s2] =	dma.local @!p0 [hbm:s0], s1  }
0x7db: {  	s0 =	simm.s32 @!p0 $0x5  }
0x7dc: {  	_ =	swait.ge @!p0 [sflag:s0], s1  }
0x7dd: {  	s1 =	ssub.s32 @!p0 $0x0, s1;
	[sflag:s0] =	ssyncset.done @!p0 $0x0  }
0x7de: {  	[sflag:s0] =	ssyncadd.s32 @!p0 s1  }
0x7df: {  	[bflag:$0x3] =	sbarrier.arrive $0xFFFF  }
0x7e0: {  	_ =	shalt  }

</sc_bundles>
